<compile_context>
chip_gen: v7x
topology: tpu7x:2x2x1
jax: 0.10.2.dev20260603
libtpu: 0.0.44.dev20260713+nightly
codegen_flags: <defaults>
</compile_context>

<pallas_src>
import functools
import math

import jax
import jax.numpy as jnp
from jax import lax
from jax.experimental import pallas as pl
from jax.experimental.pallas import tpu as pltpu
from jax.experimental.pallas import tpu_sc as plsc

N = 10000
E = 160000
K = 5000
D = 128

NP = 10112
NW = 32
NCHUNK = 40
CL = 128
EP = NW * NCHUNK * CL
ROWS_PER_TILE = NP // 16
PAD_ROW = 10048


def _make_edge_pass(C):
    mesh = plsc.VectorSubcoreMesh(core_axis_name="c", subcore_axis_name="s")

    @functools.partial(
        pl.kernel,
        mesh=mesh,
        out_type=jax.ShapeDtypeStruct((2, NP, C), jnp.float32),
        scratch_types=[
            pltpu.VMEM((NCHUNK, CL), jnp.int32),
            pltpu.VMEM((NCHUNK, CL), jnp.int32),
            pltpu.VMEM((CL, C), jnp.float32),
            pltpu.VMEM((CL, C), jnp.float32),
            pltpu.VMEM_SHARED((NP, C), jnp.float32),
            pltpu.SemaphoreType.DMA,
            pltpu.SemaphoreType.DMA,
        ],
    )
    def kern(table, gidx, sidx, zeros, out, gv, sv, rows0, rows1, accum,
             sem0, sem1):
        cid = lax.axis_index("c")
        sid = lax.axis_index("s")
        wid = sid * 2 + cid
        r0 = sid * ROWS_PER_TILE
        pltpu.sync_copy(gidx.at[wid], gv)
        pltpu.sync_copy(sidx.at[wid], sv)
        pltpu.sync_copy(zeros.at[pl.ds(r0, ROWS_PER_TILE)],
                        accum.at[pl.ds(r0, ROWS_PER_TILE)])
        plsc.subcore_barrier()

        def body(i, carry):
            j0 = 2 * i
            c0 = pltpu.async_copy(table.at[gv.at[j0]], rows0, sem0)
            c1 = pltpu.async_copy(table.at[gv.at[j0 + 1]], rows1, sem1)
            c0.wait()
            pltpu.sync_copy(rows0, accum.at[sv.at[j0]], add=True)
            c1.wait()
            pltpu.sync_copy(rows1, accum.at[sv.at[j0 + 1]], add=True)
            return carry

        lax.fori_loop(0, NCHUNK // 2, body, 0)
        plsc.subcore_barrier()
        pltpu.sync_copy(accum.at[pl.ds(r0, ROWS_PER_TILE)],
                        out.at[cid, pl.ds(r0, ROWS_PER_TILE)])

    return kern


_edge_pass_feat = _make_edge_pass(D)


def _mm_kernel(x_ref, w_ref, is_ref, os_ref, o_ref):
    o_ref[...] = os_ref[...] * jnp.dot(
        is_ref[...] * x_ref[...], w_ref[...],
        preferred_element_type=jnp.float32)


def _mm_scale(x, w, iscale, oscale):
    B = 512
    return pl.pallas_call(
        _mm_kernel,
        grid=(pl.cdiv(NP, B),),
        in_specs=[
            pl.BlockSpec((B, D), lambda i: (i, 0)),
            pl.BlockSpec((D, D), lambda i: (0, 0)),
            pl.BlockSpec((B, D), lambda i: (i, 0)),
            pl.BlockSpec((B, D), lambda i: (i, 0)),
        ],
        out_specs=pl.BlockSpec((B, D), lambda i: (i, 0)),
        out_shape=jax.ShapeDtypeStruct((NP, D), jnp.float32),
    )(x, w, iscale, oscale)


def _make_ewise(relu):
    def _ew_kernel(a_ref, b_ref, z_ref, d_ref, bias_ref, o_ref):
        r = d_ref[...] * (a_ref[...] + b_ref[...] + 2.0 * z_ref[...]) + bias_ref[...]
        if relu:
            r = jnp.maximum(r, 0.0)
        o_ref[...] = r

    def run(a, b, z, dscale, bias):
        B = 512
        return pl.pallas_call(
            _ew_kernel,
            grid=(pl.cdiv(NP, B),),
            in_specs=[pl.BlockSpec((B, D), lambda i: (i, 0))] * 5,
            out_specs=pl.BlockSpec((B, D), lambda i: (i, 0)),
            out_shape=jax.ShapeDtypeStruct((NP, D), jnp.float32),
        )(a, b, z, dscale, bias)

    return run


_conv_epilogue_relu = _make_ewise(True)
_conv_epilogue = _make_ewise(False)


def _bc(col):
    return jnp.broadcast_to(col[:, None], (NP, D))


def kernel(x, edge_index, conv0_w, conv0_b, conv1_w, conv1_b, pool0_p, up0_w, up0_b):
    src = edge_index[0]
    dst = edge_index[1]

    xp = jnp.zeros((NP, D), jnp.float32).at[:N].set(x)
    pad_e = jnp.full((EP - E,), PAD_ROW, jnp.int32)
    srcp = jnp.concatenate([src, pad_e]).reshape(NW, NCHUNK, CL)
    dstp = jnp.concatenate([dst, pad_e]).reshape(NW, NCHUNK, CL)
    zeros128 = jnp.zeros((NP, D), jnp.float32)

    keys = dst * N + src
    q = src * N + dst
    sk = jnp.sort(keys)
    r = (jnp.searchsorted(sk, q, side='right')
         - jnp.searchsorted(sk, q, side='left')).astype(jnp.float32)
    selfloop = (src == dst).astype(jnp.float32)

    payload = jnp.zeros((EP, D), jnp.float32)
    payload = payload.at[:E, 0].set(1.0)
    payload = payload.at[:E, 1].set(selfloop)
    payload = payload.at[:E, 2].set(r * (1.0 - selfloop))
    iota_e = jnp.arange(EP, dtype=jnp.int32).reshape(NW, NCHUNK, CL)
    p0 = _edge_pass_feat(payload, iota_e, dstp, zeros128)
    acc0 = p0[0] + p0[1]
    degA, sl, c = acc0[:, 0], acc0[:, 1], acc0[:, 2]

    dinv = 1.0 / jnp.sqrt(degA + 2.0)
    dinvB = _bc(dinv)
    onesB = jnp.ones((NP, D), jnp.float32)
    slB = _bc(sl)

    z1 = _mm_scale(xp, conv0_w, onesB, dinvB)
    p1 = _edge_pass_feat(z1, srcp, dstp, zeros128)
    b0B = jnp.broadcast_to(conv0_b[None, :], (NP, D))
    x1 = _conv_epilogue_relu(p1[0], p1[1], z1, dinvB, b0B)
    x1 = x1.at[N:].set(0.0)

    score = jnp.tanh((x1[:N] @ pool0_p) / jnp.linalg.norm(pool0_p))
    kth = lax.top_k(score, K)[0][-1]
    gt = score > kth
    ngt = jnp.sum(gt.astype(jnp.int32))
    ties = score == kth
    tiecum = jnp.cumsum(ties.astype(jnp.int32))
    s_mask = (gt | (ties & (tiecum <= (K - ngt)))).astype(jnp.float32)
    s_mask = jnp.zeros((NP,), jnp.float32).at[:N].set(s_mask)
    scoref = jnp.zeros((NP,), jnp.float32).at[:N].set(score)

    t_in = jnp.zeros((NP, D), jnp.float32).at[:, 0].set(s_mask)
    p2 = _edge_pass_feat(t_in, srcp, dstp, zeros128)
    t0 = (p2[0] + p2[1])[:, 0] + s_mask - sl * s_mask
    t_in2 = jnp.zeros((NP, D), jnp.float32).at[:, 0].set(t0)
    p3 = _edge_pass_feat(t_in2, srcp, dstp, zeros128)
    u0 = (p3[0] + p3[1])[:, 0] + t0 - sl * t0
    deg2 = u0 + 1.0 - c
    d2 = s_mask / jnp.sqrt(jnp.maximum(deg2, 1.0))
    d2B = _bc(d2)

    msB = _bc(s_mask * scoref)
    v = _mm_scale(x1, conv1_w, msB, d2B)
    p4 = _edge_pass_feat(v, srcp, dstp, zeros128)
    tv = p4[0] + p4[1] + v - slB * v
    p5 = _edge_pass_feat(tv, srcp, dstp, zeros128)
    uv = p5[0] + p5[1] + tv - slB * tv
    sB = _bc(s_mask)
    cB = _bc(c)
    out2 = sB * jax.nn.relu(d2B * (sB * uv + (1.0 - cB) * v) + conv1_b[None, :])

    x3 = x1 + out2
    z3 = _mm_scale(x3, up0_w, onesB, dinvB)
    p6 = _edge_pass_feat(z3, srcp, dstp, zeros128)
    buB = jnp.broadcast_to(up0_b[None, :], (NP, D))
    out = _conv_epilogue(p6[0], p6[1], z3, dinvB, buB)
    return out[:N]

# --- scband reference (transcript-rebuilt; emitter-appended) ---
"""Pipeline reference for scband-graph-unet-13099650253564 (READ-ONLY COPY).

The authoritative reference and input builder live on the scoring server;
editing this copy changes nothing except your own understanding.
"""

import math
import jax
import jax.numpy as jnp
import numpy as np

N = 10000          # nodes
E = 160000         # edges (avg degree 16)
D_IN = 128
D_HID = 128
D_OUT = 128
DEPTH = 1
POOL_RATIO = 0.5


def _glorot(key, fan_in, fan_out):
    limit = math.sqrt(6.0 / (fan_in + fan_out))
    return jax.random.uniform(key, (fan_in, fan_out), jnp.float32, -limit, limit)


def setup_inputs(seed: int = 0):
    key = jax.random.key(seed)
    ks = jax.random.split(key, 9)
    return {
        "x": jax.random.normal(ks[0], (N, D_IN), dtype=jnp.float32),
        "edge_index": jax.random.randint(ks[1], (2, E), 0, N, dtype=jnp.int32),
        "conv0_w": _glorot(ks[2], D_IN, D_HID),
        "conv0_b": jnp.zeros((D_HID,), jnp.float32),
        "conv1_w": _glorot(ks[3], D_HID, D_HID),
        "conv1_b": jnp.zeros((D_HID,), jnp.float32),
        "pool0_p": jax.random.uniform(ks[4], (D_HID,), jnp.float32, -1.0, 1.0) / math.sqrt(D_HID),
        "up0_w": _glorot(ks[5], D_HID, D_OUT),
        "up0_b": jnp.zeros((D_OUT,), jnp.float32),
    }


def _gcn_conv(A, x, w, b):
    # GCNConv(improved=True): A_hat = A + 2*I, symmetric D^-1/2 A_hat D^-1/2 norm.
    n = A.shape[0]
    idx = jnp.arange(n)
    A_hat = A.at[idx, idx].add(2.0)
    deg = A_hat.sum(axis=1)
    dinv = jnp.where(deg > 0, 1.0 / jnp.sqrt(deg), 0.0)
    norm_adj = dinv[:, None] * A_hat * dinv[None, :]
    return norm_adj @ (x @ w) + b


def _augment_pool_adj(A, perm):
    # augment_adj: remove self loops, add self loops (weight 1), spspmm(A, A),
    # remove self loops; TopKPooling's filter_adj then restricts to perm.
    # Since pooling scores do not depend on the adjacency, restricting the
    # matmul to the selected rows/cols gives the identical pooled adjacency.
    n = A.shape[0]
    idx = jnp.arange(n)
    A1 = A.at[idx, idx].set(1.0)
    A2 = A1[perm, :] @ A1[:, perm]
    kidx = jnp.arange(perm.shape[0])
    return A2.at[kidx, kidx].set(0.0)


def _forward(x, edge_index, down, pools, ups):
    n = x.shape[0]
    src = edge_index[0]
    dst = edge_index[1]
    # A[target, source] = summed edge weights (all ones); out = A @ x aggregates at target.
    A = jnp.zeros((n, n), jnp.float32).at[dst, src].add(1.0)
    w, b = down[0]
    x = jax.nn.relu(_gcn_conv(A, x, w, b))
    xs = [x]
    adjs = [A]
    perms = []
    for i in range(1, DEPTH + 1):
        p = pools[i - 1]
        score = jnp.tanh((x @ p) / jnp.linalg.norm(p))
        k = int(math.ceil(POOL_RATIO * x.shape[0]))
        vals, perm = jax.lax.top_k(score, k)
        A = _augment_pool_adj(A, perm)
        x = x[perm] * vals[:, None]
        w, b = down[i]
        x = jax.nn.relu(_gcn_conv(A, x, w, b))
        if i < DEPTH:
            xs.append(x)
            adjs.append(A)
        perms.append(perm)
    for i in range(DEPTH):
        j = DEPTH - 1 - i
        res, Aj, perm = xs[j], adjs[j], perms[j]
        up = jnp.zeros_like(res).at[perm].set(x)
        x = res + up
        w, b = ups[i]
        x = _gcn_conv(Aj, x, w, b)
        if i < DEPTH - 1:
            x = jax.nn.relu(x)
    return x


def reference(x, edge_index, conv0_w, conv0_b, conv1_w, conv1_b, pool0_p, up0_w, up0_b):
    down = [(conv0_w, conv0_b), (conv1_w, conv1_b)]
    pools = [pool0_p]
    ups = [(up0_w, up0_b)]
    return _forward(x, edge_index, down, pools, ups)

if __name__ == "__main__":
    import jax
    _d = setup_inputs()
    print(jax.jit(kernel)(*tuple(_d.values())))

</pallas_src>

<mosaic_0001>
#map = affine_map<(d0, d1) -> (0, 0)>
#map1 = affine_map<(d0, d1) -> (0, 0, 0)>
module attributes {stable_mosaic.version = 14 : i64} {
  func.func @kern(%arg0: i32, %arg1: i32, %arg2: memref<163840x128xf32, #tpu.memory_space<hbm>>, %arg3: memref<32x40x128xi32, #tpu.memory_space<hbm>>, %arg4: memref<32x40x128xi32, #tpu.memory_space<hbm>>, %arg5: memref<10112x128xf32, #tpu.memory_space<hbm>>, %arg6: memref<2x10112x128xf32, #tpu.memory_space<hbm>>, %arg7: memref<40x128xi32, #tpu.memory_space<vmem>>, %arg8: memref<40x128xi32, #tpu.memory_space<vmem>>, %arg9: memref<128x128xf32, #tpu.memory_space<vmem>>, %arg10: memref<128x128xf32, #tpu.memory_space<vmem>>, %arg11: memref<10112x128xf32, #tpu.memory_space<vmem_shared>>, %arg12: memref<!tpu.dma_semaphore, #tpu.memory_space<semaphore_mem>>, %arg13: memref<!tpu.dma_semaphore, #tpu.memory_space<semaphore_mem>>) attributes {dimension_semantics = [#tpu.dimension_semantics<core_parallel>, #tpu.dimension_semantics<subcore_parallel>], iteration_bounds = array<i64: 2, 16>, scalar_prefetch = 0 : i64, scratch_operands = 7 : i64, tpu.core_type = #tpu.core_type<sc_vector_subcore>, window_params = [{transform_indices = #map}, {transform_indices = #map1}, {transform_indices = #map1}, {transform_indices = #map}, {transform_indices = #map1}]} {
    %mul3A = arith.constant 2 : i32
    %mul3A_0 = arith.muli %arg1, %mul3A : i32
    %add3A = arith.addi %mul3A_0, %arg0 : i32
    %mul3A_1 = arith.constant 632 : i32
    %mul3A_2 = arith.muli %arg1, %mul3A_1 : i32
    "tpu.region"() ({
      %run_scoped3A = tpu.sem_alloc : memref<!tpu.dma_semaphore, #tpu.memory_space<semaphore_mem>>
      %dma_start3A = arith.constant 0 : i32
      %dma_start3A_9 = arith.constant 0 : i32
      %dma_start3A_10 = tpu.memref_slice %arg3[%add3A, %dma_start3A, %dma_start3A_9] : memref<32x40x128xi32, #tpu.memory_space<hbm>> -> memref<1x40x128xi32, #tpu.memory_space<hbm>>
      %dma_start3A_11 = tpu.memref_squeeze %dma_start3A_10 : memref<1x40x128xi32, #tpu.memory_space<hbm>> -> memref<40x128xi32, #tpu.memory_space<hbm>>
      %dma_start3A_12 = arith.constant 0 : i32
      %dma_start3A_13 = arith.constant 0 : i32
      %dma_start3A_14 = tpu.memref_slice %arg3[%add3A, %dma_start3A_12, %dma_start3A_13] : memref<32x40x128xi32, #tpu.memory_space<hbm>> -> memref<1x40x128xi32, #tpu.memory_space<hbm>>
      %dma_start3A_15 = tpu.memref_squeeze %dma_start3A_14 : memref<1x40x128xi32, #tpu.memory_space<hbm>> -> memref<40x128xi32, #tpu.memory_space<hbm>>
      tpu.enqueue_dma source(%dma_start3A_15 : memref<40x128xi32, #tpu.memory_space<hbm>>) target(%arg7 : memref<40x128xi32, #tpu.memory_space<vmem>>) target_semaphore(%run_scoped3A : memref<!tpu.dma_semaphore, #tpu.memory_space<semaphore_mem>>)
      %dma_wait3A = arith.constant 0 : i32
      %dma_wait3A_16 = arith.constant 0 : i32
      %dma_wait3A_17 = tpu.memref_slice %arg3[%add3A, %dma_wait3A, %dma_wait3A_16] : memref<32x40x128xi32, #tpu.memory_space<hbm>> -> memref<1x40x128xi32, #tpu.memory_space<hbm>>
      %dma_wait3A_18 = tpu.memref_squeeze %dma_wait3A_17 : memref<1x40x128xi32, #tpu.memory_space<hbm>> -> memref<40x128xi32, #tpu.memory_space<hbm>>
      %dma_wait3A_19 = arith.constant 0 : i32
      %dma_wait3A_20 = arith.constant 0 : i32
      %dma_wait3A_21 = tpu.memref_slice %arg3[%add3A, %dma_wait3A_19, %dma_wait3A_20] : memref<32x40x128xi32, #tpu.memory_space<hbm>> -> memref<1x40x128xi32, #tpu.memory_space<hbm>>
      %dma_wait3A_22 = tpu.memref_squeeze %dma_wait3A_21 : memref<1x40x128xi32, #tpu.memory_space<hbm>> -> memref<40x128xi32, #tpu.memory_space<hbm>>
      tpu.wait_dma2 semaphore(%run_scoped3A : memref<!tpu.dma_semaphore, #tpu.memory_space<semaphore_mem>>) src(%dma_wait3A_22 : memref<40x128xi32, #tpu.memory_space<hbm>>) dst(%arg7 : memref<40x128xi32, #tpu.memory_space<vmem>>)
      tpu.yield
    }) : () -> ()
    "tpu.region"() ({
      %run_scoped3A = tpu.sem_alloc : memref<!tpu.dma_semaphore, #tpu.memory_space<semaphore_mem>>
      %dma_start3A = arith.constant 0 : i32
      %dma_start3A_9 = arith.constant 0 : i32
      %dma_start3A_10 = tpu.memref_slice %arg4[%add3A, %dma_start3A, %dma_start3A_9] : memref<32x40x128xi32, #tpu.memory_space<hbm>> -> memref<1x40x128xi32, #tpu.memory_space<hbm>>
      %dma_start3A_11 = tpu.memref_squeeze %dma_start3A_10 : memref<1x40x128xi32, #tpu.memory_space<hbm>> -> memref<40x128xi32, #tpu.memory_space<hbm>>
      %dma_start3A_12 = arith.constant 0 : i32
      %dma_start3A_13 = arith.constant 0 : i32
      %dma_start3A_14 = tpu.memref_slice %arg4[%add3A, %dma_start3A_12, %dma_start3A_13] : memref<32x40x128xi32, #tpu.memory_space<hbm>> -> memref<1x40x128xi32, #tpu.memory_space<hbm>>
      %dma_start3A_15 = tpu.memref_squeeze %dma_start3A_14 : memref<1x40x128xi32, #tpu.memory_space<hbm>> -> memref<40x128xi32, #tpu.memory_space<hbm>>
      tpu.enqueue_dma source(%dma_start3A_15 : memref<40x128xi32, #tpu.memory_space<hbm>>) target(%arg8 : memref<40x128xi32, #tpu.memory_space<vmem>>) target_semaphore(%run_scoped3A : memref<!tpu.dma_semaphore, #tpu.memory_space<semaphore_mem>>)
      %dma_wait3A = arith.constant 0 : i32
      %dma_wait3A_16 = arith.constant 0 : i32
      %dma_wait3A_17 = tpu.memref_slice %arg4[%add3A, %dma_wait3A, %dma_wait3A_16] : memref<32x40x128xi32, #tpu.memory_space<hbm>> -> memref<1x40x128xi32, #tpu.memory_space<hbm>>
      %dma_wait3A_18 = tpu.memref_squeeze %dma_wait3A_17 : memref<1x40x128xi32, #tpu.memory_space<hbm>> -> memref<40x128xi32, #tpu.memory_space<hbm>>
      %dma_wait3A_19 = arith.constant 0 : i32
      %dma_wait3A_20 = arith.constant 0 : i32
      %dma_wait3A_21 = tpu.memref_slice %arg4[%add3A, %dma_wait3A_19, %dma_wait3A_20] : memref<32x40x128xi32, #tpu.memory_space<hbm>> -> memref<1x40x128xi32, #tpu.memory_space<hbm>>
      %dma_wait3A_22 = tpu.memref_squeeze %dma_wait3A_21 : memref<1x40x128xi32, #tpu.memory_space<hbm>> -> memref<40x128xi32, #tpu.memory_space<hbm>>
      tpu.wait_dma2 semaphore(%run_scoped3A : memref<!tpu.dma_semaphore, #tpu.memory_space<semaphore_mem>>) src(%dma_wait3A_22 : memref<40x128xi32, #tpu.memory_space<hbm>>) dst(%arg8 : memref<40x128xi32, #tpu.memory_space<vmem>>)
      tpu.yield
    }) : () -> ()
    "tpu.region"() ({
      %run_scoped3A = tpu.sem_alloc : memref<!tpu.dma_semaphore, #tpu.memory_space<semaphore_mem>>
      %dma_start3A = arith.constant 0 : i32
      %dma_start3A_9 = tpu.memref_slice %arg11[%mul3A_2, %dma_start3A] : memref<10112x128xf32, #tpu.memory_space<vmem_shared>> -> memref<632x128xf32, #tpu.memory_space<vmem_shared>>
      %dma_start3A_10 = arith.constant 0 : i32
      %dma_start3A_11 = tpu.memref_slice %arg5[%mul3A_2, %dma_start3A_10] : memref<10112x128xf32, #tpu.memory_space<hbm>> -> memref<632x128xf32, #tpu.memory_space<hbm>>
      tpu.enqueue_dma source(%dma_start3A_11 : memref<632x128xf32, #tpu.memory_space<hbm>>) target(%dma_start3A_9 : memref<632x128xf32, #tpu.memory_space<vmem_shared>>) target_semaphore(%run_scoped3A : memref<!tpu.dma_semaphore, #tpu.memory_space<semaphore_mem>>)
      %dma_wait3A = arith.constant 0 : i32
      %dma_wait3A_12 = tpu.memref_slice %arg11[%mul3A_2, %dma_wait3A] : memref<10112x128xf32, #tpu.memory_space<vmem_shared>> -> memref<632x128xf32, #tpu.memory_space<vmem_shared>>
      %dma_wait3A_13 = arith.constant 0 : i32
      %dma_wait3A_14 = tpu.memref_slice %arg5[%mul3A_2, %dma_wait3A_13] : memref<10112x128xf32, #tpu.memory_space<hbm>> -> memref<632x128xf32, #tpu.memory_space<hbm>>
      tpu.wait_dma2 semaphore(%run_scoped3A : memref<!tpu.dma_semaphore, #tpu.memory_space<semaphore_mem>>) src(%dma_wait3A_14 : memref<632x128xf32, #tpu.memory_space<hbm>>) dst(%dma_wait3A_12 : memref<632x128xf32, #tpu.memory_space<vmem_shared>>)
      tpu.yield
    }) : () -> ()
    %barrier3A = arith.constant 0 : index
    tpu.barrier barrier_id(%barrier3A)
    %scan3A = arith.constant 0 : i32
    %scan3A_3 = arith.constant 0 : i32
    %scan3A_4 = arith.constant 20 : i32
    %scan3A_5 = arith.addi %scan3A_3, %scan3A_4 : i32
    %scan3A_6 = arith.constant 1 : i32
    scf.for %scan3A_9 = %scan3A_3 to %scan3A_5 step %scan3A_6  : i32 {
      %mul3A_10 = arith.constant 2 : i32
      %mul3A_11 = arith.muli %mul3A_10, %scan3A_9 : i32
      %dma_start3A = arith.constant 0 : i32
      %dma_start3A_12 = tpu.memref_slice %arg7[%mul3A_11, %dma_start3A] : memref<40x128xi32, #tpu.memory_space<vmem>> -> memref<1x128xi32, #tpu.memory_space<vmem>>
      %dma_start3A_13 = tpu.memref_squeeze %dma_start3A_12 : memref<1x128xi32, #tpu.memory_space<vmem>> -> memref<128xi32, #tpu.memory_space<vmem>>
      %dma_start3A_14 = arith.constant 0 : i32
      %dma_start3A_15 = arith.constant 0 : i32
      %dma_start3A_16 = tpu.memref_slice %arg2[%dma_start3A_14, %dma_start3A_15] : memref<163840x128xf32, #tpu.memory_space<hbm>> -> memref<163840x128xf32, #tpu.memory_space<hbm>>
      tpu.enqueue_indirect_dma source(%dma_start3A_16 : memref<163840x128xf32, #tpu.memory_space<hbm>>) target(%arg9 : memref<128x128xf32, #tpu.memory_space<vmem>>) offsets(%dma_start3A_13 : memref<128xi32, #tpu.memory_space<vmem>>) semaphore(%arg12 : memref<!tpu.dma_semaphore, #tpu.memory_space<semaphore_mem>>)
      %add3A_17 = arith.constant 1 : i32
      %add3A_18 = arith.addi %mul3A_11, %add3A_17 : i32
      %dma_start3A_19 = arith.constant 0 : i32
      %dma_start3A_20 = tpu.memref_slice %arg7[%add3A_18, %dma_start3A_19] : memref<40x128xi32, #tpu.memory_space<vmem>> -> memref<1x128xi32, #tpu.memory_space<vmem>>
      %dma_start3A_21 = tpu.memref_squeeze %dma_start3A_20 : memref<1x128xi32, #tpu.memory_space<vmem>> -> memref<128xi32, #tpu.memory_space<vmem>>
      %dma_start3A_22 = arith.constant 0 : i32
      %dma_start3A_23 = arith.constant 0 : i32
      %dma_start3A_24 = tpu.memref_slice %arg2[%dma_start3A_22, %dma_start3A_23] : memref<163840x128xf32, #tpu.memory_space<hbm>> -> memref<163840x128xf32, #tpu.memory_space<hbm>>
      tpu.enqueue_indirect_dma source(%dma_start3A_24 : memref<163840x128xf32, #tpu.memory_space<hbm>>) target(%arg10 : memref<128x128xf32, #tpu.memory_space<vmem>>) offsets(%dma_start3A_21 : memref<128xi32, #tpu.memory_space<vmem>>) semaphore(%arg13 : memref<!tpu.dma_semaphore, #tpu.memory_space<semaphore_mem>>)
      %dma_wait3A = arith.constant 0 : i32
      %dma_wait3A_25 = tpu.memref_slice %arg7[%mul3A_11, %dma_wait3A] : memref<40x128xi32, #tpu.memory_space<vmem>> -> memref<1x128xi32, #tpu.memory_space<vmem>>
      %dma_wait3A_26 = tpu.memref_squeeze %dma_wait3A_25 : memref<1x128xi32, #tpu.memory_space<vmem>> -> memref<128xi32, #tpu.memory_space<vmem>>
      %dma_wait3A_27 = arith.constant 0 : i32
      %dma_wait3A_28 = arith.constant 0 : i32
      %dma_wait3A_29 = tpu.memref_slice %arg2[%dma_wait3A_27, %dma_wait3A_28] : memref<163840x128xf32, #tpu.memory_space<hbm>> -> memref<163840x128xf32, #tpu.memory_space<hbm>>
      tpu.wait_indirect_dma semaphore(%arg12 : memref<!tpu.dma_semaphore, #tpu.memory_space<semaphore_mem>>) src(%dma_wait3A_29 : memref<163840x128xf32, #tpu.memory_space<hbm>>) dst(%arg9 : memref<128x128xf32, #tpu.memory_space<vmem>>)
      "tpu.region"() ({
        %run_scoped3A = tpu.sem_alloc : memref<!tpu.dma_semaphore, #tpu.memory_space<semaphore_mem>>
        %dma_start3A_38 = arith.constant 0 : i32
        %dma_start3A_39 = tpu.memref_slice %arg8[%mul3A_11, %dma_start3A_38] : memref<40x128xi32, #tpu.memory_space<vmem>> -> memref<1x128xi32, #tpu.memory_space<vmem>>
        %dma_start3A_40 = tpu.memref_squeeze %dma_start3A_39 : memref<1x128xi32, #tpu.memory_space<vmem>> -> memref<128xi32, #tpu.memory_space<vmem>>
        %dma_start3A_41 = arith.constant 0 : i32
        %dma_start3A_42 = arith.constant 0 : i32
        %dma_start3A_43 = tpu.memref_slice %arg11[%dma_start3A_41, %dma_start3A_42] : memref<10112x128xf32, #tpu.memory_space<vmem_shared>> -> memref<10112x128xf32, #tpu.memory_space<vmem_shared>>
        tpu.enqueue_indirect_dma source(%arg9 : memref<128x128xf32, #tpu.memory_space<vmem>>) target(%dma_start3A_43 : memref<10112x128xf32, #tpu.memory_space<vmem_shared>>) offsets(%dma_start3A_40 : memref<128xi32, #tpu.memory_space<vmem>>) semaphore(%run_scoped3A : memref<!tpu.dma_semaphore, #tpu.memory_space<semaphore_mem>>) {add = true}
        %dma_wait3A_44 = arith.constant 0 : i32
        %dma_wait3A_45 = tpu.memref_slice %arg8[%mul3A_11, %dma_wait3A_44] : memref<40x128xi32, #tpu.memory_space<vmem>> -> memref<1x128xi32, #tpu.memory_space<vmem>>
        %dma_wait3A_46 = tpu.memref_squeeze %dma_wait3A_45 : memref<1x128xi32, #tpu.memory_space<vmem>> -> memref<128xi32, #tpu.memory_space<vmem>>
        %dma_wait3A_47 = arith.constant 0 : i32
        %dma_wait3A_48 = arith.constant 0 : i32
        %dma_wait3A_49 = tpu.memref_slice %arg11[%dma_wait3A_47, %dma_wait3A_48] : memref<10112x128xf32, #tpu.memory_space<vmem_shared>> -> memref<10112x128xf32, #tpu.memory_space<vmem_shared>>
        tpu.wait_indirect_dma semaphore(%run_scoped3A : memref<!tpu.dma_semaphore, #tpu.memory_space<semaphore_mem>>) src(%arg9 : memref<128x128xf32, #tpu.memory_space<vmem>>) dst(%dma_wait3A_49 : memref<10112x128xf32, #tpu.memory_space<vmem_shared>>)
        tpu.yield
      }) : () -> ()
      %dma_wait3A_30 = arith.constant 0 : i32
      %dma_wait3A_31 = tpu.memref_slice %arg7[%add3A_18, %dma_wait3A_30] : memref<40x128xi32, #tpu.memory_space<vmem>> -> memref<1x128xi32, #tpu.memory_space<vmem>>
      %dma_wait3A_32 = tpu.memref_squeeze %dma_wait3A_31 : memref<1x128xi32, #tpu.memory_space<vmem>> -> memref<128xi32, #tpu.memory_space<vmem>>
      %dma_wait3A_33 = arith.constant 0 : i32
      %dma_wait3A_34 = arith.constant 0 : i32
      %dma_wait3A_35 = tpu.memref_slice %arg2[%dma_wait3A_33, %dma_wait3A_34] : memref<163840x128xf32, #tpu.memory_space<hbm>> -> memref<163840x128xf32, #tpu.memory_space<hbm>>
      tpu.wait_indirect_dma semaphore(%arg13 : memref<!tpu.dma_semaphore, #tpu.memory_space<semaphore_mem>>) src(%dma_wait3A_35 : memref<163840x128xf32, #tpu.memory_space<hbm>>) dst(%arg10 : memref<128x128xf32, #tpu.memory_space<vmem>>)
      %add3A_36 = arith.constant 1 : i32
      %add3A_37 = arith.addi %mul3A_11, %add3A_36 : i32
      "tpu.region"() ({
        %run_scoped3A = tpu.sem_alloc : memref<!tpu.dma_semaphore, #tpu.memory_space<semaphore_mem>>
        %dma_start3A_38 = arith.constant 0 : i32
        %dma_start3A_39 = tpu.memref_slice %arg8[%add3A_37, %dma_start3A_38] : memref<40x128xi32, #tpu.memory_space<vmem>> -> memref<1x128xi32, #tpu.memory_space<vmem>>
        %dma_start3A_40 = tpu.memref_squeeze %dma_start3A_39 : memref<1x128xi32, #tpu.memory_space<vmem>> -> memref<128xi32, #tpu.memory_space<vmem>>
        %dma_start3A_41 = arith.constant 0 : i32
        %dma_start3A_42 = arith.constant 0 : i32
        %dma_start3A_43 = tpu.memref_slice %arg11[%dma_start3A_41, %dma_start3A_42] : memref<10112x128xf32, #tpu.memory_space<vmem_shared>> -> memref<10112x128xf32, #tpu.memory_space<vmem_shared>>
        tpu.enqueue_indirect_dma source(%arg10 : memref<128x128xf32, #tpu.memory_space<vmem>>) target(%dma_start3A_43 : memref<10112x128xf32, #tpu.memory_space<vmem_shared>>) offsets(%dma_start3A_40 : memref<128xi32, #tpu.memory_space<vmem>>) semaphore(%run_scoped3A : memref<!tpu.dma_semaphore, #tpu.memory_space<semaphore_mem>>) {add = true}
        %dma_wait3A_44 = arith.constant 0 : i32
        %dma_wait3A_45 = tpu.memref_slice %arg8[%add3A_37, %dma_wait3A_44] : memref<40x128xi32, #tpu.memory_space<vmem>> -> memref<1x128xi32, #tpu.memory_space<vmem>>
        %dma_wait3A_46 = tpu.memref_squeeze %dma_wait3A_45 : memref<1x128xi32, #tpu.memory_space<vmem>> -> memref<128xi32, #tpu.memory_space<vmem>>
        %dma_wait3A_47 = arith.constant 0 : i32
        %dma_wait3A_48 = arith.constant 0 : i32
        %dma_wait3A_49 = tpu.memref_slice %arg11[%dma_wait3A_47, %dma_wait3A_48] : memref<10112x128xf32, #tpu.memory_space<vmem_shared>> -> memref<10112x128xf32, #tpu.memory_space<vmem_shared>>
        tpu.wait_indirect_dma semaphore(%run_scoped3A : memref<!tpu.dma_semaphore, #tpu.memory_space<semaphore_mem>>) src(%arg10 : memref<128x128xf32, #tpu.memory_space<vmem>>) dst(%dma_wait3A_49 : memref<10112x128xf32, #tpu.memory_space<vmem_shared>>)
        tpu.yield
      }) : () -> ()
    }
    %scan3A_7 = arith.constant 20 : i32
    %barrier3A_8 = arith.constant 0 : index
    tpu.barrier barrier_id(%barrier3A_8)
    "tpu.region"() ({
      %run_scoped3A = tpu.sem_alloc : memref<!tpu.dma_semaphore, #tpu.memory_space<semaphore_mem>>
      %dma_start3A = arith.constant 0 : i32
      %dma_start3A_9 = tpu.memref_slice %arg6[%arg0, %mul3A_2, %dma_start3A] : memref<2x10112x128xf32, #tpu.memory_space<hbm>> -> memref<1x632x128xf32, #tpu.memory_space<hbm>>
      %dma_start3A_10 = tpu.memref_squeeze %dma_start3A_9 : memref<1x632x128xf32, #tpu.memory_space<hbm>> -> memref<632x128xf32, #tpu.memory_space<hbm>>
      %dma_start3A_11 = arith.constant 0 : i32
      %dma_start3A_12 = tpu.memref_slice %arg11[%mul3A_2, %dma_start3A_11] : memref<10112x128xf32, #tpu.memory_space<vmem_shared>> -> memref<632x128xf32, #tpu.memory_space<vmem_shared>>
      tpu.enqueue_dma source(%dma_start3A_12 : memref<632x128xf32, #tpu.memory_space<vmem_shared>>) target(%dma_start3A_10 : memref<632x128xf32, #tpu.memory_space<hbm>>) target_semaphore(%run_scoped3A : memref<!tpu.dma_semaphore, #tpu.memory_space<semaphore_mem>>)
      %dma_wait3A = arith.constant 0 : i32
      %dma_wait3A_13 = tpu.memref_slice %arg6[%arg0, %mul3A_2, %dma_wait3A] : memref<2x10112x128xf32, #tpu.memory_space<hbm>> -> memref<1x632x128xf32, #tpu.memory_space<hbm>>
      %dma_wait3A_14 = tpu.memref_squeeze %dma_wait3A_13 : memref<1x632x128xf32, #tpu.memory_space<hbm>> -> memref<632x128xf32, #tpu.memory_space<hbm>>
      %dma_wait3A_15 = arith.constant 0 : i32
      %dma_wait3A_16 = tpu.memref_slice %arg11[%mul3A_2, %dma_wait3A_15] : memref<10112x128xf32, #tpu.memory_space<vmem_shared>> -> memref<632x128xf32, #tpu.memory_space<vmem_shared>>
      tpu.wait_dma2 semaphore(%run_scoped3A : memref<!tpu.dma_semaphore, #tpu.memory_space<semaphore_mem>>) src(%dma_wait3A_16 : memref<632x128xf32, #tpu.memory_space<vmem_shared>>) dst(%dma_wait3A_14 : memref<632x128xf32, #tpu.memory_space<hbm>>)
      tpu.yield
    }) : () -> ()
    return
  }
}

#map = affine_map<(d0, d1) -> (0, 0)>
#map1 = affine_map<(d0, d1) -> (0, 0, 0)>
module attributes {stable_mosaic.version = 14 : i64} {
  func.func @kern(%arg0: i32, %arg1: i32, %arg2: memref<10112x128xf32, #tpu.memory_space<hbm>>, %arg3: memref<32x40x128xi32, #tpu.memory_space<hbm>>, %arg4: memref<32x40x128xi32, #tpu.memory_space<hbm>>, %arg5: memref<10112x128xf32, #tpu.memory_space<hbm>>, %arg6: memref<2x10112x128xf32, #tpu.memory_space<hbm>>, %arg7: memref<40x128xi32, #tpu.memory_space<vmem>>, %arg8: memref<40x128xi32, #tpu.memory_space<vmem>>, %arg9: memref<128x128xf32, #tpu.memory_space<vmem>>, %arg10: memref<128x128xf32, #tpu.memory_space<vmem>>, %arg11: memref<10112x128xf32, #tpu.memory_space<vmem_shared>>, %arg12: memref<!tpu.dma_semaphore, #tpu.memory_space<semaphore_mem>>, %arg13: memref<!tpu.dma_semaphore, #tpu.memory_space<semaphore_mem>>) attributes {dimension_semantics = [#tpu.dimension_semantics<core_parallel>, #tpu.dimension_semantics<subcore_parallel>], iteration_bounds = array<i64: 2, 16>, scalar_prefetch = 0 : i64, scratch_operands = 7 : i64, tpu.core_type = #tpu.core_type<sc_vector_subcore>, window_params = [{transform_indices = #map}, {transform_indices = #map1}, {transform_indices = #map1}, {transform_indices = #map}, {transform_indices = #map1}]} {
    %mul3A = arith.constant 2 : i32
    %mul3A_0 = arith.muli %arg1, %mul3A : i32
    %add3A = arith.addi %mul3A_0, %arg0 : i32
    %mul3A_1 = arith.constant 632 : i32
    %mul3A_2 = arith.muli %arg1, %mul3A_1 : i32
    "tpu.region"() ({
      %run_scoped3A = tpu.sem_alloc : memref<!tpu.dma_semaphore, #tpu.memory_space<semaphore_mem>>
      %dma_start3A = arith.constant 0 : i32
      %dma_start3A_9 = arith.constant 0 : i32
      %dma_start3A_10 = tpu.memref_slice %arg3[%add3A, %dma_start3A, %dma_start3A_9] : memref<32x40x128xi32, #tpu.memory_space<hbm>> -> memref<1x40x128xi32, #tpu.memory_space<hbm>>
      %dma_start3A_11 = tpu.memref_squeeze %dma_start3A_10 : memref<1x40x128xi32, #tpu.memory_space<hbm>> -> memref<40x128xi32, #tpu.memory_space<hbm>>
      %dma_start3A_12 = arith.constant 0 : i32
      %dma_start3A_13 = arith.constant 0 : i32
      %dma_start3A_14 = tpu.memref_slice %arg3[%add3A, %dma_start3A_12, %dma_start3A_13] : memref<32x40x128xi32, #tpu.memory_space<hbm>> -> memref<1x40x128xi32, #tpu.memory_space<hbm>>
      %dma_start3A_15 = tpu.memref_squeeze %dma_start3A_14 : memref<1x40x128xi32, #tpu.memory_space<hbm>> -> memref<40x128xi32, #tpu.memory_space<hbm>>
      tpu.enqueue_dma source(%dma_start3A_15 : memref<40x128xi32, #tpu.memory_space<hbm>>) target(%arg7 : memref<40x128xi32, #tpu.memory_space<vmem>>) target_semaphore(%run_scoped3A : memref<!tpu.dma_semaphore, #tpu.memory_space<semaphore_mem>>)
      %dma_wait3A = arith.constant 0 : i32
      %dma_wait3A_16 = arith.constant 0 : i32
      %dma_wait3A_17 = tpu.memref_slice %arg3[%add3A, %dma_wait3A, %dma_wait3A_16] : memref<32x40x128xi32, #tpu.memory_space<hbm>> -> memref<1x40x128xi32, #tpu.memory_space<hbm>>
      %dma_wait3A_18 = tpu.memref_squeeze %dma_wait3A_17 : memref<1x40x128xi32, #tpu.memory_space<hbm>> -> memref<40x128xi32, #tpu.memory_space<hbm>>
      %dma_wait3A_19 = arith.constant 0 : i32
      %dma_wait3A_20 = arith.constant 0 : i32
      %dma_wait3A_21 = tpu.memref_slice %arg3[%add3A, %dma_wait3A_19, %dma_wait3A_20] : memref<32x40x128xi32, #tpu.memory_space<hbm>> -> memref<1x40x128xi32, #tpu.memory_space<hbm>>
      %dma_wait3A_22 = tpu.memref_squeeze %dma_wait3A_21 : memref<1x40x128xi32, #tpu.memory_space<hbm>> -> memref<40x128xi32, #tpu.memory_space<hbm>>
      tpu.wait_dma2 semaphore(%run_scoped3A : memref<!tpu.dma_semaphore, #tpu.memory_space<semaphore_mem>>) src(%dma_wait3A_22 : memref<40x128xi32, #tpu.memory_space<hbm>>) dst(%arg7 : memref<40x128xi32, #tpu.memory_space<vmem>>)
      tpu.yield
    }) : () -> ()
    "tpu.region"() ({
      %run_scoped3A = tpu.sem_alloc : memref<!tpu.dma_semaphore, #tpu.memory_space<semaphore_mem>>
      %dma_start3A = arith.constant 0 : i32
      %dma_start3A_9 = arith.constant 0 : i32
      %dma_start3A_10 = tpu.memref_slice %arg4[%add3A, %dma_start3A, %dma_start3A_9] : memref<32x40x128xi32, #tpu.memory_space<hbm>> -> memref<1x40x128xi32, #tpu.memory_space<hbm>>
      %dma_start3A_11 = tpu.memref_squeeze %dma_start3A_10 : memref<1x40x128xi32, #tpu.memory_space<hbm>> -> memref<40x128xi32, #tpu.memory_space<hbm>>
      %dma_start3A_12 = arith.constant 0 : i32
      %dma_start3A_13 = arith.constant 0 : i32
      %dma_start3A_14 = tpu.memref_slice %arg4[%add3A, %dma_start3A_12, %dma_start3A_13] : memref<32x40x128xi32, #tpu.memory_space<hbm>> -> memref<1x40x128xi32, #tpu.memory_space<hbm>>
      %dma_start3A_15 = tpu.memref_squeeze %dma_start3A_14 : memref<1x40x128xi32, #tpu.memory_space<hbm>> -> memref<40x128xi32, #tpu.memory_space<hbm>>
      tpu.enqueue_dma source(%dma_start3A_15 : memref<40x128xi32, #tpu.memory_space<hbm>>) target(%arg8 : memref<40x128xi32, #tpu.memory_space<vmem>>) target_semaphore(%run_scoped3A : memref<!tpu.dma_semaphore, #tpu.memory_space<semaphore_mem>>)
      %dma_wait3A = arith.constant 0 : i32
      %dma_wait3A_16 = arith.constant 0 : i32
      %dma_wait3A_17 = tpu.memref_slice %arg4[%add3A, %dma_wait3A, %dma_wait3A_16] : memref<32x40x128xi32, #tpu.memory_space<hbm>> -> memref<1x40x128xi32, #tpu.memory_space<hbm>>
      %dma_wait3A_18 = tpu.memref_squeeze %dma_wait3A_17 : memref<1x40x128xi32, #tpu.memory_space<hbm>> -> memref<40x128xi32, #tpu.memory_space<hbm>>
      %dma_wait3A_19 = arith.constant 0 : i32
      %dma_wait3A_20 = arith.constant 0 : i32
      %dma_wait3A_21 = tpu.memref_slice %arg4[%add3A, %dma_wait3A_19, %dma_wait3A_20] : memref<32x40x128xi32, #tpu.memory_space<hbm>> -> memref<1x40x128xi32, #tpu.memory_space<hbm>>
      %dma_wait3A_22 = tpu.memref_squeeze %dma_wait3A_21 : memref<1x40x128xi32, #tpu.memory_space<hbm>> -> memref<40x128xi32, #tpu.memory_space<hbm>>
      tpu.wait_dma2 semaphore(%run_scoped3A : memref<!tpu.dma_semaphore, #tpu.memory_space<semaphore_mem>>) src(%dma_wait3A_22 : memref<40x128xi32, #tpu.memory_space<hbm>>) dst(%arg8 : memref<40x128xi32, #tpu.memory_space<vmem>>)
      tpu.yield
    }) : () -> ()
    "tpu.region"() ({
      %run_scoped3A = tpu.sem_alloc : memref<!tpu.dma_semaphore, #tpu.memory_space<semaphore_mem>>
      %dma_start3A = arith.constant 0 : i32
      %dma_start3A_9 = tpu.memref_slice %arg11[%mul3A_2, %dma_start3A] : memref<10112x128xf32, #tpu.memory_space<vmem_shared>> -> memref<632x128xf32, #tpu.memory_space<vmem_shared>>
      %dma_start3A_10 = arith.constant 0 : i32
      %dma_start3A_11 = tpu.memref_slice %arg5[%mul3A_2, %dma_start3A_10] : memref<10112x128xf32, #tpu.memory_space<hbm>> -> memref<632x128xf32, #tpu.memory_space<hbm>>
      tpu.enqueue_dma source(%dma_start3A_11 : memref<632x128xf32, #tpu.memory_space<hbm>>) target(%dma_start3A_9 : memref<632x128xf32, #tpu.memory_space<vmem_shared>>) target_semaphore(%run_scoped3A : memref<!tpu.dma_semaphore, #tpu.memory_space<semaphore_mem>>)
      %dma_wait3A = arith.constant 0 : i32
      %dma_wait3A_12 = tpu.memref_slice %arg11[%mul3A_2, %dma_wait3A] : memref<10112x128xf32, #tpu.memory_space<vmem_shared>> -> memref<632x128xf32, #tpu.memory_space<vmem_shared>>
      %dma_wait3A_13 = arith.constant 0 : i32
      %dma_wait3A_14 = tpu.memref_slice %arg5[%mul3A_2, %dma_wait3A_13] : memref<10112x128xf32, #tpu.memory_space<hbm>> -> memref<632x128xf32, #tpu.memory_space<hbm>>
      tpu.wait_dma2 semaphore(%run_scoped3A : memref<!tpu.dma_semaphore, #tpu.memory_space<semaphore_mem>>) src(%dma_wait3A_14 : memref<632x128xf32, #tpu.memory_space<hbm>>) dst(%dma_wait3A_12 : memref<632x128xf32, #tpu.memory_space<vmem_shared>>)
      tpu.yield
    }) : () -> ()
    %barrier3A = arith.constant 0 : index
    tpu.barrier barrier_id(%barrier3A)
    %scan3A = arith.constant 0 : i32
    %scan3A_3 = arith.constant 0 : i32
    %scan3A_4 = arith.constant 20 : i32
    %scan3A_5 = arith.addi %scan3A_3, %scan3A_4 : i32
    %scan3A_6 = arith.constant 1 : i32
    scf.for %scan3A_9 = %scan3A_3 to %scan3A_5 step %scan3A_6  : i32 {
      %mul3A_10 = arith.constant 2 : i32
      %mul3A_11 = arith.muli %mul3A_10, %scan3A_9 : i32
      %dma_start3A = arith.constant 0 : i32
      %dma_start3A_12 = tpu.memref_slice %arg7[%mul3A_11, %dma_start3A] : memref<40x128xi32, #tpu.memory_space<vmem>> -> memref<1x128xi32, #tpu.memory_space<vmem>>
      %dma_start3A_13 = tpu.memref_squeeze %dma_start3A_12 : memref<1x128xi32, #tpu.memory_space<vmem>> -> memref<128xi32, #tpu.memory_space<vmem>>
      %dma_start3A_14 = arith.constant 0 : i32
      %dma_start3A_15 = arith.constant 0 : i32
      %dma_start3A_16 = tpu.memref_slice %arg2[%dma_start3A_14, %dma_start3A_15] : memref<10112x128xf32, #tpu.memory_space<hbm>> -> memref<10112x128xf32, #tpu.memory_space<hbm>>
      tpu.enqueue_indirect_dma source(%dma_start3A_16 : memref<10112x128xf32, #tpu.memory_space<hbm>>) target(%arg9 : memref<128x128xf32, #tpu.memory_space<vmem>>) offsets(%dma_start3A_13 : memref<128xi32, #tpu.memory_space<vmem>>) semaphore(%arg12 : memref<!tpu.dma_semaphore, #tpu.memory_space<semaphore_mem>>)
      %add3A_17 = arith.constant 1 : i32
      %add3A_18 = arith.addi %mul3A_11, %add3A_17 : i32
      %dma_start3A_19 = arith.constant 0 : i32
      %dma_start3A_20 = tpu.memref_slice %arg7[%add3A_18, %dma_start3A_19] : memref<40x128xi32, #tpu.memory_space<vmem>> -> memref<1x128xi32, #tpu.memory_space<vmem>>
      %dma_start3A_21 = tpu.memref_squeeze %dma_start3A_20 : memref<1x128xi32, #tpu.memory_space<vmem>> -> memref<128xi32, #tpu.memory_space<vmem>>
      %dma_start3A_22 = arith.constant 0 : i32
      %dma_start3A_23 = arith.constant 0 : i32
      %dma_start3A_24 = tpu.memref_slice %arg2[%dma_start3A_22, %dma_start3A_23] : memref<10112x128xf32, #tpu.memory_space<hbm>> -> memref<10112x128xf32, #tpu.memory_space<hbm>>
      tpu.enqueue_indirect_dma source(%dma_start3A_24 : memref<10112x128xf32, #tpu.memory_space<hbm>>) target(%arg10 : memref<128x128xf32, #tpu.memory_space<vmem>>) offsets(%dma_start3A_21 : memref<128xi32, #tpu.memory_space<vmem>>) semaphore(%arg13 : memref<!tpu.dma_semaphore, #tpu.memory_space<semaphore_mem>>)
      %dma_wait3A = arith.constant 0 : i32
      %dma_wait3A_25 = tpu.memref_slice %arg7[%mul3A_11, %dma_wait3A] : memref<40x128xi32, #tpu.memory_space<vmem>> -> memref<1x128xi32, #tpu.memory_space<vmem>>
      %dma_wait3A_26 = tpu.memref_squeeze %dma_wait3A_25 : memref<1x128xi32, #tpu.memory_space<vmem>> -> memref<128xi32, #tpu.memory_space<vmem>>
      %dma_wait3A_27 = arith.constant 0 : i32
      %dma_wait3A_28 = arith.constant 0 : i32
      %dma_wait3A_29 = tpu.memref_slice %arg2[%dma_wait3A_27, %dma_wait3A_28] : memref<10112x128xf32, #tpu.memory_space<hbm>> -> memref<10112x128xf32, #tpu.memory_space<hbm>>
      tpu.wait_indirect_dma semaphore(%arg12 : memref<!tpu.dma_semaphore, #tpu.memory_space<semaphore_mem>>) src(%dma_wait3A_29 : memref<10112x128xf32, #tpu.memory_space<hbm>>) dst(%arg9 : memref<128x128xf32, #tpu.memory_space<vmem>>)
      "tpu.region"() ({
        %run_scoped3A = tpu.sem_alloc : memref<!tpu.dma_semaphore, #tpu.memory_space<semaphore_mem>>
        %dma_start3A_38 = arith.constant 0 : i32
        %dma_start3A_39 = tpu.memref_slice %arg8[%mul3A_11, %dma_start3A_38] : memref<40x128xi32, #tpu.memory_space<vmem>> -> memref<1x128xi32, #tpu.memory_space<vmem>>
        %dma_start3A_40 = tpu.memref_squeeze %dma_start3A_39 : memref<1x128xi32, #tpu.memory_space<vmem>> -> memref<128xi32, #tpu.memory_space<vmem>>
        %dma_start3A_41 = arith.constant 0 : i32
        %dma_start3A_42 = arith.constant 0 : i32
        %dma_start3A_43 = tpu.memref_slice %arg11[%dma_start3A_41, %dma_start3A_42] : memref<10112x128xf32, #tpu.memory_space<vmem_shared>> -> memref<10112x128xf32, #tpu.memory_space<vmem_shared>>
        tpu.enqueue_indirect_dma source(%arg9 : memref<128x128xf32, #tpu.memory_space<vmem>>) target(%dma_start3A_43 : memref<10112x128xf32, #tpu.memory_space<vmem_shared>>) offsets(%dma_start3A_40 : memref<128xi32, #tpu.memory_space<vmem>>) semaphore(%run_scoped3A : memref<!tpu.dma_semaphore, #tpu.memory_space<semaphore_mem>>) {add = true}
        %dma_wait3A_44 = arith.constant 0 : i32
        %dma_wait3A_45 = tpu.memref_slice %arg8[%mul3A_11, %dma_wait3A_44] : memref<40x128xi32, #tpu.memory_space<vmem>> -> memref<1x128xi32, #tpu.memory_space<vmem>>
        %dma_wait3A_46 = tpu.memref_squeeze %dma_wait3A_45 : memref<1x128xi32, #tpu.memory_space<vmem>> -> memref<128xi32, #tpu.memory_space<vmem>>
        %dma_wait3A_47 = arith.constant 0 : i32
        %dma_wait3A_48 = arith.constant 0 : i32
        %dma_wait3A_49 = tpu.memref_slice %arg11[%dma_wait3A_47, %dma_wait3A_48] : memref<10112x128xf32, #tpu.memory_space<vmem_shared>> -> memref<10112x128xf32, #tpu.memory_space<vmem_shared>>
        tpu.wait_indirect_dma semaphore(%run_scoped3A : memref<!tpu.dma_semaphore, #tpu.memory_space<semaphore_mem>>) src(%arg9 : memref<128x128xf32, #tpu.memory_space<vmem>>) dst(%dma_wait3A_49 : memref<10112x128xf32, #tpu.memory_space<vmem_shared>>)
        tpu.yield
      }) : () -> ()
      %dma_wait3A_30 = arith.constant 0 : i32
      %dma_wait3A_31 = tpu.memref_slice %arg7[%add3A_18, %dma_wait3A_30] : memref<40x128xi32, #tpu.memory_space<vmem>> -> memref<1x128xi32, #tpu.memory_space<vmem>>
      %dma_wait3A_32 = tpu.memref_squeeze %dma_wait3A_31 : memref<1x128xi32, #tpu.memory_space<vmem>> -> memref<128xi32, #tpu.memory_space<vmem>>
      %dma_wait3A_33 = arith.constant 0 : i32
      %dma_wait3A_34 = arith.constant 0 : i32
      %dma_wait3A_35 = tpu.memref_slice %arg2[%dma_wait3A_33, %dma_wait3A_34] : memref<10112x128xf32, #tpu.memory_space<hbm>> -> memref<10112x128xf32, #tpu.memory_space<hbm>>
      tpu.wait_indirect_dma semaphore(%arg13 : memref<!tpu.dma_semaphore, #tpu.memory_space<semaphore_mem>>) src(%dma_wait3A_35 : memref<10112x128xf32, #tpu.memory_space<hbm>>) dst(%arg10 : memref<128x128xf32, #tpu.memory_space<vmem>>)
      %add3A_36 = arith.constant 1 : i32
      %add3A_37 = arith.addi %mul3A_11, %add3A_36 : i32
      "tpu.region"() ({
        %run_scoped3A = tpu.sem_alloc : memref<!tpu.dma_semaphore, #tpu.memory_space<semaphore_mem>>
        %dma_start3A_38 = arith.constant 0 : i32
        %dma_start3A_39 = tpu.memref_slice %arg8[%add3A_37, %dma_start3A_38] : memref<40x128xi32, #tpu.memory_space<vmem>> -> memref<1x128xi32, #tpu.memory_space<vmem>>
        %dma_start3A_40 = tpu.memref_squeeze %dma_start3A_39 : memref<1x128xi32, #tpu.memory_space<vmem>> -> memref<128xi32, #tpu.memory_space<vmem>>
        %dma_start3A_41 = arith.constant 0 : i32
        %dma_start3A_42 = arith.constant 0 : i32
        %dma_start3A_43 = tpu.memref_slice %arg11[%dma_start3A_41, %dma_start3A_42] : memref<10112x128xf32, #tpu.memory_space<vmem_shared>> -> memref<10112x128xf32, #tpu.memory_space<vmem_shared>>
        tpu.enqueue_indirect_dma source(%arg10 : memref<128x128xf32, #tpu.memory_space<vmem>>) target(%dma_start3A_43 : memref<10112x128xf32, #tpu.memory_space<vmem_shared>>) offsets(%dma_start3A_40 : memref<128xi32, #tpu.memory_space<vmem>>) semaphore(%run_scoped3A : memref<!tpu.dma_semaphore, #tpu.memory_space<semaphore_mem>>) {add = true}
        %dma_wait3A_44 = arith.constant 0 : i32
        %dma_wait3A_45 = tpu.memref_slice %arg8[%add3A_37, %dma_wait3A_44] : memref<40x128xi32, #tpu.memory_space<vmem>> -> memref<1x128xi32, #tpu.memory_space<vmem>>
        %dma_wait3A_46 = tpu.memref_squeeze %dma_wait3A_45 : memref<1x128xi32, #tpu.memory_space<vmem>> -> memref<128xi32, #tpu.memory_space<vmem>>
        %dma_wait3A_47 = arith.constant 0 : i32
        %dma_wait3A_48 = arith.constant 0 : i32
        %dma_wait3A_49 = tpu.memref_slice %arg11[%dma_wait3A_47, %dma_wait3A_48] : memref<10112x128xf32, #tpu.memory_space<vmem_shared>> -> memref<10112x128xf32, #tpu.memory_space<vmem_shared>>
        tpu.wait_indirect_dma semaphore(%run_scoped3A : memref<!tpu.dma_semaphore, #tpu.memory_space<semaphore_mem>>) src(%arg10 : memref<128x128xf32, #tpu.memory_space<vmem>>) dst(%dma_wait3A_49 : memref<10112x128xf32, #tpu.memory_space<vmem_shared>>)
        tpu.yield
      }) : () -> ()
    }
    %scan3A_7 = arith.constant 20 : i32
    %barrier3A_8 = arith.constant 0 : index
    tpu.barrier barrier_id(%barrier3A_8)
    "tpu.region"() ({
      %run_scoped3A = tpu.sem_alloc : memref<!tpu.dma_semaphore, #tpu.memory_space<semaphore_mem>>
      %dma_start3A = arith.constant 0 : i32
      %dma_start3A_9 = tpu.memref_slice %arg6[%arg0, %mul3A_2, %dma_start3A] : memref<2x10112x128xf32, #tpu.memory_space<hbm>> -> memref<1x632x128xf32, #tpu.memory_space<hbm>>
      %dma_start3A_10 = tpu.memref_squeeze %dma_start3A_9 : memref<1x632x128xf32, #tpu.memory_space<hbm>> -> memref<632x128xf32, #tpu.memory_space<hbm>>
      %dma_start3A_11 = arith.constant 0 : i32
      %dma_start3A_12 = tpu.memref_slice %arg11[%mul3A_2, %dma_start3A_11] : memref<10112x128xf32, #tpu.memory_space<vmem_shared>> -> memref<632x128xf32, #tpu.memory_space<vmem_shared>>
      tpu.enqueue_dma source(%dma_start3A_12 : memref<632x128xf32, #tpu.memory_space<vmem_shared>>) target(%dma_start3A_10 : memref<632x128xf32, #tpu.memory_space<hbm>>) target_semaphore(%run_scoped3A : memref<!tpu.dma_semaphore, #tpu.memory_space<semaphore_mem>>)
      %dma_wait3A = arith.constant 0 : i32
      %dma_wait3A_13 = tpu.memref_slice %arg6[%arg0, %mul3A_2, %dma_wait3A] : memref<2x10112x128xf32, #tpu.memory_space<hbm>> -> memref<1x632x128xf32, #tpu.memory_space<hbm>>
      %dma_wait3A_14 = tpu.memref_squeeze %dma_wait3A_13 : memref<1x632x128xf32, #tpu.memory_space<hbm>> -> memref<632x128xf32, #tpu.memory_space<hbm>>
      %dma_wait3A_15 = arith.constant 0 : i32
      %dma_wait3A_16 = tpu.memref_slice %arg11[%mul3A_2, %dma_wait3A_15] : memref<10112x128xf32, #tpu.memory_space<vmem_shared>> -> memref<632x128xf32, #tpu.memory_space<vmem_shared>>
      tpu.wait_dma2 semaphore(%run_scoped3A : memref<!tpu.dma_semaphore, #tpu.memory_space<semaphore_mem>>) src(%dma_wait3A_16 : memref<632x128xf32, #tpu.memory_space<vmem_shared>>) dst(%dma_wait3A_14 : memref<632x128xf32, #tpu.memory_space<hbm>>)
      tpu.yield
    }) : () -> ()
    return
  }
}

#map = affine_map<(d0, d1) -> (0, 0)>
#map1 = affine_map<(d0, d1) -> (0, 0, 0)>
module attributes {stable_mosaic.version = 14 : i64} {
  func.func @kern(%arg0: i32, %arg1: i32, %arg2: memref<10112x128xf32, #tpu.memory_space<hbm>>, %arg3: memref<32x40x128xi32, #tpu.memory_space<hbm>>, %arg4: memref<32x40x128xi32, #tpu.memory_space<hbm>>, %arg5: memref<10112x128xf32, #tpu.memory_space<hbm>>, %arg6: memref<2x10112x128xf32, #tpu.memory_space<hbm>>, %arg7: memref<40x128xi32, #tpu.memory_space<vmem>>, %arg8: memref<40x128xi32, #tpu.memory_space<vmem>>, %arg9: memref<128x128xf32, #tpu.memory_space<vmem>>, %arg10: memref<128x128xf32, #tpu.memory_space<vmem>>, %arg11: memref<10112x128xf32, #tpu.memory_space<vmem_shared>>, %arg12: memref<!tpu.dma_semaphore, #tpu.memory_space<semaphore_mem>>, %arg13: memref<!tpu.dma_semaphore, #tpu.memory_space<semaphore_mem>>) attributes {dimension_semantics = [#tpu.dimension_semantics<core_parallel>, #tpu.dimension_semantics<subcore_parallel>], iteration_bounds = array<i64: 2, 16>, scalar_prefetch = 0 : i64, scratch_operands = 7 : i64, tpu.core_type = #tpu.core_type<sc_vector_subcore>, window_params = [{transform_indices = #map}, {transform_indices = #map1}, {transform_indices = #map1}, {transform_indices = #map}, {transform_indices = #map1}]} {
    %mul3A = arith.constant 2 : i32
    %mul3A_0 = arith.muli %arg1, %mul3A : i32
    %add3A = arith.addi %mul3A_0, %arg0 : i32
    %mul3A_1 = arith.constant 632 : i32
    %mul3A_2 = arith.muli %arg1, %mul3A_1 : i32
    "tpu.region"() ({
      %run_scoped3A = tpu.sem_alloc : memref<!tpu.dma_semaphore, #tpu.memory_space<semaphore_mem>>
      %dma_start3A = arith.constant 0 : i32
      %dma_start3A_9 = arith.constant 0 : i32
      %dma_start3A_10 = tpu.memref_slice %arg3[%add3A, %dma_start3A, %dma_start3A_9] : memref<32x40x128xi32, #tpu.memory_space<hbm>> -> memref<1x40x128xi32, #tpu.memory_space<hbm>>
      %dma_start3A_11 = tpu.memref_squeeze %dma_start3A_10 : memref<1x40x128xi32, #tpu.memory_space<hbm>> -> memref<40x128xi32, #tpu.memory_space<hbm>>
      %dma_start3A_12 = arith.constant 0 : i32
      %dma_start3A_13 = arith.constant 0 : i32
      %dma_start3A_14 = tpu.memref_slice %arg3[%add3A, %dma_start3A_12, %dma_start3A_13] : memref<32x40x128xi32, #tpu.memory_space<hbm>> -> memref<1x40x128xi32, #tpu.memory_space<hbm>>
      %dma_start3A_15 = tpu.memref_squeeze %dma_start3A_14 : memref<1x40x128xi32, #tpu.memory_space<hbm>> -> memref<40x128xi32, #tpu.memory_space<hbm>>
      tpu.enqueue_dma source(%dma_start3A_15 : memref<40x128xi32, #tpu.memory_space<hbm>>) target(%arg7 : memref<40x128xi32, #tpu.memory_space<vmem>>) target_semaphore(%run_scoped3A : memref<!tpu.dma_semaphore, #tpu.memory_space<semaphore_mem>>)
      %dma_wait3A = arith.constant 0 : i32
      %dma_wait3A_16 = arith.constant 0 : i32
      %dma_wait3A_17 = tpu.memref_slice %arg3[%add3A, %dma_wait3A, %dma_wait3A_16] : memref<32x40x128xi32, #tpu.memory_space<hbm>> -> memref<1x40x128xi32, #tpu.memory_space<hbm>>
      %dma_wait3A_18 = tpu.memref_squeeze %dma_wait3A_17 : memref<1x40x128xi32, #tpu.memory_space<hbm>> -> memref<40x128xi32, #tpu.memory_space<hbm>>
      %dma_wait3A_19 = arith.constant 0 : i32
      %dma_wait3A_20 = arith.constant 0 : i32
      %dma_wait3A_21 = tpu.memref_slice %arg3[%add3A, %dma_wait3A_19, %dma_wait3A_20] : memref<32x40x128xi32, #tpu.memory_space<hbm>> -> memref<1x40x128xi32, #tpu.memory_space<hbm>>
      %dma_wait3A_22 = tpu.memref_squeeze %dma_wait3A_21 : memref<1x40x128xi32, #tpu.memory_space<hbm>> -> memref<40x128xi32, #tpu.memory_space<hbm>>
      tpu.wait_dma2 semaphore(%run_scoped3A : memref<!tpu.dma_semaphore, #tpu.memory_space<semaphore_mem>>) src(%dma_wait3A_22 : memref<40x128xi32, #tpu.memory_space<hbm>>) dst(%arg7 : memref<40x128xi32, #tpu.memory_space<vmem>>)
      tpu.yield
    }) : () -> ()
    "tpu.region"() ({
      %run_scoped3A = tpu.sem_alloc : memref<!tpu.dma_semaphore, #tpu.memory_space<semaphore_mem>>
      %dma_start3A = arith.constant 0 : i32
      %dma_start3A_9 = arith.constant 0 : i32
      %dma_start3A_10 = tpu.memref_slice %arg4[%add3A, %dma_start3A, %dma_start3A_9] : memref<32x40x128xi32, #tpu.memory_space<hbm>> -> memref<1x40x128xi32, #tpu.memory_space<hbm>>
      %dma_start3A_11 = tpu.memref_squeeze %dma_start3A_10 : memref<1x40x128xi32, #tpu.memory_space<hbm>> -> memref<40x128xi32, #tpu.memory_space<hbm>>
      %dma_start3A_12 = arith.constant 0 : i32
      %dma_start3A_13 = arith.constant 0 : i32
      %dma_start3A_14 = tpu.memref_slice %arg4[%add3A, %dma_start3A_12, %dma_start3A_13] : memref<32x40x128xi32, #tpu.memory_space<hbm>> -> memref<1x40x128xi32, #tpu.memory_space<hbm>>
      %dma_start3A_15 = tpu.memref_squeeze %dma_start3A_14 : memref<1x40x128xi32, #tpu.memory_space<hbm>> -> memref<40x128xi32, #tpu.memory_space<hbm>>
      tpu.enqueue_dma source(%dma_start3A_15 : memref<40x128xi32, #tpu.memory_space<hbm>>) target(%arg8 : memref<40x128xi32, #tpu.memory_space<vmem>>) target_semaphore(%run_scoped3A : memref<!tpu.dma_semaphore, #tpu.memory_space<semaphore_mem>>)
      %dma_wait3A = arith.constant 0 : i32
      %dma_wait3A_16 = arith.constant 0 : i32
      %dma_wait3A_17 = tpu.memref_slice %arg4[%add3A, %dma_wait3A, %dma_wait3A_16] : memref<32x40x128xi32, #tpu.memory_space<hbm>> -> memref<1x40x128xi32, #tpu.memory_space<hbm>>
      %dma_wait3A_18 = tpu.memref_squeeze %dma_wait3A_17 : memref<1x40x128xi32, #tpu.memory_space<hbm>> -> memref<40x128xi32, #tpu.memory_space<hbm>>
      %dma_wait3A_19 = arith.constant 0 : i32
      %dma_wait3A_20 = arith.constant 0 : i32
      %dma_wait3A_21 = tpu.memref_slice %arg4[%add3A, %dma_wait3A_19, %dma_wait3A_20] : memref<32x40x128xi32, #tpu.memory_space<hbm>> -> memref<1x40x128xi32, #tpu.memory_space<hbm>>
      %dma_wait3A_22 = tpu.memref_squeeze %dma_wait3A_21 : memref<1x40x128xi32, #tpu.memory_space<hbm>> -> memref<40x128xi32, #tpu.memory_space<hbm>>
      tpu.wait_dma2 semaphore(%run_scoped3A : memref<!tpu.dma_semaphore, #tpu.memory_space<semaphore_mem>>) src(%dma_wait3A_22 : memref<40x128xi32, #tpu.memory_space<hbm>>) dst(%arg8 : memref<40x128xi32, #tpu.memory_space<vmem>>)
      tpu.yield
    }) : () -> ()
    "tpu.region"() ({
      %run_scoped3A = tpu.sem_alloc : memref<!tpu.dma_semaphore, #tpu.memory_space<semaphore_mem>>
      %dma_start3A = arith.constant 0 : i32
      %dma_start3A_9 = tpu.memref_slice %arg11[%mul3A_2, %dma_start3A] : memref<10112x128xf32, #tpu.memory_space<vmem_shared>> -> memref<632x128xf32, #tpu.memory_space<vmem_shared>>
      %dma_start3A_10 = arith.constant 0 : i32
      %dma_start3A_11 = tpu.memref_slice %arg5[%mul3A_2, %dma_start3A_10] : memref<10112x128xf32, #tpu.memory_space<hbm>> -> memref<632x128xf32, #tpu.memory_space<hbm>>
      tpu.enqueue_dma source(%dma_start3A_11 : memref<632x128xf32, #tpu.memory_space<hbm>>) target(%dma_start3A_9 : memref<632x128xf32, #tpu.memory_space<vmem_shared>>) target_semaphore(%run_scoped3A : memref<!tpu.dma_semaphore, #tpu.memory_space<semaphore_mem>>)
      %dma_wait3A = arith.constant 0 : i32
      %dma_wait3A_12 = tpu.memref_slice %arg11[%mul3A_2, %dma_wait3A] : memref<10112x128xf32, #tpu.memory_space<vmem_shared>> -> memref<632x128xf32, #tpu.memory_space<vmem_shared>>
      %dma_wait3A_13 = arith.constant 0 : i32
      %dma_wait3A_14 = tpu.memref_slice %arg5[%mul3A_2, %dma_wait3A_13] : memref<10112x128xf32, #tpu.memory_space<hbm>> -> memref<632x128xf32, #tpu.memory_space<hbm>>
      tpu.wait_dma2 semaphore(%run_scoped3A : memref<!tpu.dma_semaphore, #tpu.memory_space<semaphore_mem>>) src(%dma_wait3A_14 : memref<632x128xf32, #tpu.memory_space<hbm>>) dst(%dma_wait3A_12 : memref<632x128xf32, #tpu.memory_space<vmem_shared>>)
      tpu.yield
    }) : () -> ()
    %barrier3A = arith.constant 0 : index
    tpu.barrier barrier_id(%barrier3A)
    %scan3A = arith.constant 0 : i32
    %scan3A_3 = arith.constant 0 : i32
    %scan3A_4 = arith.constant 20 : i32
    %scan3A_5 = arith.addi %scan3A_3, %scan3A_4 : i32
    %scan3A_6 = arith.constant 1 : i32
    scf.for %scan3A_9 = %scan3A_3 to %scan3A_5 step %scan3A_6  : i32 {
      %mul3A_10 = arith.constant 2 : i32
      %mul3A_11 = arith.muli %mul3A_10, %scan3A_9 : i32
      %dma_start3A = arith.constant 0 : i32
      %dma_start3A_12 = tpu.memref_slice %arg7[%mul3A_11, %dma_start3A] : memref<40x128xi32, #tpu.memory_space<vmem>> -> memref<1x128xi32, #tpu.memory_space<vmem>>
      %dma_start3A_13 = tpu.memref_squeeze %dma_start3A_12 : memref<1x128xi32, #tpu.memory_space<vmem>> -> memref<128xi32, #tpu.memory_space<vmem>>
      %dma_start3A_14 = arith.constant 0 : i32
      %dma_start3A_15 = arith.constant 0 : i32
      %dma_start3A_16 = tpu.memref_slice %arg2[%dma_start3A_14, %dma_start3A_15] : memref<10112x128xf32, #tpu.memory_space<hbm>> -> memref<10112x128xf32, #tpu.memory_space<hbm>>
      tpu.enqueue_indirect_dma source(%dma_start3A_16 : memref<10112x128xf32, #tpu.memory_space<hbm>>) target(%arg9 : memref<128x128xf32, #tpu.memory_space<vmem>>) offsets(%dma_start3A_13 : memref<128xi32, #tpu.memory_space<vmem>>) semaphore(%arg12 : memref<!tpu.dma_semaphore, #tpu.memory_space<semaphore_mem>>)
      %add3A_17 = arith.constant 1 : i32
      %add3A_18 = arith.addi %mul3A_11, %add3A_17 : i32
      %dma_start3A_19 = arith.constant 0 : i32
      %dma_start3A_20 = tpu.memref_slice %arg7[%add3A_18, %dma_start3A_19] : memref<40x128xi32, #tpu.memory_space<vmem>> -> memref<1x128xi32, #tpu.memory_space<vmem>>
      %dma_start3A_21 = tpu.memref_squeeze %dma_start3A_20 : memref<1x128xi32, #tpu.memory_space<vmem>> -> memref<128xi32, #tpu.memory_space<vmem>>
      %dma_start3A_22 = arith.constant 0 : i32
      %dma_start3A_23 = arith.constant 0 : i32
      %dma_start3A_24 = tpu.memref_slice %arg2[%dma_start3A_22, %dma_start3A_23] : memref<10112x128xf32, #tpu.memory_space<hbm>> -> memref<10112x128xf32, #tpu.memory_space<hbm>>
      tpu.enqueue_indirect_dma source(%dma_start3A_24 : memref<10112x128xf32, #tpu.memory_space<hbm>>) target(%arg10 : memref<128x128xf32, #tpu.memory_space<vmem>>) offsets(%dma_start3A_21 : memref<128xi32, #tpu.memory_space<vmem>>) semaphore(%arg13 : memref<!tpu.dma_semaphore, #tpu.memory_space<semaphore_mem>>)
      %dma_wait3A = arith.constant 0 : i32
      %dma_wait3A_25 = tpu.memref_slice %arg7[%mul3A_11, %dma_wait3A] : memref<40x128xi32, #tpu.memory_space<vmem>> -> memref<1x128xi32, #tpu.memory_space<vmem>>
      %dma_wait3A_26 = tpu.memref_squeeze %dma_wait3A_25 : memref<1x128xi32, #tpu.memory_space<vmem>> -> memref<128xi32, #tpu.memory_space<vmem>>
      %dma_wait3A_27 = arith.constant 0 : i32
      %dma_wait3A_28 = arith.constant 0 : i32
      %dma_wait3A_29 = tpu.memref_slice %arg2[%dma_wait3A_27, %dma_wait3A_28] : memref<10112x128xf32, #tpu.memory_space<hbm>> -> memref<10112x128xf32, #tpu.memory_space<hbm>>
      tpu.wait_indirect_dma semaphore(%arg12 : memref<!tpu.dma_semaphore, #tpu.memory_space<semaphore_mem>>) src(%dma_wait3A_29 : memref<10112x128xf32, #tpu.memory_space<hbm>>) dst(%arg9 : memref<128x128xf32, #tpu.memory_space<vmem>>)
      "tpu.region"() ({
        %run_scoped3A = tpu.sem_alloc : memref<!tpu.dma_semaphore, #tpu.memory_space<semaphore_mem>>
        %dma_start3A_38 = arith.constant 0 : i32
        %dma_start3A_39 = tpu.memref_slice %arg8[%mul3A_11, %dma_start3A_38] : memref<40x128xi32, #tpu.memory_space<vmem>> -> memref<1x128xi32, #tpu.memory_space<vmem>>
        %dma_start3A_40 = tpu.memref_squeeze %dma_start3A_39 : memref<1x128xi32, #tpu.memory_space<vmem>> -> memref<128xi32, #tpu.memory_space<vmem>>
        %dma_start3A_41 = arith.constant 0 : i32
        %dma_start3A_42 = arith.constant 0 : i32
        %dma_start3A_43 = tpu.memref_slice %arg11[%dma_start3A_41, %dma_start3A_42] : memref<10112x128xf32, #tpu.memory_space<vmem_shared>> -> memref<10112x128xf32, #tpu.memory_space<vmem_shared>>
        tpu.enqueue_indirect_dma source(%arg9 : memref<128x128xf32, #tpu.memory_space<vmem>>) target(%dma_start3A_43 : memref<10112x128xf32, #tpu.memory_space<vmem_shared>>) offsets(%dma_start3A_40 : memref<128xi32, #tpu.memory_space<vmem>>) semaphore(%run_scoped3A : memref<!tpu.dma_semaphore, #tpu.memory_space<semaphore_mem>>) {add = true}
        %dma_wait3A_44 = arith.constant 0 : i32
        %dma_wait3A_45 = tpu.memref_slice %arg8[%mul3A_11, %dma_wait3A_44] : memref<40x128xi32, #tpu.memory_space<vmem>> -> memref<1x128xi32, #tpu.memory_space<vmem>>
        %dma_wait3A_46 = tpu.memref_squeeze %dma_wait3A_45 : memref<1x128xi32, #tpu.memory_space<vmem>> -> memref<128xi32, #tpu.memory_space<vmem>>
        %dma_wait3A_47 = arith.constant 0 : i32
        %dma_wait3A_48 = arith.constant 0 : i32
        %dma_wait3A_49 = tpu.memref_slice %arg11[%dma_wait3A_47, %dma_wait3A_48] : memref<10112x128xf32, #tpu.memory_space<vmem_shared>> -> memref<10112x128xf32, #tpu.memory_space<vmem_shared>>
        tpu.wait_indirect_dma semaphore(%run_scoped3A : memref<!tpu.dma_semaphore, #tpu.memory_space<semaphore_mem>>) src(%arg9 : memref<128x128xf32, #tpu.memory_space<vmem>>) dst(%dma_wait3A_49 : memref<10112x128xf32, #tpu.memory_space<vmem_shared>>)
        tpu.yield
      }) : () -> ()
      %dma_wait3A_30 = arith.constant 0 : i32
      %dma_wait3A_31 = tpu.memref_slice %arg7[%add3A_18, %dma_wait3A_30] : memref<40x128xi32, #tpu.memory_space<vmem>> -> memref<1x128xi32, #tpu.memory_space<vmem>>
      %dma_wait3A_32 = tpu.memref_squeeze %dma_wait3A_31 : memref<1x128xi32, #tpu.memory_space<vmem>> -> memref<128xi32, #tpu.memory_space<vmem>>
      %dma_wait3A_33 = arith.constant 0 : i32
      %dma_wait3A_34 = arith.constant 0 : i32
      %dma_wait3A_35 = tpu.memref_slice %arg2[%dma_wait3A_33, %dma_wait3A_34] : memref<10112x128xf32, #tpu.memory_space<hbm>> -> memref<10112x128xf32, #tpu.memory_space<hbm>>
      tpu.wait_indirect_dma semaphore(%arg13 : memref<!tpu.dma_semaphore, #tpu.memory_space<semaphore_mem>>) src(%dma_wait3A_35 : memref<10112x128xf32, #tpu.memory_space<hbm>>) dst(%arg10 : memref<128x128xf32, #tpu.memory_space<vmem>>)
      %add3A_36 = arith.constant 1 : i32
      %add3A_37 = arith.addi %mul3A_11, %add3A_36 : i32
      "tpu.region"() ({
        %run_scoped3A = tpu.sem_alloc : memref<!tpu.dma_semaphore, #tpu.memory_space<semaphore_mem>>
        %dma_start3A_38 = arith.constant 0 : i32
        %dma_start3A_39 = tpu.memref_slice %arg8[%add3A_37, %dma_start3A_38] : memref<40x128xi32, #tpu.memory_space<vmem>> -> memref<1x128xi32, #tpu.memory_space<vmem>>
        %dma_start3A_40 = tpu.memref_squeeze %dma_start3A_39 : memref<1x128xi32, #tpu.memory_space<vmem>> -> memref<128xi32, #tpu.memory_space<vmem>>
        %dma_start3A_41 = arith.constant 0 : i32
        %dma_start3A_42 = arith.constant 0 : i32
        %dma_start3A_43 = tpu.memref_slice %arg11[%dma_start3A_41, %dma_start3A_42] : memref<10112x128xf32, #tpu.memory_space<vmem_shared>> -> memref<10112x128xf32, #tpu.memory_space<vmem_shared>>
        tpu.enqueue_indirect_dma source(%arg10 : memref<128x128xf32, #tpu.memory_space<vmem>>) target(%dma_start3A_43 : memref<10112x128xf32, #tpu.memory_space<vmem_shared>>) offsets(%dma_start3A_40 : memref<128xi32, #tpu.memory_space<vmem>>) semaphore(%run_scoped3A : memref<!tpu.dma_semaphore, #tpu.memory_space<semaphore_mem>>) {add = true}
        %dma_wait3A_44 = arith.constant 0 : i32
        %dma_wait3A_45 = tpu.memref_slice %arg8[%add3A_37, %dma_wait3A_44] : memref<40x128xi32, #tpu.memory_space<vmem>> -> memref<1x128xi32, #tpu.memory_space<vmem>>
        %dma_wait3A_46 = tpu.memref_squeeze %dma_wait3A_45 : memref<1x128xi32, #tpu.memory_space<vmem>> -> memref<128xi32, #tpu.memory_space<vmem>>
        %dma_wait3A_47 = arith.constant 0 : i32
        %dma_wait3A_48 = arith.constant 0 : i32
        %dma_wait3A_49 = tpu.memref_slice %arg11[%dma_wait3A_47, %dma_wait3A_48] : memref<10112x128xf32, #tpu.memory_space<vmem_shared>> -> memref<10112x128xf32, #tpu.memory_space<vmem_shared>>
        tpu.wait_indirect_dma semaphore(%run_scoped3A : memref<!tpu.dma_semaphore, #tpu.memory_space<semaphore_mem>>) src(%arg10 : memref<128x128xf32, #tpu.memory_space<vmem>>) dst(%dma_wait3A_49 : memref<10112x128xf32, #tpu.memory_space<vmem_shared>>)
        tpu.yield
      }) : () -> ()
    }
    %scan3A_7 = arith.constant 20 : i32
    %barrier3A_8 = arith.constant 0 : index
    tpu.barrier barrier_id(%barrier3A_8)
    "tpu.region"() ({
      %run_scoped3A = tpu.sem_alloc : memref<!tpu.dma_semaphore, #tpu.memory_space<semaphore_mem>>
      %dma_start3A = arith.constant 0 : i32
      %dma_start3A_9 = tpu.memref_slice %arg6[%arg0, %mul3A_2, %dma_start3A] : memref<2x10112x128xf32, #tpu.memory_space<hbm>> -> memref<1x632x128xf32, #tpu.memory_space<hbm>>
      %dma_start3A_10 = tpu.memref_squeeze %dma_start3A_9 : memref<1x632x128xf32, #tpu.memory_space<hbm>> -> memref<632x128xf32, #tpu.memory_space<hbm>>
      %dma_start3A_11 = arith.constant 0 : i32
      %dma_start3A_12 = tpu.memref_slice %arg11[%mul3A_2, %dma_start3A_11] : memref<10112x128xf32, #tpu.memory_space<vmem_shared>> -> memref<632x128xf32, #tpu.memory_space<vmem_shared>>
      tpu.enqueue_dma source(%dma_start3A_12 : memref<632x128xf32, #tpu.memory_space<vmem_shared>>) target(%dma_start3A_10 : memref<632x128xf32, #tpu.memory_space<hbm>>) target_semaphore(%run_scoped3A : memref<!tpu.dma_semaphore, #tpu.memory_space<semaphore_mem>>)
      %dma_wait3A = arith.constant 0 : i32
      %dma_wait3A_13 = tpu.memref_slice %arg6[%arg0, %mul3A_2, %dma_wait3A] : memref<2x10112x128xf32, #tpu.memory_space<hbm>> -> memref<1x632x128xf32, #tpu.memory_space<hbm>>
      %dma_wait3A_14 = tpu.memref_squeeze %dma_wait3A_13 : memref<1x632x128xf32, #tpu.memory_space<hbm>> -> memref<632x128xf32, #tpu.memory_space<hbm>>
      %dma_wait3A_15 = arith.constant 0 : i32
      %dma_wait3A_16 = tpu.memref_slice %arg11[%mul3A_2, %dma_wait3A_15] : memref<10112x128xf32, #tpu.memory_space<vmem_shared>> -> memref<632x128xf32, #tpu.memory_space<vmem_shared>>
      tpu.wait_dma2 semaphore(%run_scoped3A : memref<!tpu.dma_semaphore, #tpu.memory_space<semaphore_mem>>) src(%dma_wait3A_16 : memref<632x128xf32, #tpu.memory_space<vmem_shared>>) dst(%dma_wait3A_14 : memref<632x128xf32, #tpu.memory_space<hbm>>)
      tpu.yield
    }) : () -> ()
    return
  }
}

#map = affine_map<(d0, d1) -> (0, 0)>
#map1 = affine_map<(d0, d1) -> (0, 0, 0)>
module attributes {stable_mosaic.version = 14 : i64} {
  func.func @kern(%arg0: i32, %arg1: i32, %arg2: memref<10112x128xf32, #tpu.memory_space<hbm>>, %arg3: memref<32x40x128xi32, #tpu.memory_space<hbm>>, %arg4: memref<32x40x128xi32, #tpu.memory_space<hbm>>, %arg5: memref<10112x128xf32, #tpu.memory_space<hbm>>, %arg6: memref<2x10112x128xf32, #tpu.memory_space<hbm>>, %arg7: memref<40x128xi32, #tpu.memory_space<vmem>>, %arg8: memref<40x128xi32, #tpu.memory_space<vmem>>, %arg9: memref<128x128xf32, #tpu.memory_space<vmem>>, %arg10: memref<128x128xf32, #tpu.memory_space<vmem>>, %arg11: memref<10112x128xf32, #tpu.memory_space<vmem_shared>>, %arg12: memref<!tpu.dma_semaphore, #tpu.memory_space<semaphore_mem>>, %arg13: memref<!tpu.dma_semaphore, #tpu.memory_space<semaphore_mem>>) attributes {dimension_semantics = [#tpu.dimension_semantics<core_parallel>, #tpu.dimension_semantics<subcore_parallel>], iteration_bounds = array<i64: 2, 16>, scalar_prefetch = 0 : i64, scratch_operands = 7 : i64, tpu.core_type = #tpu.core_type<sc_vector_subcore>, window_params = [{transform_indices = #map}, {transform_indices = #map1}, {transform_indices = #map1}, {transform_indices = #map}, {transform_indices = #map1}]} {
    %mul3A = arith.constant 2 : i32
    %mul3A_0 = arith.muli %arg1, %mul3A : i32
    %add3A = arith.addi %mul3A_0, %arg0 : i32
    %mul3A_1 = arith.constant 632 : i32
    %mul3A_2 = arith.muli %arg1, %mul3A_1 : i32
    "tpu.region"() ({
      %run_scoped3A = tpu.sem_alloc : memref<!tpu.dma_semaphore, #tpu.memory_space<semaphore_mem>>
      %dma_start3A = arith.constant 0 : i32
      %dma_start3A_9 = arith.constant 0 : i32
      %dma_start3A_10 = tpu.memref_slice %arg3[%add3A, %dma_start3A, %dma_start3A_9] : memref<32x40x128xi32, #tpu.memory_space<hbm>> -> memref<1x40x128xi32, #tpu.memory_space<hbm>>
      %dma_start3A_11 = tpu.memref_squeeze %dma_start3A_10 : memref<1x40x128xi32, #tpu.memory_space<hbm>> -> memref<40x128xi32, #tpu.memory_space<hbm>>
      %dma_start3A_12 = arith.constant 0 : i32
      %dma_start3A_13 = arith.constant 0 : i32
      %dma_start3A_14 = tpu.memref_slice %arg3[%add3A, %dma_start3A_12, %dma_start3A_13] : memref<32x40x128xi32, #tpu.memory_space<hbm>> -> memref<1x40x128xi32, #tpu.memory_space<hbm>>
      %dma_start3A_15 = tpu.memref_squeeze %dma_start3A_14 : memref<1x40x128xi32, #tpu.memory_space<hbm>> -> memref<40x128xi32, #tpu.memory_space<hbm>>
      tpu.enqueue_dma source(%dma_start3A_15 : memref<40x128xi32, #tpu.memory_space<hbm>>) target(%arg7 : memref<40x128xi32, #tpu.memory_space<vmem>>) target_semaphore(%run_scoped3A : memref<!tpu.dma_semaphore, #tpu.memory_space<semaphore_mem>>)
      %dma_wait3A = arith.constant 0 : i32
      %dma_wait3A_16 = arith.constant 0 : i32
      %dma_wait3A_17 = tpu.memref_slice %arg3[%add3A, %dma_wait3A, %dma_wait3A_16] : memref<32x40x128xi32, #tpu.memory_space<hbm>> -> memref<1x40x128xi32, #tpu.memory_space<hbm>>
      %dma_wait3A_18 = tpu.memref_squeeze %dma_wait3A_17 : memref<1x40x128xi32, #tpu.memory_space<hbm>> -> memref<40x128xi32, #tpu.memory_space<hbm>>
      %dma_wait3A_19 = arith.constant 0 : i32
      %dma_wait3A_20 = arith.constant 0 : i32
      %dma_wait3A_21 = tpu.memref_slice %arg3[%add3A, %dma_wait3A_19, %dma_wait3A_20] : memref<32x40x128xi32, #tpu.memory_space<hbm>> -> memref<1x40x128xi32, #tpu.memory_space<hbm>>
      %dma_wait3A_22 = tpu.memref_squeeze %dma_wait3A_21 : memref<1x40x128xi32, #tpu.memory_space<hbm>> -> memref<40x128xi32, #tpu.memory_space<hbm>>
      tpu.wait_dma2 semaphore(%run_scoped3A : memref<!tpu.dma_semaphore, #tpu.memory_space<semaphore_mem>>) src(%dma_wait3A_22 : memref<40x128xi32, #tpu.memory_space<hbm>>) dst(%arg7 : memref<40x128xi32, #tpu.memory_space<vmem>>)
      tpu.yield
    }) : () -> ()
    "tpu.region"() ({
      %run_scoped3A = tpu.sem_alloc : memref<!tpu.dma_semaphore, #tpu.memory_space<semaphore_mem>>
      %dma_start3A = arith.constant 0 : i32
      %dma_start3A_9 = arith.constant 0 : i32
      %dma_start3A_10 = tpu.memref_slice %arg4[%add3A, %dma_start3A, %dma_start3A_9] : memref<32x40x128xi32, #tpu.memory_space<hbm>> -> memref<1x40x128xi32, #tpu.memory_space<hbm>>
      %dma_start3A_11 = tpu.memref_squeeze %dma_start3A_10 : memref<1x40x128xi32, #tpu.memory_space<hbm>> -> memref<40x128xi32, #tpu.memory_space<hbm>>
      %dma_start3A_12 = arith.constant 0 : i32
      %dma_start3A_13 = arith.constant 0 : i32
      %dma_start3A_14 = tpu.memref_slice %arg4[%add3A, %dma_start3A_12, %dma_start3A_13] : memref<32x40x128xi32, #tpu.memory_space<hbm>> -> memref<1x40x128xi32, #tpu.memory_space<hbm>>
      %dma_start3A_15 = tpu.memref_squeeze %dma_start3A_14 : memref<1x40x128xi32, #tpu.memory_space<hbm>> -> memref<40x128xi32, #tpu.memory_space<hbm>>
      tpu.enqueue_dma source(%dma_start3A_15 : memref<40x128xi32, #tpu.memory_space<hbm>>) target(%arg8 : memref<40x128xi32, #tpu.memory_space<vmem>>) target_semaphore(%run_scoped3A : memref<!tpu.dma_semaphore, #tpu.memory_space<semaphore_mem>>)
      %dma_wait3A = arith.constant 0 : i32
      %dma_wait3A_16 = arith.constant 0 : i32
      %dma_wait3A_17 = tpu.memref_slice %arg4[%add3A, %dma_wait3A, %dma_wait3A_16] : memref<32x40x128xi32, #tpu.memory_space<hbm>> -> memref<1x40x128xi32, #tpu.memory_space<hbm>>
      %dma_wait3A_18 = tpu.memref_squeeze %dma_wait3A_17 : memref<1x40x128xi32, #tpu.memory_space<hbm>> -> memref<40x128xi32, #tpu.memory_space<hbm>>
      %dma_wait3A_19 = arith.constant 0 : i32
      %dma_wait3A_20 = arith.constant 0 : i32
      %dma_wait3A_21 = tpu.memref_slice %arg4[%add3A, %dma_wait3A_19, %dma_wait3A_20] : memref<32x40x128xi32, #tpu.memory_space<hbm>> -> memref<1x40x128xi32, #tpu.memory_space<hbm>>
      %dma_wait3A_22 = tpu.memref_squeeze %dma_wait3A_21 : memref<1x40x128xi32, #tpu.memory_space<hbm>> -> memref<40x128xi32, #tpu.memory_space<hbm>>
      tpu.wait_dma2 semaphore(%run_scoped3A : memref<!tpu.dma_semaphore, #tpu.memory_space<semaphore_mem>>) src(%dma_wait3A_22 : memref<40x128xi32, #tpu.memory_space<hbm>>) dst(%arg8 : memref<40x128xi32, #tpu.memory_space<vmem>>)
      tpu.yield
    }) : () -> ()
    "tpu.region"() ({
      %run_scoped3A = tpu.sem_alloc : memref<!tpu.dma_semaphore, #tpu.memory_space<semaphore_mem>>
      %dma_start3A = arith.constant 0 : i32
      %dma_start3A_9 = tpu.memref_slice %arg11[%mul3A_2, %dma_start3A] : memref<10112x128xf32, #tpu.memory_space<vmem_shared>> -> memref<632x128xf32, #tpu.memory_space<vmem_shared>>
      %dma_start3A_10 = arith.constant 0 : i32
      %dma_start3A_11 = tpu.memref_slice %arg5[%mul3A_2, %dma_start3A_10] : memref<10112x128xf32, #tpu.memory_space<hbm>> -> memref<632x128xf32, #tpu.memory_space<hbm>>
      tpu.enqueue_dma source(%dma_start3A_11 : memref<632x128xf32, #tpu.memory_space<hbm>>) target(%dma_start3A_9 : memref<632x128xf32, #tpu.memory_space<vmem_shared>>) target_semaphore(%run_scoped3A : memref<!tpu.dma_semaphore, #tpu.memory_space<semaphore_mem>>)
      %dma_wait3A = arith.constant 0 : i32
      %dma_wait3A_12 = tpu.memref_slice %arg11[%mul3A_2, %dma_wait3A] : memref<10112x128xf32, #tpu.memory_space<vmem_shared>> -> memref<632x128xf32, #tpu.memory_space<vmem_shared>>
      %dma_wait3A_13 = arith.constant 0 : i32
      %dma_wait3A_14 = tpu.memref_slice %arg5[%mul3A_2, %dma_wait3A_13] : memref<10112x128xf32, #tpu.memory_space<hbm>> -> memref<632x128xf32, #tpu.memory_space<hbm>>
      tpu.wait_dma2 semaphore(%run_scoped3A : memref<!tpu.dma_semaphore, #tpu.memory_space<semaphore_mem>>) src(%dma_wait3A_14 : memref<632x128xf32, #tpu.memory_space<hbm>>) dst(%dma_wait3A_12 : memref<632x128xf32, #tpu.memory_space<vmem_shared>>)
      tpu.yield
    }) : () -> ()
    %barrier3A = arith.constant 0 : index
    tpu.barrier barrier_id(%barrier3A)
    %scan3A = arith.constant 0 : i32
    %scan3A_3 = arith.constant 0 : i32
    %scan3A_4 = arith.constant 20 : i32
    %scan3A_5 = arith.addi %scan3A_3, %scan3A_4 : i32
    %scan3A_6 = arith.constant 1 : i32
    scf.for %scan3A_9 = %scan3A_3 to %scan3A_5 step %scan3A_6  : i32 {
      %mul3A_10 = arith.constant 2 : i32
      %mul3A_11 = arith.muli %mul3A_10, %scan3A_9 : i32
      %dma_start3A = arith.constant 0 : i32
      %dma_start3A_12 = tpu.memref_slice %arg7[%mul3A_11, %dma_start3A] : memref<40x128xi32, #tpu.memory_space<vmem>> -> memref<1x128xi32, #tpu.memory_space<vmem>>
      %dma_start3A_13 = tpu.memref_squeeze %dma_start3A_12 : memref<1x128xi32, #tpu.memory_space<vmem>> -> memref<128xi32, #tpu.memory_space<vmem>>
      %dma_start3A_14 = arith.constant 0 : i32
      %dma_start3A_15 = arith.constant 0 : i32
      %dma_start3A_16 = tpu.memref_slice %arg2[%dma_start3A_14, %dma_start3A_15] : memref<10112x128xf32, #tpu.memory_space<hbm>> -> memref<10112x128xf32, #tpu.memory_space<hbm>>
      tpu.enqueue_indirect_dma source(%dma_start3A_16 : memref<10112x128xf32, #tpu.memory_space<hbm>>) target(%arg9 : memref<128x128xf32, #tpu.memory_space<vmem>>) offsets(%dma_start3A_13 : memref<128xi32, #tpu.memory_space<vmem>>) semaphore(%arg12 : memref<!tpu.dma_semaphore, #tpu.memory_space<semaphore_mem>>)
      %add3A_17 = arith.constant 1 : i32
      %add3A_18 = arith.addi %mul3A_11, %add3A_17 : i32
      %dma_start3A_19 = arith.constant 0 : i32
      %dma_start3A_20 = tpu.memref_slice %arg7[%add3A_18, %dma_start3A_19] : memref<40x128xi32, #tpu.memory_space<vmem>> -> memref<1x128xi32, #tpu.memory_space<vmem>>
      %dma_start3A_21 = tpu.memref_squeeze %dma_start3A_20 : memref<1x128xi32, #tpu.memory_space<vmem>> -> memref<128xi32, #tpu.memory_space<vmem>>
      %dma_start3A_22 = arith.constant 0 : i32
      %dma_start3A_23 = arith.constant 0 : i32
      %dma_start3A_24 = tpu.memref_slice %arg2[%dma_start3A_22, %dma_start3A_23] : memref<10112x128xf32, #tpu.memory_space<hbm>> -> memref<10112x128xf32, #tpu.memory_space<hbm>>
      tpu.enqueue_indirect_dma source(%dma_start3A_24 : memref<10112x128xf32, #tpu.memory_space<hbm>>) target(%arg10 : memref<128x128xf32, #tpu.memory_space<vmem>>) offsets(%dma_start3A_21 : memref<128xi32, #tpu.memory_space<vmem>>) semaphore(%arg13 : memref<!tpu.dma_semaphore, #tpu.memory_space<semaphore_mem>>)
      %dma_wait3A = arith.constant 0 : i32
      %dma_wait3A_25 = tpu.memref_slice %arg7[%mul3A_11, %dma_wait3A] : memref<40x128xi32, #tpu.memory_space<vmem>> -> memref<1x128xi32, #tpu.memory_space<vmem>>
      %dma_wait3A_26 = tpu.memref_squeeze %dma_wait3A_25 : memref<1x128xi32, #tpu.memory_space<vmem>> -> memref<128xi32, #tpu.memory_space<vmem>>
      %dma_wait3A_27 = arith.constant 0 : i32
      %dma_wait3A_28 = arith.constant 0 : i32
      %dma_wait3A_29 = tpu.memref_slice %arg2[%dma_wait3A_27, %dma_wait3A_28] : memref<10112x128xf32, #tpu.memory_space<hbm>> -> memref<10112x128xf32, #tpu.memory_space<hbm>>
      tpu.wait_indirect_dma semaphore(%arg12 : memref<!tpu.dma_semaphore, #tpu.memory_space<semaphore_mem>>) src(%dma_wait3A_29 : memref<10112x128xf32, #tpu.memory_space<hbm>>) dst(%arg9 : memref<128x128xf32, #tpu.memory_space<vmem>>)
      "tpu.region"() ({
        %run_scoped3A = tpu.sem_alloc : memref<!tpu.dma_semaphore, #tpu.memory_space<semaphore_mem>>
        %dma_start3A_38 = arith.constant 0 : i32
        %dma_start3A_39 = tpu.memref_slice %arg8[%mul3A_11, %dma_start3A_38] : memref<40x128xi32, #tpu.memory_space<vmem>> -> memref<1x128xi32, #tpu.memory_space<vmem>>
        %dma_start3A_40 = tpu.memref_squeeze %dma_start3A_39 : memref<1x128xi32, #tpu.memory_space<vmem>> -> memref<128xi32, #tpu.memory_space<vmem>>
        %dma_start3A_41 = arith.constant 0 : i32
        %dma_start3A_42 = arith.constant 0 : i32
        %dma_start3A_43 = tpu.memref_slice %arg11[%dma_start3A_41, %dma_start3A_42] : memref<10112x128xf32, #tpu.memory_space<vmem_shared>> -> memref<10112x128xf32, #tpu.memory_space<vmem_shared>>
        tpu.enqueue_indirect_dma source(%arg9 : memref<128x128xf32, #tpu.memory_space<vmem>>) target(%dma_start3A_43 : memref<10112x128xf32, #tpu.memory_space<vmem_shared>>) offsets(%dma_start3A_40 : memref<128xi32, #tpu.memory_space<vmem>>) semaphore(%run_scoped3A : memref<!tpu.dma_semaphore, #tpu.memory_space<semaphore_mem>>) {add = true}
        %dma_wait3A_44 = arith.constant 0 : i32
        %dma_wait3A_45 = tpu.memref_slice %arg8[%mul3A_11, %dma_wait3A_44] : memref<40x128xi32, #tpu.memory_space<vmem>> -> memref<1x128xi32, #tpu.memory_space<vmem>>
        %dma_wait3A_46 = tpu.memref_squeeze %dma_wait3A_45 : memref<1x128xi32, #tpu.memory_space<vmem>> -> memref<128xi32, #tpu.memory_space<vmem>>
        %dma_wait3A_47 = arith.constant 0 : i32
        %dma_wait3A_48 = arith.constant 0 : i32
        %dma_wait3A_49 = tpu.memref_slice %arg11[%dma_wait3A_47, %dma_wait3A_48] : memref<10112x128xf32, #tpu.memory_space<vmem_shared>> -> memref<10112x128xf32, #tpu.memory_space<vmem_shared>>
        tpu.wait_indirect_dma semaphore(%run_scoped3A : memref<!tpu.dma_semaphore, #tpu.memory_space<semaphore_mem>>) src(%arg9 : memref<128x128xf32, #tpu.memory_space<vmem>>) dst(%dma_wait3A_49 : memref<10112x128xf32, #tpu.memory_space<vmem_shared>>)
        tpu.yield
      }) : () -> ()
      %dma_wait3A_30 = arith.constant 0 : i32
      %dma_wait3A_31 = tpu.memref_slice %arg7[%add3A_18, %dma_wait3A_30] : memref<40x128xi32, #tpu.memory_space<vmem>> -> memref<1x128xi32, #tpu.memory_space<vmem>>
      %dma_wait3A_32 = tpu.memref_squeeze %dma_wait3A_31 : memref<1x128xi32, #tpu.memory_space<vmem>> -> memref<128xi32, #tpu.memory_space<vmem>>
      %dma_wait3A_33 = arith.constant 0 : i32
      %dma_wait3A_34 = arith.constant 0 : i32
      %dma_wait3A_35 = tpu.memref_slice %arg2[%dma_wait3A_33, %dma_wait3A_34] : memref<10112x128xf32, #tpu.memory_space<hbm>> -> memref<10112x128xf32, #tpu.memory_space<hbm>>
      tpu.wait_indirect_dma semaphore(%arg13 : memref<!tpu.dma_semaphore, #tpu.memory_space<semaphore_mem>>) src(%dma_wait3A_35 : memref<10112x128xf32, #tpu.memory_space<hbm>>) dst(%arg10 : memref<128x128xf32, #tpu.memory_space<vmem>>)
      %add3A_36 = arith.constant 1 : i32
      %add3A_37 = arith.addi %mul3A_11, %add3A_36 : i32
      "tpu.region"() ({
        %run_scoped3A = tpu.sem_alloc : memref<!tpu.dma_semaphore, #tpu.memory_space<semaphore_mem>>
        %dma_start3A_38 = arith.constant 0 : i32
        %dma_start3A_39 = tpu.memref_slice %arg8[%add3A_37, %dma_start3A_38] : memref<40x128xi32, #tpu.memory_space<vmem>> -> memref<1x128xi32, #tpu.memory_space<vmem>>
        %dma_start3A_40 = tpu.memref_squeeze %dma_start3A_39 : memref<1x128xi32, #tpu.memory_space<vmem>> -> memref<128xi32, #tpu.memory_space<vmem>>
        %dma_start3A_41 = arith.constant 0 : i32
        %dma_start3A_42 = arith.constant 0 : i32
        %dma_start3A_43 = tpu.memref_slice %arg11[%dma_start3A_41, %dma_start3A_42] : memref<10112x128xf32, #tpu.memory_space<vmem_shared>> -> memref<10112x128xf32, #tpu.memory_space<vmem_shared>>
        tpu.enqueue_indirect_dma source(%arg10 : memref<128x128xf32, #tpu.memory_space<vmem>>) target(%dma_start3A_43 : memref<10112x128xf32, #tpu.memory_space<vmem_shared>>) offsets(%dma_start3A_40 : memref<128xi32, #tpu.memory_space<vmem>>) semaphore(%run_scoped3A : memref<!tpu.dma_semaphore, #tpu.memory_space<semaphore_mem>>) {add = true}
        %dma_wait3A_44 = arith.constant 0 : i32
        %dma_wait3A_45 = tpu.memref_slice %arg8[%add3A_37, %dma_wait3A_44] : memref<40x128xi32, #tpu.memory_space<vmem>> -> memref<1x128xi32, #tpu.memory_space<vmem>>
        %dma_wait3A_46 = tpu.memref_squeeze %dma_wait3A_45 : memref<1x128xi32, #tpu.memory_space<vmem>> -> memref<128xi32, #tpu.memory_space<vmem>>
        %dma_wait3A_47 = arith.constant 0 : i32
        %dma_wait3A_48 = arith.constant 0 : i32
        %dma_wait3A_49 = tpu.memref_slice %arg11[%dma_wait3A_47, %dma_wait3A_48] : memref<10112x128xf32, #tpu.memory_space<vmem_shared>> -> memref<10112x128xf32, #tpu.memory_space<vmem_shared>>
        tpu.wait_indirect_dma semaphore(%run_scoped3A : memref<!tpu.dma_semaphore, #tpu.memory_space<semaphore_mem>>) src(%arg10 : memref<128x128xf32, #tpu.memory_space<vmem>>) dst(%dma_wait3A_49 : memref<10112x128xf32, #tpu.memory_space<vmem_shared>>)
        tpu.yield
      }) : () -> ()
    }
    %scan3A_7 = arith.constant 20 : i32
    %barrier3A_8 = arith.constant 0 : index
    tpu.barrier barrier_id(%barrier3A_8)
    "tpu.region"() ({
      %run_scoped3A = tpu.sem_alloc : memref<!tpu.dma_semaphore, #tpu.memory_space<semaphore_mem>>
      %dma_start3A = arith.constant 0 : i32
      %dma_start3A_9 = tpu.memref_slice %arg6[%arg0, %mul3A_2, %dma_start3A] : memref<2x10112x128xf32, #tpu.memory_space<hbm>> -> memref<1x632x128xf32, #tpu.memory_space<hbm>>
      %dma_start3A_10 = tpu.memref_squeeze %dma_start3A_9 : memref<1x632x128xf32, #tpu.memory_space<hbm>> -> memref<632x128xf32, #tpu.memory_space<hbm>>
      %dma_start3A_11 = arith.constant 0 : i32
      %dma_start3A_12 = tpu.memref_slice %arg11[%mul3A_2, %dma_start3A_11] : memref<10112x128xf32, #tpu.memory_space<vmem_shared>> -> memref<632x128xf32, #tpu.memory_space<vmem_shared>>
      tpu.enqueue_dma source(%dma_start3A_12 : memref<632x128xf32, #tpu.memory_space<vmem_shared>>) target(%dma_start3A_10 : memref<632x128xf32, #tpu.memory_space<hbm>>) target_semaphore(%run_scoped3A : memref<!tpu.dma_semaphore, #tpu.memory_space<semaphore_mem>>)
      %dma_wait3A = arith.constant 0 : i32
      %dma_wait3A_13 = tpu.memref_slice %arg6[%arg0, %mul3A_2, %dma_wait3A] : memref<2x10112x128xf32, #tpu.memory_space<hbm>> -> memref<1x632x128xf32, #tpu.memory_space<hbm>>
      %dma_wait3A_14 = tpu.memref_squeeze %dma_wait3A_13 : memref<1x632x128xf32, #tpu.memory_space<hbm>> -> memref<632x128xf32, #tpu.memory_space<hbm>>
      %dma_wait3A_15 = arith.constant 0 : i32
      %dma_wait3A_16 = tpu.memref_slice %arg11[%mul3A_2, %dma_wait3A_15] : memref<10112x128xf32, #tpu.memory_space<vmem_shared>> -> memref<632x128xf32, #tpu.memory_space<vmem_shared>>
      tpu.wait_dma2 semaphore(%run_scoped3A : memref<!tpu.dma_semaphore, #tpu.memory_space<semaphore_mem>>) src(%dma_wait3A_16 : memref<632x128xf32, #tpu.memory_space<vmem_shared>>) dst(%dma_wait3A_14 : memref<632x128xf32, #tpu.memory_space<hbm>>)
      tpu.yield
    }) : () -> ()
    return
  }
}

#map = affine_map<(d0, d1) -> (0, 0)>
#map1 = affine_map<(d0, d1) -> (0, 0, 0)>
module attributes {stable_mosaic.version = 14 : i64} {
  func.func @kern(%arg0: i32, %arg1: i32, %arg2: memref<10112x128xf32, #tpu.memory_space<hbm>>, %arg3: memref<32x40x128xi32, #tpu.memory_space<hbm>>, %arg4: memref<32x40x128xi32, #tpu.memory_space<hbm>>, %arg5: memref<10112x128xf32, #tpu.memory_space<hbm>>, %arg6: memref<2x10112x128xf32, #tpu.memory_space<hbm>>, %arg7: memref<40x128xi32, #tpu.memory_space<vmem>>, %arg8: memref<40x128xi32, #tpu.memory_space<vmem>>, %arg9: memref<128x128xf32, #tpu.memory_space<vmem>>, %arg10: memref<128x128xf32, #tpu.memory_space<vmem>>, %arg11: memref<10112x128xf32, #tpu.memory_space<vmem_shared>>, %arg12: memref<!tpu.dma_semaphore, #tpu.memory_space<semaphore_mem>>, %arg13: memref<!tpu.dma_semaphore, #tpu.memory_space<semaphore_mem>>) attributes {dimension_semantics = [#tpu.dimension_semantics<core_parallel>, #tpu.dimension_semantics<subcore_parallel>], iteration_bounds = array<i64: 2, 16>, scalar_prefetch = 0 : i64, scratch_operands = 7 : i64, tpu.core_type = #tpu.core_type<sc_vector_subcore>, window_params = [{transform_indices = #map}, {transform_indices = #map1}, {transform_indices = #map1}, {transform_indices = #map}, {transform_indices = #map1}]} {
    %mul3A = arith.constant 2 : i32
    %mul3A_0 = arith.muli %arg1, %mul3A : i32
    %add3A = arith.addi %mul3A_0, %arg0 : i32
    %mul3A_1 = arith.constant 632 : i32
    %mul3A_2 = arith.muli %arg1, %mul3A_1 : i32
    "tpu.region"() ({
      %run_scoped3A = tpu.sem_alloc : memref<!tpu.dma_semaphore, #tpu.memory_space<semaphore_mem>>
      %dma_start3A = arith.constant 0 : i32
      %dma_start3A_9 = arith.constant 0 : i32
      %dma_start3A_10 = tpu.memref_slice %arg3[%add3A, %dma_start3A, %dma_start3A_9] : memref<32x40x128xi32, #tpu.memory_space<hbm>> -> memref<1x40x128xi32, #tpu.memory_space<hbm>>
      %dma_start3A_11 = tpu.memref_squeeze %dma_start3A_10 : memref<1x40x128xi32, #tpu.memory_space<hbm>> -> memref<40x128xi32, #tpu.memory_space<hbm>>
      %dma_start3A_12 = arith.constant 0 : i32
      %dma_start3A_13 = arith.constant 0 : i32
      %dma_start3A_14 = tpu.memref_slice %arg3[%add3A, %dma_start3A_12, %dma_start3A_13] : memref<32x40x128xi32, #tpu.memory_space<hbm>> -> memref<1x40x128xi32, #tpu.memory_space<hbm>>
      %dma_start3A_15 = tpu.memref_squeeze %dma_start3A_14 : memref<1x40x128xi32, #tpu.memory_space<hbm>> -> memref<40x128xi32, #tpu.memory_space<hbm>>
      tpu.enqueue_dma source(%dma_start3A_15 : memref<40x128xi32, #tpu.memory_space<hbm>>) target(%arg7 : memref<40x128xi32, #tpu.memory_space<vmem>>) target_semaphore(%run_scoped3A : memref<!tpu.dma_semaphore, #tpu.memory_space<semaphore_mem>>)
      %dma_wait3A = arith.constant 0 : i32
      %dma_wait3A_16 = arith.constant 0 : i32
      %dma_wait3A_17 = tpu.memref_slice %arg3[%add3A, %dma_wait3A, %dma_wait3A_16] : memref<32x40x128xi32, #tpu.memory_space<hbm>> -> memref<1x40x128xi32, #tpu.memory_space<hbm>>
      %dma_wait3A_18 = tpu.memref_squeeze %dma_wait3A_17 : memref<1x40x128xi32, #tpu.memory_space<hbm>> -> memref<40x128xi32, #tpu.memory_space<hbm>>
      %dma_wait3A_19 = arith.constant 0 : i32
      %dma_wait3A_20 = arith.constant 0 : i32
      %dma_wait3A_21 = tpu.memref_slice %arg3[%add3A, %dma_wait3A_19, %dma_wait3A_20] : memref<32x40x128xi32, #tpu.memory_space<hbm>> -> memref<1x40x128xi32, #tpu.memory_space<hbm>>
      %dma_wait3A_22 = tpu.memref_squeeze %dma_wait3A_21 : memref<1x40x128xi32, #tpu.memory_space<hbm>> -> memref<40x128xi32, #tpu.memory_space<hbm>>
      tpu.wait_dma2 semaphore(%run_scoped3A : memref<!tpu.dma_semaphore, #tpu.memory_space<semaphore_mem>>) src(%dma_wait3A_22 : memref<40x128xi32, #tpu.memory_space<hbm>>) dst(%arg7 : memref<40x128xi32, #tpu.memory_space<vmem>>)
      tpu.yield
    }) : () -> ()
    "tpu.region"() ({
      %run_scoped3A = tpu.sem_alloc : memref<!tpu.dma_semaphore, #tpu.memory_space<semaphore_mem>>
      %dma_start3A = arith.constant 0 : i32
      %dma_start3A_9 = arith.constant 0 : i32
      %dma_start3A_10 = tpu.memref_slice %arg4[%add3A, %dma_start3A, %dma_start3A_9] : memref<32x40x128xi32, #tpu.memory_space<hbm>> -> memref<1x40x128xi32, #tpu.memory_space<hbm>>
      %dma_start3A_11 = tpu.memref_squeeze %dma_start3A_10 : memref<1x40x128xi32, #tpu.memory_space<hbm>> -> memref<40x128xi32, #tpu.memory_space<hbm>>
      %dma_start3A_12 = arith.constant 0 : i32
      %dma_start3A_13 = arith.constant 0 : i32
      %dma_start3A_14 = tpu.memref_slice %arg4[%add3A, %dma_start3A_12, %dma_start3A_13] : memref<32x40x128xi32, #tpu.memory_space<hbm>> -> memref<1x40x128xi32, #tpu.memory_space<hbm>>
      %dma_start3A_15 = tpu.memref_squeeze %dma_start3A_14 : memref<1x40x128xi32, #tpu.memory_space<hbm>> -> memref<40x128xi32, #tpu.memory_space<hbm>>
      tpu.enqueue_dma source(%dma_start3A_15 : memref<40x128xi32, #tpu.memory_space<hbm>>) target(%arg8 : memref<40x128xi32, #tpu.memory_space<vmem>>) target_semaphore(%run_scoped3A : memref<!tpu.dma_semaphore, #tpu.memory_space<semaphore_mem>>)
      %dma_wait3A = arith.constant 0 : i32
      %dma_wait3A_16 = arith.constant 0 : i32
      %dma_wait3A_17 = tpu.memref_slice %arg4[%add3A, %dma_wait3A, %dma_wait3A_16] : memref<32x40x128xi32, #tpu.memory_space<hbm>> -> memref<1x40x128xi32, #tpu.memory_space<hbm>>
      %dma_wait3A_18 = tpu.memref_squeeze %dma_wait3A_17 : memref<1x40x128xi32, #tpu.memory_space<hbm>> -> memref<40x128xi32, #tpu.memory_space<hbm>>
      %dma_wait3A_19 = arith.constant 0 : i32
      %dma_wait3A_20 = arith.constant 0 : i32
      %dma_wait3A_21 = tpu.memref_slice %arg4[%add3A, %dma_wait3A_19, %dma_wait3A_20] : memref<32x40x128xi32, #tpu.memory_space<hbm>> -> memref<1x40x128xi32, #tpu.memory_space<hbm>>
      %dma_wait3A_22 = tpu.memref_squeeze %dma_wait3A_21 : memref<1x40x128xi32, #tpu.memory_space<hbm>> -> memref<40x128xi32, #tpu.memory_space<hbm>>
      tpu.wait_dma2 semaphore(%run_scoped3A : memref<!tpu.dma_semaphore, #tpu.memory_space<semaphore_mem>>) src(%dma_wait3A_22 : memref<40x128xi32, #tpu.memory_space<hbm>>) dst(%arg8 : memref<40x128xi32, #tpu.memory_space<vmem>>)
      tpu.yield
    }) : () -> ()
    "tpu.region"() ({
      %run_scoped3A = tpu.sem_alloc : memref<!tpu.dma_semaphore, #tpu.memory_space<semaphore_mem>>
      %dma_start3A = arith.constant 0 : i32
      %dma_start3A_9 = tpu.memref_slice %arg11[%mul3A_2, %dma_start3A] : memref<10112x128xf32, #tpu.memory_space<vmem_shared>> -> memref<632x128xf32, #tpu.memory_space<vmem_shared>>
      %dma_start3A_10 = arith.constant 0 : i32
      %dma_start3A_11 = tpu.memref_slice %arg5[%mul3A_2, %dma_start3A_10] : memref<10112x128xf32, #tpu.memory_space<hbm>> -> memref<632x128xf32, #tpu.memory_space<hbm>>
      tpu.enqueue_dma source(%dma_start3A_11 : memref<632x128xf32, #tpu.memory_space<hbm>>) target(%dma_start3A_9 : memref<632x128xf32, #tpu.memory_space<vmem_shared>>) target_semaphore(%run_scoped3A : memref<!tpu.dma_semaphore, #tpu.memory_space<semaphore_mem>>)
      %dma_wait3A = arith.constant 0 : i32
      %dma_wait3A_12 = tpu.memref_slice %arg11[%mul3A_2, %dma_wait3A] : memref<10112x128xf32, #tpu.memory_space<vmem_shared>> -> memref<632x128xf32, #tpu.memory_space<vmem_shared>>
      %dma_wait3A_13 = arith.constant 0 : i32
      %dma_wait3A_14 = tpu.memref_slice %arg5[%mul3A_2, %dma_wait3A_13] : memref<10112x128xf32, #tpu.memory_space<hbm>> -> memref<632x128xf32, #tpu.memory_space<hbm>>
      tpu.wait_dma2 semaphore(%run_scoped3A : memref<!tpu.dma_semaphore, #tpu.memory_space<semaphore_mem>>) src(%dma_wait3A_14 : memref<632x128xf32, #tpu.memory_space<hbm>>) dst(%dma_wait3A_12 : memref<632x128xf32, #tpu.memory_space<vmem_shared>>)
      tpu.yield
    }) : () -> ()
    %barrier3A = arith.constant 0 : index
    tpu.barrier barrier_id(%barrier3A)
    %scan3A = arith.constant 0 : i32
    %scan3A_3 = arith.constant 0 : i32
    %scan3A_4 = arith.constant 20 : i32
    %scan3A_5 = arith.addi %scan3A_3, %scan3A_4 : i32
    %scan3A_6 = arith.constant 1 : i32
    scf.for %scan3A_9 = %scan3A_3 to %scan3A_5 step %scan3A_6  : i32 {
      %mul3A_10 = arith.constant 2 : i32
      %mul3A_11 = arith.muli %mul3A_10, %scan3A_9 : i32
      %dma_start3A = arith.constant 0 : i32
      %dma_start3A_12 = tpu.memref_slice %arg7[%mul3A_11, %dma_start3A] : memref<40x128xi32, #tpu.memory_space<vmem>> -> memref<1x128xi32, #tpu.memory_space<vmem>>
      %dma_start3A_13 = tpu.memref_squeeze %dma_start3A_12 : memref<1x128xi32, #tpu.memory_space<vmem>> -> memref<128xi32, #tpu.memory_space<vmem>>
      %dma_start3A_14 = arith.constant 0 : i32
      %dma_start3A_15 = arith.constant 0 : i32
      %dma_start3A_16 = tpu.memref_slice %arg2[%dma_start3A_14, %dma_start3A_15] : memref<10112x128xf32, #tpu.memory_space<hbm>> -> memref<10112x128xf32, #tpu.memory_space<hbm>>
      tpu.enqueue_indirect_dma source(%dma_start3A_16 : memref<10112x128xf32, #tpu.memory_space<hbm>>) target(%arg9 : memref<128x128xf32, #tpu.memory_space<vmem>>) offsets(%dma_start3A_13 : memref<128xi32, #tpu.memory_space<vmem>>) semaphore(%arg12 : memref<!tpu.dma_semaphore, #tpu.memory_space<semaphore_mem>>)
      %add3A_17 = arith.constant 1 : i32
      %add3A_18 = arith.addi %mul3A_11, %add3A_17 : i32
      %dma_start3A_19 = arith.constant 0 : i32
      %dma_start3A_20 = tpu.memref_slice %arg7[%add3A_18, %dma_start3A_19] : memref<40x128xi32, #tpu.memory_space<vmem>> -> memref<1x128xi32, #tpu.memory_space<vmem>>
      %dma_start3A_21 = tpu.memref_squeeze %dma_start3A_20 : memref<1x128xi32, #tpu.memory_space<vmem>> -> memref<128xi32, #tpu.memory_space<vmem>>
      %dma_start3A_22 = arith.constant 0 : i32
      %dma_start3A_23 = arith.constant 0 : i32
      %dma_start3A_24 = tpu.memref_slice %arg2[%dma_start3A_22, %dma_start3A_23] : memref<10112x128xf32, #tpu.memory_space<hbm>> -> memref<10112x128xf32, #tpu.memory_space<hbm>>
      tpu.enqueue_indirect_dma source(%dma_start3A_24 : memref<10112x128xf32, #tpu.memory_space<hbm>>) target(%arg10 : memref<128x128xf32, #tpu.memory_space<vmem>>) offsets(%dma_start3A_21 : memref<128xi32, #tpu.memory_space<vmem>>) semaphore(%arg13 : memref<!tpu.dma_semaphore, #tpu.memory_space<semaphore_mem>>)
      %dma_wait3A = arith.constant 0 : i32
      %dma_wait3A_25 = tpu.memref_slice %arg7[%mul3A_11, %dma_wait3A] : memref<40x128xi32, #tpu.memory_space<vmem>> -> memref<1x128xi32, #tpu.memory_space<vmem>>
      %dma_wait3A_26 = tpu.memref_squeeze %dma_wait3A_25 : memref<1x128xi32, #tpu.memory_space<vmem>> -> memref<128xi32, #tpu.memory_space<vmem>>
      %dma_wait3A_27 = arith.constant 0 : i32
      %dma_wait3A_28 = arith.constant 0 : i32
      %dma_wait3A_29 = tpu.memref_slice %arg2[%dma_wait3A_27, %dma_wait3A_28] : memref<10112x128xf32, #tpu.memory_space<hbm>> -> memref<10112x128xf32, #tpu.memory_space<hbm>>
      tpu.wait_indirect_dma semaphore(%arg12 : memref<!tpu.dma_semaphore, #tpu.memory_space<semaphore_mem>>) src(%dma_wait3A_29 : memref<10112x128xf32, #tpu.memory_space<hbm>>) dst(%arg9 : memref<128x128xf32, #tpu.memory_space<vmem>>)
      "tpu.region"() ({
        %run_scoped3A = tpu.sem_alloc : memref<!tpu.dma_semaphore, #tpu.memory_space<semaphore_mem>>
        %dma_start3A_38 = arith.constant 0 : i32
        %dma_start3A_39 = tpu.memref_slice %arg8[%mul3A_11, %dma_start3A_38] : memref<40x128xi32, #tpu.memory_space<vmem>> -> memref<1x128xi32, #tpu.memory_space<vmem>>
        %dma_start3A_40 = tpu.memref_squeeze %dma_start3A_39 : memref<1x128xi32, #tpu.memory_space<vmem>> -> memref<128xi32, #tpu.memory_space<vmem>>
        %dma_start3A_41 = arith.constant 0 : i32
        %dma_start3A_42 = arith.constant 0 : i32
        %dma_start3A_43 = tpu.memref_slice %arg11[%dma_start3A_41, %dma_start3A_42] : memref<10112x128xf32, #tpu.memory_space<vmem_shared>> -> memref<10112x128xf32, #tpu.memory_space<vmem_shared>>
        tpu.enqueue_indirect_dma source(%arg9 : memref<128x128xf32, #tpu.memory_space<vmem>>) target(%dma_start3A_43 : memref<10112x128xf32, #tpu.memory_space<vmem_shared>>) offsets(%dma_start3A_40 : memref<128xi32, #tpu.memory_space<vmem>>) semaphore(%run_scoped3A : memref<!tpu.dma_semaphore, #tpu.memory_space<semaphore_mem>>) {add = true}
        %dma_wait3A_44 = arith.constant 0 : i32
        %dma_wait3A_45 = tpu.memref_slice %arg8[%mul3A_11, %dma_wait3A_44] : memref<40x128xi32, #tpu.memory_space<vmem>> -> memref<1x128xi32, #tpu.memory_space<vmem>>
        %dma_wait3A_46 = tpu.memref_squeeze %dma_wait3A_45 : memref<1x128xi32, #tpu.memory_space<vmem>> -> memref<128xi32, #tpu.memory_space<vmem>>
        %dma_wait3A_47 = arith.constant 0 : i32
        %dma_wait3A_48 = arith.constant 0 : i32
        %dma_wait3A_49 = tpu.memref_slice %arg11[%dma_wait3A_47, %dma_wait3A_48] : memref<10112x128xf32, #tpu.memory_space<vmem_shared>> -> memref<10112x128xf32, #tpu.memory_space<vmem_shared>>
        tpu.wait_indirect_dma semaphore(%run_scoped3A : memref<!tpu.dma_semaphore, #tpu.memory_space<semaphore_mem>>) src(%arg9 : memref<128x128xf32, #tpu.memory_space<vmem>>) dst(%dma_wait3A_49 : memref<10112x128xf32, #tpu.memory_space<vmem_shared>>)
        tpu.yield
      }) : () -> ()
      %dma_wait3A_30 = arith.constant 0 : i32
      %dma_wait3A_31 = tpu.memref_slice %arg7[%add3A_18, %dma_wait3A_30] : memref<40x128xi32, #tpu.memory_space<vmem>> -> memref<1x128xi32, #tpu.memory_space<vmem>>
      %dma_wait3A_32 = tpu.memref_squeeze %dma_wait3A_31 : memref<1x128xi32, #tpu.memory_space<vmem>> -> memref<128xi32, #tpu.memory_space<vmem>>
      %dma_wait3A_33 = arith.constant 0 : i32
      %dma_wait3A_34 = arith.constant 0 : i32
      %dma_wait3A_35 = tpu.memref_slice %arg2[%dma_wait3A_33, %dma_wait3A_34] : memref<10112x128xf32, #tpu.memory_space<hbm>> -> memref<10112x128xf32, #tpu.memory_space<hbm>>
      tpu.wait_indirect_dma semaphore(%arg13 : memref<!tpu.dma_semaphore, #tpu.memory_space<semaphore_mem>>) src(%dma_wait3A_35 : memref<10112x128xf32, #tpu.memory_space<hbm>>) dst(%arg10 : memref<128x128xf32, #tpu.memory_space<vmem>>)
      %add3A_36 = arith.constant 1 : i32
      %add3A_37 = arith.addi %mul3A_11, %add3A_36 : i32
      "tpu.region"() ({
        %run_scoped3A = tpu.sem_alloc : memref<!tpu.dma_semaphore, #tpu.memory_space<semaphore_mem>>
        %dma_start3A_38 = arith.constant 0 : i32
        %dma_start3A_39 = tpu.memref_slice %arg8[%add3A_37, %dma_start3A_38] : memref<40x128xi32, #tpu.memory_space<vmem>> -> memref<1x128xi32, #tpu.memory_space<vmem>>
        %dma_start3A_40 = tpu.memref_squeeze %dma_start3A_39 : memref<1x128xi32, #tpu.memory_space<vmem>> -> memref<128xi32, #tpu.memory_space<vmem>>
        %dma_start3A_41 = arith.constant 0 : i32
        %dma_start3A_42 = arith.constant 0 : i32
        %dma_start3A_43 = tpu.memref_slice %arg11[%dma_start3A_41, %dma_start3A_42] : memref<10112x128xf32, #tpu.memory_space<vmem_shared>> -> memref<10112x128xf32, #tpu.memory_space<vmem_shared>>
        tpu.enqueue_indirect_dma source(%arg10 : memref<128x128xf32, #tpu.memory_space<vmem>>) target(%dma_start3A_43 : memref<10112x128xf32, #tpu.memory_space<vmem_shared>>) offsets(%dma_start3A_40 : memref<128xi32, #tpu.memory_space<vmem>>) semaphore(%run_scoped3A : memref<!tpu.dma_semaphore, #tpu.memory_space<semaphore_mem>>) {add = true}
        %dma_wait3A_44 = arith.constant 0 : i32
        %dma_wait3A_45 = tpu.memref_slice %arg8[%add3A_37, %dma_wait3A_44] : memref<40x128xi32, #tpu.memory_space<vmem>> -> memref<1x128xi32, #tpu.memory_space<vmem>>
        %dma_wait3A_46 = tpu.memref_squeeze %dma_wait3A_45 : memref<1x128xi32, #tpu.memory_space<vmem>> -> memref<128xi32, #tpu.memory_space<vmem>>
        %dma_wait3A_47 = arith.constant 0 : i32
        %dma_wait3A_48 = arith.constant 0 : i32
        %dma_wait3A_49 = tpu.memref_slice %arg11[%dma_wait3A_47, %dma_wait3A_48] : memref<10112x128xf32, #tpu.memory_space<vmem_shared>> -> memref<10112x128xf32, #tpu.memory_space<vmem_shared>>
        tpu.wait_indirect_dma semaphore(%run_scoped3A : memref<!tpu.dma_semaphore, #tpu.memory_space<semaphore_mem>>) src(%arg10 : memref<128x128xf32, #tpu.memory_space<vmem>>) dst(%dma_wait3A_49 : memref<10112x128xf32, #tpu.memory_space<vmem_shared>>)
        tpu.yield
      }) : () -> ()
    }
    %scan3A_7 = arith.constant 20 : i32
    %barrier3A_8 = arith.constant 0 : index
    tpu.barrier barrier_id(%barrier3A_8)
    "tpu.region"() ({
      %run_scoped3A = tpu.sem_alloc : memref<!tpu.dma_semaphore, #tpu.memory_space<semaphore_mem>>
      %dma_start3A = arith.constant 0 : i32
      %dma_start3A_9 = tpu.memref_slice %arg6[%arg0, %mul3A_2, %dma_start3A] : memref<2x10112x128xf32, #tpu.memory_space<hbm>> -> memref<1x632x128xf32, #tpu.memory_space<hbm>>
      %dma_start3A_10 = tpu.memref_squeeze %dma_start3A_9 : memref<1x632x128xf32, #tpu.memory_space<hbm>> -> memref<632x128xf32, #tpu.memory_space<hbm>>
      %dma_start3A_11 = arith.constant 0 : i32
      %dma_start3A_12 = tpu.memref_slice %arg11[%mul3A_2, %dma_start3A_11] : memref<10112x128xf32, #tpu.memory_space<vmem_shared>> -> memref<632x128xf32, #tpu.memory_space<vmem_shared>>
      tpu.enqueue_dma source(%dma_start3A_12 : memref<632x128xf32, #tpu.memory_space<vmem_shared>>) target(%dma_start3A_10 : memref<632x128xf32, #tpu.memory_space<hbm>>) target_semaphore(%run_scoped3A : memref<!tpu.dma_semaphore, #tpu.memory_space<semaphore_mem>>)
      %dma_wait3A = arith.constant 0 : i32
      %dma_wait3A_13 = tpu.memref_slice %arg6[%arg0, %mul3A_2, %dma_wait3A] : memref<2x10112x128xf32, #tpu.memory_space<hbm>> -> memref<1x632x128xf32, #tpu.memory_space<hbm>>
      %dma_wait3A_14 = tpu.memref_squeeze %dma_wait3A_13 : memref<1x632x128xf32, #tpu.memory_space<hbm>> -> memref<632x128xf32, #tpu.memory_space<hbm>>
      %dma_wait3A_15 = arith.constant 0 : i32
      %dma_wait3A_16 = tpu.memref_slice %arg11[%mul3A_2, %dma_wait3A_15] : memref<10112x128xf32, #tpu.memory_space<vmem_shared>> -> memref<632x128xf32, #tpu.memory_space<vmem_shared>>
      tpu.wait_dma2 semaphore(%run_scoped3A : memref<!tpu.dma_semaphore, #tpu.memory_space<semaphore_mem>>) src(%dma_wait3A_16 : memref<632x128xf32, #tpu.memory_space<vmem_shared>>) dst(%dma_wait3A_14 : memref<632x128xf32, #tpu.memory_space<hbm>>)
      tpu.yield
    }) : () -> ()
    return
  }
}

#map = affine_map<(d0, d1) -> (0, 0)>
#map1 = affine_map<(d0, d1) -> (0, 0, 0)>
module attributes {stable_mosaic.version = 14 : i64} {
  func.func @kern(%arg0: i32, %arg1: i32, %arg2: memref<10112x128xf32, #tpu.memory_space<hbm>>, %arg3: memref<32x40x128xi32, #tpu.memory_space<hbm>>, %arg4: memref<32x40x128xi32, #tpu.memory_space<hbm>>, %arg5: memref<10112x128xf32, #tpu.memory_space<hbm>>, %arg6: memref<2x10112x128xf32, #tpu.memory_space<hbm>>, %arg7: memref<40x128xi32, #tpu.memory_space<vmem>>, %arg8: memref<40x128xi32, #tpu.memory_space<vmem>>, %arg9: memref<128x128xf32, #tpu.memory_space<vmem>>, %arg10: memref<128x128xf32, #tpu.memory_space<vmem>>, %arg11: memref<10112x128xf32, #tpu.memory_space<vmem_shared>>, %arg12: memref<!tpu.dma_semaphore, #tpu.memory_space<semaphore_mem>>, %arg13: memref<!tpu.dma_semaphore, #tpu.memory_space<semaphore_mem>>) attributes {dimension_semantics = [#tpu.dimension_semantics<core_parallel>, #tpu.dimension_semantics<subcore_parallel>], iteration_bounds = array<i64: 2, 16>, scalar_prefetch = 0 : i64, scratch_operands = 7 : i64, tpu.core_type = #tpu.core_type<sc_vector_subcore>, window_params = [{transform_indices = #map}, {transform_indices = #map1}, {transform_indices = #map1}, {transform_indices = #map}, {transform_indices = #map1}]} {
    %mul3A = arith.constant 2 : i32
    %mul3A_0 = arith.muli %arg1, %mul3A : i32
    %add3A = arith.addi %mul3A_0, %arg0 : i32
    %mul3A_1 = arith.constant 632 : i32
    %mul3A_2 = arith.muli %arg1, %mul3A_1 : i32
    "tpu.region"() ({
      %run_scoped3A = tpu.sem_alloc : memref<!tpu.dma_semaphore, #tpu.memory_space<semaphore_mem>>
      %dma_start3A = arith.constant 0 : i32
      %dma_start3A_9 = arith.constant 0 : i32
      %dma_start3A_10 = tpu.memref_slice %arg3[%add3A, %dma_start3A, %dma_start3A_9] : memref<32x40x128xi32, #tpu.memory_space<hbm>> -> memref<1x40x128xi32, #tpu.memory_space<hbm>>
      %dma_start3A_11 = tpu.memref_squeeze %dma_start3A_10 : memref<1x40x128xi32, #tpu.memory_space<hbm>> -> memref<40x128xi32, #tpu.memory_space<hbm>>
      %dma_start3A_12 = arith.constant 0 : i32
      %dma_start3A_13 = arith.constant 0 : i32
      %dma_start3A_14 = tpu.memref_slice %arg3[%add3A, %dma_start3A_12, %dma_start3A_13] : memref<32x40x128xi32, #tpu.memory_space<hbm>> -> memref<1x40x128xi32, #tpu.memory_space<hbm>>
      %dma_start3A_15 = tpu.memref_squeeze %dma_start3A_14 : memref<1x40x128xi32, #tpu.memory_space<hbm>> -> memref<40x128xi32, #tpu.memory_space<hbm>>
      tpu.enqueue_dma source(%dma_start3A_15 : memref<40x128xi32, #tpu.memory_space<hbm>>) target(%arg7 : memref<40x128xi32, #tpu.memory_space<vmem>>) target_semaphore(%run_scoped3A : memref<!tpu.dma_semaphore, #tpu.memory_space<semaphore_mem>>)
      %dma_wait3A = arith.constant 0 : i32
      %dma_wait3A_16 = arith.constant 0 : i32
      %dma_wait3A_17 = tpu.memref_slice %arg3[%add3A, %dma_wait3A, %dma_wait3A_16] : memref<32x40x128xi32, #tpu.memory_space<hbm>> -> memref<1x40x128xi32, #tpu.memory_space<hbm>>
      %dma_wait3A_18 = tpu.memref_squeeze %dma_wait3A_17 : memref<1x40x128xi32, #tpu.memory_space<hbm>> -> memref<40x128xi32, #tpu.memory_space<hbm>>
      %dma_wait3A_19 = arith.constant 0 : i32
      %dma_wait3A_20 = arith.constant 0 : i32
      %dma_wait3A_21 = tpu.memref_slice %arg3[%add3A, %dma_wait3A_19, %dma_wait3A_20] : memref<32x40x128xi32, #tpu.memory_space<hbm>> -> memref<1x40x128xi32, #tpu.memory_space<hbm>>
      %dma_wait3A_22 = tpu.memref_squeeze %dma_wait3A_21 : memref<1x40x128xi32, #tpu.memory_space<hbm>> -> memref<40x128xi32, #tpu.memory_space<hbm>>
      tpu.wait_dma2 semaphore(%run_scoped3A : memref<!tpu.dma_semaphore, #tpu.memory_space<semaphore_mem>>) src(%dma_wait3A_22 : memref<40x128xi32, #tpu.memory_space<hbm>>) dst(%arg7 : memref<40x128xi32, #tpu.memory_space<vmem>>)
      tpu.yield
    }) : () -> ()
    "tpu.region"() ({
      %run_scoped3A = tpu.sem_alloc : memref<!tpu.dma_semaphore, #tpu.memory_space<semaphore_mem>>
      %dma_start3A = arith.constant 0 : i32
      %dma_start3A_9 = arith.constant 0 : i32
      %dma_start3A_10 = tpu.memref_slice %arg4[%add3A, %dma_start3A, %dma_start3A_9] : memref<32x40x128xi32, #tpu.memory_space<hbm>> -> memref<1x40x128xi32, #tpu.memory_space<hbm>>
      %dma_start3A_11 = tpu.memref_squeeze %dma_start3A_10 : memref<1x40x128xi32, #tpu.memory_space<hbm>> -> memref<40x128xi32, #tpu.memory_space<hbm>>
      %dma_start3A_12 = arith.constant 0 : i32
      %dma_start3A_13 = arith.constant 0 : i32
      %dma_start3A_14 = tpu.memref_slice %arg4[%add3A, %dma_start3A_12, %dma_start3A_13] : memref<32x40x128xi32, #tpu.memory_space<hbm>> -> memref<1x40x128xi32, #tpu.memory_space<hbm>>
      %dma_start3A_15 = tpu.memref_squeeze %dma_start3A_14 : memref<1x40x128xi32, #tpu.memory_space<hbm>> -> memref<40x128xi32, #tpu.memory_space<hbm>>
      tpu.enqueue_dma source(%dma_start3A_15 : memref<40x128xi32, #tpu.memory_space<hbm>>) target(%arg8 : memref<40x128xi32, #tpu.memory_space<vmem>>) target_semaphore(%run_scoped3A : memref<!tpu.dma_semaphore, #tpu.memory_space<semaphore_mem>>)
      %dma_wait3A = arith.constant 0 : i32
      %dma_wait3A_16 = arith.constant 0 : i32
      %dma_wait3A_17 = tpu.memref_slice %arg4[%add3A, %dma_wait3A, %dma_wait3A_16] : memref<32x40x128xi32, #tpu.memory_space<hbm>> -> memref<1x40x128xi32, #tpu.memory_space<hbm>>
      %dma_wait3A_18 = tpu.memref_squeeze %dma_wait3A_17 : memref<1x40x128xi32, #tpu.memory_space<hbm>> -> memref<40x128xi32, #tpu.memory_space<hbm>>
      %dma_wait3A_19 = arith.constant 0 : i32
      %dma_wait3A_20 = arith.constant 0 : i32
      %dma_wait3A_21 = tpu.memref_slice %arg4[%add3A, %dma_wait3A_19, %dma_wait3A_20] : memref<32x40x128xi32, #tpu.memory_space<hbm>> -> memref<1x40x128xi32, #tpu.memory_space<hbm>>
      %dma_wait3A_22 = tpu.memref_squeeze %dma_wait3A_21 : memref<1x40x128xi32, #tpu.memory_space<hbm>> -> memref<40x128xi32, #tpu.memory_space<hbm>>
      tpu.wait_dma2 semaphore(%run_scoped3A : memref<!tpu.dma_semaphore, #tpu.memory_space<semaphore_mem>>) src(%dma_wait3A_22 : memref<40x128xi32, #tpu.memory_space<hbm>>) dst(%arg8 : memref<40x128xi32, #tpu.memory_space<vmem>>)
      tpu.yield
    }) : () -> ()
    "tpu.region"() ({
      %run_scoped3A = tpu.sem_alloc : memref<!tpu.dma_semaphore, #tpu.memory_space<semaphore_mem>>
      %dma_start3A = arith.constant 0 : i32
      %dma_start3A_9 = tpu.memref_slice %arg11[%mul3A_2, %dma_start3A] : memref<10112x128xf32, #tpu.memory_space<vmem_shared>> -> memref<632x128xf32, #tpu.memory_space<vmem_shared>>
      %dma_start3A_10 = arith.constant 0 : i32
      %dma_start3A_11 = tpu.memref_slice %arg5[%mul3A_2, %dma_start3A_10] : memref<10112x128xf32, #tpu.memory_space<hbm>> -> memref<632x128xf32, #tpu.memory_space<hbm>>
      tpu.enqueue_dma source(%dma_start3A_11 : memref<632x128xf32, #tpu.memory_space<hbm>>) target(%dma_start3A_9 : memref<632x128xf32, #tpu.memory_space<vmem_shared>>) target_semaphore(%run_scoped3A : memref<!tpu.dma_semaphore, #tpu.memory_space<semaphore_mem>>)
      %dma_wait3A = arith.constant 0 : i32
      %dma_wait3A_12 = tpu.memref_slice %arg11[%mul3A_2, %dma_wait3A] : memref<10112x128xf32, #tpu.memory_space<vmem_shared>> -> memref<632x128xf32, #tpu.memory_space<vmem_shared>>
      %dma_wait3A_13 = arith.constant 0 : i32
      %dma_wait3A_14 = tpu.memref_slice %arg5[%mul3A_2, %dma_wait3A_13] : memref<10112x128xf32, #tpu.memory_space<hbm>> -> memref<632x128xf32, #tpu.memory_space<hbm>>
      tpu.wait_dma2 semaphore(%run_scoped3A : memref<!tpu.dma_semaphore, #tpu.memory_space<semaphore_mem>>) src(%dma_wait3A_14 : memref<632x128xf32, #tpu.memory_space<hbm>>) dst(%dma_wait3A_12 : memref<632x128xf32, #tpu.memory_space<vmem_shared>>)
      tpu.yield
    }) : () -> ()
    %barrier3A = arith.constant 0 : index
    tpu.barrier barrier_id(%barrier3A)
    %scan3A = arith.constant 0 : i32
    %scan3A_3 = arith.constant 0 : i32
    %scan3A_4 = arith.constant 20 : i32
    %scan3A_5 = arith.addi %scan3A_3, %scan3A_4 : i32
    %scan3A_6 = arith.constant 1 : i32
    scf.for %scan3A_9 = %scan3A_3 to %scan3A_5 step %scan3A_6  : i32 {
      %mul3A_10 = arith.constant 2 : i32
      %mul3A_11 = arith.muli %mul3A_10, %scan3A_9 : i32
      %dma_start3A = arith.constant 0 : i32
      %dma_start3A_12 = tpu.memref_slice %arg7[%mul3A_11, %dma_start3A] : memref<40x128xi32, #tpu.memory_space<vmem>> -> memref<1x128xi32, #tpu.memory_space<vmem>>
      %dma_start3A_13 = tpu.memref_squeeze %dma_start3A_12 : memref<1x128xi32, #tpu.memory_space<vmem>> -> memref<128xi32, #tpu.memory_space<vmem>>
      %dma_start3A_14 = arith.constant 0 : i32
      %dma_start3A_15 = arith.constant 0 : i32
      %dma_start3A_16 = tpu.memref_slice %arg2[%dma_start3A_14, %dma_start3A_15] : memref<10112x128xf32, #tpu.memory_space<hbm>> -> memref<10112x128xf32, #tpu.memory_space<hbm>>
      tpu.enqueue_indirect_dma source(%dma_start3A_16 : memref<10112x128xf32, #tpu.memory_space<hbm>>) target(%arg9 : memref<128x128xf32, #tpu.memory_space<vmem>>) offsets(%dma_start3A_13 : memref<128xi32, #tpu.memory_space<vmem>>) semaphore(%arg12 : memref<!tpu.dma_semaphore, #tpu.memory_space<semaphore_mem>>)
      %add3A_17 = arith.constant 1 : i32
      %add3A_18 = arith.addi %mul3A_11, %add3A_17 : i32
      %dma_start3A_19 = arith.constant 0 : i32
      %dma_start3A_20 = tpu.memref_slice %arg7[%add3A_18, %dma_start3A_19] : memref<40x128xi32, #tpu.memory_space<vmem>> -> memref<1x128xi32, #tpu.memory_space<vmem>>
      %dma_start3A_21 = tpu.memref_squeeze %dma_start3A_20 : memref<1x128xi32, #tpu.memory_space<vmem>> -> memref<128xi32, #tpu.memory_space<vmem>>
      %dma_start3A_22 = arith.constant 0 : i32
      %dma_start3A_23 = arith.constant 0 : i32
      %dma_start3A_24 = tpu.memref_slice %arg2[%dma_start3A_22, %dma_start3A_23] : memref<10112x128xf32, #tpu.memory_space<hbm>> -> memref<10112x128xf32, #tpu.memory_space<hbm>>
      tpu.enqueue_indirect_dma source(%dma_start3A_24 : memref<10112x128xf32, #tpu.memory_space<hbm>>) target(%arg10 : memref<128x128xf32, #tpu.memory_space<vmem>>) offsets(%dma_start3A_21 : memref<128xi32, #tpu.memory_space<vmem>>) semaphore(%arg13 : memref<!tpu.dma_semaphore, #tpu.memory_space<semaphore_mem>>)
      %dma_wait3A = arith.constant 0 : i32
      %dma_wait3A_25 = tpu.memref_slice %arg7[%mul3A_11, %dma_wait3A] : memref<40x128xi32, #tpu.memory_space<vmem>> -> memref<1x128xi32, #tpu.memory_space<vmem>>
      %dma_wait3A_26 = tpu.memref_squeeze %dma_wait3A_25 : memref<1x128xi32, #tpu.memory_space<vmem>> -> memref<128xi32, #tpu.memory_space<vmem>>
      %dma_wait3A_27 = arith.constant 0 : i32
      %dma_wait3A_28 = arith.constant 0 : i32
      %dma_wait3A_29 = tpu.memref_slice %arg2[%dma_wait3A_27, %dma_wait3A_28] : memref<10112x128xf32, #tpu.memory_space<hbm>> -> memref<10112x128xf32, #tpu.memory_space<hbm>>
      tpu.wait_indirect_dma semaphore(%arg12 : memref<!tpu.dma_semaphore, #tpu.memory_space<semaphore_mem>>) src(%dma_wait3A_29 : memref<10112x128xf32, #tpu.memory_space<hbm>>) dst(%arg9 : memref<128x128xf32, #tpu.memory_space<vmem>>)
      "tpu.region"() ({
        %run_scoped3A = tpu.sem_alloc : memref<!tpu.dma_semaphore, #tpu.memory_space<semaphore_mem>>
        %dma_start3A_38 = arith.constant 0 : i32
        %dma_start3A_39 = tpu.memref_slice %arg8[%mul3A_11, %dma_start3A_38] : memref<40x128xi32, #tpu.memory_space<vmem>> -> memref<1x128xi32, #tpu.memory_space<vmem>>
        %dma_start3A_40 = tpu.memref_squeeze %dma_start3A_39 : memref<1x128xi32, #tpu.memory_space<vmem>> -> memref<128xi32, #tpu.memory_space<vmem>>
        %dma_start3A_41 = arith.constant 0 : i32
        %dma_start3A_42 = arith.constant 0 : i32
        %dma_start3A_43 = tpu.memref_slice %arg11[%dma_start3A_41, %dma_start3A_42] : memref<10112x128xf32, #tpu.memory_space<vmem_shared>> -> memref<10112x128xf32, #tpu.memory_space<vmem_shared>>
        tpu.enqueue_indirect_dma source(%arg9 : memref<128x128xf32, #tpu.memory_space<vmem>>) target(%dma_start3A_43 : memref<10112x128xf32, #tpu.memory_space<vmem_shared>>) offsets(%dma_start3A_40 : memref<128xi32, #tpu.memory_space<vmem>>) semaphore(%run_scoped3A : memref<!tpu.dma_semaphore, #tpu.memory_space<semaphore_mem>>) {add = true}
        %dma_wait3A_44 = arith.constant 0 : i32
        %dma_wait3A_45 = tpu.memref_slice %arg8[%mul3A_11, %dma_wait3A_44] : memref<40x128xi32, #tpu.memory_space<vmem>> -> memref<1x128xi32, #tpu.memory_space<vmem>>
        %dma_wait3A_46 = tpu.memref_squeeze %dma_wait3A_45 : memref<1x128xi32, #tpu.memory_space<vmem>> -> memref<128xi32, #tpu.memory_space<vmem>>
        %dma_wait3A_47 = arith.constant 0 : i32
        %dma_wait3A_48 = arith.constant 0 : i32
        %dma_wait3A_49 = tpu.memref_slice %arg11[%dma_wait3A_47, %dma_wait3A_48] : memref<10112x128xf32, #tpu.memory_space<vmem_shared>> -> memref<10112x128xf32, #tpu.memory_space<vmem_shared>>
        tpu.wait_indirect_dma semaphore(%run_scoped3A : memref<!tpu.dma_semaphore, #tpu.memory_space<semaphore_mem>>) src(%arg9 : memref<128x128xf32, #tpu.memory_space<vmem>>) dst(%dma_wait3A_49 : memref<10112x128xf32, #tpu.memory_space<vmem_shared>>)
        tpu.yield
      }) : () -> ()
      %dma_wait3A_30 = arith.constant 0 : i32
      %dma_wait3A_31 = tpu.memref_slice %arg7[%add3A_18, %dma_wait3A_30] : memref<40x128xi32, #tpu.memory_space<vmem>> -> memref<1x128xi32, #tpu.memory_space<vmem>>
      %dma_wait3A_32 = tpu.memref_squeeze %dma_wait3A_31 : memref<1x128xi32, #tpu.memory_space<vmem>> -> memref<128xi32, #tpu.memory_space<vmem>>
      %dma_wait3A_33 = arith.constant 0 : i32
      %dma_wait3A_34 = arith.constant 0 : i32
      %dma_wait3A_35 = tpu.memref_slice %arg2[%dma_wait3A_33, %dma_wait3A_34] : memref<10112x128xf32, #tpu.memory_space<hbm>> -> memref<10112x128xf32, #tpu.memory_space<hbm>>
      tpu.wait_indirect_dma semaphore(%arg13 : memref<!tpu.dma_semaphore, #tpu.memory_space<semaphore_mem>>) src(%dma_wait3A_35 : memref<10112x128xf32, #tpu.memory_space<hbm>>) dst(%arg10 : memref<128x128xf32, #tpu.memory_space<vmem>>)
      %add3A_36 = arith.constant 1 : i32
      %add3A_37 = arith.addi %mul3A_11, %add3A_36 : i32
      "tpu.region"() ({
        %run_scoped3A = tpu.sem_alloc : memref<!tpu.dma_semaphore, #tpu.memory_space<semaphore_mem>>
        %dma_start3A_38 = arith.constant 0 : i32
        %dma_start3A_39 = tpu.memref_slice %arg8[%add3A_37, %dma_start3A_38] : memref<40x128xi32, #tpu.memory_space<vmem>> -> memref<1x128xi32, #tpu.memory_space<vmem>>
        %dma_start3A_40 = tpu.memref_squeeze %dma_start3A_39 : memref<1x128xi32, #tpu.memory_space<vmem>> -> memref<128xi32, #tpu.memory_space<vmem>>
        %dma_start3A_41 = arith.constant 0 : i32
        %dma_start3A_42 = arith.constant 0 : i32
        %dma_start3A_43 = tpu.memref_slice %arg11[%dma_start3A_41, %dma_start3A_42] : memref<10112x128xf32, #tpu.memory_space<vmem_shared>> -> memref<10112x128xf32, #tpu.memory_space<vmem_shared>>
        tpu.enqueue_indirect_dma source(%arg10 : memref<128x128xf32, #tpu.memory_space<vmem>>) target(%dma_start3A_43 : memref<10112x128xf32, #tpu.memory_space<vmem_shared>>) offsets(%dma_start3A_40 : memref<128xi32, #tpu.memory_space<vmem>>) semaphore(%run_scoped3A : memref<!tpu.dma_semaphore, #tpu.memory_space<semaphore_mem>>) {add = true}
        %dma_wait3A_44 = arith.constant 0 : i32
        %dma_wait3A_45 = tpu.memref_slice %arg8[%add3A_37, %dma_wait3A_44] : memref<40x128xi32, #tpu.memory_space<vmem>> -> memref<1x128xi32, #tpu.memory_space<vmem>>
        %dma_wait3A_46 = tpu.memref_squeeze %dma_wait3A_45 : memref<1x128xi32, #tpu.memory_space<vmem>> -> memref<128xi32, #tpu.memory_space<vmem>>
        %dma_wait3A_47 = arith.constant 0 : i32
        %dma_wait3A_48 = arith.constant 0 : i32
        %dma_wait3A_49 = tpu.memref_slice %arg11[%dma_wait3A_47, %dma_wait3A_48] : memref<10112x128xf32, #tpu.memory_space<vmem_shared>> -> memref<10112x128xf32, #tpu.memory_space<vmem_shared>>
        tpu.wait_indirect_dma semaphore(%run_scoped3A : memref<!tpu.dma_semaphore, #tpu.memory_space<semaphore_mem>>) src(%arg10 : memref<128x128xf32, #tpu.memory_space<vmem>>) dst(%dma_wait3A_49 : memref<10112x128xf32, #tpu.memory_space<vmem_shared>>)
        tpu.yield
      }) : () -> ()
    }
    %scan3A_7 = arith.constant 20 : i32
    %barrier3A_8 = arith.constant 0 : index
    tpu.barrier barrier_id(%barrier3A_8)
    "tpu.region"() ({
      %run_scoped3A = tpu.sem_alloc : memref<!tpu.dma_semaphore, #tpu.memory_space<semaphore_mem>>
      %dma_start3A = arith.constant 0 : i32
      %dma_start3A_9 = tpu.memref_slice %arg6[%arg0, %mul3A_2, %dma_start3A] : memref<2x10112x128xf32, #tpu.memory_space<hbm>> -> memref<1x632x128xf32, #tpu.memory_space<hbm>>
      %dma_start3A_10 = tpu.memref_squeeze %dma_start3A_9 : memref<1x632x128xf32, #tpu.memory_space<hbm>> -> memref<632x128xf32, #tpu.memory_space<hbm>>
      %dma_start3A_11 = arith.constant 0 : i32
      %dma_start3A_12 = tpu.memref_slice %arg11[%mul3A_2, %dma_start3A_11] : memref<10112x128xf32, #tpu.memory_space<vmem_shared>> -> memref<632x128xf32, #tpu.memory_space<vmem_shared>>
      tpu.enqueue_dma source(%dma_start3A_12 : memref<632x128xf32, #tpu.memory_space<vmem_shared>>) target(%dma_start3A_10 : memref<632x128xf32, #tpu.memory_space<hbm>>) target_semaphore(%run_scoped3A : memref<!tpu.dma_semaphore, #tpu.memory_space<semaphore_mem>>)
      %dma_wait3A = arith.constant 0 : i32
      %dma_wait3A_13 = tpu.memref_slice %arg6[%arg0, %mul3A_2, %dma_wait3A] : memref<2x10112x128xf32, #tpu.memory_space<hbm>> -> memref<1x632x128xf32, #tpu.memory_space<hbm>>
      %dma_wait3A_14 = tpu.memref_squeeze %dma_wait3A_13 : memref<1x632x128xf32, #tpu.memory_space<hbm>> -> memref<632x128xf32, #tpu.memory_space<hbm>>
      %dma_wait3A_15 = arith.constant 0 : i32
      %dma_wait3A_16 = tpu.memref_slice %arg11[%mul3A_2, %dma_wait3A_15] : memref<10112x128xf32, #tpu.memory_space<vmem_shared>> -> memref<632x128xf32, #tpu.memory_space<vmem_shared>>
      tpu.wait_dma2 semaphore(%run_scoped3A : memref<!tpu.dma_semaphore, #tpu.memory_space<semaphore_mem>>) src(%dma_wait3A_16 : memref<632x128xf32, #tpu.memory_space<vmem_shared>>) dst(%dma_wait3A_14 : memref<632x128xf32, #tpu.memory_space<hbm>>)
      tpu.yield
    }) : () -> ()
    return
  }
}

#map = affine_map<(d0, d1) -> (0, 0)>
#map1 = affine_map<(d0, d1) -> (0, 0, 0)>
module attributes {stable_mosaic.version = 14 : i64} {
  func.func @kern(%arg0: i32, %arg1: i32, %arg2: memref<10112x128xf32, #tpu.memory_space<hbm>>, %arg3: memref<32x40x128xi32, #tpu.memory_space<hbm>>, %arg4: memref<32x40x128xi32, #tpu.memory_space<hbm>>, %arg5: memref<10112x128xf32, #tpu.memory_space<hbm>>, %arg6: memref<2x10112x128xf32, #tpu.memory_space<hbm>>, %arg7: memref<40x128xi32, #tpu.memory_space<vmem>>, %arg8: memref<40x128xi32, #tpu.memory_space<vmem>>, %arg9: memref<128x128xf32, #tpu.memory_space<vmem>>, %arg10: memref<128x128xf32, #tpu.memory_space<vmem>>, %arg11: memref<10112x128xf32, #tpu.memory_space<vmem_shared>>, %arg12: memref<!tpu.dma_semaphore, #tpu.memory_space<semaphore_mem>>, %arg13: memref<!tpu.dma_semaphore, #tpu.memory_space<semaphore_mem>>) attributes {dimension_semantics = [#tpu.dimension_semantics<core_parallel>, #tpu.dimension_semantics<subcore_parallel>], iteration_bounds = array<i64: 2, 16>, scalar_prefetch = 0 : i64, scratch_operands = 7 : i64, tpu.core_type = #tpu.core_type<sc_vector_subcore>, window_params = [{transform_indices = #map}, {transform_indices = #map1}, {transform_indices = #map1}, {transform_indices = #map}, {transform_indices = #map1}]} {
    %mul3A = arith.constant 2 : i32
    %mul3A_0 = arith.muli %arg1, %mul3A : i32
    %add3A = arith.addi %mul3A_0, %arg0 : i32
    %mul3A_1 = arith.constant 632 : i32
    %mul3A_2 = arith.muli %arg1, %mul3A_1 : i32
    "tpu.region"() ({
      %run_scoped3A = tpu.sem_alloc : memref<!tpu.dma_semaphore, #tpu.memory_space<semaphore_mem>>
      %dma_start3A = arith.constant 0 : i32
      %dma_start3A_9 = arith.constant 0 : i32
      %dma_start3A_10 = tpu.memref_slice %arg3[%add3A, %dma_start3A, %dma_start3A_9] : memref<32x40x128xi32, #tpu.memory_space<hbm>> -> memref<1x40x128xi32, #tpu.memory_space<hbm>>
      %dma_start3A_11 = tpu.memref_squeeze %dma_start3A_10 : memref<1x40x128xi32, #tpu.memory_space<hbm>> -> memref<40x128xi32, #tpu.memory_space<hbm>>
      %dma_start3A_12 = arith.constant 0 : i32
      %dma_start3A_13 = arith.constant 0 : i32
      %dma_start3A_14 = tpu.memref_slice %arg3[%add3A, %dma_start3A_12, %dma_start3A_13] : memref<32x40x128xi32, #tpu.memory_space<hbm>> -> memref<1x40x128xi32, #tpu.memory_space<hbm>>
      %dma_start3A_15 = tpu.memref_squeeze %dma_start3A_14 : memref<1x40x128xi32, #tpu.memory_space<hbm>> -> memref<40x128xi32, #tpu.memory_space<hbm>>
      tpu.enqueue_dma source(%dma_start3A_15 : memref<40x128xi32, #tpu.memory_space<hbm>>) target(%arg7 : memref<40x128xi32, #tpu.memory_space<vmem>>) target_semaphore(%run_scoped3A : memref<!tpu.dma_semaphore, #tpu.memory_space<semaphore_mem>>)
      %dma_wait3A = arith.constant 0 : i32
      %dma_wait3A_16 = arith.constant 0 : i32
      %dma_wait3A_17 = tpu.memref_slice %arg3[%add3A, %dma_wait3A, %dma_wait3A_16] : memref<32x40x128xi32, #tpu.memory_space<hbm>> -> memref<1x40x128xi32, #tpu.memory_space<hbm>>
      %dma_wait3A_18 = tpu.memref_squeeze %dma_wait3A_17 : memref<1x40x128xi32, #tpu.memory_space<hbm>> -> memref<40x128xi32, #tpu.memory_space<hbm>>
      %dma_wait3A_19 = arith.constant 0 : i32
      %dma_wait3A_20 = arith.constant 0 : i32
      %dma_wait3A_21 = tpu.memref_slice %arg3[%add3A, %dma_wait3A_19, %dma_wait3A_20] : memref<32x40x128xi32, #tpu.memory_space<hbm>> -> memref<1x40x128xi32, #tpu.memory_space<hbm>>
      %dma_wait3A_22 = tpu.memref_squeeze %dma_wait3A_21 : memref<1x40x128xi32, #tpu.memory_space<hbm>> -> memref<40x128xi32, #tpu.memory_space<hbm>>
      tpu.wait_dma2 semaphore(%run_scoped3A : memref<!tpu.dma_semaphore, #tpu.memory_space<semaphore_mem>>) src(%dma_wait3A_22 : memref<40x128xi32, #tpu.memory_space<hbm>>) dst(%arg7 : memref<40x128xi32, #tpu.memory_space<vmem>>)
      tpu.yield
    }) : () -> ()
    "tpu.region"() ({
      %run_scoped3A = tpu.sem_alloc : memref<!tpu.dma_semaphore, #tpu.memory_space<semaphore_mem>>
      %dma_start3A = arith.constant 0 : i32
      %dma_start3A_9 = arith.constant 0 : i32
      %dma_start3A_10 = tpu.memref_slice %arg4[%add3A, %dma_start3A, %dma_start3A_9] : memref<32x40x128xi32, #tpu.memory_space<hbm>> -> memref<1x40x128xi32, #tpu.memory_space<hbm>>
      %dma_start3A_11 = tpu.memref_squeeze %dma_start3A_10 : memref<1x40x128xi32, #tpu.memory_space<hbm>> -> memref<40x128xi32, #tpu.memory_space<hbm>>
      %dma_start3A_12 = arith.constant 0 : i32
      %dma_start3A_13 = arith.constant 0 : i32
      %dma_start3A_14 = tpu.memref_slice %arg4[%add3A, %dma_start3A_12, %dma_start3A_13] : memref<32x40x128xi32, #tpu.memory_space<hbm>> -> memref<1x40x128xi32, #tpu.memory_space<hbm>>
      %dma_start3A_15 = tpu.memref_squeeze %dma_start3A_14 : memref<1x40x128xi32, #tpu.memory_space<hbm>> -> memref<40x128xi32, #tpu.memory_space<hbm>>
      tpu.enqueue_dma source(%dma_start3A_15 : memref<40x128xi32, #tpu.memory_space<hbm>>) target(%arg8 : memref<40x128xi32, #tpu.memory_space<vmem>>) target_semaphore(%run_scoped3A : memref<!tpu.dma_semaphore, #tpu.memory_space<semaphore_mem>>)
      %dma_wait3A = arith.constant 0 : i32
      %dma_wait3A_16 = arith.constant 0 : i32
      %dma_wait3A_17 = tpu.memref_slice %arg4[%add3A, %dma_wait3A, %dma_wait3A_16] : memref<32x40x128xi32, #tpu.memory_space<hbm>> -> memref<1x40x128xi32, #tpu.memory_space<hbm>>
      %dma_wait3A_18 = tpu.memref_squeeze %dma_wait3A_17 : memref<1x40x128xi32, #tpu.memory_space<hbm>> -> memref<40x128xi32, #tpu.memory_space<hbm>>
      %dma_wait3A_19 = arith.constant 0 : i32
      %dma_wait3A_20 = arith.constant 0 : i32
      %dma_wait3A_21 = tpu.memref_slice %arg4[%add3A, %dma_wait3A_19, %dma_wait3A_20] : memref<32x40x128xi32, #tpu.memory_space<hbm>> -> memref<1x40x128xi32, #tpu.memory_space<hbm>>
      %dma_wait3A_22 = tpu.memref_squeeze %dma_wait3A_21 : memref<1x40x128xi32, #tpu.memory_space<hbm>> -> memref<40x128xi32, #tpu.memory_space<hbm>>
      tpu.wait_dma2 semaphore(%run_scoped3A : memref<!tpu.dma_semaphore, #tpu.memory_space<semaphore_mem>>) src(%dma_wait3A_22 : memref<40x128xi32, #tpu.memory_space<hbm>>) dst(%arg8 : memref<40x128xi32, #tpu.memory_space<vmem>>)
      tpu.yield
    }) : () -> ()
    "tpu.region"() ({
      %run_scoped3A = tpu.sem_alloc : memref<!tpu.dma_semaphore, #tpu.memory_space<semaphore_mem>>
      %dma_start3A = arith.constant 0 : i32
      %dma_start3A_9 = tpu.memref_slice %arg11[%mul3A_2, %dma_start3A] : memref<10112x128xf32, #tpu.memory_space<vmem_shared>> -> memref<632x128xf32, #tpu.memory_space<vmem_shared>>
      %dma_start3A_10 = arith.constant 0 : i32
      %dma_start3A_11 = tpu.memref_slice %arg5[%mul3A_2, %dma_start3A_10] : memref<10112x128xf32, #tpu.memory_space<hbm>> -> memref<632x128xf32, #tpu.memory_space<hbm>>
      tpu.enqueue_dma source(%dma_start3A_11 : memref<632x128xf32, #tpu.memory_space<hbm>>) target(%dma_start3A_9 : memref<632x128xf32, #tpu.memory_space<vmem_shared>>) target_semaphore(%run_scoped3A : memref<!tpu.dma_semaphore, #tpu.memory_space<semaphore_mem>>)
      %dma_wait3A = arith.constant 0 : i32
      %dma_wait3A_12 = tpu.memref_slice %arg11[%mul3A_2, %dma_wait3A] : memref<10112x128xf32, #tpu.memory_space<vmem_shared>> -> memref<632x128xf32, #tpu.memory_space<vmem_shared>>
      %dma_wait3A_13 = arith.constant 0 : i32
      %dma_wait3A_14 = tpu.memref_slice %arg5[%mul3A_2, %dma_wait3A_13] : memref<10112x128xf32, #tpu.memory_space<hbm>> -> memref<632x128xf32, #tpu.memory_space<hbm>>
      tpu.wait_dma2 semaphore(%run_scoped3A : memref<!tpu.dma_semaphore, #tpu.memory_space<semaphore_mem>>) src(%dma_wait3A_14 : memref<632x128xf32, #tpu.memory_space<hbm>>) dst(%dma_wait3A_12 : memref<632x128xf32, #tpu.memory_space<vmem_shared>>)
      tpu.yield
    }) : () -> ()
    %barrier3A = arith.constant 0 : index
    tpu.barrier barrier_id(%barrier3A)
    %scan3A = arith.constant 0 : i32
    %scan3A_3 = arith.constant 0 : i32
    %scan3A_4 = arith.constant 20 : i32
    %scan3A_5 = arith.addi %scan3A_3, %scan3A_4 : i32
    %scan3A_6 = arith.constant 1 : i32
    scf.for %scan3A_9 = %scan3A_3 to %scan3A_5 step %scan3A_6  : i32 {
      %mul3A_10 = arith.constant 2 : i32
      %mul3A_11 = arith.muli %mul3A_10, %scan3A_9 : i32
      %dma_start3A = arith.constant 0 : i32
      %dma_start3A_12 = tpu.memref_slice %arg7[%mul3A_11, %dma_start3A] : memref<40x128xi32, #tpu.memory_space<vmem>> -> memref<1x128xi32, #tpu.memory_space<vmem>>
      %dma_start3A_13 = tpu.memref_squeeze %dma_start3A_12 : memref<1x128xi32, #tpu.memory_space<vmem>> -> memref<128xi32, #tpu.memory_space<vmem>>
      %dma_start3A_14 = arith.constant 0 : i32
      %dma_start3A_15 = arith.constant 0 : i32
      %dma_start3A_16 = tpu.memref_slice %arg2[%dma_start3A_14, %dma_start3A_15] : memref<10112x128xf32, #tpu.memory_space<hbm>> -> memref<10112x128xf32, #tpu.memory_space<hbm>>
      tpu.enqueue_indirect_dma source(%dma_start3A_16 : memref<10112x128xf32, #tpu.memory_space<hbm>>) target(%arg9 : memref<128x128xf32, #tpu.memory_space<vmem>>) offsets(%dma_start3A_13 : memref<128xi32, #tpu.memory_space<vmem>>) semaphore(%arg12 : memref<!tpu.dma_semaphore, #tpu.memory_space<semaphore_mem>>)
      %add3A_17 = arith.constant 1 : i32
      %add3A_18 = arith.addi %mul3A_11, %add3A_17 : i32
      %dma_start3A_19 = arith.constant 0 : i32
      %dma_start3A_20 = tpu.memref_slice %arg7[%add3A_18, %dma_start3A_19] : memref<40x128xi32, #tpu.memory_space<vmem>> -> memref<1x128xi32, #tpu.memory_space<vmem>>
      %dma_start3A_21 = tpu.memref_squeeze %dma_start3A_20 : memref<1x128xi32, #tpu.memory_space<vmem>> -> memref<128xi32, #tpu.memory_space<vmem>>
      %dma_start3A_22 = arith.constant 0 : i32
      %dma_start3A_23 = arith.constant 0 : i32
      %dma_start3A_24 = tpu.memref_slice %arg2[%dma_start3A_22, %dma_start3A_23] : memref<10112x128xf32, #tpu.memory_space<hbm>> -> memref<10112x128xf32, #tpu.memory_space<hbm>>
      tpu.enqueue_indirect_dma source(%dma_start3A_24 : memref<10112x128xf32, #tpu.memory_space<hbm>>) target(%arg10 : memref<128x128xf32, #tpu.memory_space<vmem>>) offsets(%dma_start3A_21 : memref<128xi32, #tpu.memory_space<vmem>>) semaphore(%arg13 : memref<!tpu.dma_semaphore, #tpu.memory_space<semaphore_mem>>)
      %dma_wait3A = arith.constant 0 : i32
      %dma_wait3A_25 = tpu.memref_slice %arg7[%mul3A_11, %dma_wait3A] : memref<40x128xi32, #tpu.memory_space<vmem>> -> memref<1x128xi32, #tpu.memory_space<vmem>>
      %dma_wait3A_26 = tpu.memref_squeeze %dma_wait3A_25 : memref<1x128xi32, #tpu.memory_space<vmem>> -> memref<128xi32, #tpu.memory_space<vmem>>
      %dma_wait3A_27 = arith.constant 0 : i32
      %dma_wait3A_28 = arith.constant 0 : i32
      %dma_wait3A_29 = tpu.memref_slice %arg2[%dma_wait3A_27, %dma_wait3A_28] : memref<10112x128xf32, #tpu.memory_space<hbm>> -> memref<10112x128xf32, #tpu.memory_space<hbm>>
      tpu.wait_indirect_dma semaphore(%arg12 : memref<!tpu.dma_semaphore, #tpu.memory_space<semaphore_mem>>) src(%dma_wait3A_29 : memref<10112x128xf32, #tpu.memory_space<hbm>>) dst(%arg9 : memref<128x128xf32, #tpu.memory_space<vmem>>)
      "tpu.region"() ({
        %run_scoped3A = tpu.sem_alloc : memref<!tpu.dma_semaphore, #tpu.memory_space<semaphore_mem>>
        %dma_start3A_38 = arith.constant 0 : i32
        %dma_start3A_39 = tpu.memref_slice %arg8[%mul3A_11, %dma_start3A_38] : memref<40x128xi32, #tpu.memory_space<vmem>> -> memref<1x128xi32, #tpu.memory_space<vmem>>
        %dma_start3A_40 = tpu.memref_squeeze %dma_start3A_39 : memref<1x128xi32, #tpu.memory_space<vmem>> -> memref<128xi32, #tpu.memory_space<vmem>>
        %dma_start3A_41 = arith.constant 0 : i32
        %dma_start3A_42 = arith.constant 0 : i32
        %dma_start3A_43 = tpu.memref_slice %arg11[%dma_start3A_41, %dma_start3A_42] : memref<10112x128xf32, #tpu.memory_space<vmem_shared>> -> memref<10112x128xf32, #tpu.memory_space<vmem_shared>>
        tpu.enqueue_indirect_dma source(%arg9 : memref<128x128xf32, #tpu.memory_space<vmem>>) target(%dma_start3A_43 : memref<10112x128xf32, #tpu.memory_space<vmem_shared>>) offsets(%dma_start3A_40 : memref<128xi32, #tpu.memory_space<vmem>>) semaphore(%run_scoped3A : memref<!tpu.dma_semaphore, #tpu.memory_space<semaphore_mem>>) {add = true}
        %dma_wait3A_44 = arith.constant 0 : i32
        %dma_wait3A_45 = tpu.memref_slice %arg8[%mul3A_11, %dma_wait3A_44] : memref<40x128xi32, #tpu.memory_space<vmem>> -> memref<1x128xi32, #tpu.memory_space<vmem>>
        %dma_wait3A_46 = tpu.memref_squeeze %dma_wait3A_45 : memref<1x128xi32, #tpu.memory_space<vmem>> -> memref<128xi32, #tpu.memory_space<vmem>>
        %dma_wait3A_47 = arith.constant 0 : i32
        %dma_wait3A_48 = arith.constant 0 : i32
        %dma_wait3A_49 = tpu.memref_slice %arg11[%dma_wait3A_47, %dma_wait3A_48] : memref<10112x128xf32, #tpu.memory_space<vmem_shared>> -> memref<10112x128xf32, #tpu.memory_space<vmem_shared>>
        tpu.wait_indirect_dma semaphore(%run_scoped3A : memref<!tpu.dma_semaphore, #tpu.memory_space<semaphore_mem>>) src(%arg9 : memref<128x128xf32, #tpu.memory_space<vmem>>) dst(%dma_wait3A_49 : memref<10112x128xf32, #tpu.memory_space<vmem_shared>>)
        tpu.yield
      }) : () -> ()
      %dma_wait3A_30 = arith.constant 0 : i32
      %dma_wait3A_31 = tpu.memref_slice %arg7[%add3A_18, %dma_wait3A_30] : memref<40x128xi32, #tpu.memory_space<vmem>> -> memref<1x128xi32, #tpu.memory_space<vmem>>
      %dma_wait3A_32 = tpu.memref_squeeze %dma_wait3A_31 : memref<1x128xi32, #tpu.memory_space<vmem>> -> memref<128xi32, #tpu.memory_space<vmem>>
      %dma_wait3A_33 = arith.constant 0 : i32
      %dma_wait3A_34 = arith.constant 0 : i32
      %dma_wait3A_35 = tpu.memref_slice %arg2[%dma_wait3A_33, %dma_wait3A_34] : memref<10112x128xf32, #tpu.memory_space<hbm>> -> memref<10112x128xf32, #tpu.memory_space<hbm>>
      tpu.wait_indirect_dma semaphore(%arg13 : memref<!tpu.dma_semaphore, #tpu.memory_space<semaphore_mem>>) src(%dma_wait3A_35 : memref<10112x128xf32, #tpu.memory_space<hbm>>) dst(%arg10 : memref<128x128xf32, #tpu.memory_space<vmem>>)
      %add3A_36 = arith.constant 1 : i32
      %add3A_37 = arith.addi %mul3A_11, %add3A_36 : i32
      "tpu.region"() ({
        %run_scoped3A = tpu.sem_alloc : memref<!tpu.dma_semaphore, #tpu.memory_space<semaphore_mem>>
        %dma_start3A_38 = arith.constant 0 : i32
        %dma_start3A_39 = tpu.memref_slice %arg8[%add3A_37, %dma_start3A_38] : memref<40x128xi32, #tpu.memory_space<vmem>> -> memref<1x128xi32, #tpu.memory_space<vmem>>
        %dma_start3A_40 = tpu.memref_squeeze %dma_start3A_39 : memref<1x128xi32, #tpu.memory_space<vmem>> -> memref<128xi32, #tpu.memory_space<vmem>>
        %dma_start3A_41 = arith.constant 0 : i32
        %dma_start3A_42 = arith.constant 0 : i32
        %dma_start3A_43 = tpu.memref_slice %arg11[%dma_start3A_41, %dma_start3A_42] : memref<10112x128xf32, #tpu.memory_space<vmem_shared>> -> memref<10112x128xf32, #tpu.memory_space<vmem_shared>>
        tpu.enqueue_indirect_dma source(%arg10 : memref<128x128xf32, #tpu.memory_space<vmem>>) target(%dma_start3A_43 : memref<10112x128xf32, #tpu.memory_space<vmem_shared>>) offsets(%dma_start3A_40 : memref<128xi32, #tpu.memory_space<vmem>>) semaphore(%run_scoped3A : memref<!tpu.dma_semaphore, #tpu.memory_space<semaphore_mem>>) {add = true}
        %dma_wait3A_44 = arith.constant 0 : i32
        %dma_wait3A_45 = tpu.memref_slice %arg8[%add3A_37, %dma_wait3A_44] : memref<40x128xi32, #tpu.memory_space<vmem>> -> memref<1x128xi32, #tpu.memory_space<vmem>>
        %dma_wait3A_46 = tpu.memref_squeeze %dma_wait3A_45 : memref<1x128xi32, #tpu.memory_space<vmem>> -> memref<128xi32, #tpu.memory_space<vmem>>
        %dma_wait3A_47 = arith.constant 0 : i32
        %dma_wait3A_48 = arith.constant 0 : i32
        %dma_wait3A_49 = tpu.memref_slice %arg11[%dma_wait3A_47, %dma_wait3A_48] : memref<10112x128xf32, #tpu.memory_space<vmem_shared>> -> memref<10112x128xf32, #tpu.memory_space<vmem_shared>>
        tpu.wait_indirect_dma semaphore(%run_scoped3A : memref<!tpu.dma_semaphore, #tpu.memory_space<semaphore_mem>>) src(%arg10 : memref<128x128xf32, #tpu.memory_space<vmem>>) dst(%dma_wait3A_49 : memref<10112x128xf32, #tpu.memory_space<vmem_shared>>)
        tpu.yield
      }) : () -> ()
    }
    %scan3A_7 = arith.constant 20 : i32
    %barrier3A_8 = arith.constant 0 : index
    tpu.barrier barrier_id(%barrier3A_8)
    "tpu.region"() ({
      %run_scoped3A = tpu.sem_alloc : memref<!tpu.dma_semaphore, #tpu.memory_space<semaphore_mem>>
      %dma_start3A = arith.constant 0 : i32
      %dma_start3A_9 = tpu.memref_slice %arg6[%arg0, %mul3A_2, %dma_start3A] : memref<2x10112x128xf32, #tpu.memory_space<hbm>> -> memref<1x632x128xf32, #tpu.memory_space<hbm>>
      %dma_start3A_10 = tpu.memref_squeeze %dma_start3A_9 : memref<1x632x128xf32, #tpu.memory_space<hbm>> -> memref<632x128xf32, #tpu.memory_space<hbm>>
      %dma_start3A_11 = arith.constant 0 : i32
      %dma_start3A_12 = tpu.memref_slice %arg11[%mul3A_2, %dma_start3A_11] : memref<10112x128xf32, #tpu.memory_space<vmem_shared>> -> memref<632x128xf32, #tpu.memory_space<vmem_shared>>
      tpu.enqueue_dma source(%dma_start3A_12 : memref<632x128xf32, #tpu.memory_space<vmem_shared>>) target(%dma_start3A_10 : memref<632x128xf32, #tpu.memory_space<hbm>>) target_semaphore(%run_scoped3A : memref<!tpu.dma_semaphore, #tpu.memory_space<semaphore_mem>>)
      %dma_wait3A = arith.constant 0 : i32
      %dma_wait3A_13 = tpu.memref_slice %arg6[%arg0, %mul3A_2, %dma_wait3A] : memref<2x10112x128xf32, #tpu.memory_space<hbm>> -> memref<1x632x128xf32, #tpu.memory_space<hbm>>
      %dma_wait3A_14 = tpu.memref_squeeze %dma_wait3A_13 : memref<1x632x128xf32, #tpu.memory_space<hbm>> -> memref<632x128xf32, #tpu.memory_space<hbm>>
      %dma_wait3A_15 = arith.constant 0 : i32
      %dma_wait3A_16 = tpu.memref_slice %arg11[%mul3A_2, %dma_wait3A_15] : memref<10112x128xf32, #tpu.memory_space<vmem_shared>> -> memref<632x128xf32, #tpu.memory_space<vmem_shared>>
      tpu.wait_dma2 semaphore(%run_scoped3A : memref<!tpu.dma_semaphore, #tpu.memory_space<semaphore_mem>>) src(%dma_wait3A_16 : memref<632x128xf32, #tpu.memory_space<vmem_shared>>) dst(%dma_wait3A_14 : memref<632x128xf32, #tpu.memory_space<hbm>>)
      tpu.yield
    }) : () -> ()
    return
  }
}

module attributes {stable_mosaic.version = 14 : i64} {
  func.func @_mm_kernel(%arg0: i32, %arg1: memref<512x128xf32, #tpu.memory_space<vmem>>, %arg2: memref<128x128xf32, #tpu.memory_space<vmem>>, %arg3: memref<512x128xf32, #tpu.memory_space<vmem>>, %arg4: memref<512x128xf32, #tpu.memory_space<vmem>>, %arg5: memref<512x128xf32, #tpu.memory_space<vmem>>) attributes {dimension_semantics = [#tpu.dimension_semantics<arbitrary>], iteration_bounds = array<i64: 20>, scalar_prefetch = 0 : i64, scratch_operands = 0 : i64, tpu.core_type = #tpu.core_type<tc>, window_params = [{transform_indices = @transform_0, window_bounds = array<i64: 512, 128>}, {pipeline_mode = #tpu.pipeline_mode<synchronous>, transform_indices = @transform_1, window_bounds = array<i64: 128, 128>}, {transform_indices = @transform_2, window_bounds = array<i64: 512, 128>}, {transform_indices = @transform_3, window_bounds = array<i64: 512, 128>}, {transform_indices = @transform_4, window_bounds = array<i64: 512, 128>}]} {
    %get3A = arith.constant 0 : index
    %get3A_0 = arith.constant 0 : index
    %get3A_1 = vector.load %arg4[%get3A, %get3A_0] : memref<512x128xf32, #tpu.memory_space<vmem>>, vector<512x128xf32>
    %get3A_2 = arith.constant 0 : index
    %get3A_3 = arith.constant 0 : index
    %get3A_4 = vector.load %arg3[%get3A_2, %get3A_3] : memref<512x128xf32, #tpu.memory_space<vmem>>, vector<512x128xf32>
    %get3A_5 = arith.constant 0 : index
    %get3A_6 = arith.constant 0 : index
    %get3A_7 = vector.load %arg1[%get3A_5, %get3A_6] : memref<512x128xf32, #tpu.memory_space<vmem>>, vector<512x128xf32>
    %mul3A = arith.mulf %get3A_4, %get3A_7 : vector<512x128xf32>
    %get3A_8 = arith.constant 0 : index
    %get3A_9 = arith.constant 0 : index
    %get3A_10 = vector.load %arg2[%get3A_8, %get3A_9] : memref<128x128xf32, #tpu.memory_space<vmem>>, vector<128x128xf32>
    %dot_general3A = arith.constant dense<0.000000e+00> : vector<512x128xf32>
    %dot_general3A_11 = tpu.matmul %mul3A, %get3A_10, %dot_general3A {dimension_numbers = #tpu.dot_dimension_numbers<[1], [0], [0], [1], [0, 0, 1, 1], [], []>, transpose_lhs_hint = false} : vector<512x128xf32>, vector<128x128xf32>, vector<512x128xf32> -> vector<512x128xf32>
    %mul3A_12 = arith.mulf %get3A_1, %dot_general3A_11 : vector<512x128xf32>
    %swap3A = arith.constant 0 : index
    %swap3A_13 = arith.constant 0 : index
    %swap3A_14 = vector.load %arg5[%swap3A, %swap3A_13] : memref<512x128xf32, #tpu.memory_space<vmem>>, vector<512x128xf32>
    tpu.vector_store %arg5[%swap3A, %swap3A_13], %mul3A_12 {strides = array<i32>} : memref<512x128xf32, #tpu.memory_space<vmem>>, vector<512x128xf32>,
    return
  }
  func.func @transform_0(%arg0: i32) -> (i32, i32) {
    %c0_i32 = arith.constant 0 : i32
    %c0_i32_0 = arith.constant 0 : i32
    return %arg0, %c0_i32 : i32, i32
  }
  func.func @transform_1(%arg0: i32) -> (i32, i32) {
    %c0_i32 = arith.constant 0 : i32
    %c0_i32_0 = arith.constant 0 : i32
    %c0_i32_1 = arith.constant 0 : i32
    return %c0_i32, %c0_i32_0 : i32, i32
  }
  func.func @transform_2(%arg0: i32) -> (i32, i32) {
    %c0_i32 = arith.constant 0 : i32
    %c0_i32_0 = arith.constant 0 : i32
    return %arg0, %c0_i32 : i32, i32
  }
  func.func @transform_3(%arg0: i32) -> (i32, i32) {
    %c0_i32 = arith.constant 0 : i32
    %c0_i32_0 = arith.constant 0 : i32
    return %arg0, %c0_i32 : i32, i32
  }
  func.func @transform_4(%arg0: i32) -> (i32, i32) {
    %c0_i32 = arith.constant 0 : i32
    %c0_i32_0 = arith.constant 0 : i32
    return %arg0, %c0_i32 : i32, i32
  }
}

module attributes {stable_mosaic.version = 14 : i64} {
  func.func @_ew_kernel(%arg0: i32, %arg1: memref<512x128xf32, #tpu.memory_space<vmem>>, %arg2: memref<512x128xf32, #tpu.memory_space<vmem>>, %arg3: memref<512x128xf32, #tpu.memory_space<vmem>>, %arg4: memref<512x128xf32, #tpu.memory_space<vmem>>, %arg5: memref<512x128xf32, #tpu.memory_space<vmem>>, %arg6: memref<512x128xf32, #tpu.memory_space<vmem>>) attributes {dimension_semantics = [#tpu.dimension_semantics<arbitrary>], iteration_bounds = array<i64: 20>, scalar_prefetch = 0 : i64, scratch_operands = 0 : i64, tpu.core_type = #tpu.core_type<tc>, window_params = [{transform_indices = @transform_0, window_bounds = array<i64: 512, 128>}, {transform_indices = @transform_1, window_bounds = array<i64: 512, 128>}, {transform_indices = @transform_2, window_bounds = array<i64: 512, 128>}, {transform_indices = @transform_3, window_bounds = array<i64: 512, 128>}, {transform_indices = @transform_4, window_bounds = array<i64: 512, 128>}, {transform_indices = @transform_5, window_bounds = array<i64: 512, 128>}]} {
    %get3A = arith.constant 0 : index
    %get3A_0 = arith.constant 0 : index
    %get3A_1 = vector.load %arg4[%get3A, %get3A_0] : memref<512x128xf32, #tpu.memory_space<vmem>>, vector<512x128xf32>
    %get3A_2 = arith.constant 0 : index
    %get3A_3 = arith.constant 0 : index
    %get3A_4 = vector.load %arg1[%get3A_2, %get3A_3] : memref<512x128xf32, #tpu.memory_space<vmem>>, vector<512x128xf32>
    %get3A_5 = arith.constant 0 : index
    %get3A_6 = arith.constant 0 : index
    %get3A_7 = vector.load %arg2[%get3A_5, %get3A_6] : memref<512x128xf32, #tpu.memory_space<vmem>>, vector<512x128xf32>
    %add3A = arith.addf %get3A_4, %get3A_7 : vector<512x128xf32>
    %get3A_8 = arith.constant 0 : index
    %get3A_9 = arith.constant 0 : index
    %get3A_10 = vector.load %arg3[%get3A_8, %get3A_9] : memref<512x128xf32, #tpu.memory_space<vmem>>, vector<512x128xf32>
    %mul3A = arith.constant 2.000000e+00 : f32
    %mul3A_11 = vector.broadcast %mul3A : f32 to vector<512x128xf32>
    %mul3A_12 = arith.mulf %mul3A_11, %get3A_10 : vector<512x128xf32>
    %add3A_13 = arith.addf %add3A, %mul3A_12 : vector<512x128xf32>
    %mul3A_14 = arith.mulf %get3A_1, %add3A_13 : vector<512x128xf32>
    %get3A_15 = arith.constant 0 : index
    %get3A_16 = arith.constant 0 : index
    %get3A_17 = vector.load %arg5[%get3A_15, %get3A_16] : memref<512x128xf32, #tpu.memory_space<vmem>>, vector<512x128xf32>
    %add3A_18 = arith.addf %mul3A_14, %get3A_17 : vector<512x128xf32>
    %max3A = arith.constant 0.000000e+00 : f32
    %max3A_19 = vector.broadcast %max3A : f32 to vector<512x128xf32>
    %max3A_20 = arith.maximumf %add3A_18, %max3A_19 : vector<512x128xf32>
    %swap3A = arith.constant 0 : index
    %swap3A_21 = arith.constant 0 : index
    %swap3A_22 = vector.load %arg6[%swap3A, %swap3A_21] : memref<512x128xf32, #tpu.memory_space<vmem>>, vector<512x128xf32>
    tpu.vector_store %arg6[%swap3A, %swap3A_21], %max3A_20 {strides = array<i32>} : memref<512x128xf32, #tpu.memory_space<vmem>>, vector<512x128xf32>,
    return
  }
  func.func @transform_0(%arg0: i32) -> (i32, i32) {
    %c0_i32 = arith.constant 0 : i32
    %c0_i32_0 = arith.constant 0 : i32
    return %arg0, %c0_i32 : i32, i32
  }
  func.func @transform_1(%arg0: i32) -> (i32, i32) {
    %c0_i32 = arith.constant 0 : i32
    %c0_i32_0 = arith.constant 0 : i32
    return %arg0, %c0_i32 : i32, i32
  }
  func.func @transform_2(%arg0: i32) -> (i32, i32) {
    %c0_i32 = arith.constant 0 : i32
    %c0_i32_0 = arith.constant 0 : i32
    return %arg0, %c0_i32 : i32, i32
  }
  func.func @transform_3(%arg0: i32) -> (i32, i32) {
    %c0_i32 = arith.constant 0 : i32
    %c0_i32_0 = arith.constant 0 : i32
    return %arg0, %c0_i32 : i32, i32
  }
  func.func @transform_4(%arg0: i32) -> (i32, i32) {
    %c0_i32 = arith.constant 0 : i32
    %c0_i32_0 = arith.constant 0 : i32
    return %arg0, %c0_i32 : i32, i32
  }
  func.func @transform_5(%arg0: i32) -> (i32, i32) {
    %c0_i32 = arith.constant 0 : i32
    %c0_i32_0 = arith.constant 0 : i32
    return %arg0, %c0_i32 : i32, i32
  }
}

module attributes {stable_mosaic.version = 14 : i64} {
  func.func @_ew_kernel(%arg0: i32, %arg1: memref<512x128xf32, #tpu.memory_space<vmem>>, %arg2: memref<512x128xf32, #tpu.memory_space<vmem>>, %arg3: memref<512x128xf32, #tpu.memory_space<vmem>>, %arg4: memref<512x128xf32, #tpu.memory_space<vmem>>, %arg5: memref<512x128xf32, #tpu.memory_space<vmem>>, %arg6: memref<512x128xf32, #tpu.memory_space<vmem>>) attributes {dimension_semantics = [#tpu.dimension_semantics<arbitrary>], iteration_bounds = array<i64: 20>, scalar_prefetch = 0 : i64, scratch_operands = 0 : i64, tpu.core_type = #tpu.core_type<tc>, window_params = [{transform_indices = @transform_0, window_bounds = array<i64: 512, 128>}, {transform_indices = @transform_1, window_bounds = array<i64: 512, 128>}, {transform_indices = @transform_2, window_bounds = array<i64: 512, 128>}, {transform_indices = @transform_3, window_bounds = array<i64: 512, 128>}, {transform_indices = @transform_4, window_bounds = array<i64: 512, 128>}, {transform_indices = @transform_5, window_bounds = array<i64: 512, 128>}]} {
    %get3A = arith.constant 0 : index
    %get3A_0 = arith.constant 0 : index
    %get3A_1 = vector.load %arg4[%get3A, %get3A_0] : memref<512x128xf32, #tpu.memory_space<vmem>>, vector<512x128xf32>
    %get3A_2 = arith.constant 0 : index
    %get3A_3 = arith.constant 0 : index
    %get3A_4 = vector.load %arg1[%get3A_2, %get3A_3] : memref<512x128xf32, #tpu.memory_space<vmem>>, vector<512x128xf32>
    %get3A_5 = arith.constant 0 : index
    %get3A_6 = arith.constant 0 : index
    %get3A_7 = vector.load %arg2[%get3A_5, %get3A_6] : memref<512x128xf32, #tpu.memory_space<vmem>>, vector<512x128xf32>
    %add3A = arith.addf %get3A_4, %get3A_7 : vector<512x128xf32>
    %get3A_8 = arith.constant 0 : index
    %get3A_9 = arith.constant 0 : index
    %get3A_10 = vector.load %arg3[%get3A_8, %get3A_9] : memref<512x128xf32, #tpu.memory_space<vmem>>, vector<512x128xf32>
    %mul3A = arith.constant 2.000000e+00 : f32
    %mul3A_11 = vector.broadcast %mul3A : f32 to vector<512x128xf32>
    %mul3A_12 = arith.mulf %mul3A_11, %get3A_10 : vector<512x128xf32>
    %add3A_13 = arith.addf %add3A, %mul3A_12 : vector<512x128xf32>
    %mul3A_14 = arith.mulf %get3A_1, %add3A_13 : vector<512x128xf32>
    %get3A_15 = arith.constant 0 : index
    %get3A_16 = arith.constant 0 : index
    %get3A_17 = vector.load %arg5[%get3A_15, %get3A_16] : memref<512x128xf32, #tpu.memory_space<vmem>>, vector<512x128xf32>
    %add3A_18 = arith.addf %mul3A_14, %get3A_17 : vector<512x128xf32>
    %swap3A = arith.constant 0 : index
    %swap3A_19 = arith.constant 0 : index
    %swap3A_20 = vector.load %arg6[%swap3A, %swap3A_19] : memref<512x128xf32, #tpu.memory_space<vmem>>, vector<512x128xf32>
    tpu.vector_store %arg6[%swap3A, %swap3A_19], %add3A_18 {strides = array<i32>} : memref<512x128xf32, #tpu.memory_space<vmem>>, vector<512x128xf32>,
    return
  }
  func.func @transform_0(%arg0: i32) -> (i32, i32) {
    %c0_i32 = arith.constant 0 : i32
    %c0_i32_0 = arith.constant 0 : i32
    return %arg0, %c0_i32 : i32, i32
  }
  func.func @transform_1(%arg0: i32) -> (i32, i32) {
    %c0_i32 = arith.constant 0 : i32
    %c0_i32_0 = arith.constant 0 : i32
    return %arg0, %c0_i32 : i32, i32
  }
  func.func @transform_2(%arg0: i32) -> (i32, i32) {
    %c0_i32 = arith.constant 0 : i32
    %c0_i32_0 = arith.constant 0 : i32
    return %arg0, %c0_i32 : i32, i32
  }
  func.func @transform_3(%arg0: i32) -> (i32, i32) {
    %c0_i32 = arith.constant 0 : i32
    %c0_i32_0 = arith.constant 0 : i32
    return %arg0, %c0_i32 : i32, i32
  }
  func.func @transform_4(%arg0: i32) -> (i32, i32) {
    %c0_i32 = arith.constant 0 : i32
    %c0_i32_0 = arith.constant 0 : i32
    return %arg0, %c0_i32 : i32, i32
  }
  func.func @transform_5(%arg0: i32) -> (i32, i32) {
    %c0_i32 = arith.constant 0 : i32
    %c0_i32_0 = arith.constant 0 : i32
    return %arg0, %c0_i32 : i32, i32
  }
}

</mosaic_0001>

<sc_bundles>
// kernel: gather_offload_async_start.1
scs
__scs_entry_jumppad:
0x0: {  	(pc) =	sbr.rel $0x88, $3  }
0x1: {  	(tag) =	ssettag $0x0;
	lr =	simm.s32 $0x1  }
0x2: {  	[smem:$0x3F98] =	sst lr;
	_ =	strace $0xD0000000  }
0x3: {  	_ = 	snop  }
0x4: {  	_ = 	snop  }
0x5: {  	_ = 	snop  }
0x6: {  	_ = 	snop  }
0x7: {  	_ = 	snop  }
__scs_overlays_trampoline_lowered:
0x8: {  	[smem:$0x3FA7] =	sst s0  }
0x9: {  	[smem:$0x3FA8] =	sst s1  }
0xa: {  	[smem:$0x3FA9] =	sst s2  }
0xb: {  	[smem:$0x3FAA] =	sst s3  }
0xc: {  	[smem:$0x3FAB] =	sst s4  }
0xd: {  	[smem:$0x3FAC] =	sst s5  }
0xe: {  	[smem:$0x3FAD] =	sst s6  }
0xf: {  	[smem:$0x3FAE] =	sst s7  }
0x10: {  	[smem:$0x3FAF] =	sst s8  }
0x11: {  	[smem:$0x3FB0] =	sst s9;
	s0 =	simm.s32 @!p0 $0x0  }
0x12: {  	s1 =	sld [smem:$0x3F96];
	s0 =	simm.s32 @p0 $0x1  }
0x13: {  	[smem:$0x3FB1] =	sst s0;
	s0 =	simm.s32 @!p1 $0x0  }
0x14: {  	s2 =	sld [smem:$0x3F95];
	s0 =	simm.s32 @p1 $0x1  }
0x15: {  	[smem:$0x3FB2] =	sst s0;
	s0 =	simm.s32 @!p2 $0x0  }
0x16: {  	s3 =	sld [smem:$0x3FDB];
	s0 =	simm.s32 @p2 $0x1  }
0x17: {  	s4 =	simm.s32 $0x1BF5;
	[smem:$0x3FB4] =	sst s0  }
0x18: {  	s0 =	sld [smem:$0x3F97];
	_ =	swait.ge [sflag:s4], $0x0  }
0x19: {  	s7 =	sld [smem:$0x3F98]  }
0x1a: {  	s8 =	sadd.s32 $0xFFFFE003, lr  }
0x1b: {  	s9 =	sadd.s32 $0xFFFFFEF7, lr;
	s5 =	simm.s32 $0xFFFFFFFF;
	p2 =	slt.u32 s8, $0xFFFFF086  }
0x1c: {  	p1 =	slt.u32 s9, $0xF7A;
	s5 =	simm.s32 @!p2 $0x0  }
0x1d: {  	s5 =	simm.s32 @p1 $0x1;
	p0 =	seq.s32 s7, s2  }
0x1e: {  	s7 =	smul.u32 @!p0 $0xF7A, s2;
	p2 =	seq.s32 @!p0 s5, $0x0  }
0x1f: {  	s9 =	smul.u32 $0xF7A, s1;
	s8 =	simm.s32 @!p0 $0x1BF5;
	p2 =	por !p2, p0  }
0x20: {  	[sflag:s8] =	ssyncset.s32 @!p0 $0xFFFFF086;
	s6 =	sadd.s32 @!p0 s3, s7;
	s7 =	simm.s32 @!p0 $0x108  }
0x21: {  	s3 =	sadd.s32 s3, s9;
	s6 =	sadd.s32 @!p0 $0x88, s6;
	s7 =	simm.s32 @p2 $0x1082  }
0x22: {  	[simem:s7], [sflag:s8] =	dma.local @!p0 [hbm:s6], $0xF7A  }
0x23: {  	s9 =	sor.u32 $0xD0000000, s2;
	s6 =	simm.s32 $0x108;
	_ =	swait.ge @!p0 [sflag:s8], $0x0  }
0x24: {  	s3 =	sadd.s32 $0x88, s3;
	s6 =	simm.s32 @!p1 $0x1082;
	[sflag:s4] =	ssyncset.s32 $0xFFFFF086  }
0x25: {  	[simem:s6], [sflag:s4] =	dma.local [hbm:s3], $0xF7A  }
0x26: {  	[smem:$0x3F98] =	sst s1;
	(tag) =	ssettag s2;
	_ =	strace s9  }
0x27: {  	s1 =	sld [smem:$0x3FA8]  }
0x28: {  	s2 =	sld [smem:$0x3FA9]  }
0x29: {  	s4 =	sld [smem:$0x3FAB]  }
0x2a: {  	p0 =	seq.s32 s5, $0x0;
	s5 =	sld [smem:$0x3FAC]  }
0x2b: {  	s6 =	sld [smem:$0x3FAD]  }
0x2c: {  	s7 =	sld [smem:$0x3FAE]  }
0x2d: {  	s3 =	simm.s32 $0x108;
	s8 =	sld [smem:$0x3FAF]  }
0x2e: {  	s3 =	simm.s32 @!p0 $0x1082;
	s9 =	sld [smem:$0x3FB0]  }
0x2f: {  	lr =	sadd.s32 s0, s3;
	s0 =	sld [smem:$0x3FA7]  }
0x30: {  	s3 =	sld [smem:$0x3FAA]  }
0x31: {  	[smem:$0x3FB3] =	sst s10  }
0x32: {  	s10 =	sld [smem:$0x3FB1];
	_ =	sdelay $0x3  }
0x33: {  	p0 =	seq.s32 s10, $0x1;
	s10 =	sld [smem:$0x3FB3];
	_ =	sdelay $0x3  }
0x34: {  	[smem:$0x3FB3] =	sst s10  }
0x35: {  	s10 =	sld [smem:$0x3FB2];
	_ =	sdelay $0x3  }
0x36: {  	p1 =	seq.s32 s10, $0x1;
	s10 =	sld [smem:$0x3FB3];
	_ =	sdelay $0x3  }
0x37: {  	[smem:$0x3FB3] =	sst s10  }
0x38: {  	s10 =	sld [smem:$0x3FB4]  }
0x39: {  	_ = 	snop;
	(pc) =	sbr.ind lr, $3  }
0x3a: {  	_ = 	snop  }
0x3b: {  	_ = 	snop  }
0x3c: {  	p2 =	seq.s32 s10, $0x1;
	s10 =	sld [smem:$0x3FB3]  }
0x3d: {  	_ =	shalt  }
0x3e: {  	_ =	shalt  }
0x3f: {  	_ =	shalt  }
0x40: {  	_ =	shalt  }
0x41: {  	_ =	shalt  }
0x42: {  	_ =	shalt  }
0x43: {  	_ =	shalt  }
0x44: {  	_ =	shalt  }
0x45: {  	_ =	shalt  }
0x46: {  	_ =	shalt  }
0x47: {  	_ =	shalt  }
0x48: {  	_ =	shalt  }
0x49: {  	_ =	shalt  }
0x4a: {  	_ =	shalt  }
0x4b: {  	_ =	shalt  }
0x4c: {  	_ =	shalt  }
0x4d: {  	_ =	shalt  }
0x4e: {  	_ =	shalt  }
0x4f: {  	_ =	shalt  }
0x50: {  	_ =	shalt  }
0x51: {  	_ =	shalt  }
0x52: {  	_ =	shalt  }
0x53: {  	_ =	shalt  }
0x54: {  	_ =	shalt  }
0x55: {  	_ =	shalt  }
0x56: {  	_ =	shalt  }
0x57: {  	_ =	shalt  }
0x58: {  	_ =	shalt  }
0x59: {  	_ =	shalt  }
0x5a: {  	_ =	shalt  }
0x5b: {  	_ =	shalt  }
0x5c: {  	_ =	shalt  }
0x5d: {  	_ =	shalt  }
0x5e: {  	_ =	shalt  }
0x5f: {  	_ =	shalt  }
0x60: {  	_ =	shalt  }
0x61: {  	_ =	shalt  }
0x62: {  	_ =	shalt  }
0x63: {  	_ =	shalt  }
0x64: {  	_ =	shalt  }
0x65: {  	_ =	shalt  }
0x66: {  	_ =	shalt  }
0x67: {  	_ =	shalt  }
0x68: {  	_ =	shalt  }
0x69: {  	_ =	shalt  }
0x6a: {  	_ =	shalt  }
0x6b: {  	_ =	shalt  }
0x6c: {  	_ =	shalt  }
0x6d: {  	_ =	shalt  }
0x6e: {  	_ =	shalt  }
0x6f: {  	_ =	shalt  }
0x70: {  	_ =	shalt  }
0x71: {  	_ =	shalt  }
0x72: {  	_ =	shalt  }
0x73: {  	_ =	shalt  }
0x74: {  	_ =	shalt  }
0x75: {  	_ =	shalt  }
0x76: {  	_ =	shalt  }
0x77: {  	_ =	shalt  }
0x78: {  	_ =	shalt  }
0x79: {  	_ =	shalt  }
0x7a: {  	_ =	shalt  }
0x7b: {  	_ =	shalt  }
0x7c: {  	_ =	shalt  }
0x7d: {  	_ =	shalt  }
0x7e: {  	_ =	shalt  }
0x7f: {  	_ =	shalt  }
0x80: {  	_ =	shalt  }
0x81: {  	_ =	shalt  }
0x82: {  	_ =	shalt  }
0x83: {  	_ =	shalt  }
0x84: {  	_ =	shalt  }
0x85: {  	_ =	shalt  }
0x86: {  	_ =	shalt  }
0x87: {  	_ =	shalt  }
.Lfunc_end0:
.L_simem_size_0:
called_computation.1_lowered:
.L_overlay_start_0:
0x88: {  	s2 =	sld [smem:$0x3FD9]  }
0x89: {  	s3 =	sld [smem:$0x3FFE];
	_ =	sdelay $0x1  }
0x8a: {  	s1 =	srdreg.scid  }
0x8b: {  	s0 =	sand.u32 $0x1, s1  }
0x8c: {  	s16 =	sshll.u32 s0, $0xA;
	s2 =	sadd.s32 s3, s2  }
0x8d: {  	s2 =	sadd.s32 s2, s16  }
0x8e: {  	[smem:$0x3FBF] =	sst s2  }
0x8f: {  	_ = 	snop  }
0x90: {  	(tm) =	ssettm $0x1  }
0x91: {  	s17 =	sld [smem:$0x3FFB];
	_ =	sdelay $0x3  }
0x92: {  	_ =	strace s17  }
0x93: {  	s2 =	sld [smem:$0x3FFC];
	_ =	sdelay $0x3  }
0x94: {  	_ =	strace s2  }
0x95: {  	s2 =	sld [smem:$0x3FFD];
	_ =	sdelay $0x3  }
0x96: {  	_ =	strace s2  }
0x97: {  	_ =	strace $0x8FFFFFFF  }
0x98: {  	s18 =	sld [smem:$0x3FDB];
	_ =	sdelay $0x1  }
0x99: {  	s19 =	simm.s32 $_scs_section_size  }
0x9a: {  	s4 =	simm.s32 $_size__tile_overlayer_lowered;
	s5 =	simm.s32 $_tile_overlayer_lowered  }
0x9b: {  	s22 =	simm.s32 $0x1BFF;
	s21 =	sshll.u32 s5, $0x1;
	s2 =	sadd.s32 s19, s18  }
0x9c: {  	s6 =	simm.s32 $0x0;
	s20 =	sshll.u32 s4, $0x1;
	s4 =	sadd.s32 s21, s2  }
0x9d: {  	[timem:s6], [sflag:s22] =	dma.local [hbm:s4], s20  }
0x9e: {  	_ =	swait.ge [sflag:s22], s20  }
0x9f: {  	s3 =	ssub.s32 $0x0, s20;
	[sflag:s22] =	ssyncset.done $0x0  }
0xa0: {  	[sflag:s22] =	ssyncadd.s32 s3;
	_ =	sdelay $0x1  }
0xa1: {  	s23 =	simm.s32 $0x1B8B  }
0xa2: {  	_ =	swait.ge [sflag:s23], $0x1  }
0xa3: {  	[sflag:s23] =	ssyncset.done $0x0  }
0xa4: {  	s25 =	simm.s32 $0x1B8E;
	s24 =	sld [smem:$0x3FFE];
	[sflag:s23] =	ssyncadd.s32 $0xFFFFFFFF  }
0xa5: {  	s26 =	simm.s32 $execute0_lowered;
	[smem:$0x3FD2] =	sst s25  }
0xa6: {  	s4 =	sshll.u32 s26, $0x1;
	_ =	strace $0x8000005E;
	[dreg:$0x1] =	wrdreg $0xFFFFFFFF  }
0xa7: {  	s28 =	simm.s32 $_size_execute0_lowered;
	s2 =	sadd.s32 s2, s4;
	[dreg:$0x0] =	wrdreg $0x0  }
0xa8: {  	s4 =	sshll.u32 s28, $0x1;
	[dreg:$0x2] =	wrdreg s2  }
0xa9: {  	[dreg:$0x3] =	wrdreg s4  }
0xaa: {  	[dreg:$0x4] =	wrdreg $0xC0  }
0xab: {  	_ =	task [dreg:s6], $0x5FFFF  }
0xac: {  	[dreg:$0x1] =	wrdreg $0xFFFFFFFF  }
0xad: {  	[dreg:$0x0] =	wrdreg $0x60  }
0xae: {  	[dreg:$0x2] =	wrdreg s24  }
0xaf: {  	[dreg:$0x3] =	wrdreg $0x9  }
0xb0: {  	_ =	task.clear_ibuf [dreg:s6], $0x4FFFF;
	_ =	strace $0x9000005E  }
0xb1: {  	s29 =	simm.s32 $0x9;
	_ =	strace $0x80000060  }
0xb2: {  	_ =	swait.ge [sflag:s29], $0x1  }
0xb3: {  	[sflag:s29] =	ssyncadd.s32 $0xFFFFFFFF  }
0xb4: {  	_ =	strace $0x90000060  }
0xb5: {  	_ =	sfence  }
0xb6: {  	s30 =	sld [smem:$0x0];
	_ =	sdelay $0x2  }
0xb7: {  	s31 =	sshll.u32 s1, $0xD;
	s1 =	sshrl.u32 s1, $0x2  }
0xb8: {  	s3 =	sand.u32 $0x4000, s31;
	s1 =	sadd.s32 s1, s30  }
0xb9: {  	s0 =	sor.u32 s3, s0;
	s1 =	sshll.u32 s1, $0x11  }
0xba: {  	s0 =	sor.u32 s1, s0  }
0xbb: {  	s0 =	sadd.s32 $0x8F2B, s0  }
0xbc: {  	[sflag:s0] =	ssyncadd.remote.s32 $0x1  }
0xbd: {  	_ =	sfence.sel $0xFFFF  }
0xbe: {  	[dreg:$0x0] =	wrdreg $0xFFFFFFFF;
	(pc) =	sbr.abs _section_cstart, $3  }
0xbf: {  	[dreg:$0x1] =	wrdreg $0xFFFFFFFF  }
0xc0: {  	_ =	task.clear_ibuf [dreg:s6], $0x2FFFF;
	_ =	strace $0x9FFFFFFF  }
0xc1: {  	(tm) =	ssettm $0x7FFFFFFF  }
tec
execute0_lowered:
.L_overlay_start_1:
0x0: {  	(tag) =	ssettag $0x1  }
0x1: {  	s8 =	rddreg [dreg:$0x0]  }
0x2: {  	s0 =	rddreg [dreg:$0x1];
	_ =	strace $0x8000005F;
	s1 =	stileid.u32  }
0x3: {  	s3 =	srdreg.scid;
	s4 =	simm.s32 $0x1;
	s7 =	simm.s32 $0x1  }
0x4: {  	s9 =	simm.s32 $0x1;
	s10 =	simm.s32 $0x3;
	s13 =	simm.s32 $0x0  }
0x5: {  	s12 =	simm.s32 $0x0;
	s5 =	sand.u32 $0x1, s3;
	s6 =	sshll.u32 s1, $0x1  }
0x6: {  	s2 =	sadd.s32 $0x295000, s8;
	s3 =	sadd.s32 $0xA000, s8;
	s5 =	sor.u32 s6, s5  }
.Ltmp0:
0x7: {  	[sflag:s4] =	ssyncpa.u1 $0x0;
	p0 =	slt.u32 s5, $0x9;
	(pc) =	sbr.rel .LBB2_1-.Ltmp0, $4  }
0x8: {  	s6 =	simm.s32 $0x2;
	s7 =	simm.s32 @!p0 $0x0;
	p0 =	sne.s32 s5, $0x8  }
0x9: {  	[sflag:s6] =	ssyncpa.u1 $0x0;
	s5 =	smul.u32 $0xFA0, s5;
	s9 =	simm.s32 @!p0 $0x0  }
0xa: {  	s8 =	sadd.s32 $0x29A000, s8;
	[sflag:s10] =	ssyncpa.u1 $0x0;
	s7 =	sadd.s32 s9, s7  }
0xb: {  	vm0 =	vmmov $0xffff;
	s10 =	simm.s32 $0x0;
	s11 =	smov.u32 s5;
	s9 =	sadd.s32 $0x1, s7  }
.LBB2_4:
0xc: {  	v2 =	vnsel vm1, $0x0, v2  }
0xd: {  	vm1 =	vgt.s32 v0, $0x0;
	v2 =	vmin.u32 v2, $0x270FF  }
0xe: {  	v0 =	vnsel vm1, $0x0, v0  }
0xf: {  	v0 =	vmin.u32 v0, $0x270FF  }
0x10: {  	[tilespmem:s18], [sflag:$0x1] =	stream.indirect_vreg.gather [hbm4b:s2+s10], $0x1, v1, vm0, $0x4038;
	[tilespmem:$0x3E80] =	vst v63  }
0x11: {  	(ifvalue) =	ssetifvalue $0x7FFFFFFF  }
0x12: {  	[tilespmem:s15], [sflag:$0x1] =	stream.indirect_vreg.gather [hbm4b:s2+s10], $0x1, v2, vm0, $0x4038;
	[tilespmem:$0x3E80] =	vst v63  }
0x13: {  	s29 =	sadd.s32 $0x10, s15;
	(ifvalue) =	ssetifvalue $0x7FFFFFFF  }
0x14: {  	[tilespmem:s29], [sflag:$0x1] =	stream.indirect_vreg.gather [hbm4b:s2+s10], $0x1, v0, vm0, $0x4038;
	[tilespmem:$0x3E80] =	vst v63  }
0x15: {  	_ =	swait.ge [sflag:s4], $0xFA0  }
0x16: {  	s30 =	sshrl.u32 s13, $0x3;
	[sflag:s4] =	ssyncset.done $0x0  }
0x17: {  	s31 =	sand.u32 $0x7, s13;
	s15 =	sadd.s32 s8, s30;
	[sflag:s4] =	ssyncadd.s32 $0xFFFFF060  }
0x18: {  	[hbm4b:s15+s31] =	stream.linear.scatter [tilespmem:s14], [sflag:$0x3], $0xFA0, $0x38;
	[tilespmem:$0x3E80] =	vst v63  }
.LBB2_5:
0x19: {  	s15 =	sadd.s32 $0x1F400, s11  }
0x1a: {  	p1 =	sgt.s32 s15, $0x270FF  }
0x1b: {  	s15 =	smov.u32 @p1 s5;
	p1 =	sne.s32 s12, s9  }
.Ltmp1:
0x1c: {  	p0 =	slt.u32 s12, $0x2;
	(pc) =	sbr.rel @!p1 .LBB2_6-.Ltmp1, $4  }
0x1d: {  	s14 =	simm.s32 @!p0 $0x3  }
0x1e: {  	_ =	swait.ge @!p0 [sflag:s14], $0xFA0  }
0x1f: {  	s16 =	sadd.s32 $0x1, s12;
	s13 =	smov.u32 s11;
	[sflag:s14] =	ssyncset.done @!p0 $0x0  }
0x20: {  	s12 =	smov.u32 s16;
	s11 =	smov.u32 s15;
	[sflag:s14] =	ssyncadd.s32 @!p0 $0xFFFFF060  }
.LBB2_1:
0x21: {  	p0 =	sge.u32 s12, s7  }
0x22: {  	s14 =	sxor.u32 @!p0 $0x1, s12  }
0x23: {  	s14 =	smul.u32 @!p0 $0x3E80, s14  }
0x24: {  	s31 =	sadd.s32 $0xFFFFFFFF, s12;
	s15 =	sshrl.u32 @!p0 s11, $0x3  }
0x25: {  	s16 =	sand.u32 @!p0 $0x7, s11;
	s15 =	sadd.s32 @!p0 s3, s15;
	s14 =	sshra.s32 @!p0 s14, $0x2  }
0x26: {  	[tilespmem:s14], [sflag:$0x2] =	stream.linear.gather @!p0 [hbm4b:s15+s16], $0xFA0, $0x38;
	[tilespmem:$0x3E80] =	vst v63  }
0x27: {  	p0 =	sge.u32 s31, s7  }
.Ltmp2:
0x28: {  	_ = 	snop;
	(pc) =	sbr.rel @p0 .LBB2_5-.Ltmp2, $1  }
0x29: {  	_ =	sdelay $0x3  }
0x2a: {  	s14 =	sand.u32 $0x1, s12  }
0x2b: {  	_ =	swait.ge [sflag:s6], $0xFA0;
	p0 =	seq.s32 s14, $0x1;
	s14 =	simm.s32 $0xFA0  }
0x2c: {  	[sflag:s6] =	ssyncset.done $0x0;
	s14 =	simm.s32 @!p0 $0x0  }
0x2d: {  	[sflag:s6] =	ssyncadd.s32 $0xFFFFF060;
	(ifvalue) =	ssetifvalue $0x7FFFFFFF;
	v0 =	vld.msk [tilespmem:s14+$0x0 ss:$0x1], $0xffff;
	_ =	sdelay $0x4  }
0x2e: {  	s15 =	sadd.s32 $0x10, s14;
	vm1 =	vgt.s32 v0, $0x0  }
0x2f: {  	v2 =	vld.msk [tilespmem:s15+$0x0 ss:$0x1], $0xffff;
	v1 =	vnsel vm1, $0x0, v0  }
0x30: {  	v1 =	vmin.u32 v1, $0x270FF;
	_ =	sdelay $0x2  }
0x31: {  	s17 =	simm.s32 $0x20;
	s14 =	sadd.s32 $0x1F40, s14;
	s16 =	sadd.s32 $0x10, s15  }
0x32: {  	s15 =	sadd.s32 $0x10, s14;
	s18 =	smov.u32 s14;
	v0 =	vld.msk [tilespmem:s16+$0x0 ss:$0x1], $0xffff;
	vm1 =	vgt.s32 v2, $0x0;
	(ifvalue) =	ssetifvalue $0x7FFFFFFF  }
.LBB2_3:
0x33: {  	[tilespmem:s18], [sflag:$0x1] =	stream.indirect_vreg.gather [hbm4b:s2+s10], $0x1, v1, vm0, $0x4038;
	[tilespmem:$0x3E80] =	vst v63  }
0x34: {  	s17 =	sadd.s32 $0x10, s17  }
0x35: {  	v2 =	vnsel vm1, $0x0, v2;
	p0 =	slt.u32 s17, $0xF90  }
.Ltmp3:
0x36: {  	s18 =	smov.u32 s15;
	v1 =	vmin.u32 v2, $0x270FF;
	(pc) =	sbr.rel @p0 .LBB2_3-.Ltmp3, $3  }
0x37: {  	_ =	sdelay $0x1  }
0x38: {  	s16 =	sadd.s32 $0x10, s16  }
0x39: {  	vm1 =	vgt.s32 v0, $0x0;
	s15 =	sadd.s32 $0x10, s15;
	v2 =	vmov v0;
	(ifvalue) =	ssetifvalue $0x7FFFFFFF;
	v0 =	vld.msk [tilespmem:s16+$0x0 ss:$0x1], $0xffff  }
.Ltmp4:
0x3a: {  	_ = 	snop;
	(pc) =	sbr.rel .LBB2_4-.Ltmp4, $1  }
0x3b: {  	_ =	sdelay $0x3  }
.LBB2_6:
0x3c: {  	_ =	sfence.sel $0x180000  }
0x3d: {  	s2 =	simm.s32 $0x2;
	[bflag:$0x0] =	sbarrier.arrive $0xFFFF  }
0x3e: {  	s30 =	simm.s32 $0x3;
	[sflag:s2] =	ssyncpa.u1 $0x1  }
0x3f: {  	s31 =	simm.s32 $0x1;
	[sflag:s30] =	ssyncpa.u1 $0x1  }
0x40: {  	[sflag:s31] =	ssyncpa.u1 $0x1  }
0x41: {  	p0 =	sne.s32 s1, $0x0;
	_ =	strace $0x9000005F  }
0x42: {  	s0 =	sadd.s32 @!p0 $0x100000, s0;
	[bflag:$0x2] =	sbarrier.arrive $0xFFFF  }
0x43: {  	[sflag:s0] =	ssyncadd.tile.s32 @!p0 $0x1;
	_ =	shalt  }
.Lfunc_end2:
_tile_overlayer_lowered:
.L_overlay_start_2:
0x44: {  	(tag) =	ssettag $0x2  }
0x45: {  	s0 =	rddreg [dreg:$0x0];
	s2 =	stileid.u32  }
0x46: {  	s1 =	rddreg [dreg:$0x1];
	p0 =	sne.s32 s2, $0x0  }
0x47: {  	s3 =	rddreg [dreg:$0x2];
	[bflag:$0x3] =	sbarrier.arrive $0xFFFF;
	s2 =	simm.s32 @!p0 $0x1C01  }
0x48: {  	[timem:s3], [sflag:s2] =	dma.local @!p0 [hbm:s0], s1  }
0x49: {  	s0 =	simm.s32 @!p0 $0x1  }
0x4a: {  	_ =	swait.ge @!p0 [sflag:s0], s1  }
0x4b: {  	s1 =	ssub.s32 @!p0 $0x0, s1;
	[sflag:s0] =	ssyncset.done @!p0 $0x0  }
0x4c: {  	[sflag:s0] =	ssyncadd.s32 @!p0 s1  }
0x4d: {  	[bflag:$0x3] =	sbarrier.arrive $0xFFFF  }
0x4e: {  	_ =	shalt  }

// kernel: gather_offload_async_start
scs
__scs_entry_jumppad:
0x0: {  	(pc) =	sbr.rel $0x88, $3  }
0x1: {  	(tag) =	ssettag $0x0;
	lr =	simm.s32 $0x1  }
0x2: {  	[smem:$0x3F98] =	sst lr;
	_ =	strace $0xD0000000  }
0x3: {  	_ = 	snop  }
0x4: {  	_ = 	snop  }
0x5: {  	_ = 	snop  }
0x6: {  	_ = 	snop  }
0x7: {  	_ = 	snop  }
__scs_overlays_trampoline_lowered:
0x8: {  	[smem:$0x3FA7] =	sst s0  }
0x9: {  	[smem:$0x3FA8] =	sst s1  }
0xa: {  	[smem:$0x3FA9] =	sst s2  }
0xb: {  	[smem:$0x3FAA] =	sst s3  }
0xc: {  	[smem:$0x3FAB] =	sst s4  }
0xd: {  	[smem:$0x3FAC] =	sst s5  }
0xe: {  	[smem:$0x3FAD] =	sst s6  }
0xf: {  	[smem:$0x3FAE] =	sst s7  }
0x10: {  	[smem:$0x3FAF] =	sst s8  }
0x11: {  	[smem:$0x3FB0] =	sst s9;
	s0 =	simm.s32 @!p0 $0x0  }
0x12: {  	s1 =	sld [smem:$0x3F96];
	s0 =	simm.s32 @p0 $0x1  }
0x13: {  	[smem:$0x3FB1] =	sst s0;
	s0 =	simm.s32 @!p1 $0x0  }
0x14: {  	s2 =	sld [smem:$0x3F95];
	s0 =	simm.s32 @p1 $0x1  }
0x15: {  	[smem:$0x3FB2] =	sst s0;
	s0 =	simm.s32 @!p2 $0x0  }
0x16: {  	s3 =	sld [smem:$0x3FDB];
	s0 =	simm.s32 @p2 $0x1  }
0x17: {  	s4 =	simm.s32 $0x1BF5;
	[smem:$0x3FB4] =	sst s0  }
0x18: {  	s0 =	sld [smem:$0x3F97];
	_ =	swait.ge [sflag:s4], $0x0  }
0x19: {  	s7 =	sld [smem:$0x3F98]  }
0x1a: {  	s8 =	sadd.s32 $0xFFFFE003, lr  }
0x1b: {  	s9 =	sadd.s32 $0xFFFFFEF7, lr;
	s5 =	simm.s32 $0xFFFFFFFF;
	p2 =	slt.u32 s8, $0xFFFFF086  }
0x1c: {  	p1 =	slt.u32 s9, $0xF7A;
	s5 =	simm.s32 @!p2 $0x0  }
0x1d: {  	s5 =	simm.s32 @p1 $0x1;
	p0 =	seq.s32 s7, s2  }
0x1e: {  	s7 =	smul.u32 @!p0 $0xF7A, s2;
	p2 =	seq.s32 @!p0 s5, $0x0  }
0x1f: {  	s9 =	smul.u32 $0xF7A, s1;
	s8 =	simm.s32 @!p0 $0x1BF5;
	p2 =	por !p2, p0  }
0x20: {  	[sflag:s8] =	ssyncset.s32 @!p0 $0xFFFFF086;
	s6 =	sadd.s32 @!p0 s3, s7;
	s7 =	simm.s32 @!p0 $0x108  }
0x21: {  	s3 =	sadd.s32 s3, s9;
	s6 =	sadd.s32 @!p0 $0x88, s6;
	s7 =	simm.s32 @p2 $0x1082  }
0x22: {  	[simem:s7], [sflag:s8] =	dma.local @!p0 [hbm:s6], $0xF7A  }
0x23: {  	s9 =	sor.u32 $0xD0000000, s2;
	s6 =	simm.s32 $0x108;
	_ =	swait.ge @!p0 [sflag:s8], $0x0  }
0x24: {  	s3 =	sadd.s32 $0x88, s3;
	s6 =	simm.s32 @!p1 $0x1082;
	[sflag:s4] =	ssyncset.s32 $0xFFFFF086  }
0x25: {  	[simem:s6], [sflag:s4] =	dma.local [hbm:s3], $0xF7A  }
0x26: {  	[smem:$0x3F98] =	sst s1;
	(tag) =	ssettag s2;
	_ =	strace s9  }
0x27: {  	s1 =	sld [smem:$0x3FA8]  }
0x28: {  	s2 =	sld [smem:$0x3FA9]  }
0x29: {  	s4 =	sld [smem:$0x3FAB]  }
0x2a: {  	p0 =	seq.s32 s5, $0x0;
	s5 =	sld [smem:$0x3FAC]  }
0x2b: {  	s6 =	sld [smem:$0x3FAD]  }
0x2c: {  	s7 =	sld [smem:$0x3FAE]  }
0x2d: {  	s3 =	simm.s32 $0x108;
	s8 =	sld [smem:$0x3FAF]  }
0x2e: {  	s3 =	simm.s32 @!p0 $0x1082;
	s9 =	sld [smem:$0x3FB0]  }
0x2f: {  	lr =	sadd.s32 s0, s3;
	s0 =	sld [smem:$0x3FA7]  }
0x30: {  	s3 =	sld [smem:$0x3FAA]  }
0x31: {  	[smem:$0x3FB3] =	sst s10  }
0x32: {  	s10 =	sld [smem:$0x3FB1];
	_ =	sdelay $0x3  }
0x33: {  	p0 =	seq.s32 s10, $0x1;
	s10 =	sld [smem:$0x3FB3];
	_ =	sdelay $0x3  }
0x34: {  	[smem:$0x3FB3] =	sst s10  }
0x35: {  	s10 =	sld [smem:$0x3FB2];
	_ =	sdelay $0x3  }
0x36: {  	p1 =	seq.s32 s10, $0x1;
	s10 =	sld [smem:$0x3FB3];
	_ =	sdelay $0x3  }
0x37: {  	[smem:$0x3FB3] =	sst s10  }
0x38: {  	s10 =	sld [smem:$0x3FB4]  }
0x39: {  	_ = 	snop;
	(pc) =	sbr.ind lr, $3  }
0x3a: {  	_ = 	snop  }
0x3b: {  	_ = 	snop  }
0x3c: {  	p2 =	seq.s32 s10, $0x1;
	s10 =	sld [smem:$0x3FB3]  }
0x3d: {  	_ =	shalt  }
0x3e: {  	_ =	shalt  }
0x3f: {  	_ =	shalt  }
0x40: {  	_ =	shalt  }
0x41: {  	_ =	shalt  }
0x42: {  	_ =	shalt  }
0x43: {  	_ =	shalt  }
0x44: {  	_ =	shalt  }
0x45: {  	_ =	shalt  }
0x46: {  	_ =	shalt  }
0x47: {  	_ =	shalt  }
0x48: {  	_ =	shalt  }
0x49: {  	_ =	shalt  }
0x4a: {  	_ =	shalt  }
0x4b: {  	_ =	shalt  }
0x4c: {  	_ =	shalt  }
0x4d: {  	_ =	shalt  }
0x4e: {  	_ =	shalt  }
0x4f: {  	_ =	shalt  }
0x50: {  	_ =	shalt  }
0x51: {  	_ =	shalt  }
0x52: {  	_ =	shalt  }
0x53: {  	_ =	shalt  }
0x54: {  	_ =	shalt  }
0x55: {  	_ =	shalt  }
0x56: {  	_ =	shalt  }
0x57: {  	_ =	shalt  }
0x58: {  	_ =	shalt  }
0x59: {  	_ =	shalt  }
0x5a: {  	_ =	shalt  }
0x5b: {  	_ =	shalt  }
0x5c: {  	_ =	shalt  }
0x5d: {  	_ =	shalt  }
0x5e: {  	_ =	shalt  }
0x5f: {  	_ =	shalt  }
0x60: {  	_ =	shalt  }
0x61: {  	_ =	shalt  }
0x62: {  	_ =	shalt  }
0x63: {  	_ =	shalt  }
0x64: {  	_ =	shalt  }
0x65: {  	_ =	shalt  }
0x66: {  	_ =	shalt  }
0x67: {  	_ =	shalt  }
0x68: {  	_ =	shalt  }
0x69: {  	_ =	shalt  }
0x6a: {  	_ =	shalt  }
0x6b: {  	_ =	shalt  }
0x6c: {  	_ =	shalt  }
0x6d: {  	_ =	shalt  }
0x6e: {  	_ =	shalt  }
0x6f: {  	_ =	shalt  }
0x70: {  	_ =	shalt  }
0x71: {  	_ =	shalt  }
0x72: {  	_ =	shalt  }
0x73: {  	_ =	shalt  }
0x74: {  	_ =	shalt  }
0x75: {  	_ =	shalt  }
0x76: {  	_ =	shalt  }
0x77: {  	_ =	shalt  }
0x78: {  	_ =	shalt  }
0x79: {  	_ =	shalt  }
0x7a: {  	_ =	shalt  }
0x7b: {  	_ =	shalt  }
0x7c: {  	_ =	shalt  }
0x7d: {  	_ =	shalt  }
0x7e: {  	_ =	shalt  }
0x7f: {  	_ =	shalt  }
0x80: {  	_ =	shalt  }
0x81: {  	_ =	shalt  }
0x82: {  	_ =	shalt  }
0x83: {  	_ =	shalt  }
0x84: {  	_ =	shalt  }
0x85: {  	_ =	shalt  }
0x86: {  	_ =	shalt  }
0x87: {  	_ =	shalt  }
.Lfunc_end0:
.L_simem_size_0:
called_computation_lowered:
.L_overlay_start_0:
0x88: {  	s2 =	sld [smem:$0x3FD9]  }
0x89: {  	s3 =	sld [smem:$0x3FFE];
	_ =	sdelay $0x1  }
0x8a: {  	s1 =	srdreg.scid  }
0x8b: {  	s0 =	sand.u32 $0x1, s1  }
0x8c: {  	s16 =	sshll.u32 s0, $0xA;
	s2 =	sadd.s32 s3, s2  }
0x8d: {  	s2 =	sadd.s32 s2, s16  }
0x8e: {  	[smem:$0x3FBF] =	sst s2  }
0x8f: {  	_ = 	snop  }
0x90: {  	(tm) =	ssettm $0x1  }
0x91: {  	s17 =	sld [smem:$0x3FFB];
	_ =	sdelay $0x3  }
0x92: {  	_ =	strace s17  }
0x93: {  	s2 =	sld [smem:$0x3FFC];
	_ =	sdelay $0x3  }
0x94: {  	_ =	strace s2  }
0x95: {  	s2 =	sld [smem:$0x3FFD];
	_ =	sdelay $0x3  }
0x96: {  	_ =	strace s2  }
0x97: {  	_ =	strace $0x8FFFFFFF  }
0x98: {  	s18 =	sld [smem:$0x3FDB];
	_ =	sdelay $0x1  }
0x99: {  	s19 =	simm.s32 $_scs_section_size  }
0x9a: {  	s4 =	simm.s32 $_size__tile_overlayer_lowered;
	s5 =	simm.s32 $_tile_overlayer_lowered  }
0x9b: {  	s22 =	simm.s32 $0x1BFF;
	s21 =	sshll.u32 s5, $0x1;
	s2 =	sadd.s32 s19, s18  }
0x9c: {  	s6 =	simm.s32 $0x0;
	s20 =	sshll.u32 s4, $0x1;
	s4 =	sadd.s32 s21, s2  }
0x9d: {  	[timem:s6], [sflag:s22] =	dma.local [hbm:s4], s20  }
0x9e: {  	_ =	swait.ge [sflag:s22], s20  }
0x9f: {  	s3 =	ssub.s32 $0x0, s20;
	[sflag:s22] =	ssyncset.done $0x0  }
0xa0: {  	[sflag:s22] =	ssyncadd.s32 s3;
	_ =	sdelay $0x1  }
0xa1: {  	s23 =	simm.s32 $0x1B8B  }
0xa2: {  	_ =	swait.ge [sflag:s23], $0x1  }
0xa3: {  	[sflag:s23] =	ssyncset.done $0x0  }
0xa4: {  	s25 =	simm.s32 $0x1B8E;
	s24 =	sld [smem:$0x3FFE];
	[sflag:s23] =	ssyncadd.s32 $0xFFFFFFFF  }
0xa5: {  	s26 =	simm.s32 $execute0_lowered;
	[smem:$0x3FD2] =	sst s25  }
0xa6: {  	s4 =	sshll.u32 s26, $0x1;
	_ =	strace $0x8000005B;
	[dreg:$0x1] =	wrdreg $0xFFFFFFFF  }
0xa7: {  	s28 =	simm.s32 $_size_execute0_lowered;
	s2 =	sadd.s32 s2, s4;
	[dreg:$0x0] =	wrdreg $0x0  }
0xa8: {  	s4 =	sshll.u32 s28, $0x1;
	[dreg:$0x2] =	wrdreg s2  }
0xa9: {  	[dreg:$0x3] =	wrdreg s4  }
0xaa: {  	[dreg:$0x4] =	wrdreg $0xC0  }
0xab: {  	_ =	task [dreg:s6], $0x5FFFF  }
0xac: {  	[dreg:$0x1] =	wrdreg $0xFFFFFFFF  }
0xad: {  	[dreg:$0x0] =	wrdreg $0x60  }
0xae: {  	[dreg:$0x2] =	wrdreg s24  }
0xaf: {  	[dreg:$0x3] =	wrdreg $0x9  }
0xb0: {  	_ =	task.clear_ibuf [dreg:s6], $0x4FFFF;
	_ =	strace $0x9000005B  }
0xb1: {  	s29 =	simm.s32 $0x9;
	_ =	strace $0x8000005D  }
0xb2: {  	_ =	swait.ge [sflag:s29], $0x1  }
0xb3: {  	[sflag:s29] =	ssyncadd.s32 $0xFFFFFFFF  }
0xb4: {  	_ =	strace $0x9000005D  }
0xb5: {  	_ =	sfence  }
0xb6: {  	s30 =	sld [smem:$0x0];
	_ =	sdelay $0x2  }
0xb7: {  	s31 =	sshll.u32 s1, $0xD;
	s1 =	sshrl.u32 s1, $0x2  }
0xb8: {  	s3 =	sand.u32 $0x4000, s31;
	s1 =	sadd.s32 s1, s30  }
0xb9: {  	s0 =	sor.u32 s3, s0;
	s1 =	sshll.u32 s1, $0x11  }
0xba: {  	s0 =	sor.u32 s1, s0  }
0xbb: {  	s0 =	sadd.s32 $0x8F2B, s0  }
0xbc: {  	[sflag:s0] =	ssyncadd.remote.s32 $0x1  }
0xbd: {  	_ =	sfence.sel $0xFFFF  }
0xbe: {  	[dreg:$0x0] =	wrdreg $0xFFFFFFFF;
	(pc) =	sbr.abs _section_cstart, $3  }
0xbf: {  	[dreg:$0x1] =	wrdreg $0xFFFFFFFF  }
0xc0: {  	_ =	task.clear_ibuf [dreg:s6], $0x2FFFF;
	_ =	strace $0x9FFFFFFF  }
0xc1: {  	(tm) =	ssettm $0x7FFFFFFF  }
tec
execute0_lowered:
.L_overlay_start_1:
0x0: {  	(tag) =	ssettag $0x1  }
0x1: {  	s8 =	rddreg [dreg:$0x0]  }
0x2: {  	s0 =	rddreg [dreg:$0x1];
	_ =	strace $0x8000005C;
	s1 =	stileid.u32  }
0x3: {  	s3 =	srdreg.scid;
	s4 =	simm.s32 $0x1;
	s7 =	simm.s32 $0x1  }
0x4: {  	s9 =	simm.s32 $0x1;
	s10 =	simm.s32 $0x3;
	s13 =	simm.s32 $0x0  }
0x5: {  	s12 =	simm.s32 $0x0;
	s5 =	sand.u32 $0x1, s3;
	s6 =	sshll.u32 s1, $0x1  }
0x6: {  	s2 =	sadd.s32 $0x295000, s8;
	s3 =	sadd.s32 $0x29A000, s8;
	s5 =	sor.u32 s6, s5  }
.Ltmp0:
0x7: {  	[sflag:s4] =	ssyncpa.u1 $0x0;
	p0 =	slt.u32 s5, $0x9;
	(pc) =	sbr.rel .LBB2_1-.Ltmp0, $4  }
0x8: {  	s6 =	simm.s32 $0x2;
	s7 =	simm.s32 @!p0 $0x0;
	p0 =	sne.s32 s5, $0x8  }
0x9: {  	[sflag:s6] =	ssyncpa.u1 $0x0;
	s5 =	smul.u32 $0xFA0, s5;
	s9 =	simm.s32 @!p0 $0x0  }
0xa: {  	s8 =	sadd.s32 $0x29F000, s8;
	[sflag:s10] =	ssyncpa.u1 $0x0;
	s7 =	sadd.s32 s9, s7  }
0xb: {  	vm0 =	vmmov $0xffff;
	s10 =	simm.s32 $0x0;
	s11 =	smov.u32 s5;
	s9 =	sadd.s32 $0x1, s7  }
.LBB2_4:
0xc: {  	v2 =	vnsel vm1, $0x0, v2  }
0xd: {  	vm1 =	vgt.s32 v0, $0x0;
	v2 =	vmin.u32 v2, $0x270FF  }
0xe: {  	v0 =	vnsel vm1, $0x0, v0  }
0xf: {  	v0 =	vmin.u32 v0, $0x270FF  }
0x10: {  	[tilespmem:s18], [sflag:$0x1] =	stream.indirect_vreg.gather [hbm4b:s2+s10], $0x1, v1, vm0, $0x4038;
	[tilespmem:$0x3E80] =	vst v63  }
0x11: {  	(ifvalue) =	ssetifvalue $0x7FFFFFFF  }
0x12: {  	[tilespmem:s15], [sflag:$0x1] =	stream.indirect_vreg.gather [hbm4b:s2+s10], $0x1, v2, vm0, $0x4038;
	[tilespmem:$0x3E80] =	vst v63  }
0x13: {  	s29 =	sadd.s32 $0x10, s15;
	(ifvalue) =	ssetifvalue $0x7FFFFFFF  }
0x14: {  	[tilespmem:s29], [sflag:$0x1] =	stream.indirect_vreg.gather [hbm4b:s2+s10], $0x1, v0, vm0, $0x4038;
	[tilespmem:$0x3E80] =	vst v63  }
0x15: {  	_ =	swait.ge [sflag:s4], $0xFA0  }
0x16: {  	s30 =	sshrl.u32 s13, $0x3;
	[sflag:s4] =	ssyncset.done $0x0  }
0x17: {  	s31 =	sand.u32 $0x7, s13;
	s15 =	sadd.s32 s8, s30;
	[sflag:s4] =	ssyncadd.s32 $0xFFFFF060  }
0x18: {  	[hbm4b:s15+s31] =	stream.linear.scatter [tilespmem:s14], [sflag:$0x3], $0xFA0, $0x38;
	[tilespmem:$0x3E80] =	vst v63  }
.LBB2_5:
0x19: {  	s15 =	sadd.s32 $0x1F400, s11  }
0x1a: {  	p1 =	sgt.s32 s15, $0x270FF  }
0x1b: {  	s15 =	smov.u32 @p1 s5;
	p1 =	sne.s32 s12, s9  }
.Ltmp1:
0x1c: {  	p0 =	slt.u32 s12, $0x2;
	(pc) =	sbr.rel @!p1 .LBB2_6-.Ltmp1, $4  }
0x1d: {  	s14 =	simm.s32 @!p0 $0x3  }
0x1e: {  	_ =	swait.ge @!p0 [sflag:s14], $0xFA0  }
0x1f: {  	s16 =	sadd.s32 $0x1, s12;
	s13 =	smov.u32 s11;
	[sflag:s14] =	ssyncset.done @!p0 $0x0  }
0x20: {  	s12 =	smov.u32 s16;
	s11 =	smov.u32 s15;
	[sflag:s14] =	ssyncadd.s32 @!p0 $0xFFFFF060  }
.LBB2_1:
0x21: {  	p0 =	sge.u32 s12, s7  }
0x22: {  	s14 =	sxor.u32 @!p0 $0x1, s12  }
0x23: {  	s14 =	smul.u32 @!p0 $0x3E80, s14  }
0x24: {  	s31 =	sadd.s32 $0xFFFFFFFF, s12;
	s15 =	sshrl.u32 @!p0 s11, $0x3  }
0x25: {  	s16 =	sand.u32 @!p0 $0x7, s11;
	s15 =	sadd.s32 @!p0 s3, s15;
	s14 =	sshra.s32 @!p0 s14, $0x2  }
0x26: {  	[tilespmem:s14], [sflag:$0x2] =	stream.linear.gather @!p0 [hbm4b:s15+s16], $0xFA0, $0x38;
	[tilespmem:$0x3E80] =	vst v63  }
0x27: {  	p0 =	sge.u32 s31, s7  }
.Ltmp2:
0x28: {  	_ = 	snop;
	(pc) =	sbr.rel @p0 .LBB2_5-.Ltmp2, $1  }
0x29: {  	_ =	sdelay $0x3  }
0x2a: {  	s14 =	sand.u32 $0x1, s12  }
0x2b: {  	_ =	swait.ge [sflag:s6], $0xFA0;
	p0 =	seq.s32 s14, $0x1;
	s14 =	simm.s32 $0xFA0  }
0x2c: {  	[sflag:s6] =	ssyncset.done $0x0;
	s14 =	simm.s32 @!p0 $0x0  }
0x2d: {  	[sflag:s6] =	ssyncadd.s32 $0xFFFFF060;
	(ifvalue) =	ssetifvalue $0x7FFFFFFF;
	v0 =	vld.msk [tilespmem:s14+$0x0 ss:$0x1], $0xffff;
	_ =	sdelay $0x4  }
0x2e: {  	s15 =	sadd.s32 $0x10, s14;
	vm1 =	vgt.s32 v0, $0x0  }
0x2f: {  	v2 =	vld.msk [tilespmem:s15+$0x0 ss:$0x1], $0xffff;
	v1 =	vnsel vm1, $0x0, v0  }
0x30: {  	v1 =	vmin.u32 v1, $0x270FF;
	_ =	sdelay $0x2  }
0x31: {  	s17 =	simm.s32 $0x20;
	s14 =	sadd.s32 $0x1F40, s14;
	s16 =	sadd.s32 $0x10, s15  }
0x32: {  	s15 =	sadd.s32 $0x10, s14;
	s18 =	smov.u32 s14;
	v0 =	vld.msk [tilespmem:s16+$0x0 ss:$0x1], $0xffff;
	vm1 =	vgt.s32 v2, $0x0;
	(ifvalue) =	ssetifvalue $0x7FFFFFFF  }
.LBB2_3:
0x33: {  	[tilespmem:s18], [sflag:$0x1] =	stream.indirect_vreg.gather [hbm4b:s2+s10], $0x1, v1, vm0, $0x4038;
	[tilespmem:$0x3E80] =	vst v63  }
0x34: {  	s17 =	sadd.s32 $0x10, s17  }
0x35: {  	v2 =	vnsel vm1, $0x0, v2;
	p0 =	slt.u32 s17, $0xF90  }
.Ltmp3:
0x36: {  	s18 =	smov.u32 s15;
	v1 =	vmin.u32 v2, $0x270FF;
	(pc) =	sbr.rel @p0 .LBB2_3-.Ltmp3, $3  }
0x37: {  	_ =	sdelay $0x1  }
0x38: {  	s16 =	sadd.s32 $0x10, s16  }
0x39: {  	vm1 =	vgt.s32 v0, $0x0;
	s15 =	sadd.s32 $0x10, s15;
	v2 =	vmov v0;
	(ifvalue) =	ssetifvalue $0x7FFFFFFF;
	v0 =	vld.msk [tilespmem:s16+$0x0 ss:$0x1], $0xffff  }
.Ltmp4:
0x3a: {  	_ = 	snop;
	(pc) =	sbr.rel .LBB2_4-.Ltmp4, $1  }
0x3b: {  	_ =	sdelay $0x3  }
.LBB2_6:
0x3c: {  	_ =	sfence.sel $0x180000  }
0x3d: {  	s2 =	simm.s32 $0x2;
	[bflag:$0x0] =	sbarrier.arrive $0xFFFF  }
0x3e: {  	s30 =	simm.s32 $0x3;
	[sflag:s2] =	ssyncpa.u1 $0x1  }
0x3f: {  	s31 =	simm.s32 $0x1;
	[sflag:s30] =	ssyncpa.u1 $0x1  }
0x40: {  	[sflag:s31] =	ssyncpa.u1 $0x1  }
0x41: {  	p0 =	sne.s32 s1, $0x0;
	_ =	strace $0x9000005C  }
0x42: {  	s0 =	sadd.s32 @!p0 $0x100000, s0;
	[bflag:$0x2] =	sbarrier.arrive $0xFFFF  }
0x43: {  	[sflag:s0] =	ssyncadd.tile.s32 @!p0 $0x1;
	_ =	shalt  }
.Lfunc_end2:
_tile_overlayer_lowered:
.L_overlay_start_2:
0x44: {  	(tag) =	ssettag $0x2  }
0x45: {  	s0 =	rddreg [dreg:$0x0];
	s2 =	stileid.u32  }
0x46: {  	s1 =	rddreg [dreg:$0x1];
	p0 =	sne.s32 s2, $0x0  }
0x47: {  	s3 =	rddreg [dreg:$0x2];
	[bflag:$0x3] =	sbarrier.arrive $0xFFFF;
	s2 =	simm.s32 @!p0 $0x1C01  }
0x48: {  	[timem:s3], [sflag:s2] =	dma.local @!p0 [hbm:s0], s1  }
0x49: {  	s0 =	simm.s32 @!p0 $0x1  }
0x4a: {  	_ =	swait.ge @!p0 [sflag:s0], s1  }
0x4b: {  	s1 =	ssub.s32 @!p0 $0x0, s1;
	[sflag:s0] =	ssyncset.done @!p0 $0x0  }
0x4c: {  	[sflag:s0] =	ssyncadd.s32 @!p0 s1  }
0x4d: {  	[bflag:$0x3] =	sbarrier.arrive $0xFFFF  }
0x4e: {  	_ =	shalt  }

// kernel: kernel.14.cloned.1.call-start
scs
__scs_entry_jumppad:
0x0: {  	(pc) =	sbr.rel $0x88, $3  }
0x1: {  	(tag) =	ssettag $0x0;
	lr =	simm.s32 $0x1  }
0x2: {  	[smem:$0x3F98] =	sst lr;
	_ =	strace $0xD0000000  }
0x3: {  	_ = 	snop  }
0x4: {  	_ = 	snop  }
0x5: {  	_ = 	snop  }
0x6: {  	_ = 	snop  }
0x7: {  	_ = 	snop  }
__scs_overlays_trampoline_lowered:
0x8: {  	[smem:$0x3FA7] =	sst s0  }
0x9: {  	[smem:$0x3FA8] =	sst s1  }
0xa: {  	[smem:$0x3FA9] =	sst s2  }
0xb: {  	[smem:$0x3FAA] =	sst s3  }
0xc: {  	[smem:$0x3FAB] =	sst s4  }
0xd: {  	[smem:$0x3FAC] =	sst s5  }
0xe: {  	[smem:$0x3FAD] =	sst s6  }
0xf: {  	[smem:$0x3FAE] =	sst s7  }
0x10: {  	[smem:$0x3FAF] =	sst s8  }
0x11: {  	[smem:$0x3FB0] =	sst s9;
	s0 =	simm.s32 @!p0 $0x0  }
0x12: {  	s1 =	sld [smem:$0x3F96];
	s0 =	simm.s32 @p0 $0x1  }
0x13: {  	[smem:$0x3FB1] =	sst s0;
	s0 =	simm.s32 @!p1 $0x0  }
0x14: {  	s2 =	sld [smem:$0x3F95];
	s0 =	simm.s32 @p1 $0x1  }
0x15: {  	[smem:$0x3FB2] =	sst s0;
	s0 =	simm.s32 @!p2 $0x0  }
0x16: {  	s3 =	sld [smem:$0x3FDB];
	s0 =	simm.s32 @p2 $0x1  }
0x17: {  	s4 =	simm.s32 $0x1BF5;
	[smem:$0x3FB4] =	sst s0  }
0x18: {  	s0 =	sld [smem:$0x3F97];
	_ =	swait.ge [sflag:s4], $0x0  }
0x19: {  	s7 =	sld [smem:$0x3F98]  }
0x1a: {  	s8 =	sadd.s32 $0xFFFFE003, lr  }
0x1b: {  	s9 =	sadd.s32 $0xFFFFFEF7, lr;
	s5 =	simm.s32 $0xFFFFFFFF;
	p2 =	slt.u32 s8, $0xFFFFF086  }
0x1c: {  	p1 =	slt.u32 s9, $0xF7A;
	s5 =	simm.s32 @!p2 $0x0  }
0x1d: {  	s5 =	simm.s32 @p1 $0x1;
	p0 =	seq.s32 s7, s2  }
0x1e: {  	s7 =	smul.u32 @!p0 $0xF7A, s2;
	p2 =	seq.s32 @!p0 s5, $0x0  }
0x1f: {  	s9 =	smul.u32 $0xF7A, s1;
	s8 =	simm.s32 @!p0 $0x1BF5;
	p2 =	por !p2, p0  }
0x20: {  	[sflag:s8] =	ssyncset.s32 @!p0 $0xFFFFF086;
	s6 =	sadd.s32 @!p0 s3, s7;
	s7 =	simm.s32 @!p0 $0x108  }
0x21: {  	s3 =	sadd.s32 s3, s9;
	s6 =	sadd.s32 @!p0 $0x88, s6;
	s7 =	simm.s32 @p2 $0x1082  }
0x22: {  	[simem:s7], [sflag:s8] =	dma.local @!p0 [hbm:s6], $0xF7A  }
0x23: {  	s9 =	sor.u32 $0xD0000000, s2;
	s6 =	simm.s32 $0x108;
	_ =	swait.ge @!p0 [sflag:s8], $0x0  }
0x24: {  	s3 =	sadd.s32 $0x88, s3;
	s6 =	simm.s32 @!p1 $0x1082;
	[sflag:s4] =	ssyncset.s32 $0xFFFFF086  }
0x25: {  	[simem:s6], [sflag:s4] =	dma.local [hbm:s3], $0xF7A  }
0x26: {  	[smem:$0x3F98] =	sst s1;
	(tag) =	ssettag s2;
	_ =	strace s9  }
0x27: {  	s1 =	sld [smem:$0x3FA8]  }
0x28: {  	s2 =	sld [smem:$0x3FA9]  }
0x29: {  	s4 =	sld [smem:$0x3FAB]  }
0x2a: {  	p0 =	seq.s32 s5, $0x0;
	s5 =	sld [smem:$0x3FAC]  }
0x2b: {  	s6 =	sld [smem:$0x3FAD]  }
0x2c: {  	s7 =	sld [smem:$0x3FAE]  }
0x2d: {  	s3 =	simm.s32 $0x108;
	s8 =	sld [smem:$0x3FAF]  }
0x2e: {  	s3 =	simm.s32 @!p0 $0x1082;
	s9 =	sld [smem:$0x3FB0]  }
0x2f: {  	lr =	sadd.s32 s0, s3;
	s0 =	sld [smem:$0x3FA7]  }
0x30: {  	s3 =	sld [smem:$0x3FAA]  }
0x31: {  	[smem:$0x3FB3] =	sst s10  }
0x32: {  	s10 =	sld [smem:$0x3FB1];
	_ =	sdelay $0x3  }
0x33: {  	p0 =	seq.s32 s10, $0x1;
	s10 =	sld [smem:$0x3FB3];
	_ =	sdelay $0x3  }
0x34: {  	[smem:$0x3FB3] =	sst s10  }
0x35: {  	s10 =	sld [smem:$0x3FB2];
	_ =	sdelay $0x3  }
0x36: {  	p1 =	seq.s32 s10, $0x1;
	s10 =	sld [smem:$0x3FB3];
	_ =	sdelay $0x3  }
0x37: {  	[smem:$0x3FB3] =	sst s10  }
0x38: {  	s10 =	sld [smem:$0x3FB4]  }
0x39: {  	_ = 	snop;
	(pc) =	sbr.ind lr, $3  }
0x3a: {  	_ = 	snop  }
0x3b: {  	_ = 	snop  }
0x3c: {  	p2 =	seq.s32 s10, $0x1;
	s10 =	sld [smem:$0x3FB3]  }
0x3d: {  	_ =	shalt  }
0x3e: {  	_ =	shalt  }
0x3f: {  	_ =	shalt  }
0x40: {  	_ =	shalt  }
0x41: {  	_ =	shalt  }
0x42: {  	_ =	shalt  }
0x43: {  	_ =	shalt  }
0x44: {  	_ =	shalt  }
0x45: {  	_ =	shalt  }
0x46: {  	_ =	shalt  }
0x47: {  	_ =	shalt  }
0x48: {  	_ =	shalt  }
0x49: {  	_ =	shalt  }
0x4a: {  	_ =	shalt  }
0x4b: {  	_ =	shalt  }
0x4c: {  	_ =	shalt  }
0x4d: {  	_ =	shalt  }
0x4e: {  	_ =	shalt  }
0x4f: {  	_ =	shalt  }
0x50: {  	_ =	shalt  }
0x51: {  	_ =	shalt  }
0x52: {  	_ =	shalt  }
0x53: {  	_ =	shalt  }
0x54: {  	_ =	shalt  }
0x55: {  	_ =	shalt  }
0x56: {  	_ =	shalt  }
0x57: {  	_ =	shalt  }
0x58: {  	_ =	shalt  }
0x59: {  	_ =	shalt  }
0x5a: {  	_ =	shalt  }
0x5b: {  	_ =	shalt  }
0x5c: {  	_ =	shalt  }
0x5d: {  	_ =	shalt  }
0x5e: {  	_ =	shalt  }
0x5f: {  	_ =	shalt  }
0x60: {  	_ =	shalt  }
0x61: {  	_ =	shalt  }
0x62: {  	_ =	shalt  }
0x63: {  	_ =	shalt  }
0x64: {  	_ =	shalt  }
0x65: {  	_ =	shalt  }
0x66: {  	_ =	shalt  }
0x67: {  	_ =	shalt  }
0x68: {  	_ =	shalt  }
0x69: {  	_ =	shalt  }
0x6a: {  	_ =	shalt  }
0x6b: {  	_ =	shalt  }
0x6c: {  	_ =	shalt  }
0x6d: {  	_ =	shalt  }
0x6e: {  	_ =	shalt  }
0x6f: {  	_ =	shalt  }
0x70: {  	_ =	shalt  }
0x71: {  	_ =	shalt  }
0x72: {  	_ =	shalt  }
0x73: {  	_ =	shalt  }
0x74: {  	_ =	shalt  }
0x75: {  	_ =	shalt  }
0x76: {  	_ =	shalt  }
0x77: {  	_ =	shalt  }
0x78: {  	_ =	shalt  }
0x79: {  	_ =	shalt  }
0x7a: {  	_ =	shalt  }
0x7b: {  	_ =	shalt  }
0x7c: {  	_ =	shalt  }
0x7d: {  	_ =	shalt  }
0x7e: {  	_ =	shalt  }
0x7f: {  	_ =	shalt  }
0x80: {  	_ =	shalt  }
0x81: {  	_ =	shalt  }
0x82: {  	_ =	shalt  }
0x83: {  	_ =	shalt  }
0x84: {  	_ =	shalt  }
0x85: {  	_ =	shalt  }
0x86: {  	_ =	shalt  }
0x87: {  	_ =	shalt  }
.Lfunc_end0:
.L_simem_size_0:
called_computation.2_lowered:
.L_overlay_start_0:
0x88: {  	s2 =	sld [smem:$0x3FD9]  }
0x89: {  	s3 =	sld [smem:$0x3FFE];
	_ =	sdelay $0x1  }
0x8a: {  	s1 =	srdreg.scid  }
0x8b: {  	s0 =	sand.u32 $0x1, s1  }
0x8c: {  	s17 =	sshll.u32 s0, $0xA;
	s2 =	sadd.s32 s3, s2  }
0x8d: {  	s2 =	sadd.s32 s2, s17  }
0x8e: {  	[smem:$0x3FBF] =	sst s2  }
0x8f: {  	_ = 	snop  }
0x90: {  	s2 =	sld [smem:$0x3FD0];
	(tm) =	ssettm $0x1  }
0x91: {  	s18 =	sld [smem:$0x3FFB];
	_ =	sdelay $0x3  }
0x92: {  	_ =	strace s18  }
0x93: {  	s3 =	sld [smem:$0x3FFC];
	_ =	sdelay $0x3  }
0x94: {  	_ =	strace s3  }
0x95: {  	s3 =	sld [smem:$0x3FFD];
	_ =	sdelay $0x3  }
0x96: {  	_ =	strace s3  }
0x97: {  	_ =	strace $0x8FFFFFFF  }
0x98: {  	s19 =	sld [smem:$0x3FDB];
	_ =	sdelay $0x1  }
0x99: {  	s4 =	simm.s32 $_scs_section_size  }
0x9a: {  	s5 =	simm.s32 $_size__tile_overlayer_lowered;
	s6 =	simm.s32 $_tile_overlayer_lowered  }
0x9b: {  	s22 =	simm.s32 $0x1BFF;
	s21 =	sshll.u32 s6, $0x1;
	s3 =	sadd.s32 s4, s19  }
0x9c: {  	s7 =	simm.s32 $0x0;
	s20 =	sshll.u32 s5, $0x1;
	s5 =	sadd.s32 s21, s3  }
0x9d: {  	[timem:s7], [sflag:s22] =	dma.local [hbm:s5], s20  }
0x9e: {  	_ =	swait.ge [sflag:s22], s20  }
0x9f: {  	s4 =	ssub.s32 $0x0, s20;
	[sflag:s22] =	ssyncset.done $0x0  }
0xa0: {  	[sflag:s22] =	ssyncadd.s32 s4;
	_ =	sdelay $0x1  }
0xa1: {  	s23 =	simm.s32 $0x1B8B  }
0xa2: {  	_ =	swait.ge [sflag:s23], $0x1  }
0xa3: {  	[sflag:s23] =	ssyncset.done $0x0  }
0xa4: {  	s25 =	simm.s32 $0x1B8E;
	s24 =	sld [smem:$0x3FFE];
	[sflag:s23] =	ssyncadd.s32 $0xFFFFFFFF  }
0xa5: {  	s26 =	simm.s32 $execute0_lowered;
	[smem:$0x3FD2] =	sst s25  }
0xa6: {  	s5 =	sshll.u32 s26, $0x1;
	_ =	strace $0x80000046;
	[dreg:$0x1] =	wrdreg $0xFFFFFFFF  }
0xa7: {  	s28 =	simm.s32 $_size_execute0_lowered;
	s3 =	sadd.s32 s3, s5;
	[dreg:$0x0] =	wrdreg $0x0  }
0xa8: {  	s5 =	sshll.u32 s28, $0x1;
	[dreg:$0x2] =	wrdreg s3  }
0xa9: {  	[dreg:$0x3] =	wrdreg s5  }
0xaa: {  	[dreg:$0x4] =	wrdreg $0xC0  }
0xab: {  	_ =	task [dreg:s7], $0x5FFFF  }
0xac: {  	[dreg:$0x1] =	wrdreg $0xFFFFFFFF  }
0xad: {  	[dreg:$0x0] =	wrdreg $0x60  }
0xae: {  	[dreg:$0x2] =	wrdreg s24  }
0xaf: {  	[dreg:$0x3] =	wrdreg s2  }
0xb0: {  	[dreg:$0x4] =	wrdreg $0xA8000  }
0xb1: {  	[dreg:$0x5] =	wrdreg $0x9  }
0xb2: {  	_ =	task.clear_ibuf [dreg:s7], $0x6FFFF;
	_ =	strace $0x90000046  }
0xb3: {  	s29 =	simm.s32 $0x9;
	_ =	strace $0x80000048  }
0xb4: {  	_ =	swait.ge [sflag:s29], $0x1  }
0xb5: {  	[sflag:s29] =	ssyncadd.s32 $0xFFFFFFFF  }
0xb6: {  	_ =	strace $0x90000048  }
0xb7: {  	_ =	sfence  }
0xb8: {  	s30 =	sld [smem:$0x0];
	_ =	sdelay $0x2  }
0xb9: {  	s31 =	sshll.u32 s1, $0xD;
	s1 =	sshrl.u32 s1, $0x2  }
0xba: {  	s3 =	sand.u32 $0x4000, s31;
	s1 =	sadd.s32 s1, s30  }
0xbb: {  	s0 =	sor.u32 s3, s0;
	s1 =	sshll.u32 s1, $0x11  }
0xbc: {  	s0 =	sor.u32 s1, s0  }
0xbd: {  	s0 =	sadd.s32 $0x8F2B, s0  }
0xbe: {  	[sflag:s0] =	ssyncadd.remote.s32 $0x1  }
0xbf: {  	_ =	sfence.sel $0xFFFF  }
0xc0: {  	[dreg:$0x0] =	wrdreg $0xFFFFFFFF;
	(pc) =	sbr.abs _section_cstart, $3  }
0xc1: {  	[dreg:$0x1] =	wrdreg $0xFFFFFFFF  }
0xc2: {  	_ =	task.clear_ibuf [dreg:s7], $0x2FFFF;
	_ =	strace $0x9FFFFFFF  }
0xc3: {  	(tm) =	ssettm $0x7FFFFFFF  }
tec
execute0_lowered:
.L_overlay_start_1:
0x0: {  	(tag) =	ssettag $0x1  }
0x1: {  	s6 =	rddreg [dreg:$0x0]  }
0x2: {  	s5 =	rddreg [dreg:$0x1]  }
0x3: {  	s2 =	rddreg [dreg:$0x2]  }
0x4: {  	s0 =	rddreg [dreg:$0x3]  }
0x5: {  	s3 =	simm.s32 $0x0;
	s1 =	stileid.u32;
	s4 =	srdreg.scid  }
0x6: {  	s15 =	simm.s32 $0x2800;
	s16 =	simm.s32 $0x6800;
	s17 =	simm.s32 $0x1  }
0x7: {  	s18 =	simm.s32 $0x2;
	s19 =	simm.s32 $0x0;
	[smem:$0x7FF] =	sst s3  }
0x8: {  	s7 =	smul.u32 $0x13C00, s1;
	s8 =	sand.u32 $0x1, s4;
	s10 =	sshll.u32 s1, $0x1  }
0x9: {  	s4 =	sadd.s32 $0x4FC000, s6;
	s12 =	smul.u32 $0x4F000, s1;
	s31 =	sshll.u32 s1, $0x6  }
0xa: {  	_ =	strace $0x80000047;
	s9 =	smul.u32 $0x13C000, s8;
	s10 =	sor.u32 s8, s10  }
0xb: {  	s8 =	ssub.s32 $0x2, s8;
	s11 =	sshrl.u32 s7, $0x3;
	s28 =	smul.u32 $0x280, s10  }
0xc: {  	s29 =	sshrl.u32 s8, $0x1;
	s30 =	sshrl.u32 s12, $0x2;
	s12 =	sor.u32 $0x1C03, s31  }
0xd: {  	s7 =	sadd.s32 s7, s9;
	s11 =	sadd.s32 s11, s6;
	s10 =	ssub.s32 s8, s29  }
0xe: {  	s14 =	sadd.s32 s30, s2;
	s7 =	sshrl.u32 s7, $0x3;
	s5 =	sadd.s32 s5, s28  }
0xf: {  	s9 =	smax.u32 s10, $0x1;
	s10 =	simm.s32 $0x3;
	s13 =	sadd.s32 s7, s6  }
0x10: {  	s6 =	sadd.s32 s6, s28;
	s7 =	sadd.s32 $0x28B000, s11;
	s11 =	simm.s32 $0x1400  }
0x11: {  	s8 =	sadd.s32 $0x2B2800, s13;
	s13 =	sshrl.u32 s14, $0x3;
	s14 =	simm.s32 $0x80  }
.LBB2_1:
0x12: {  	[tilespmem:s3], [sflag:$0x3] =	stream.linear.gather [hbm4b:s5+s3], $0x1400, $0x38;
	[tilespmem:$0x1E400] =	vst v63  }
0x13: {  	_ =	swait.ge [sflag:s10], $0x1400  }
0x14: {  	[sflag:s10] =	ssyncset.done $0x0  }
0x15: {  	[sflag:s10] =	ssyncadd.s32 $0xFFFFEC00  }
0x16: {  	[tilespmem:s11], [sflag:$0x3] =	stream.linear.gather [hbm4b:s6+s3], $0x1400, $0x38;
	[tilespmem:$0x1E400] =	vst v63  }
0x17: {  	_ =	swait.ge [sflag:s10], $0x1400  }
0x18: {  	[sflag:s10] =	ssyncset.done $0x0  }
0x19: {  	[sflag:s10] =	ssyncadd.s32 $0xFFFFEC00  }
0x1a: {  	[spmem:s13], [sflag:s12] =	dma.local [hbm:s7], $0x2780  }
0x1b: {  	_ =	swait.ge [sflag:s10], $0x2780  }
0x1c: {  	[sflag:s10] =	ssyncset.done $0x0  }
0x1d: {  	[sflag:s10] =	ssyncadd.s32 $0xFFFFD880  }
0x1e: {  	s20 =	simm.s32 $0x0;
	[bflag:$0x0] =	sbarrier.arrive $0xFFFF  }
0x1f: {  	[tilespmem:s15], [sflag:$0x1] =	stream.indirect.gather [hbm4b:s4+s14], $0x80, s20, s14, $0xb8;
	[tilespmem:$0x1E400] =	vst v63  }
0x20: {  	s29 =	simm.s32 $0x80  }
0x21: {  	[tilespmem:s16], [sflag:$0x2] =	stream.indirect.gather [hbm4b:s4+s14], $0x80, s29, s14, $0xb8;
	[tilespmem:$0x1E400] =	vst v63  }
0x22: {  	_ =	swait.ge [sflag:s17], $0x4000  }
0x23: {  	[sflag:s17] =	ssyncset.done $0x0  }
0x24: {  	s30 =	simm.s32 $0x1400;
	[sflag:s17] =	ssyncadd.s32 $0xFFFFC000  }
0x25: {  	[spmem:s2] =	stream.indirect.scatter.add.f32 [tilespmem:s15], [sflag:$0x3], $0x80, s30, s14, $0xb8;
	[tilespmem:$0x1E400] =	vst v63  }
0x26: {  	_ =	swait.ge [sflag:s10], $0x4000  }
0x27: {  	[sflag:s10] =	ssyncset.done $0x0  }
0x28: {  	[sflag:s10] =	ssyncadd.s32 $0xFFFFC000  }
0x29: {  	_ =	swait.ge [sflag:s18], $0x4000  }
0x2a: {  	[sflag:s18] =	ssyncset.done $0x0  }
0x2b: {  	s31 =	simm.s32 $0x1480;
	[sflag:s18] =	ssyncadd.s32 $0xFFFFC000  }
0x2c: {  	[spmem:s2] =	stream.indirect.scatter.add.f32 [tilespmem:s16], [sflag:$0x3], $0x80, s31, s14, $0xb8;
	[tilespmem:$0x1E400] =	vst v63  }
0x2d: {  	_ =	swait.ge [sflag:s10], $0x4000  }
0x2e: {  	s21 =	simm.s32 $0x800;
	s20 =	simm.s32 $0x400;
	[sflag:s10] =	ssyncset.done $0x0  }
.LBB2_2:
0x2f: {  	s22 =	sshra.s32 s20, $0x2  }
0x30: {  	[sflag:s10] =	ssyncadd.s32 $0xFFFFC000;
	s20 =	smov.u32 s21;
	s23 =	sadd.s32 $0x400, s21  }
0x31: {  	[tilespmem:s15], [sflag:$0x1] =	stream.indirect.gather [hbm4b:s4+s14], $0x80, s22, s14, $0xb8;
	[tilespmem:$0x1E400] =	vst v63  }
0x32: {  	p0 =	sne.s32 s21, $0x4C00;
	s21 =	sadd.s32 $0x80, s22  }
0x33: {  	[tilespmem:s16], [sflag:$0x2] =	stream.indirect.gather [hbm4b:s4+s14], $0x80, s21, s14, $0xb8;
	[tilespmem:$0x1E400] =	vst v63  }
0x34: {  	_ =	swait.ge [sflag:s17], $0x4000  }
0x35: {  	[sflag:s17] =	ssyncset.done $0x0  }
0x36: {  	s21 =	sadd.s32 $0x1400, s22;
	[sflag:s17] =	ssyncadd.s32 $0xFFFFC000  }
0x37: {  	[spmem:s2] =	stream.indirect.scatter.add.f32 [tilespmem:s15], [sflag:$0x3], $0x80, s21, s14, $0xb8;
	[tilespmem:$0x1E400] =	vst v63  }
0x38: {  	_ =	swait.ge [sflag:s10], $0x4000  }
0x39: {  	[sflag:s10] =	ssyncset.done $0x0  }
0x3a: {  	[sflag:s10] =	ssyncadd.s32 $0xFFFFC000  }
0x3b: {  	_ =	swait.ge [sflag:s18], $0x4000  }
.Ltmp0:
0x3c: {  	[sflag:s18] =	ssyncset.done $0x0;
	(pc) =	sbr.rel @p0 .LBB2_2-.Ltmp0, $4  }
0x3d: {  	s21 =	sadd.s32 $0x1480, s22;
	[sflag:s18] =	ssyncadd.s32 $0xFFFFC000  }
0x3e: {  	[spmem:s2] =	stream.indirect.scatter.add.f32 [tilespmem:s16], [sflag:$0x3], $0x80, s21, s14, $0xb8;
	[tilespmem:$0x1E400] =	vst v63  }
0x3f: {  	_ =	swait.ge [sflag:s10], $0x4000  }
0x40: {  	s21 =	smov.u32 s23;
	[sflag:s10] =	ssyncset.done $0x0  }
0x41: {  	s20 =	sshra.s32 s20, $0x2;
	[sflag:s10] =	ssyncadd.s32 $0xFFFFC000  }
0x42: {  	[tilespmem:s15], [sflag:$0x1] =	stream.indirect.gather [hbm4b:s4+s14], $0x80, s20, s14, $0xb8;
	[tilespmem:$0x1E400] =	vst v63  }
0x43: {  	s21 =	sadd.s32 $0x80, s20  }
0x44: {  	[tilespmem:s16], [sflag:$0x2] =	stream.indirect.gather [hbm4b:s4+s14], $0x80, s21, s14, $0xb8;
	[tilespmem:$0x1E400] =	vst v63  }
0x45: {  	_ =	swait.ge [sflag:s17], $0x4000  }
0x46: {  	[sflag:s17] =	ssyncset.done $0x0  }
0x47: {  	s31 =	sadd.s32 $0x1400, s20;
	[sflag:s17] =	ssyncadd.s32 $0xFFFFC000  }
0x48: {  	[spmem:s2] =	stream.indirect.scatter.add.f32 [tilespmem:s15], [sflag:$0x3], $0x80, s31, s14, $0xb8;
	[tilespmem:$0x1E400] =	vst v63  }
0x49: {  	_ =	swait.ge [sflag:s10], $0x4000  }
0x4a: {  	[sflag:s10] =	ssyncset.done $0x0  }
0x4b: {  	[sflag:s10] =	ssyncadd.s32 $0xFFFFC000  }
0x4c: {  	_ =	swait.ge [sflag:s18], $0x4000  }
0x4d: {  	[sflag:s18] =	ssyncset.done $0x0  }
0x4e: {  	s20 =	sadd.s32 $0x1480, s20;
	[sflag:s18] =	ssyncadd.s32 $0xFFFFC000  }
0x4f: {  	[spmem:s2] =	stream.indirect.scatter.add.f32 [tilespmem:s16], [sflag:$0x3], $0x80, s20, s14, $0xb8;
	[tilespmem:$0x1E400] =	vst v63  }
0x50: {  	_ =	swait.ge [sflag:s10], $0x4000  }
0x51: {  	s19 =	sadd.s32 $0x1, s19;
	[sflag:s10] =	ssyncset.done $0x0  }
0x52: {  	p0 =	sne.s32 s19, s9;
	[sflag:s10] =	ssyncadd.s32 $0xFFFFC000  }
.Ltmp1:
0x53: {  	[bflag:$0x0] =	sbarrier.arrive $0xFFFF;
	(pc) =	sbr.rel @p0 .LBB2_1-.Ltmp1, $4  }
0x54: {  	[hbm:s8], [sflag:s12] =	dma.local [spmem:s13], $0x2780  }
0x55: {  	_ =	swait.ge [sflag:s10], $0x2780  }
0x56: {  	[sflag:s10] =	ssyncset.done $0x0  }
0x57: {  	[sflag:s10] =	ssyncadd.s32 $0xFFFFD880  }
0x58: {  	_ =	sfence.sel $0x180000  }
0x59: {  	[bflag:$0x0] =	sbarrier.arrive $0xFFFF  }
0x5a: {  	p0 =	sne.s32 s1, $0x0;
	_ =	strace $0x90000047  }
0x5b: {  	s0 =	sadd.s32 @!p0 $0x100000, s0;
	[bflag:$0x2] =	sbarrier.arrive $0xFFFF  }
0x5c: {  	[sflag:s0] =	ssyncadd.tile.s32 @!p0 $0x1;
	_ =	shalt  }
.Lfunc_end2:
_tile_overlayer_lowered:
.L_overlay_start_2:
0x5d: {  	(tag) =	ssettag $0x2  }
0x5e: {  	s0 =	rddreg [dreg:$0x0];
	s2 =	stileid.u32  }
0x5f: {  	s1 =	rddreg [dreg:$0x1];
	p0 =	sne.s32 s2, $0x0  }
0x60: {  	s3 =	rddreg [dreg:$0x2];
	[bflag:$0x3] =	sbarrier.arrive $0xFFFF;
	s2 =	simm.s32 @!p0 $0x1C03  }
0x61: {  	[timem:s3], [sflag:s2] =	dma.local @!p0 [hbm:s0], s1  }
0x62: {  	s0 =	simm.s32 @!p0 $0x3  }
0x63: {  	_ =	swait.ge @!p0 [sflag:s0], s1  }
0x64: {  	s1 =	ssub.s32 @!p0 $0x0, s1;
	[sflag:s0] =	ssyncset.done @!p0 $0x0  }
0x65: {  	[sflag:s0] =	ssyncadd.s32 @!p0 s1  }
0x66: {  	[bflag:$0x3] =	sbarrier.arrive $0xFFFF  }
0x67: {  	_ =	shalt  }

// kernel: kernel.17.cloned.1.call-start
scs
__scs_entry_jumppad:
0x0: {  	(pc) =	sbr.rel $0x88, $3  }
0x1: {  	(tag) =	ssettag $0x0;
	lr =	simm.s32 $0x1  }
0x2: {  	[smem:$0x3F98] =	sst lr;
	_ =	strace $0xD0000000  }
0x3: {  	_ = 	snop  }
0x4: {  	_ = 	snop  }
0x5: {  	_ = 	snop  }
0x6: {  	_ = 	snop  }
0x7: {  	_ = 	snop  }
__scs_overlays_trampoline_lowered:
0x8: {  	[smem:$0x3FA7] =	sst s0  }
0x9: {  	[smem:$0x3FA8] =	sst s1  }
0xa: {  	[smem:$0x3FA9] =	sst s2  }
0xb: {  	[smem:$0x3FAA] =	sst s3  }
0xc: {  	[smem:$0x3FAB] =	sst s4  }
0xd: {  	[smem:$0x3FAC] =	sst s5  }
0xe: {  	[smem:$0x3FAD] =	sst s6  }
0xf: {  	[smem:$0x3FAE] =	sst s7  }
0x10: {  	[smem:$0x3FAF] =	sst s8  }
0x11: {  	[smem:$0x3FB0] =	sst s9;
	s0 =	simm.s32 @!p0 $0x0  }
0x12: {  	s1 =	sld [smem:$0x3F96];
	s0 =	simm.s32 @p0 $0x1  }
0x13: {  	[smem:$0x3FB1] =	sst s0;
	s0 =	simm.s32 @!p1 $0x0  }
0x14: {  	s2 =	sld [smem:$0x3F95];
	s0 =	simm.s32 @p1 $0x1  }
0x15: {  	[smem:$0x3FB2] =	sst s0;
	s0 =	simm.s32 @!p2 $0x0  }
0x16: {  	s3 =	sld [smem:$0x3FDB];
	s0 =	simm.s32 @p2 $0x1  }
0x17: {  	s4 =	simm.s32 $0x1BF5;
	[smem:$0x3FB4] =	sst s0  }
0x18: {  	s0 =	sld [smem:$0x3F97];
	_ =	swait.ge [sflag:s4], $0x0  }
0x19: {  	s7 =	sld [smem:$0x3F98]  }
0x1a: {  	s8 =	sadd.s32 $0xFFFFE003, lr  }
0x1b: {  	s9 =	sadd.s32 $0xFFFFFEF7, lr;
	s5 =	simm.s32 $0xFFFFFFFF;
	p2 =	slt.u32 s8, $0xFFFFF086  }
0x1c: {  	p1 =	slt.u32 s9, $0xF7A;
	s5 =	simm.s32 @!p2 $0x0  }
0x1d: {  	s5 =	simm.s32 @p1 $0x1;
	p0 =	seq.s32 s7, s2  }
0x1e: {  	s7 =	smul.u32 @!p0 $0xF7A, s2;
	p2 =	seq.s32 @!p0 s5, $0x0  }
0x1f: {  	s9 =	smul.u32 $0xF7A, s1;
	s8 =	simm.s32 @!p0 $0x1BF5;
	p2 =	por !p2, p0  }
0x20: {  	[sflag:s8] =	ssyncset.s32 @!p0 $0xFFFFF086;
	s6 =	sadd.s32 @!p0 s3, s7;
	s7 =	simm.s32 @!p0 $0x108  }
0x21: {  	s3 =	sadd.s32 s3, s9;
	s6 =	sadd.s32 @!p0 $0x88, s6;
	s7 =	simm.s32 @p2 $0x1082  }
0x22: {  	[simem:s7], [sflag:s8] =	dma.local @!p0 [hbm:s6], $0xF7A  }
0x23: {  	s9 =	sor.u32 $0xD0000000, s2;
	s6 =	simm.s32 $0x108;
	_ =	swait.ge @!p0 [sflag:s8], $0x0  }
0x24: {  	s3 =	sadd.s32 $0x88, s3;
	s6 =	simm.s32 @!p1 $0x1082;
	[sflag:s4] =	ssyncset.s32 $0xFFFFF086  }
0x25: {  	[simem:s6], [sflag:s4] =	dma.local [hbm:s3], $0xF7A  }
0x26: {  	[smem:$0x3F98] =	sst s1;
	(tag) =	ssettag s2;
	_ =	strace s9  }
0x27: {  	s1 =	sld [smem:$0x3FA8]  }
0x28: {  	s2 =	sld [smem:$0x3FA9]  }
0x29: {  	s4 =	sld [smem:$0x3FAB]  }
0x2a: {  	p0 =	seq.s32 s5, $0x0;
	s5 =	sld [smem:$0x3FAC]  }
0x2b: {  	s6 =	sld [smem:$0x3FAD]  }
0x2c: {  	s7 =	sld [smem:$0x3FAE]  }
0x2d: {  	s3 =	simm.s32 $0x108;
	s8 =	sld [smem:$0x3FAF]  }
0x2e: {  	s3 =	simm.s32 @!p0 $0x1082;
	s9 =	sld [smem:$0x3FB0]  }
0x2f: {  	lr =	sadd.s32 s0, s3;
	s0 =	sld [smem:$0x3FA7]  }
0x30: {  	s3 =	sld [smem:$0x3FAA]  }
0x31: {  	[smem:$0x3FB3] =	sst s10  }
0x32: {  	s10 =	sld [smem:$0x3FB1];
	_ =	sdelay $0x3  }
0x33: {  	p0 =	seq.s32 s10, $0x1;
	s10 =	sld [smem:$0x3FB3];
	_ =	sdelay $0x3  }
0x34: {  	[smem:$0x3FB3] =	sst s10  }
0x35: {  	s10 =	sld [smem:$0x3FB2];
	_ =	sdelay $0x3  }
0x36: {  	p1 =	seq.s32 s10, $0x1;
	s10 =	sld [smem:$0x3FB3];
	_ =	sdelay $0x3  }
0x37: {  	[smem:$0x3FB3] =	sst s10  }
0x38: {  	s10 =	sld [smem:$0x3FB4]  }
0x39: {  	_ = 	snop;
	(pc) =	sbr.ind lr, $3  }
0x3a: {  	_ = 	snop  }
0x3b: {  	_ = 	snop  }
0x3c: {  	p2 =	seq.s32 s10, $0x1;
	s10 =	sld [smem:$0x3FB3]  }
0x3d: {  	_ =	shalt  }
0x3e: {  	_ =	shalt  }
0x3f: {  	_ =	shalt  }
0x40: {  	_ =	shalt  }
0x41: {  	_ =	shalt  }
0x42: {  	_ =	shalt  }
0x43: {  	_ =	shalt  }
0x44: {  	_ =	shalt  }
0x45: {  	_ =	shalt  }
0x46: {  	_ =	shalt  }
0x47: {  	_ =	shalt  }
0x48: {  	_ =	shalt  }
0x49: {  	_ =	shalt  }
0x4a: {  	_ =	shalt  }
0x4b: {  	_ =	shalt  }
0x4c: {  	_ =	shalt  }
0x4d: {  	_ =	shalt  }
0x4e: {  	_ =	shalt  }
0x4f: {  	_ =	shalt  }
0x50: {  	_ =	shalt  }
0x51: {  	_ =	shalt  }
0x52: {  	_ =	shalt  }
0x53: {  	_ =	shalt  }
0x54: {  	_ =	shalt  }
0x55: {  	_ =	shalt  }
0x56: {  	_ =	shalt  }
0x57: {  	_ =	shalt  }
0x58: {  	_ =	shalt  }
0x59: {  	_ =	shalt  }
0x5a: {  	_ =	shalt  }
0x5b: {  	_ =	shalt  }
0x5c: {  	_ =	shalt  }
0x5d: {  	_ =	shalt  }
0x5e: {  	_ =	shalt  }
0x5f: {  	_ =	shalt  }
0x60: {  	_ =	shalt  }
0x61: {  	_ =	shalt  }
0x62: {  	_ =	shalt  }
0x63: {  	_ =	shalt  }
0x64: {  	_ =	shalt  }
0x65: {  	_ =	shalt  }
0x66: {  	_ =	shalt  }
0x67: {  	_ =	shalt  }
0x68: {  	_ =	shalt  }
0x69: {  	_ =	shalt  }
0x6a: {  	_ =	shalt  }
0x6b: {  	_ =	shalt  }
0x6c: {  	_ =	shalt  }
0x6d: {  	_ =	shalt  }
0x6e: {  	_ =	shalt  }
0x6f: {  	_ =	shalt  }
0x70: {  	_ =	shalt  }
0x71: {  	_ =	shalt  }
0x72: {  	_ =	shalt  }
0x73: {  	_ =	shalt  }
0x74: {  	_ =	shalt  }
0x75: {  	_ =	shalt  }
0x76: {  	_ =	shalt  }
0x77: {  	_ =	shalt  }
0x78: {  	_ =	shalt  }
0x79: {  	_ =	shalt  }
0x7a: {  	_ =	shalt  }
0x7b: {  	_ =	shalt  }
0x7c: {  	_ =	shalt  }
0x7d: {  	_ =	shalt  }
0x7e: {  	_ =	shalt  }
0x7f: {  	_ =	shalt  }
0x80: {  	_ =	shalt  }
0x81: {  	_ =	shalt  }
0x82: {  	_ =	shalt  }
0x83: {  	_ =	shalt  }
0x84: {  	_ =	shalt  }
0x85: {  	_ =	shalt  }
0x86: {  	_ =	shalt  }
0x87: {  	_ =	shalt  }
.Lfunc_end0:
.L_simem_size_0:
called_computation.3_lowered:
.L_overlay_start_0:
0x88: {  	s2 =	sld [smem:$0x3FD9]  }
0x89: {  	s3 =	sld [smem:$0x3FFE];
	_ =	sdelay $0x1  }
0x8a: {  	s1 =	srdreg.scid  }
0x8b: {  	s0 =	sand.u32 $0x1, s1  }
0x8c: {  	s16 =	sshll.u32 s0, $0xA;
	s2 =	sadd.s32 s3, s2  }
0x8d: {  	s2 =	sadd.s32 s2, s16  }
0x8e: {  	[smem:$0x3FBF] =	sst s2  }
0x8f: {  	_ = 	snop  }
0x90: {  	(tm) =	ssettm $0x1  }
0x91: {  	s17 =	sld [smem:$0x3FFB];
	_ =	sdelay $0x3  }
0x92: {  	_ =	strace s17  }
0x93: {  	s2 =	sld [smem:$0x3FFC];
	_ =	sdelay $0x3  }
0x94: {  	_ =	strace s2  }
0x95: {  	s2 =	sld [smem:$0x3FFD];
	_ =	sdelay $0x3  }
0x96: {  	_ =	strace s2  }
0x97: {  	_ =	strace $0x8FFFFFFF  }
0x98: {  	s18 =	sld [smem:$0x3FDB];
	_ =	sdelay $0x1  }
0x99: {  	s19 =	simm.s32 $_scs_section_size  }
0x9a: {  	s4 =	simm.s32 $_size__tile_overlayer_lowered;
	s5 =	simm.s32 $_tile_overlayer_lowered  }
0x9b: {  	s22 =	simm.s32 $0x1BFF;
	s21 =	sshll.u32 s5, $0x1;
	s2 =	sadd.s32 s19, s18  }
0x9c: {  	s6 =	simm.s32 $0x0;
	s20 =	sshll.u32 s4, $0x1;
	s4 =	sadd.s32 s21, s2  }
0x9d: {  	[timem:s6], [sflag:s22] =	dma.local [hbm:s4], s20  }
0x9e: {  	_ =	swait.ge [sflag:s22], s20  }
0x9f: {  	s3 =	ssub.s32 $0x0, s20;
	[sflag:s22] =	ssyncset.done $0x0  }
0xa0: {  	[sflag:s22] =	ssyncadd.s32 s3;
	_ =	sdelay $0x1  }
0xa1: {  	s23 =	simm.s32 $0x1B8B  }
0xa2: {  	_ =	swait.ge [sflag:s23], $0x1  }
0xa3: {  	[sflag:s23] =	ssyncset.done $0x0  }
0xa4: {  	s25 =	simm.s32 $0x1B8E;
	s24 =	sld [smem:$0x3FFE];
	[sflag:s23] =	ssyncadd.s32 $0xFFFFFFFF  }
0xa5: {  	s26 =	simm.s32 $execute0_lowered;
	[smem:$0x3FD2] =	sst s25  }
0xa6: {  	s4 =	sshll.u32 s26, $0x1;
	_ =	strace $0x80000049;
	[dreg:$0x1] =	wrdreg $0xFFFFFFFF  }
0xa7: {  	s28 =	simm.s32 $_size_execute0_lowered;
	s2 =	sadd.s32 s2, s4;
	[dreg:$0x0] =	wrdreg $0x0  }
0xa8: {  	s4 =	sshll.u32 s28, $0x1;
	[dreg:$0x2] =	wrdreg s2  }
0xa9: {  	[dreg:$0x3] =	wrdreg s4  }
0xaa: {  	[dreg:$0x4] =	wrdreg $0xC0  }
0xab: {  	_ =	task [dreg:s6], $0x5FFFF  }
0xac: {  	[dreg:$0x1] =	wrdreg $0xFFFFFFFF  }
0xad: {  	[dreg:$0x0] =	wrdreg $0x60  }
0xae: {  	[dreg:$0x2] =	wrdreg s24  }
0xaf: {  	[dreg:$0x3] =	wrdreg $0xA8000  }
0xb0: {  	[dreg:$0x4] =	wrdreg $0x9  }
0xb1: {  	_ =	task.clear_ibuf [dreg:s6], $0x5FFFF;
	_ =	strace $0x90000049  }
0xb2: {  	s29 =	simm.s32 $0x9;
	_ =	strace $0x8000004B  }
0xb3: {  	_ =	swait.ge [sflag:s29], $0x1  }
0xb4: {  	[sflag:s29] =	ssyncadd.s32 $0xFFFFFFFF  }
0xb5: {  	_ =	strace $0x9000004B  }
0xb6: {  	_ =	sfence  }
0xb7: {  	s30 =	sld [smem:$0x0];
	_ =	sdelay $0x2  }
0xb8: {  	s31 =	sshll.u32 s1, $0xD;
	s1 =	sshrl.u32 s1, $0x2  }
0xb9: {  	s3 =	sand.u32 $0x4000, s31;
	s1 =	sadd.s32 s1, s30  }
0xba: {  	s0 =	sor.u32 s3, s0;
	s1 =	sshll.u32 s1, $0x11  }
0xbb: {  	s0 =	sor.u32 s1, s0  }
0xbc: {  	s0 =	sadd.s32 $0x8F2B, s0  }
0xbd: {  	[sflag:s0] =	ssyncadd.remote.s32 $0x1  }
0xbe: {  	_ =	sfence.sel $0xFFFF  }
0xbf: {  	[dreg:$0x0] =	wrdreg $0xFFFFFFFF;
	(pc) =	sbr.abs _section_cstart, $3  }
0xc0: {  	[dreg:$0x1] =	wrdreg $0xFFFFFFFF  }
0xc1: {  	_ =	task.clear_ibuf [dreg:s6], $0x2FFFF;
	_ =	strace $0x9FFFFFFF  }
0xc2: {  	(tm) =	ssettm $0x7FFFFFFF  }
0xc3: {  	_ =	shalt  }
tec
execute0_lowered:
.L_overlay_start_1:
0x0: {  	(tag) =	ssettag $0x1  }
0x1: {  	s5 =	rddreg [dreg:$0x0]  }
0x2: {  	s2 =	rddreg [dreg:$0x1]  }
0x3: {  	s0 =	rddreg [dreg:$0x2]  }
0x4: {  	s3 =	simm.s32 $0x0;
	s1 =	stileid.u32;
	s4 =	srdreg.scid  }
0x5: {  	s14 =	simm.s32 $0x80;
	s15 =	simm.s32 $0x2800;
	s16 =	simm.s32 $0x6800  }
0x6: {  	s17 =	simm.s32 $0x1;
	s18 =	simm.s32 $0x2;
	s19 =	simm.s32 $0x0  }
0x7: {  	[smem:$0x7FF] =	sst s3;
	s6 =	smul.u32 $0x13C00, s1;
	s7 =	sand.u32 $0x1, s4  }
0x8: {  	s9 =	sshll.u32 s1, $0x1;
	s4 =	sadd.s32 $0x5000, s5;
	s28 =	smul.u32 $0x4F000, s1  }
0x9: {  	s31 =	sshll.u32 s1, $0x6;
	_ =	strace $0x8000004A;
	s8 =	smul.u32 $0x13C000, s7  }
0xa: {  	s9 =	sor.u32 s7, s9;
	s7 =	ssub.s32 $0x2, s7;
	s10 =	sshrl.u32 s6, $0x3  }
0xb: {  	s26 =	smul.u32 $0x280, s9;
	s29 =	sshrl.u32 s7, $0x1;
	s30 =	sshrl.u32 s28, $0x2  }
0xc: {  	s10 =	sadd.s32 s10, s5;
	s6 =	sadd.s32 s6, s8;
	s12 =	ssub.s32 s7, s29  }
0xd: {  	s13 =	sadd.s32 s30, s2;
	s6 =	sshrl.u32 s6, $0x3;
	s7 =	sadd.s32 $0x28B000, s10  }
0xe: {  	s9 =	smax.u32 s12, $0x1;
	s10 =	simm.s32 $0x3;
	s12 =	sor.u32 $0x1C03, s31  }
0xf: {  	s13 =	sshrl.u32 s13, $0x3;
	s11 =	sadd.s32 s6, s5;
	s5 =	sadd.s32 s5, s26  }
0x10: {  	s6 =	sadd.s32 $0x301800, s5;
	s8 =	sadd.s32 $0x2C800, s11;
	s11 =	simm.s32 $0x1400  }
.LBB2_1:
0x11: {  	[tilespmem:s3], [sflag:$0x3] =	stream.linear.gather [hbm4b:s6+s3], $0x1400, $0x38;
	[tilespmem:$0x1E400] =	vst v63  }
0x12: {  	_ =	swait.ge [sflag:s10], $0x1400  }
0x13: {  	[sflag:s10] =	ssyncset.done $0x0  }
0x14: {  	[sflag:s10] =	ssyncadd.s32 $0xFFFFEC00  }
0x15: {  	[tilespmem:s11], [sflag:$0x3] =	stream.linear.gather [hbm4b:s5+s3], $0x1400, $0x38;
	[tilespmem:$0x1E400] =	vst v63  }
0x16: {  	_ =	swait.ge [sflag:s10], $0x1400  }
0x17: {  	[sflag:s10] =	ssyncset.done $0x0  }
0x18: {  	[sflag:s10] =	ssyncadd.s32 $0xFFFFEC00  }
0x19: {  	[spmem:s13], [sflag:s12] =	dma.local [hbm:s7], $0x2780  }
0x1a: {  	_ =	swait.ge [sflag:s10], $0x2780  }
0x1b: {  	[sflag:s10] =	ssyncset.done $0x0  }
0x1c: {  	[sflag:s10] =	ssyncadd.s32 $0xFFFFD880  }
0x1d: {  	s20 =	simm.s32 $0x0;
	[bflag:$0x0] =	sbarrier.arrive $0xFFFF  }
0x1e: {  	[tilespmem:s15], [sflag:$0x1] =	stream.indirect.gather [hbm4b:s4+s14], $0x80, s20, s14, $0xb8;
	[tilespmem:$0x1E400] =	vst v63  }
0x1f: {  	s29 =	simm.s32 $0x80  }
0x20: {  	[tilespmem:s16], [sflag:$0x2] =	stream.indirect.gather [hbm4b:s4+s14], $0x80, s29, s14, $0xb8;
	[tilespmem:$0x1E400] =	vst v63  }
0x21: {  	_ =	swait.ge [sflag:s17], $0x4000  }
0x22: {  	[sflag:s17] =	ssyncset.done $0x0  }
0x23: {  	s30 =	simm.s32 $0x1400;
	[sflag:s17] =	ssyncadd.s32 $0xFFFFC000  }
0x24: {  	[spmem:s2] =	stream.indirect.scatter.add.f32 [tilespmem:s15], [sflag:$0x3], $0x80, s30, s14, $0xb8;
	[tilespmem:$0x1E400] =	vst v63  }
0x25: {  	_ =	swait.ge [sflag:s10], $0x4000  }
0x26: {  	[sflag:s10] =	ssyncset.done $0x0  }
0x27: {  	[sflag:s10] =	ssyncadd.s32 $0xFFFFC000  }
0x28: {  	_ =	swait.ge [sflag:s18], $0x4000  }
0x29: {  	[sflag:s18] =	ssyncset.done $0x0  }
0x2a: {  	s31 =	simm.s32 $0x1480;
	[sflag:s18] =	ssyncadd.s32 $0xFFFFC000  }
0x2b: {  	[spmem:s2] =	stream.indirect.scatter.add.f32 [tilespmem:s16], [sflag:$0x3], $0x80, s31, s14, $0xb8;
	[tilespmem:$0x1E400] =	vst v63  }
0x2c: {  	_ =	swait.ge [sflag:s10], $0x4000  }
0x2d: {  	s21 =	simm.s32 $0x800;
	s20 =	simm.s32 $0x400;
	[sflag:s10] =	ssyncset.done $0x0  }
.LBB2_2:
0x2e: {  	s22 =	sshra.s32 s20, $0x2  }
0x2f: {  	[sflag:s10] =	ssyncadd.s32 $0xFFFFC000;
	s20 =	smov.u32 s21;
	s23 =	sadd.s32 $0x400, s21  }
0x30: {  	[tilespmem:s15], [sflag:$0x1] =	stream.indirect.gather [hbm4b:s4+s14], $0x80, s22, s14, $0xb8;
	[tilespmem:$0x1E400] =	vst v63  }
0x31: {  	p0 =	sne.s32 s21, $0x4C00;
	s21 =	sadd.s32 $0x80, s22  }
0x32: {  	[tilespmem:s16], [sflag:$0x2] =	stream.indirect.gather [hbm4b:s4+s14], $0x80, s21, s14, $0xb8;
	[tilespmem:$0x1E400] =	vst v63  }
0x33: {  	_ =	swait.ge [sflag:s17], $0x4000  }
0x34: {  	[sflag:s17] =	ssyncset.done $0x0  }
0x35: {  	s21 =	sadd.s32 $0x1400, s22;
	[sflag:s17] =	ssyncadd.s32 $0xFFFFC000  }
0x36: {  	[spmem:s2] =	stream.indirect.scatter.add.f32 [tilespmem:s15], [sflag:$0x3], $0x80, s21, s14, $0xb8;
	[tilespmem:$0x1E400] =	vst v63  }
0x37: {  	_ =	swait.ge [sflag:s10], $0x4000  }
0x38: {  	[sflag:s10] =	ssyncset.done $0x0  }
0x39: {  	[sflag:s10] =	ssyncadd.s32 $0xFFFFC000  }
0x3a: {  	_ =	swait.ge [sflag:s18], $0x4000  }
.Ltmp0:
0x3b: {  	[sflag:s18] =	ssyncset.done $0x0;
	(pc) =	sbr.rel @p0 .LBB2_2-.Ltmp0, $4  }
0x3c: {  	s21 =	sadd.s32 $0x1480, s22;
	[sflag:s18] =	ssyncadd.s32 $0xFFFFC000  }
0x3d: {  	[spmem:s2] =	stream.indirect.scatter.add.f32 [tilespmem:s16], [sflag:$0x3], $0x80, s21, s14, $0xb8;
	[tilespmem:$0x1E400] =	vst v63  }
0x3e: {  	_ =	swait.ge [sflag:s10], $0x4000  }
0x3f: {  	s21 =	smov.u32 s23;
	[sflag:s10] =	ssyncset.done $0x0  }
0x40: {  	s20 =	sshra.s32 s20, $0x2;
	[sflag:s10] =	ssyncadd.s32 $0xFFFFC000  }
0x41: {  	[tilespmem:s15], [sflag:$0x1] =	stream.indirect.gather [hbm4b:s4+s14], $0x80, s20, s14, $0xb8;
	[tilespmem:$0x1E400] =	vst v63  }
0x42: {  	s21 =	sadd.s32 $0x80, s20  }
0x43: {  	[tilespmem:s16], [sflag:$0x2] =	stream.indirect.gather [hbm4b:s4+s14], $0x80, s21, s14, $0xb8;
	[tilespmem:$0x1E400] =	vst v63  }
0x44: {  	_ =	swait.ge [sflag:s17], $0x4000  }
0x45: {  	[sflag:s17] =	ssyncset.done $0x0  }
0x46: {  	s31 =	sadd.s32 $0x1400, s20;
	[sflag:s17] =	ssyncadd.s32 $0xFFFFC000  }
0x47: {  	[spmem:s2] =	stream.indirect.scatter.add.f32 [tilespmem:s15], [sflag:$0x3], $0x80, s31, s14, $0xb8;
	[tilespmem:$0x1E400] =	vst v63  }
0x48: {  	_ =	swait.ge [sflag:s10], $0x4000  }
0x49: {  	[sflag:s10] =	ssyncset.done $0x0  }
0x4a: {  	[sflag:s10] =	ssyncadd.s32 $0xFFFFC000  }
0x4b: {  	_ =	swait.ge [sflag:s18], $0x4000  }
0x4c: {  	[sflag:s18] =	ssyncset.done $0x0  }
0x4d: {  	s20 =	sadd.s32 $0x1480, s20;
	[sflag:s18] =	ssyncadd.s32 $0xFFFFC000  }
0x4e: {  	[spmem:s2] =	stream.indirect.scatter.add.f32 [tilespmem:s16], [sflag:$0x3], $0x80, s20, s14, $0xb8;
	[tilespmem:$0x1E400] =	vst v63  }
0x4f: {  	_ =	swait.ge [sflag:s10], $0x4000  }
0x50: {  	s19 =	sadd.s32 $0x1, s19;
	[sflag:s10] =	ssyncset.done $0x0  }
0x51: {  	p0 =	sne.s32 s19, s9;
	[sflag:s10] =	ssyncadd.s32 $0xFFFFC000  }
.Ltmp1:
0x52: {  	[bflag:$0x0] =	sbarrier.arrive $0xFFFF;
	(pc) =	sbr.rel @p0 .LBB2_1-.Ltmp1, $4  }
0x53: {  	[hbm:s8], [sflag:s12] =	dma.local [spmem:s13], $0x2780  }
0x54: {  	_ =	swait.ge [sflag:s10], $0x2780  }
0x55: {  	[sflag:s10] =	ssyncset.done $0x0  }
0x56: {  	[sflag:s10] =	ssyncadd.s32 $0xFFFFD880  }
0x57: {  	_ =	sfence.sel $0x180000  }
0x58: {  	[bflag:$0x0] =	sbarrier.arrive $0xFFFF  }
0x59: {  	p0 =	sne.s32 s1, $0x0;
	_ =	strace $0x9000004A  }
0x5a: {  	s0 =	sadd.s32 @!p0 $0x100000, s0;
	[bflag:$0x2] =	sbarrier.arrive $0xFFFF  }
0x5b: {  	[sflag:s0] =	ssyncadd.tile.s32 @!p0 $0x1;
	_ =	shalt  }
.Lfunc_end2:
_tile_overlayer_lowered:
.L_overlay_start_2:
0x5c: {  	(tag) =	ssettag $0x2  }
0x5d: {  	s0 =	rddreg [dreg:$0x0];
	s2 =	stileid.u32  }
0x5e: {  	s1 =	rddreg [dreg:$0x1];
	p0 =	sne.s32 s2, $0x0  }
0x5f: {  	s3 =	rddreg [dreg:$0x2];
	[bflag:$0x3] =	sbarrier.arrive $0xFFFF;
	s2 =	simm.s32 @!p0 $0x1C03  }
0x60: {  	[timem:s3], [sflag:s2] =	dma.local @!p0 [hbm:s0], s1  }
0x61: {  	s0 =	simm.s32 @!p0 $0x3  }
0x62: {  	_ =	swait.ge @!p0 [sflag:s0], s1  }
0x63: {  	s1 =	ssub.s32 @!p0 $0x0, s1;
	[sflag:s0] =	ssyncset.done @!p0 $0x0  }
0x64: {  	[sflag:s0] =	ssyncadd.s32 @!p0 s1  }
0x65: {  	[bflag:$0x3] =	sbarrier.arrive $0xFFFF  }
0x66: {  	_ =	shalt  }

// kernel: kernel.20.cloned.1.call-start
scs
__scs_entry_jumppad:
0x0: {  	(pc) =	sbr.rel $0x88, $3  }
0x1: {  	(tag) =	ssettag $0x0;
	lr =	simm.s32 $0x1  }
0x2: {  	[smem:$0x3F98] =	sst lr;
	_ =	strace $0xD0000000  }
0x3: {  	_ = 	snop  }
0x4: {  	_ = 	snop  }
0x5: {  	_ = 	snop  }
0x6: {  	_ = 	snop  }
0x7: {  	_ = 	snop  }
__scs_overlays_trampoline_lowered:
0x8: {  	[smem:$0x3FA7] =	sst s0  }
0x9: {  	[smem:$0x3FA8] =	sst s1  }
0xa: {  	[smem:$0x3FA9] =	sst s2  }
0xb: {  	[smem:$0x3FAA] =	sst s3  }
0xc: {  	[smem:$0x3FAB] =	sst s4  }
0xd: {  	[smem:$0x3FAC] =	sst s5  }
0xe: {  	[smem:$0x3FAD] =	sst s6  }
0xf: {  	[smem:$0x3FAE] =	sst s7  }
0x10: {  	[smem:$0x3FAF] =	sst s8  }
0x11: {  	[smem:$0x3FB0] =	sst s9;
	s0 =	simm.s32 @!p0 $0x0  }
0x12: {  	s1 =	sld [smem:$0x3F96];
	s0 =	simm.s32 @p0 $0x1  }
0x13: {  	[smem:$0x3FB1] =	sst s0;
	s0 =	simm.s32 @!p1 $0x0  }
0x14: {  	s2 =	sld [smem:$0x3F95];
	s0 =	simm.s32 @p1 $0x1  }
0x15: {  	[smem:$0x3FB2] =	sst s0;
	s0 =	simm.s32 @!p2 $0x0  }
0x16: {  	s3 =	sld [smem:$0x3FDB];
	s0 =	simm.s32 @p2 $0x1  }
0x17: {  	s4 =	simm.s32 $0x1BF5;
	[smem:$0x3FB4] =	sst s0  }
0x18: {  	s0 =	sld [smem:$0x3F97];
	_ =	swait.ge [sflag:s4], $0x0  }
0x19: {  	s7 =	sld [smem:$0x3F98]  }
0x1a: {  	s8 =	sadd.s32 $0xFFFFE003, lr  }
0x1b: {  	s9 =	sadd.s32 $0xFFFFFEF7, lr;
	s5 =	simm.s32 $0xFFFFFFFF;
	p2 =	slt.u32 s8, $0xFFFFF086  }
0x1c: {  	p1 =	slt.u32 s9, $0xF7A;
	s5 =	simm.s32 @!p2 $0x0  }
0x1d: {  	s5 =	simm.s32 @p1 $0x1;
	p0 =	seq.s32 s7, s2  }
0x1e: {  	s7 =	smul.u32 @!p0 $0xF7A, s2;
	p2 =	seq.s32 @!p0 s5, $0x0  }
0x1f: {  	s9 =	smul.u32 $0xF7A, s1;
	s8 =	simm.s32 @!p0 $0x1BF5;
	p2 =	por !p2, p0  }
0x20: {  	[sflag:s8] =	ssyncset.s32 @!p0 $0xFFFFF086;
	s6 =	sadd.s32 @!p0 s3, s7;
	s7 =	simm.s32 @!p0 $0x108  }
0x21: {  	s3 =	sadd.s32 s3, s9;
	s6 =	sadd.s32 @!p0 $0x88, s6;
	s7 =	simm.s32 @p2 $0x1082  }
0x22: {  	[simem:s7], [sflag:s8] =	dma.local @!p0 [hbm:s6], $0xF7A  }
0x23: {  	s9 =	sor.u32 $0xD0000000, s2;
	s6 =	simm.s32 $0x108;
	_ =	swait.ge @!p0 [sflag:s8], $0x0  }
0x24: {  	s3 =	sadd.s32 $0x88, s3;
	s6 =	simm.s32 @!p1 $0x1082;
	[sflag:s4] =	ssyncset.s32 $0xFFFFF086  }
0x25: {  	[simem:s6], [sflag:s4] =	dma.local [hbm:s3], $0xF7A  }
0x26: {  	[smem:$0x3F98] =	sst s1;
	(tag) =	ssettag s2;
	_ =	strace s9  }
0x27: {  	s1 =	sld [smem:$0x3FA8]  }
0x28: {  	s2 =	sld [smem:$0x3FA9]  }
0x29: {  	s4 =	sld [smem:$0x3FAB]  }
0x2a: {  	p0 =	seq.s32 s5, $0x0;
	s5 =	sld [smem:$0x3FAC]  }
0x2b: {  	s6 =	sld [smem:$0x3FAD]  }
0x2c: {  	s7 =	sld [smem:$0x3FAE]  }
0x2d: {  	s3 =	simm.s32 $0x108;
	s8 =	sld [smem:$0x3FAF]  }
0x2e: {  	s3 =	simm.s32 @!p0 $0x1082;
	s9 =	sld [smem:$0x3FB0]  }
0x2f: {  	lr =	sadd.s32 s0, s3;
	s0 =	sld [smem:$0x3FA7]  }
0x30: {  	s3 =	sld [smem:$0x3FAA]  }
0x31: {  	[smem:$0x3FB3] =	sst s10  }
0x32: {  	s10 =	sld [smem:$0x3FB1];
	_ =	sdelay $0x3  }
0x33: {  	p0 =	seq.s32 s10, $0x1;
	s10 =	sld [smem:$0x3FB3];
	_ =	sdelay $0x3  }
0x34: {  	[smem:$0x3FB3] =	sst s10  }
0x35: {  	s10 =	sld [smem:$0x3FB2];
	_ =	sdelay $0x3  }
0x36: {  	p1 =	seq.s32 s10, $0x1;
	s10 =	sld [smem:$0x3FB3];
	_ =	sdelay $0x3  }
0x37: {  	[smem:$0x3FB3] =	sst s10  }
0x38: {  	s10 =	sld [smem:$0x3FB4]  }
0x39: {  	_ = 	snop;
	(pc) =	sbr.ind lr, $3  }
0x3a: {  	_ = 	snop  }
0x3b: {  	_ = 	snop  }
0x3c: {  	p2 =	seq.s32 s10, $0x1;
	s10 =	sld [smem:$0x3FB3]  }
0x3d: {  	_ =	shalt  }
0x3e: {  	_ =	shalt  }
0x3f: {  	_ =	shalt  }
0x40: {  	_ =	shalt  }
0x41: {  	_ =	shalt  }
0x42: {  	_ =	shalt  }
0x43: {  	_ =	shalt  }
0x44: {  	_ =	shalt  }
0x45: {  	_ =	shalt  }
0x46: {  	_ =	shalt  }
0x47: {  	_ =	shalt  }
0x48: {  	_ =	shalt  }
0x49: {  	_ =	shalt  }
0x4a: {  	_ =	shalt  }
0x4b: {  	_ =	shalt  }
0x4c: {  	_ =	shalt  }
0x4d: {  	_ =	shalt  }
0x4e: {  	_ =	shalt  }
0x4f: {  	_ =	shalt  }
0x50: {  	_ =	shalt  }
0x51: {  	_ =	shalt  }
0x52: {  	_ =	shalt  }
0x53: {  	_ =	shalt  }
0x54: {  	_ =	shalt  }
0x55: {  	_ =	shalt  }
0x56: {  	_ =	shalt  }
0x57: {  	_ =	shalt  }
0x58: {  	_ =	shalt  }
0x59: {  	_ =	shalt  }
0x5a: {  	_ =	shalt  }
0x5b: {  	_ =	shalt  }
0x5c: {  	_ =	shalt  }
0x5d: {  	_ =	shalt  }
0x5e: {  	_ =	shalt  }
0x5f: {  	_ =	shalt  }
0x60: {  	_ =	shalt  }
0x61: {  	_ =	shalt  }
0x62: {  	_ =	shalt  }
0x63: {  	_ =	shalt  }
0x64: {  	_ =	shalt  }
0x65: {  	_ =	shalt  }
0x66: {  	_ =	shalt  }
0x67: {  	_ =	shalt  }
0x68: {  	_ =	shalt  }
0x69: {  	_ =	shalt  }
0x6a: {  	_ =	shalt  }
0x6b: {  	_ =	shalt  }
0x6c: {  	_ =	shalt  }
0x6d: {  	_ =	shalt  }
0x6e: {  	_ =	shalt  }
0x6f: {  	_ =	shalt  }
0x70: {  	_ =	shalt  }
0x71: {  	_ =	shalt  }
0x72: {  	_ =	shalt  }
0x73: {  	_ =	shalt  }
0x74: {  	_ =	shalt  }
0x75: {  	_ =	shalt  }
0x76: {  	_ =	shalt  }
0x77: {  	_ =	shalt  }
0x78: {  	_ =	shalt  }
0x79: {  	_ =	shalt  }
0x7a: {  	_ =	shalt  }
0x7b: {  	_ =	shalt  }
0x7c: {  	_ =	shalt  }
0x7d: {  	_ =	shalt  }
0x7e: {  	_ =	shalt  }
0x7f: {  	_ =	shalt  }
0x80: {  	_ =	shalt  }
0x81: {  	_ =	shalt  }
0x82: {  	_ =	shalt  }
0x83: {  	_ =	shalt  }
0x84: {  	_ =	shalt  }
0x85: {  	_ =	shalt  }
0x86: {  	_ =	shalt  }
0x87: {  	_ =	shalt  }
.Lfunc_end0:
.L_simem_size_0:
called_computation.4_lowered:
.L_overlay_start_0:
0x88: {  	s2 =	sld [smem:$0x3FD9]  }
0x89: {  	s3 =	sld [smem:$0x3FFE];
	_ =	sdelay $0x1  }
0x8a: {  	s1 =	srdreg.scid  }
0x8b: {  	s0 =	sand.u32 $0x1, s1  }
0x8c: {  	s16 =	sshll.u32 s0, $0xA;
	s2 =	sadd.s32 s3, s2  }
0x8d: {  	s2 =	sadd.s32 s2, s16  }
0x8e: {  	[smem:$0x3FBF] =	sst s2  }
0x8f: {  	_ = 	snop  }
0x90: {  	(tm) =	ssettm $0x1  }
0x91: {  	s17 =	sld [smem:$0x3FFB];
	_ =	sdelay $0x3  }
0x92: {  	_ =	strace s17  }
0x93: {  	s2 =	sld [smem:$0x3FFC];
	_ =	sdelay $0x3  }
0x94: {  	_ =	strace s2  }
0x95: {  	s2 =	sld [smem:$0x3FFD];
	_ =	sdelay $0x3  }
0x96: {  	_ =	strace s2  }
0x97: {  	_ =	strace $0x8FFFFFFF  }
0x98: {  	s18 =	sld [smem:$0x3FDB];
	_ =	sdelay $0x1  }
0x99: {  	s19 =	simm.s32 $_scs_section_size  }
0x9a: {  	s4 =	simm.s32 $_size__tile_overlayer_lowered;
	s5 =	simm.s32 $_tile_overlayer_lowered  }
0x9b: {  	s22 =	simm.s32 $0x1BFF;
	s21 =	sshll.u32 s5, $0x1;
	s2 =	sadd.s32 s19, s18  }
0x9c: {  	s6 =	simm.s32 $0x0;
	s20 =	sshll.u32 s4, $0x1;
	s4 =	sadd.s32 s21, s2  }
0x9d: {  	[timem:s6], [sflag:s22] =	dma.local [hbm:s4], s20  }
0x9e: {  	_ =	swait.ge [sflag:s22], s20  }
0x9f: {  	s3 =	ssub.s32 $0x0, s20;
	[sflag:s22] =	ssyncset.done $0x0  }
0xa0: {  	[sflag:s22] =	ssyncadd.s32 s3;
	_ =	sdelay $0x1  }
0xa1: {  	s23 =	simm.s32 $0x1B8B  }
0xa2: {  	_ =	swait.ge [sflag:s23], $0x1  }
0xa3: {  	[sflag:s23] =	ssyncset.done $0x0  }
0xa4: {  	s25 =	simm.s32 $0x1B8E;
	s24 =	sld [smem:$0x3FFE];
	[sflag:s23] =	ssyncadd.s32 $0xFFFFFFFF  }
0xa5: {  	s26 =	simm.s32 $execute0_lowered;
	[smem:$0x3FD2] =	sst s25  }
0xa6: {  	s4 =	sshll.u32 s26, $0x1;
	_ =	strace $0x8000004C;
	[dreg:$0x1] =	wrdreg $0xFFFFFFFF  }
0xa7: {  	s28 =	simm.s32 $_size_execute0_lowered;
	s2 =	sadd.s32 s2, s4;
	[dreg:$0x0] =	wrdreg $0x0  }
0xa8: {  	s4 =	sshll.u32 s28, $0x1;
	[dreg:$0x2] =	wrdreg s2  }
0xa9: {  	[dreg:$0x3] =	wrdreg s4  }
0xaa: {  	[dreg:$0x4] =	wrdreg $0xC0  }
0xab: {  	_ =	task [dreg:s6], $0x5FFFF  }
0xac: {  	[dreg:$0x1] =	wrdreg $0xFFFFFFFF  }
0xad: {  	[dreg:$0x0] =	wrdreg $0x60  }
0xae: {  	[dreg:$0x2] =	wrdreg s24  }
0xaf: {  	[dreg:$0x3] =	wrdreg $0xA8000  }
0xb0: {  	[dreg:$0x4] =	wrdreg $0x9  }
0xb1: {  	_ =	task.clear_ibuf [dreg:s6], $0x5FFFF;
	_ =	strace $0x9000004C  }
0xb2: {  	s29 =	simm.s32 $0x9;
	_ =	strace $0x8000004E  }
0xb3: {  	_ =	swait.ge [sflag:s29], $0x1  }
0xb4: {  	[sflag:s29] =	ssyncadd.s32 $0xFFFFFFFF  }
0xb5: {  	_ =	strace $0x9000004E  }
0xb6: {  	_ =	sfence  }
0xb7: {  	s30 =	sld [smem:$0x0];
	_ =	sdelay $0x2  }
0xb8: {  	s31 =	sshll.u32 s1, $0xD;
	s1 =	sshrl.u32 s1, $0x2  }
0xb9: {  	s3 =	sand.u32 $0x4000, s31;
	s1 =	sadd.s32 s1, s30  }
0xba: {  	s0 =	sor.u32 s3, s0;
	s1 =	sshll.u32 s1, $0x11  }
0xbb: {  	s0 =	sor.u32 s1, s0  }
0xbc: {  	s0 =	sadd.s32 $0x8F2B, s0  }
0xbd: {  	[sflag:s0] =	ssyncadd.remote.s32 $0x1  }
0xbe: {  	_ =	sfence.sel $0xFFFF  }
0xbf: {  	[dreg:$0x0] =	wrdreg $0xFFFFFFFF;
	(pc) =	sbr.abs _section_cstart, $3  }
0xc0: {  	[dreg:$0x1] =	wrdreg $0xFFFFFFFF  }
0xc1: {  	_ =	task.clear_ibuf [dreg:s6], $0x2FFFF;
	_ =	strace $0x9FFFFFFF  }
0xc2: {  	(tm) =	ssettm $0x7FFFFFFF  }
0xc3: {  	_ =	shalt  }
tec
execute0_lowered:
.L_overlay_start_1:
0x0: {  	(tag) =	ssettag $0x1  }
0x1: {  	s5 =	rddreg [dreg:$0x0]  }
0x2: {  	s2 =	rddreg [dreg:$0x1]  }
0x3: {  	s0 =	rddreg [dreg:$0x2]  }
0x4: {  	s3 =	simm.s32 $0x0;
	s1 =	stileid.u32;
	s4 =	srdreg.scid  }
0x5: {  	s14 =	simm.s32 $0x80;
	s15 =	simm.s32 $0x2800;
	s16 =	simm.s32 $0x6800  }
0x6: {  	s17 =	simm.s32 $0x1;
	s18 =	simm.s32 $0x2;
	s19 =	simm.s32 $0x0  }
0x7: {  	[smem:$0x7FF] =	sst s3;
	s6 =	smul.u32 $0x13C00, s1;
	s7 =	sand.u32 $0x1, s4  }
0x8: {  	s9 =	sshll.u32 s1, $0x1;
	s4 =	sadd.s32 $0x5000, s5;
	s28 =	smul.u32 $0x4F000, s1  }
0x9: {  	s31 =	sshll.u32 s1, $0x6;
	_ =	strace $0x8000004D;
	s8 =	smul.u32 $0x13C000, s7  }
0xa: {  	s9 =	sor.u32 s7, s9;
	s7 =	ssub.s32 $0x2, s7;
	s10 =	sshrl.u32 s6, $0x3  }
0xb: {  	s26 =	smul.u32 $0x280, s9;
	s29 =	sshrl.u32 s7, $0x1;
	s30 =	sshrl.u32 s28, $0x2  }
0xc: {  	s10 =	sadd.s32 s10, s5;
	s6 =	sadd.s32 s6, s8;
	s12 =	ssub.s32 s7, s29  }
0xd: {  	s13 =	sadd.s32 s30, s2;
	s6 =	sshrl.u32 s6, $0x3;
	s7 =	sadd.s32 $0x28B000, s10  }
0xe: {  	s9 =	smax.u32 s12, $0x1;
	s10 =	simm.s32 $0x3;
	s12 =	sor.u32 $0x1C03, s31  }
0xf: {  	s13 =	sshrl.u32 s13, $0x3;
	s11 =	sadd.s32 s6, s5;
	s5 =	sadd.s32 s5, s26  }
0x10: {  	s6 =	sadd.s32 $0x301800, s5;
	s8 =	sadd.s32 $0x2C800, s11;
	s11 =	simm.s32 $0x1400  }
.LBB2_1:
0x11: {  	[tilespmem:s3], [sflag:$0x3] =	stream.linear.gather [hbm4b:s6+s3], $0x1400, $0x38;
	[tilespmem:$0x1E400] =	vst v63  }
0x12: {  	_ =	swait.ge [sflag:s10], $0x1400  }
0x13: {  	[sflag:s10] =	ssyncset.done $0x0  }
0x14: {  	[sflag:s10] =	ssyncadd.s32 $0xFFFFEC00  }
0x15: {  	[tilespmem:s11], [sflag:$0x3] =	stream.linear.gather [hbm4b:s5+s3], $0x1400, $0x38;
	[tilespmem:$0x1E400] =	vst v63  }
0x16: {  	_ =	swait.ge [sflag:s10], $0x1400  }
0x17: {  	[sflag:s10] =	ssyncset.done $0x0  }
0x18: {  	[sflag:s10] =	ssyncadd.s32 $0xFFFFEC00  }
0x19: {  	[spmem:s13], [sflag:s12] =	dma.local [hbm:s7], $0x2780  }
0x1a: {  	_ =	swait.ge [sflag:s10], $0x2780  }
0x1b: {  	[sflag:s10] =	ssyncset.done $0x0  }
0x1c: {  	[sflag:s10] =	ssyncadd.s32 $0xFFFFD880  }
0x1d: {  	s20 =	simm.s32 $0x0;
	[bflag:$0x0] =	sbarrier.arrive $0xFFFF  }
0x1e: {  	[tilespmem:s15], [sflag:$0x1] =	stream.indirect.gather [hbm4b:s4+s14], $0x80, s20, s14, $0xb8;
	[tilespmem:$0x1E400] =	vst v63  }
0x1f: {  	s29 =	simm.s32 $0x80  }
0x20: {  	[tilespmem:s16], [sflag:$0x2] =	stream.indirect.gather [hbm4b:s4+s14], $0x80, s29, s14, $0xb8;
	[tilespmem:$0x1E400] =	vst v63  }
0x21: {  	_ =	swait.ge [sflag:s17], $0x4000  }
0x22: {  	[sflag:s17] =	ssyncset.done $0x0  }
0x23: {  	s30 =	simm.s32 $0x1400;
	[sflag:s17] =	ssyncadd.s32 $0xFFFFC000  }
0x24: {  	[spmem:s2] =	stream.indirect.scatter.add.f32 [tilespmem:s15], [sflag:$0x3], $0x80, s30, s14, $0xb8;
	[tilespmem:$0x1E400] =	vst v63  }
0x25: {  	_ =	swait.ge [sflag:s10], $0x4000  }
0x26: {  	[sflag:s10] =	ssyncset.done $0x0  }
0x27: {  	[sflag:s10] =	ssyncadd.s32 $0xFFFFC000  }
0x28: {  	_ =	swait.ge [sflag:s18], $0x4000  }
0x29: {  	[sflag:s18] =	ssyncset.done $0x0  }
0x2a: {  	s31 =	simm.s32 $0x1480;
	[sflag:s18] =	ssyncadd.s32 $0xFFFFC000  }
0x2b: {  	[spmem:s2] =	stream.indirect.scatter.add.f32 [tilespmem:s16], [sflag:$0x3], $0x80, s31, s14, $0xb8;
	[tilespmem:$0x1E400] =	vst v63  }
0x2c: {  	_ =	swait.ge [sflag:s10], $0x4000  }
0x2d: {  	s21 =	simm.s32 $0x800;
	s20 =	simm.s32 $0x400;
	[sflag:s10] =	ssyncset.done $0x0  }
.LBB2_2:
0x2e: {  	s22 =	sshra.s32 s20, $0x2  }
0x2f: {  	[sflag:s10] =	ssyncadd.s32 $0xFFFFC000;
	s20 =	smov.u32 s21;
	s23 =	sadd.s32 $0x400, s21  }
0x30: {  	[tilespmem:s15], [sflag:$0x1] =	stream.indirect.gather [hbm4b:s4+s14], $0x80, s22, s14, $0xb8;
	[tilespmem:$0x1E400] =	vst v63  }
0x31: {  	p0 =	sne.s32 s21, $0x4C00;
	s21 =	sadd.s32 $0x80, s22  }
0x32: {  	[tilespmem:s16], [sflag:$0x2] =	stream.indirect.gather [hbm4b:s4+s14], $0x80, s21, s14, $0xb8;
	[tilespmem:$0x1E400] =	vst v63  }
0x33: {  	_ =	swait.ge [sflag:s17], $0x4000  }
0x34: {  	[sflag:s17] =	ssyncset.done $0x0  }
0x35: {  	s21 =	sadd.s32 $0x1400, s22;
	[sflag:s17] =	ssyncadd.s32 $0xFFFFC000  }
0x36: {  	[spmem:s2] =	stream.indirect.scatter.add.f32 [tilespmem:s15], [sflag:$0x3], $0x80, s21, s14, $0xb8;
	[tilespmem:$0x1E400] =	vst v63  }
0x37: {  	_ =	swait.ge [sflag:s10], $0x4000  }
0x38: {  	[sflag:s10] =	ssyncset.done $0x0  }
0x39: {  	[sflag:s10] =	ssyncadd.s32 $0xFFFFC000  }
0x3a: {  	_ =	swait.ge [sflag:s18], $0x4000  }
.Ltmp0:
0x3b: {  	[sflag:s18] =	ssyncset.done $0x0;
	(pc) =	sbr.rel @p0 .LBB2_2-.Ltmp0, $4  }
0x3c: {  	s21 =	sadd.s32 $0x1480, s22;
	[sflag:s18] =	ssyncadd.s32 $0xFFFFC000  }
0x3d: {  	[spmem:s2] =	stream.indirect.scatter.add.f32 [tilespmem:s16], [sflag:$0x3], $0x80, s21, s14, $0xb8;
	[tilespmem:$0x1E400] =	vst v63  }
0x3e: {  	_ =	swait.ge [sflag:s10], $0x4000  }
0x3f: {  	s21 =	smov.u32 s23;
	[sflag:s10] =	ssyncset.done $0x0  }
0x40: {  	s20 =	sshra.s32 s20, $0x2;
	[sflag:s10] =	ssyncadd.s32 $0xFFFFC000  }
0x41: {  	[tilespmem:s15], [sflag:$0x1] =	stream.indirect.gather [hbm4b:s4+s14], $0x80, s20, s14, $0xb8;
	[tilespmem:$0x1E400] =	vst v63  }
0x42: {  	s21 =	sadd.s32 $0x80, s20  }
0x43: {  	[tilespmem:s16], [sflag:$0x2] =	stream.indirect.gather [hbm4b:s4+s14], $0x80, s21, s14, $0xb8;
	[tilespmem:$0x1E400] =	vst v63  }
0x44: {  	_ =	swait.ge [sflag:s17], $0x4000  }
0x45: {  	[sflag:s17] =	ssyncset.done $0x0  }
0x46: {  	s31 =	sadd.s32 $0x1400, s20;
	[sflag:s17] =	ssyncadd.s32 $0xFFFFC000  }
0x47: {  	[spmem:s2] =	stream.indirect.scatter.add.f32 [tilespmem:s15], [sflag:$0x3], $0x80, s31, s14, $0xb8;
	[tilespmem:$0x1E400] =	vst v63  }
0x48: {  	_ =	swait.ge [sflag:s10], $0x4000  }
0x49: {  	[sflag:s10] =	ssyncset.done $0x0  }
0x4a: {  	[sflag:s10] =	ssyncadd.s32 $0xFFFFC000  }
0x4b: {  	_ =	swait.ge [sflag:s18], $0x4000  }
0x4c: {  	[sflag:s18] =	ssyncset.done $0x0  }
0x4d: {  	s20 =	sadd.s32 $0x1480, s20;
	[sflag:s18] =	ssyncadd.s32 $0xFFFFC000  }
0x4e: {  	[spmem:s2] =	stream.indirect.scatter.add.f32 [tilespmem:s16], [sflag:$0x3], $0x80, s20, s14, $0xb8;
	[tilespmem:$0x1E400] =	vst v63  }
0x4f: {  	_ =	swait.ge [sflag:s10], $0x4000  }
0x50: {  	s19 =	sadd.s32 $0x1, s19;
	[sflag:s10] =	ssyncset.done $0x0  }
0x51: {  	p0 =	sne.s32 s19, s9;
	[sflag:s10] =	ssyncadd.s32 $0xFFFFC000  }
.Ltmp1:
0x52: {  	[bflag:$0x0] =	sbarrier.arrive $0xFFFF;
	(pc) =	sbr.rel @p0 .LBB2_1-.Ltmp1, $4  }
0x53: {  	[hbm:s8], [sflag:s12] =	dma.local [spmem:s13], $0x2780  }
0x54: {  	_ =	swait.ge [sflag:s10], $0x2780  }
0x55: {  	[sflag:s10] =	ssyncset.done $0x0  }
0x56: {  	[sflag:s10] =	ssyncadd.s32 $0xFFFFD880  }
0x57: {  	_ =	sfence.sel $0x180000  }
0x58: {  	[bflag:$0x0] =	sbarrier.arrive $0xFFFF  }
0x59: {  	p0 =	sne.s32 s1, $0x0;
	_ =	strace $0x9000004D  }
0x5a: {  	s0 =	sadd.s32 @!p0 $0x100000, s0;
	[bflag:$0x2] =	sbarrier.arrive $0xFFFF  }
0x5b: {  	[sflag:s0] =	ssyncadd.tile.s32 @!p0 $0x1;
	_ =	shalt  }
.Lfunc_end2:
_tile_overlayer_lowered:
.L_overlay_start_2:
0x5c: {  	(tag) =	ssettag $0x2  }
0x5d: {  	s0 =	rddreg [dreg:$0x0];
	s2 =	stileid.u32  }
0x5e: {  	s1 =	rddreg [dreg:$0x1];
	p0 =	sne.s32 s2, $0x0  }
0x5f: {  	s3 =	rddreg [dreg:$0x2];
	[bflag:$0x3] =	sbarrier.arrive $0xFFFF;
	s2 =	simm.s32 @!p0 $0x1C03  }
0x60: {  	[timem:s3], [sflag:s2] =	dma.local @!p0 [hbm:s0], s1  }
0x61: {  	s0 =	simm.s32 @!p0 $0x3  }
0x62: {  	_ =	swait.ge @!p0 [sflag:s0], s1  }
0x63: {  	s1 =	ssub.s32 @!p0 $0x0, s1;
	[sflag:s0] =	ssyncset.done @!p0 $0x0  }
0x64: {  	[sflag:s0] =	ssyncadd.s32 @!p0 s1  }
0x65: {  	[bflag:$0x3] =	sbarrier.arrive $0xFFFF  }
0x66: {  	_ =	shalt  }

// kernel: kernel.23.cloned.1.call-start
scs
__scs_entry_jumppad:
0x0: {  	(pc) =	sbr.rel $0x88, $3  }
0x1: {  	(tag) =	ssettag $0x0;
	lr =	simm.s32 $0x1  }
0x2: {  	[smem:$0x3F98] =	sst lr;
	_ =	strace $0xD0000000  }
0x3: {  	_ = 	snop  }
0x4: {  	_ = 	snop  }
0x5: {  	_ = 	snop  }
0x6: {  	_ = 	snop  }
0x7: {  	_ = 	snop  }
__scs_overlays_trampoline_lowered:
0x8: {  	[smem:$0x3FA7] =	sst s0  }
0x9: {  	[smem:$0x3FA8] =	sst s1  }
0xa: {  	[smem:$0x3FA9] =	sst s2  }
0xb: {  	[smem:$0x3FAA] =	sst s3  }
0xc: {  	[smem:$0x3FAB] =	sst s4  }
0xd: {  	[smem:$0x3FAC] =	sst s5  }
0xe: {  	[smem:$0x3FAD] =	sst s6  }
0xf: {  	[smem:$0x3FAE] =	sst s7  }
0x10: {  	[smem:$0x3FAF] =	sst s8  }
0x11: {  	[smem:$0x3FB0] =	sst s9;
	s0 =	simm.s32 @!p0 $0x0  }
0x12: {  	s1 =	sld [smem:$0x3F96];
	s0 =	simm.s32 @p0 $0x1  }
0x13: {  	[smem:$0x3FB1] =	sst s0;
	s0 =	simm.s32 @!p1 $0x0  }
0x14: {  	s2 =	sld [smem:$0x3F95];
	s0 =	simm.s32 @p1 $0x1  }
0x15: {  	[smem:$0x3FB2] =	sst s0;
	s0 =	simm.s32 @!p2 $0x0  }
0x16: {  	s3 =	sld [smem:$0x3FDB];
	s0 =	simm.s32 @p2 $0x1  }
0x17: {  	s4 =	simm.s32 $0x1BF5;
	[smem:$0x3FB4] =	sst s0  }
0x18: {  	s0 =	sld [smem:$0x3F97];
	_ =	swait.ge [sflag:s4], $0x0  }
0x19: {  	s7 =	sld [smem:$0x3F98]  }
0x1a: {  	s8 =	sadd.s32 $0xFFFFE003, lr  }
0x1b: {  	s9 =	sadd.s32 $0xFFFFFEF7, lr;
	s5 =	simm.s32 $0xFFFFFFFF;
	p2 =	slt.u32 s8, $0xFFFFF086  }
0x1c: {  	p1 =	slt.u32 s9, $0xF7A;
	s5 =	simm.s32 @!p2 $0x0  }
0x1d: {  	s5 =	simm.s32 @p1 $0x1;
	p0 =	seq.s32 s7, s2  }
0x1e: {  	s7 =	smul.u32 @!p0 $0xF7A, s2;
	p2 =	seq.s32 @!p0 s5, $0x0  }
0x1f: {  	s9 =	smul.u32 $0xF7A, s1;
	s8 =	simm.s32 @!p0 $0x1BF5;
	p2 =	por !p2, p0  }
0x20: {  	[sflag:s8] =	ssyncset.s32 @!p0 $0xFFFFF086;
	s6 =	sadd.s32 @!p0 s3, s7;
	s7 =	simm.s32 @!p0 $0x108  }
0x21: {  	s3 =	sadd.s32 s3, s9;
	s6 =	sadd.s32 @!p0 $0x88, s6;
	s7 =	simm.s32 @p2 $0x1082  }
0x22: {  	[simem:s7], [sflag:s8] =	dma.local @!p0 [hbm:s6], $0xF7A  }
0x23: {  	s9 =	sor.u32 $0xD0000000, s2;
	s6 =	simm.s32 $0x108;
	_ =	swait.ge @!p0 [sflag:s8], $0x0  }
0x24: {  	s3 =	sadd.s32 $0x88, s3;
	s6 =	simm.s32 @!p1 $0x1082;
	[sflag:s4] =	ssyncset.s32 $0xFFFFF086  }
0x25: {  	[simem:s6], [sflag:s4] =	dma.local [hbm:s3], $0xF7A  }
0x26: {  	[smem:$0x3F98] =	sst s1;
	(tag) =	ssettag s2;
	_ =	strace s9  }
0x27: {  	s1 =	sld [smem:$0x3FA8]  }
0x28: {  	s2 =	sld [smem:$0x3FA9]  }
0x29: {  	s4 =	sld [smem:$0x3FAB]  }
0x2a: {  	p0 =	seq.s32 s5, $0x0;
	s5 =	sld [smem:$0x3FAC]  }
0x2b: {  	s6 =	sld [smem:$0x3FAD]  }
0x2c: {  	s7 =	sld [smem:$0x3FAE]  }
0x2d: {  	s3 =	simm.s32 $0x108;
	s8 =	sld [smem:$0x3FAF]  }
0x2e: {  	s3 =	simm.s32 @!p0 $0x1082;
	s9 =	sld [smem:$0x3FB0]  }
0x2f: {  	lr =	sadd.s32 s0, s3;
	s0 =	sld [smem:$0x3FA7]  }
0x30: {  	s3 =	sld [smem:$0x3FAA]  }
0x31: {  	[smem:$0x3FB3] =	sst s10  }
0x32: {  	s10 =	sld [smem:$0x3FB1];
	_ =	sdelay $0x3  }
0x33: {  	p0 =	seq.s32 s10, $0x1;
	s10 =	sld [smem:$0x3FB3];
	_ =	sdelay $0x3  }
0x34: {  	[smem:$0x3FB3] =	sst s10  }
0x35: {  	s10 =	sld [smem:$0x3FB2];
	_ =	sdelay $0x3  }
0x36: {  	p1 =	seq.s32 s10, $0x1;
	s10 =	sld [smem:$0x3FB3];
	_ =	sdelay $0x3  }
0x37: {  	[smem:$0x3FB3] =	sst s10  }
0x38: {  	s10 =	sld [smem:$0x3FB4]  }
0x39: {  	_ = 	snop;
	(pc) =	sbr.ind lr, $3  }
0x3a: {  	_ = 	snop  }
0x3b: {  	_ = 	snop  }
0x3c: {  	p2 =	seq.s32 s10, $0x1;
	s10 =	sld [smem:$0x3FB3]  }
0x3d: {  	_ =	shalt  }
0x3e: {  	_ =	shalt  }
0x3f: {  	_ =	shalt  }
0x40: {  	_ =	shalt  }
0x41: {  	_ =	shalt  }
0x42: {  	_ =	shalt  }
0x43: {  	_ =	shalt  }
0x44: {  	_ =	shalt  }
0x45: {  	_ =	shalt  }
0x46: {  	_ =	shalt  }
0x47: {  	_ =	shalt  }
0x48: {  	_ =	shalt  }
0x49: {  	_ =	shalt  }
0x4a: {  	_ =	shalt  }
0x4b: {  	_ =	shalt  }
0x4c: {  	_ =	shalt  }
0x4d: {  	_ =	shalt  }
0x4e: {  	_ =	shalt  }
0x4f: {  	_ =	shalt  }
0x50: {  	_ =	shalt  }
0x51: {  	_ =	shalt  }
0x52: {  	_ =	shalt  }
0x53: {  	_ =	shalt  }
0x54: {  	_ =	shalt  }
0x55: {  	_ =	shalt  }
0x56: {  	_ =	shalt  }
0x57: {  	_ =	shalt  }
0x58: {  	_ =	shalt  }
0x59: {  	_ =	shalt  }
0x5a: {  	_ =	shalt  }
0x5b: {  	_ =	shalt  }
0x5c: {  	_ =	shalt  }
0x5d: {  	_ =	shalt  }
0x5e: {  	_ =	shalt  }
0x5f: {  	_ =	shalt  }
0x60: {  	_ =	shalt  }
0x61: {  	_ =	shalt  }
0x62: {  	_ =	shalt  }
0x63: {  	_ =	shalt  }
0x64: {  	_ =	shalt  }
0x65: {  	_ =	shalt  }
0x66: {  	_ =	shalt  }
0x67: {  	_ =	shalt  }
0x68: {  	_ =	shalt  }
0x69: {  	_ =	shalt  }
0x6a: {  	_ =	shalt  }
0x6b: {  	_ =	shalt  }
0x6c: {  	_ =	shalt  }
0x6d: {  	_ =	shalt  }
0x6e: {  	_ =	shalt  }
0x6f: {  	_ =	shalt  }
0x70: {  	_ =	shalt  }
0x71: {  	_ =	shalt  }
0x72: {  	_ =	shalt  }
0x73: {  	_ =	shalt  }
0x74: {  	_ =	shalt  }
0x75: {  	_ =	shalt  }
0x76: {  	_ =	shalt  }
0x77: {  	_ =	shalt  }
0x78: {  	_ =	shalt  }
0x79: {  	_ =	shalt  }
0x7a: {  	_ =	shalt  }
0x7b: {  	_ =	shalt  }
0x7c: {  	_ =	shalt  }
0x7d: {  	_ =	shalt  }
0x7e: {  	_ =	shalt  }
0x7f: {  	_ =	shalt  }
0x80: {  	_ =	shalt  }
0x81: {  	_ =	shalt  }
0x82: {  	_ =	shalt  }
0x83: {  	_ =	shalt  }
0x84: {  	_ =	shalt  }
0x85: {  	_ =	shalt  }
0x86: {  	_ =	shalt  }
0x87: {  	_ =	shalt  }
.Lfunc_end0:
.L_simem_size_0:
called_computation.5_lowered:
.L_overlay_start_0:
0x88: {  	s2 =	sld [smem:$0x3FD9]  }
0x89: {  	s3 =	sld [smem:$0x3FFE];
	_ =	sdelay $0x1  }
0x8a: {  	s1 =	srdreg.scid  }
0x8b: {  	s0 =	sand.u32 $0x1, s1  }
0x8c: {  	s16 =	sshll.u32 s0, $0xA;
	s2 =	sadd.s32 s3, s2  }
0x8d: {  	s2 =	sadd.s32 s2, s16  }
0x8e: {  	[smem:$0x3FBF] =	sst s2  }
0x8f: {  	_ = 	snop  }
0x90: {  	(tm) =	ssettm $0x1  }
0x91: {  	s17 =	sld [smem:$0x3FFB];
	_ =	sdelay $0x3  }
0x92: {  	_ =	strace s17  }
0x93: {  	s2 =	sld [smem:$0x3FFC];
	_ =	sdelay $0x3  }
0x94: {  	_ =	strace s2  }
0x95: {  	s2 =	sld [smem:$0x3FFD];
	_ =	sdelay $0x3  }
0x96: {  	_ =	strace s2  }
0x97: {  	_ =	strace $0x8FFFFFFF  }
0x98: {  	s18 =	sld [smem:$0x3FDB];
	_ =	sdelay $0x1  }
0x99: {  	s19 =	simm.s32 $_scs_section_size  }
0x9a: {  	s4 =	simm.s32 $_size__tile_overlayer_lowered;
	s5 =	simm.s32 $_tile_overlayer_lowered  }
0x9b: {  	s22 =	simm.s32 $0x1BFF;
	s21 =	sshll.u32 s5, $0x1;
	s2 =	sadd.s32 s19, s18  }
0x9c: {  	s6 =	simm.s32 $0x0;
	s20 =	sshll.u32 s4, $0x1;
	s4 =	sadd.s32 s21, s2  }
0x9d: {  	[timem:s6], [sflag:s22] =	dma.local [hbm:s4], s20  }
0x9e: {  	_ =	swait.ge [sflag:s22], s20  }
0x9f: {  	s3 =	ssub.s32 $0x0, s20;
	[sflag:s22] =	ssyncset.done $0x0  }
0xa0: {  	[sflag:s22] =	ssyncadd.s32 s3;
	_ =	sdelay $0x1  }
0xa1: {  	s23 =	simm.s32 $0x1B8B  }
0xa2: {  	_ =	swait.ge [sflag:s23], $0x1  }
0xa3: {  	[sflag:s23] =	ssyncset.done $0x0  }
0xa4: {  	s25 =	simm.s32 $0x1B8E;
	s24 =	sld [smem:$0x3FFE];
	[sflag:s23] =	ssyncadd.s32 $0xFFFFFFFF  }
0xa5: {  	s26 =	simm.s32 $execute0_lowered;
	[smem:$0x3FD2] =	sst s25  }
0xa6: {  	s4 =	sshll.u32 s26, $0x1;
	_ =	strace $0x8000004F;
	[dreg:$0x1] =	wrdreg $0xFFFFFFFF  }
0xa7: {  	s28 =	simm.s32 $_size_execute0_lowered;
	s2 =	sadd.s32 s2, s4;
	[dreg:$0x0] =	wrdreg $0x0  }
0xa8: {  	s4 =	sshll.u32 s28, $0x1;
	[dreg:$0x2] =	wrdreg s2  }
0xa9: {  	[dreg:$0x3] =	wrdreg s4  }
0xaa: {  	[dreg:$0x4] =	wrdreg $0xC0  }
0xab: {  	_ =	task [dreg:s6], $0x5FFFF  }
0xac: {  	[dreg:$0x1] =	wrdreg $0xFFFFFFFF  }
0xad: {  	[dreg:$0x0] =	wrdreg $0x60  }
0xae: {  	[dreg:$0x2] =	wrdreg s24  }
0xaf: {  	[dreg:$0x3] =	wrdreg $0xA8000  }
0xb0: {  	[dreg:$0x4] =	wrdreg $0x9  }
0xb1: {  	_ =	task.clear_ibuf [dreg:s6], $0x5FFFF;
	_ =	strace $0x9000004F  }
0xb2: {  	s29 =	simm.s32 $0x9;
	_ =	strace $0x80000051  }
0xb3: {  	_ =	swait.ge [sflag:s29], $0x1  }
0xb4: {  	[sflag:s29] =	ssyncadd.s32 $0xFFFFFFFF  }
0xb5: {  	_ =	strace $0x90000051  }
0xb6: {  	_ =	sfence  }
0xb7: {  	s30 =	sld [smem:$0x0];
	_ =	sdelay $0x2  }
0xb8: {  	s31 =	sshll.u32 s1, $0xD;
	s1 =	sshrl.u32 s1, $0x2  }
0xb9: {  	s3 =	sand.u32 $0x4000, s31;
	s1 =	sadd.s32 s1, s30  }
0xba: {  	s0 =	sor.u32 s3, s0;
	s1 =	sshll.u32 s1, $0x11  }
0xbb: {  	s0 =	sor.u32 s1, s0  }
0xbc: {  	s0 =	sadd.s32 $0x8F2B, s0  }
0xbd: {  	[sflag:s0] =	ssyncadd.remote.s32 $0x1  }
0xbe: {  	_ =	sfence.sel $0xFFFF  }
0xbf: {  	[dreg:$0x0] =	wrdreg $0xFFFFFFFF;
	(pc) =	sbr.abs _section_cstart, $3  }
0xc0: {  	[dreg:$0x1] =	wrdreg $0xFFFFFFFF  }
0xc1: {  	_ =	task.clear_ibuf [dreg:s6], $0x2FFFF;
	_ =	strace $0x9FFFFFFF  }
0xc2: {  	(tm) =	ssettm $0x7FFFFFFF  }
0xc3: {  	_ =	shalt  }
tec
execute0_lowered:
.L_overlay_start_1:
0x0: {  	(tag) =	ssettag $0x1  }
0x1: {  	s5 =	rddreg [dreg:$0x0]  }
0x2: {  	s2 =	rddreg [dreg:$0x1]  }
0x3: {  	s0 =	rddreg [dreg:$0x2]  }
0x4: {  	s3 =	simm.s32 $0x0;
	s1 =	stileid.u32;
	s4 =	srdreg.scid  }
0x5: {  	s14 =	simm.s32 $0x80;
	s15 =	simm.s32 $0x2800;
	s16 =	simm.s32 $0x6800  }
0x6: {  	s17 =	simm.s32 $0x1;
	s18 =	simm.s32 $0x2;
	s19 =	simm.s32 $0x0  }
0x7: {  	[smem:$0x7FF] =	sst s3;
	s6 =	smul.u32 $0x13C00, s1;
	s7 =	sand.u32 $0x1, s4  }
0x8: {  	s9 =	sshll.u32 s1, $0x1;
	s4 =	sadd.s32 $0x5000, s5;
	s28 =	smul.u32 $0x4F000, s1  }
0x9: {  	s31 =	sshll.u32 s1, $0x6;
	_ =	strace $0x80000050;
	s8 =	smul.u32 $0x13C000, s7  }
0xa: {  	s9 =	sor.u32 s7, s9;
	s7 =	ssub.s32 $0x2, s7;
	s10 =	sshrl.u32 s6, $0x3  }
0xb: {  	s26 =	smul.u32 $0x280, s9;
	s29 =	sshrl.u32 s7, $0x1;
	s30 =	sshrl.u32 s28, $0x2  }
0xc: {  	s10 =	sadd.s32 s10, s5;
	s6 =	sadd.s32 s6, s8;
	s12 =	ssub.s32 s7, s29  }
0xd: {  	s13 =	sadd.s32 s30, s2;
	s6 =	sshrl.u32 s6, $0x3;
	s7 =	sadd.s32 $0x28B000, s10  }
0xe: {  	s9 =	smax.u32 s12, $0x1;
	s10 =	simm.s32 $0x3;
	s12 =	sor.u32 $0x1C03, s31  }
0xf: {  	s13 =	sshrl.u32 s13, $0x3;
	s11 =	sadd.s32 s6, s5;
	s5 =	sadd.s32 s5, s26  }
0x10: {  	s6 =	sadd.s32 $0x301800, s5;
	s8 =	sadd.s32 $0x2C800, s11;
	s11 =	simm.s32 $0x1400  }
.LBB2_1:
0x11: {  	[tilespmem:s3], [sflag:$0x3] =	stream.linear.gather [hbm4b:s6+s3], $0x1400, $0x38;
	[tilespmem:$0x1E400] =	vst v63  }
0x12: {  	_ =	swait.ge [sflag:s10], $0x1400  }
0x13: {  	[sflag:s10] =	ssyncset.done $0x0  }
0x14: {  	[sflag:s10] =	ssyncadd.s32 $0xFFFFEC00  }
0x15: {  	[tilespmem:s11], [sflag:$0x3] =	stream.linear.gather [hbm4b:s5+s3], $0x1400, $0x38;
	[tilespmem:$0x1E400] =	vst v63  }
0x16: {  	_ =	swait.ge [sflag:s10], $0x1400  }
0x17: {  	[sflag:s10] =	ssyncset.done $0x0  }
0x18: {  	[sflag:s10] =	ssyncadd.s32 $0xFFFFEC00  }
0x19: {  	[spmem:s13], [sflag:s12] =	dma.local [hbm:s7], $0x2780  }
0x1a: {  	_ =	swait.ge [sflag:s10], $0x2780  }
0x1b: {  	[sflag:s10] =	ssyncset.done $0x0  }
0x1c: {  	[sflag:s10] =	ssyncadd.s32 $0xFFFFD880  }
0x1d: {  	s20 =	simm.s32 $0x0;
	[bflag:$0x0] =	sbarrier.arrive $0xFFFF  }
0x1e: {  	[tilespmem:s15], [sflag:$0x1] =	stream.indirect.gather [hbm4b:s4+s14], $0x80, s20, s14, $0xb8;
	[tilespmem:$0x1E400] =	vst v63  }
0x1f: {  	s29 =	simm.s32 $0x80  }
0x20: {  	[tilespmem:s16], [sflag:$0x2] =	stream.indirect.gather [hbm4b:s4+s14], $0x80, s29, s14, $0xb8;
	[tilespmem:$0x1E400] =	vst v63  }
0x21: {  	_ =	swait.ge [sflag:s17], $0x4000  }
0x22: {  	[sflag:s17] =	ssyncset.done $0x0  }
0x23: {  	s30 =	simm.s32 $0x1400;
	[sflag:s17] =	ssyncadd.s32 $0xFFFFC000  }
0x24: {  	[spmem:s2] =	stream.indirect.scatter.add.f32 [tilespmem:s15], [sflag:$0x3], $0x80, s30, s14, $0xb8;
	[tilespmem:$0x1E400] =	vst v63  }
0x25: {  	_ =	swait.ge [sflag:s10], $0x4000  }
0x26: {  	[sflag:s10] =	ssyncset.done $0x0  }
0x27: {  	[sflag:s10] =	ssyncadd.s32 $0xFFFFC000  }
0x28: {  	_ =	swait.ge [sflag:s18], $0x4000  }
0x29: {  	[sflag:s18] =	ssyncset.done $0x0  }
0x2a: {  	s31 =	simm.s32 $0x1480;
	[sflag:s18] =	ssyncadd.s32 $0xFFFFC000  }
0x2b: {  	[spmem:s2] =	stream.indirect.scatter.add.f32 [tilespmem:s16], [sflag:$0x3], $0x80, s31, s14, $0xb8;
	[tilespmem:$0x1E400] =	vst v63  }
0x2c: {  	_ =	swait.ge [sflag:s10], $0x4000  }
0x2d: {  	s21 =	simm.s32 $0x800;
	s20 =	simm.s32 $0x400;
	[sflag:s10] =	ssyncset.done $0x0  }
.LBB2_2:
0x2e: {  	s22 =	sshra.s32 s20, $0x2  }
0x2f: {  	[sflag:s10] =	ssyncadd.s32 $0xFFFFC000;
	s20 =	smov.u32 s21;
	s23 =	sadd.s32 $0x400, s21  }
0x30: {  	[tilespmem:s15], [sflag:$0x1] =	stream.indirect.gather [hbm4b:s4+s14], $0x80, s22, s14, $0xb8;
	[tilespmem:$0x1E400] =	vst v63  }
0x31: {  	p0 =	sne.s32 s21, $0x4C00;
	s21 =	sadd.s32 $0x80, s22  }
0x32: {  	[tilespmem:s16], [sflag:$0x2] =	stream.indirect.gather [hbm4b:s4+s14], $0x80, s21, s14, $0xb8;
	[tilespmem:$0x1E400] =	vst v63  }
0x33: {  	_ =	swait.ge [sflag:s17], $0x4000  }
0x34: {  	[sflag:s17] =	ssyncset.done $0x0  }
0x35: {  	s21 =	sadd.s32 $0x1400, s22;
	[sflag:s17] =	ssyncadd.s32 $0xFFFFC000  }
0x36: {  	[spmem:s2] =	stream.indirect.scatter.add.f32 [tilespmem:s15], [sflag:$0x3], $0x80, s21, s14, $0xb8;
	[tilespmem:$0x1E400] =	vst v63  }
0x37: {  	_ =	swait.ge [sflag:s10], $0x4000  }
0x38: {  	[sflag:s10] =	ssyncset.done $0x0  }
0x39: {  	[sflag:s10] =	ssyncadd.s32 $0xFFFFC000  }
0x3a: {  	_ =	swait.ge [sflag:s18], $0x4000  }
.Ltmp0:
0x3b: {  	[sflag:s18] =	ssyncset.done $0x0;
	(pc) =	sbr.rel @p0 .LBB2_2-.Ltmp0, $4  }
0x3c: {  	s21 =	sadd.s32 $0x1480, s22;
	[sflag:s18] =	ssyncadd.s32 $0xFFFFC000  }
0x3d: {  	[spmem:s2] =	stream.indirect.scatter.add.f32 [tilespmem:s16], [sflag:$0x3], $0x80, s21, s14, $0xb8;
	[tilespmem:$0x1E400] =	vst v63  }
0x3e: {  	_ =	swait.ge [sflag:s10], $0x4000  }
0x3f: {  	s21 =	smov.u32 s23;
	[sflag:s10] =	ssyncset.done $0x0  }
0x40: {  	s20 =	sshra.s32 s20, $0x2;
	[sflag:s10] =	ssyncadd.s32 $0xFFFFC000  }
0x41: {  	[tilespmem:s15], [sflag:$0x1] =	stream.indirect.gather [hbm4b:s4+s14], $0x80, s20, s14, $0xb8;
	[tilespmem:$0x1E400] =	vst v63  }
0x42: {  	s21 =	sadd.s32 $0x80, s20  }
0x43: {  	[tilespmem:s16], [sflag:$0x2] =	stream.indirect.gather [hbm4b:s4+s14], $0x80, s21, s14, $0xb8;
	[tilespmem:$0x1E400] =	vst v63  }
0x44: {  	_ =	swait.ge [sflag:s17], $0x4000  }
0x45: {  	[sflag:s17] =	ssyncset.done $0x0  }
0x46: {  	s31 =	sadd.s32 $0x1400, s20;
	[sflag:s17] =	ssyncadd.s32 $0xFFFFC000  }
0x47: {  	[spmem:s2] =	stream.indirect.scatter.add.f32 [tilespmem:s15], [sflag:$0x3], $0x80, s31, s14, $0xb8;
	[tilespmem:$0x1E400] =	vst v63  }
0x48: {  	_ =	swait.ge [sflag:s10], $0x4000  }
0x49: {  	[sflag:s10] =	ssyncset.done $0x0  }
0x4a: {  	[sflag:s10] =	ssyncadd.s32 $0xFFFFC000  }
0x4b: {  	_ =	swait.ge [sflag:s18], $0x4000  }
0x4c: {  	[sflag:s18] =	ssyncset.done $0x0  }
0x4d: {  	s20 =	sadd.s32 $0x1480, s20;
	[sflag:s18] =	ssyncadd.s32 $0xFFFFC000  }
0x4e: {  	[spmem:s2] =	stream.indirect.scatter.add.f32 [tilespmem:s16], [sflag:$0x3], $0x80, s20, s14, $0xb8;
	[tilespmem:$0x1E400] =	vst v63  }
0x4f: {  	_ =	swait.ge [sflag:s10], $0x4000  }
0x50: {  	s19 =	sadd.s32 $0x1, s19;
	[sflag:s10] =	ssyncset.done $0x0  }
0x51: {  	p0 =	sne.s32 s19, s9;
	[sflag:s10] =	ssyncadd.s32 $0xFFFFC000  }
.Ltmp1:
0x52: {  	[bflag:$0x0] =	sbarrier.arrive $0xFFFF;
	(pc) =	sbr.rel @p0 .LBB2_1-.Ltmp1, $4  }
0x53: {  	[hbm:s8], [sflag:s12] =	dma.local [spmem:s13], $0x2780  }
0x54: {  	_ =	swait.ge [sflag:s10], $0x2780  }
0x55: {  	[sflag:s10] =	ssyncset.done $0x0  }
0x56: {  	[sflag:s10] =	ssyncadd.s32 $0xFFFFD880  }
0x57: {  	_ =	sfence.sel $0x180000  }
0x58: {  	[bflag:$0x0] =	sbarrier.arrive $0xFFFF  }
0x59: {  	p0 =	sne.s32 s1, $0x0;
	_ =	strace $0x90000050  }
0x5a: {  	s0 =	sadd.s32 @!p0 $0x100000, s0;
	[bflag:$0x2] =	sbarrier.arrive $0xFFFF  }
0x5b: {  	[sflag:s0] =	ssyncadd.tile.s32 @!p0 $0x1;
	_ =	shalt  }
.Lfunc_end2:
_tile_overlayer_lowered:
.L_overlay_start_2:
0x5c: {  	(tag) =	ssettag $0x2  }
0x5d: {  	s0 =	rddreg [dreg:$0x0];
	s2 =	stileid.u32  }
0x5e: {  	s1 =	rddreg [dreg:$0x1];
	p0 =	sne.s32 s2, $0x0  }
0x5f: {  	s3 =	rddreg [dreg:$0x2];
	[bflag:$0x3] =	sbarrier.arrive $0xFFFF;
	s2 =	simm.s32 @!p0 $0x1C03  }
0x60: {  	[timem:s3], [sflag:s2] =	dma.local @!p0 [hbm:s0], s1  }
0x61: {  	s0 =	simm.s32 @!p0 $0x3  }
0x62: {  	_ =	swait.ge @!p0 [sflag:s0], s1  }
0x63: {  	s1 =	ssub.s32 @!p0 $0x0, s1;
	[sflag:s0] =	ssyncset.done @!p0 $0x0  }
0x64: {  	[sflag:s0] =	ssyncadd.s32 @!p0 s1  }
0x65: {  	[bflag:$0x3] =	sbarrier.arrive $0xFFFF  }
0x66: {  	_ =	shalt  }

// kernel: kernel.26.cloned.1.call-start
scs
__scs_entry_jumppad:
0x0: {  	(pc) =	sbr.rel $0x88, $3  }
0x1: {  	(tag) =	ssettag $0x0;
	lr =	simm.s32 $0x1  }
0x2: {  	[smem:$0x3F98] =	sst lr;
	_ =	strace $0xD0000000  }
0x3: {  	_ = 	snop  }
0x4: {  	_ = 	snop  }
0x5: {  	_ = 	snop  }
0x6: {  	_ = 	snop  }
0x7: {  	_ = 	snop  }
__scs_overlays_trampoline_lowered:
0x8: {  	[smem:$0x3FA7] =	sst s0  }
0x9: {  	[smem:$0x3FA8] =	sst s1  }
0xa: {  	[smem:$0x3FA9] =	sst s2  }
0xb: {  	[smem:$0x3FAA] =	sst s3  }
0xc: {  	[smem:$0x3FAB] =	sst s4  }
0xd: {  	[smem:$0x3FAC] =	sst s5  }
0xe: {  	[smem:$0x3FAD] =	sst s6  }
0xf: {  	[smem:$0x3FAE] =	sst s7  }
0x10: {  	[smem:$0x3FAF] =	sst s8  }
0x11: {  	[smem:$0x3FB0] =	sst s9;
	s0 =	simm.s32 @!p0 $0x0  }
0x12: {  	s1 =	sld [smem:$0x3F96];
	s0 =	simm.s32 @p0 $0x1  }
0x13: {  	[smem:$0x3FB1] =	sst s0;
	s0 =	simm.s32 @!p1 $0x0  }
0x14: {  	s2 =	sld [smem:$0x3F95];
	s0 =	simm.s32 @p1 $0x1  }
0x15: {  	[smem:$0x3FB2] =	sst s0;
	s0 =	simm.s32 @!p2 $0x0  }
0x16: {  	s3 =	sld [smem:$0x3FDB];
	s0 =	simm.s32 @p2 $0x1  }
0x17: {  	s4 =	simm.s32 $0x1BF5;
	[smem:$0x3FB4] =	sst s0  }
0x18: {  	s0 =	sld [smem:$0x3F97];
	_ =	swait.ge [sflag:s4], $0x0  }
0x19: {  	s7 =	sld [smem:$0x3F98]  }
0x1a: {  	s8 =	sadd.s32 $0xFFFFE003, lr  }
0x1b: {  	s9 =	sadd.s32 $0xFFFFFEF7, lr;
	s5 =	simm.s32 $0xFFFFFFFF;
	p2 =	slt.u32 s8, $0xFFFFF086  }
0x1c: {  	p1 =	slt.u32 s9, $0xF7A;
	s5 =	simm.s32 @!p2 $0x0  }
0x1d: {  	s5 =	simm.s32 @p1 $0x1;
	p0 =	seq.s32 s7, s2  }
0x1e: {  	s7 =	smul.u32 @!p0 $0xF7A, s2;
	p2 =	seq.s32 @!p0 s5, $0x0  }
0x1f: {  	s9 =	smul.u32 $0xF7A, s1;
	s8 =	simm.s32 @!p0 $0x1BF5;
	p2 =	por !p2, p0  }
0x20: {  	[sflag:s8] =	ssyncset.s32 @!p0 $0xFFFFF086;
	s6 =	sadd.s32 @!p0 s3, s7;
	s7 =	simm.s32 @!p0 $0x108  }
0x21: {  	s3 =	sadd.s32 s3, s9;
	s6 =	sadd.s32 @!p0 $0x88, s6;
	s7 =	simm.s32 @p2 $0x1082  }
0x22: {  	[simem:s7], [sflag:s8] =	dma.local @!p0 [hbm:s6], $0xF7A  }
0x23: {  	s9 =	sor.u32 $0xD0000000, s2;
	s6 =	simm.s32 $0x108;
	_ =	swait.ge @!p0 [sflag:s8], $0x0  }
0x24: {  	s3 =	sadd.s32 $0x88, s3;
	s6 =	simm.s32 @!p1 $0x1082;
	[sflag:s4] =	ssyncset.s32 $0xFFFFF086  }
0x25: {  	[simem:s6], [sflag:s4] =	dma.local [hbm:s3], $0xF7A  }
0x26: {  	[smem:$0x3F98] =	sst s1;
	(tag) =	ssettag s2;
	_ =	strace s9  }
0x27: {  	s1 =	sld [smem:$0x3FA8]  }
0x28: {  	s2 =	sld [smem:$0x3FA9]  }
0x29: {  	s4 =	sld [smem:$0x3FAB]  }
0x2a: {  	p0 =	seq.s32 s5, $0x0;
	s5 =	sld [smem:$0x3FAC]  }
0x2b: {  	s6 =	sld [smem:$0x3FAD]  }
0x2c: {  	s7 =	sld [smem:$0x3FAE]  }
0x2d: {  	s3 =	simm.s32 $0x108;
	s8 =	sld [smem:$0x3FAF]  }
0x2e: {  	s3 =	simm.s32 @!p0 $0x1082;
	s9 =	sld [smem:$0x3FB0]  }
0x2f: {  	lr =	sadd.s32 s0, s3;
	s0 =	sld [smem:$0x3FA7]  }
0x30: {  	s3 =	sld [smem:$0x3FAA]  }
0x31: {  	[smem:$0x3FB3] =	sst s10  }
0x32: {  	s10 =	sld [smem:$0x3FB1];
	_ =	sdelay $0x3  }
0x33: {  	p0 =	seq.s32 s10, $0x1;
	s10 =	sld [smem:$0x3FB3];
	_ =	sdelay $0x3  }
0x34: {  	[smem:$0x3FB3] =	sst s10  }
0x35: {  	s10 =	sld [smem:$0x3FB2];
	_ =	sdelay $0x3  }
0x36: {  	p1 =	seq.s32 s10, $0x1;
	s10 =	sld [smem:$0x3FB3];
	_ =	sdelay $0x3  }
0x37: {  	[smem:$0x3FB3] =	sst s10  }
0x38: {  	s10 =	sld [smem:$0x3FB4]  }
0x39: {  	_ = 	snop;
	(pc) =	sbr.ind lr, $3  }
0x3a: {  	_ = 	snop  }
0x3b: {  	_ = 	snop  }
0x3c: {  	p2 =	seq.s32 s10, $0x1;
	s10 =	sld [smem:$0x3FB3]  }
0x3d: {  	_ =	shalt  }
0x3e: {  	_ =	shalt  }
0x3f: {  	_ =	shalt  }
0x40: {  	_ =	shalt  }
0x41: {  	_ =	shalt  }
0x42: {  	_ =	shalt  }
0x43: {  	_ =	shalt  }
0x44: {  	_ =	shalt  }
0x45: {  	_ =	shalt  }
0x46: {  	_ =	shalt  }
0x47: {  	_ =	shalt  }
0x48: {  	_ =	shalt  }
0x49: {  	_ =	shalt  }
0x4a: {  	_ =	shalt  }
0x4b: {  	_ =	shalt  }
0x4c: {  	_ =	shalt  }
0x4d: {  	_ =	shalt  }
0x4e: {  	_ =	shalt  }
0x4f: {  	_ =	shalt  }
0x50: {  	_ =	shalt  }
0x51: {  	_ =	shalt  }
0x52: {  	_ =	shalt  }
0x53: {  	_ =	shalt  }
0x54: {  	_ =	shalt  }
0x55: {  	_ =	shalt  }
0x56: {  	_ =	shalt  }
0x57: {  	_ =	shalt  }
0x58: {  	_ =	shalt  }
0x59: {  	_ =	shalt  }
0x5a: {  	_ =	shalt  }
0x5b: {  	_ =	shalt  }
0x5c: {  	_ =	shalt  }
0x5d: {  	_ =	shalt  }
0x5e: {  	_ =	shalt  }
0x5f: {  	_ =	shalt  }
0x60: {  	_ =	shalt  }
0x61: {  	_ =	shalt  }
0x62: {  	_ =	shalt  }
0x63: {  	_ =	shalt  }
0x64: {  	_ =	shalt  }
0x65: {  	_ =	shalt  }
0x66: {  	_ =	shalt  }
0x67: {  	_ =	shalt  }
0x68: {  	_ =	shalt  }
0x69: {  	_ =	shalt  }
0x6a: {  	_ =	shalt  }
0x6b: {  	_ =	shalt  }
0x6c: {  	_ =	shalt  }
0x6d: {  	_ =	shalt  }
0x6e: {  	_ =	shalt  }
0x6f: {  	_ =	shalt  }
0x70: {  	_ =	shalt  }
0x71: {  	_ =	shalt  }
0x72: {  	_ =	shalt  }
0x73: {  	_ =	shalt  }
0x74: {  	_ =	shalt  }
0x75: {  	_ =	shalt  }
0x76: {  	_ =	shalt  }
0x77: {  	_ =	shalt  }
0x78: {  	_ =	shalt  }
0x79: {  	_ =	shalt  }
0x7a: {  	_ =	shalt  }
0x7b: {  	_ =	shalt  }
0x7c: {  	_ =	shalt  }
0x7d: {  	_ =	shalt  }
0x7e: {  	_ =	shalt  }
0x7f: {  	_ =	shalt  }
0x80: {  	_ =	shalt  }
0x81: {  	_ =	shalt  }
0x82: {  	_ =	shalt  }
0x83: {  	_ =	shalt  }
0x84: {  	_ =	shalt  }
0x85: {  	_ =	shalt  }
0x86: {  	_ =	shalt  }
0x87: {  	_ =	shalt  }
.Lfunc_end0:
.L_simem_size_0:
called_computation.6_lowered:
.L_overlay_start_0:
0x88: {  	s2 =	sld [smem:$0x3FD9]  }
0x89: {  	s3 =	sld [smem:$0x3FFE];
	_ =	sdelay $0x1  }
0x8a: {  	s1 =	srdreg.scid  }
0x8b: {  	s0 =	sand.u32 $0x1, s1  }
0x8c: {  	s16 =	sshll.u32 s0, $0xA;
	s2 =	sadd.s32 s3, s2  }
0x8d: {  	s2 =	sadd.s32 s2, s16  }
0x8e: {  	[smem:$0x3FBF] =	sst s2  }
0x8f: {  	_ = 	snop  }
0x90: {  	(tm) =	ssettm $0x1  }
0x91: {  	s17 =	sld [smem:$0x3FFB];
	_ =	sdelay $0x3  }
0x92: {  	_ =	strace s17  }
0x93: {  	s2 =	sld [smem:$0x3FFC];
	_ =	sdelay $0x3  }
0x94: {  	_ =	strace s2  }
0x95: {  	s2 =	sld [smem:$0x3FFD];
	_ =	sdelay $0x3  }
0x96: {  	_ =	strace s2  }
0x97: {  	_ =	strace $0x8FFFFFFF  }
0x98: {  	s18 =	sld [smem:$0x3FDB];
	_ =	sdelay $0x1  }
0x99: {  	s19 =	simm.s32 $_scs_section_size  }
0x9a: {  	s4 =	simm.s32 $_size__tile_overlayer_lowered;
	s5 =	simm.s32 $_tile_overlayer_lowered  }
0x9b: {  	s22 =	simm.s32 $0x1BFF;
	s21 =	sshll.u32 s5, $0x1;
	s2 =	sadd.s32 s19, s18  }
0x9c: {  	s6 =	simm.s32 $0x0;
	s20 =	sshll.u32 s4, $0x1;
	s4 =	sadd.s32 s21, s2  }
0x9d: {  	[timem:s6], [sflag:s22] =	dma.local [hbm:s4], s20  }
0x9e: {  	_ =	swait.ge [sflag:s22], s20  }
0x9f: {  	s3 =	ssub.s32 $0x0, s20;
	[sflag:s22] =	ssyncset.done $0x0  }
0xa0: {  	[sflag:s22] =	ssyncadd.s32 s3;
	_ =	sdelay $0x1  }
0xa1: {  	s23 =	simm.s32 $0x1B8B  }
0xa2: {  	_ =	swait.ge [sflag:s23], $0x1  }
0xa3: {  	[sflag:s23] =	ssyncset.done $0x0  }
0xa4: {  	s25 =	simm.s32 $0x1B8E;
	s24 =	sld [smem:$0x3FFE];
	[sflag:s23] =	ssyncadd.s32 $0xFFFFFFFF  }
0xa5: {  	s26 =	simm.s32 $execute0_lowered;
	[smem:$0x3FD2] =	sst s25  }
0xa6: {  	s4 =	sshll.u32 s26, $0x1;
	_ =	strace $0x80000052;
	[dreg:$0x1] =	wrdreg $0xFFFFFFFF  }
0xa7: {  	s28 =	simm.s32 $_size_execute0_lowered;
	s2 =	sadd.s32 s2, s4;
	[dreg:$0x0] =	wrdreg $0x0  }
0xa8: {  	s4 =	sshll.u32 s28, $0x1;
	[dreg:$0x2] =	wrdreg s2  }
0xa9: {  	[dreg:$0x3] =	wrdreg s4  }
0xaa: {  	[dreg:$0x4] =	wrdreg $0xC0  }
0xab: {  	_ =	task [dreg:s6], $0x5FFFF  }
0xac: {  	[dreg:$0x1] =	wrdreg $0xFFFFFFFF  }
0xad: {  	[dreg:$0x0] =	wrdreg $0x60  }
0xae: {  	[dreg:$0x2] =	wrdreg s24  }
0xaf: {  	[dreg:$0x3] =	wrdreg $0xA8000  }
0xb0: {  	[dreg:$0x4] =	wrdreg $0x9  }
0xb1: {  	_ =	task.clear_ibuf [dreg:s6], $0x5FFFF;
	_ =	strace $0x90000052  }
0xb2: {  	s29 =	simm.s32 $0x9;
	_ =	strace $0x80000054  }
0xb3: {  	_ =	swait.ge [sflag:s29], $0x1  }
0xb4: {  	[sflag:s29] =	ssyncadd.s32 $0xFFFFFFFF  }
0xb5: {  	_ =	strace $0x90000054  }
0xb6: {  	_ =	sfence  }
0xb7: {  	s30 =	sld [smem:$0x0];
	_ =	sdelay $0x2  }
0xb8: {  	s31 =	sshll.u32 s1, $0xD;
	s1 =	sshrl.u32 s1, $0x2  }
0xb9: {  	s3 =	sand.u32 $0x4000, s31;
	s1 =	sadd.s32 s1, s30  }
0xba: {  	s0 =	sor.u32 s3, s0;
	s1 =	sshll.u32 s1, $0x11  }
0xbb: {  	s0 =	sor.u32 s1, s0  }
0xbc: {  	s0 =	sadd.s32 $0x8F2B, s0  }
0xbd: {  	[sflag:s0] =	ssyncadd.remote.s32 $0x1  }
0xbe: {  	_ =	sfence.sel $0xFFFF  }
0xbf: {  	[dreg:$0x0] =	wrdreg $0xFFFFFFFF;
	(pc) =	sbr.abs _section_cstart, $3  }
0xc0: {  	[dreg:$0x1] =	wrdreg $0xFFFFFFFF  }
0xc1: {  	_ =	task.clear_ibuf [dreg:s6], $0x2FFFF;
	_ =	strace $0x9FFFFFFF  }
0xc2: {  	(tm) =	ssettm $0x7FFFFFFF  }
0xc3: {  	_ =	shalt  }
tec
execute0_lowered:
.L_overlay_start_1:
0x0: {  	(tag) =	ssettag $0x1  }
0x1: {  	s5 =	rddreg [dreg:$0x0]  }
0x2: {  	s2 =	rddreg [dreg:$0x1]  }
0x3: {  	s0 =	rddreg [dreg:$0x2]  }
0x4: {  	s3 =	simm.s32 $0x0;
	s1 =	stileid.u32;
	s4 =	srdreg.scid  }
0x5: {  	s14 =	simm.s32 $0x80;
	s15 =	simm.s32 $0x2800;
	s16 =	simm.s32 $0x6800  }
0x6: {  	s17 =	simm.s32 $0x1;
	s18 =	simm.s32 $0x2;
	s19 =	simm.s32 $0x0  }
0x7: {  	[smem:$0x7FF] =	sst s3;
	s6 =	smul.u32 $0x13C00, s1;
	s7 =	sand.u32 $0x1, s4  }
0x8: {  	s9 =	sshll.u32 s1, $0x1;
	s4 =	sadd.s32 $0x5000, s5;
	s28 =	smul.u32 $0x4F000, s1  }
0x9: {  	s31 =	sshll.u32 s1, $0x6;
	_ =	strace $0x80000053;
	s8 =	smul.u32 $0x13C000, s7  }
0xa: {  	s9 =	sor.u32 s7, s9;
	s7 =	ssub.s32 $0x2, s7;
	s10 =	sshrl.u32 s6, $0x3  }
0xb: {  	s26 =	smul.u32 $0x280, s9;
	s29 =	sshrl.u32 s7, $0x1;
	s30 =	sshrl.u32 s28, $0x2  }
0xc: {  	s10 =	sadd.s32 s10, s5;
	s6 =	sadd.s32 s6, s8;
	s12 =	ssub.s32 s7, s29  }
0xd: {  	s13 =	sadd.s32 s30, s2;
	s6 =	sshrl.u32 s6, $0x3;
	s7 =	sadd.s32 $0x28B000, s10  }
0xe: {  	s9 =	smax.u32 s12, $0x1;
	s10 =	simm.s32 $0x3;
	s12 =	sor.u32 $0x1C03, s31  }
0xf: {  	s13 =	sshrl.u32 s13, $0x3;
	s11 =	sadd.s32 s6, s5;
	s5 =	sadd.s32 s5, s26  }
0x10: {  	s6 =	sadd.s32 $0x301800, s5;
	s8 =	sadd.s32 $0x2C800, s11;
	s11 =	simm.s32 $0x1400  }
.LBB2_1:
0x11: {  	[tilespmem:s3], [sflag:$0x3] =	stream.linear.gather [hbm4b:s6+s3], $0x1400, $0x38;
	[tilespmem:$0x1E400] =	vst v63  }
0x12: {  	_ =	swait.ge [sflag:s10], $0x1400  }
0x13: {  	[sflag:s10] =	ssyncset.done $0x0  }
0x14: {  	[sflag:s10] =	ssyncadd.s32 $0xFFFFEC00  }
0x15: {  	[tilespmem:s11], [sflag:$0x3] =	stream.linear.gather [hbm4b:s5+s3], $0x1400, $0x38;
	[tilespmem:$0x1E400] =	vst v63  }
0x16: {  	_ =	swait.ge [sflag:s10], $0x1400  }
0x17: {  	[sflag:s10] =	ssyncset.done $0x0  }
0x18: {  	[sflag:s10] =	ssyncadd.s32 $0xFFFFEC00  }
0x19: {  	[spmem:s13], [sflag:s12] =	dma.local [hbm:s7], $0x2780  }
0x1a: {  	_ =	swait.ge [sflag:s10], $0x2780  }
0x1b: {  	[sflag:s10] =	ssyncset.done $0x0  }
0x1c: {  	[sflag:s10] =	ssyncadd.s32 $0xFFFFD880  }
0x1d: {  	s20 =	simm.s32 $0x0;
	[bflag:$0x0] =	sbarrier.arrive $0xFFFF  }
0x1e: {  	[tilespmem:s15], [sflag:$0x1] =	stream.indirect.gather [hbm4b:s4+s14], $0x80, s20, s14, $0xb8;
	[tilespmem:$0x1E400] =	vst v63  }
0x1f: {  	s29 =	simm.s32 $0x80  }
0x20: {  	[tilespmem:s16], [sflag:$0x2] =	stream.indirect.gather [hbm4b:s4+s14], $0x80, s29, s14, $0xb8;
	[tilespmem:$0x1E400] =	vst v63  }
0x21: {  	_ =	swait.ge [sflag:s17], $0x4000  }
0x22: {  	[sflag:s17] =	ssyncset.done $0x0  }
0x23: {  	s30 =	simm.s32 $0x1400;
	[sflag:s17] =	ssyncadd.s32 $0xFFFFC000  }
0x24: {  	[spmem:s2] =	stream.indirect.scatter.add.f32 [tilespmem:s15], [sflag:$0x3], $0x80, s30, s14, $0xb8;
	[tilespmem:$0x1E400] =	vst v63  }
0x25: {  	_ =	swait.ge [sflag:s10], $0x4000  }
0x26: {  	[sflag:s10] =	ssyncset.done $0x0  }
0x27: {  	[sflag:s10] =	ssyncadd.s32 $0xFFFFC000  }
0x28: {  	_ =	swait.ge [sflag:s18], $0x4000  }
0x29: {  	[sflag:s18] =	ssyncset.done $0x0  }
0x2a: {  	s31 =	simm.s32 $0x1480;
	[sflag:s18] =	ssyncadd.s32 $0xFFFFC000  }
0x2b: {  	[spmem:s2] =	stream.indirect.scatter.add.f32 [tilespmem:s16], [sflag:$0x3], $0x80, s31, s14, $0xb8;
	[tilespmem:$0x1E400] =	vst v63  }
0x2c: {  	_ =	swait.ge [sflag:s10], $0x4000  }
0x2d: {  	s21 =	simm.s32 $0x800;
	s20 =	simm.s32 $0x400;
	[sflag:s10] =	ssyncset.done $0x0  }
.LBB2_2:
0x2e: {  	s22 =	sshra.s32 s20, $0x2  }
0x2f: {  	[sflag:s10] =	ssyncadd.s32 $0xFFFFC000;
	s20 =	smov.u32 s21;
	s23 =	sadd.s32 $0x400, s21  }
0x30: {  	[tilespmem:s15], [sflag:$0x1] =	stream.indirect.gather [hbm4b:s4+s14], $0x80, s22, s14, $0xb8;
	[tilespmem:$0x1E400] =	vst v63  }
0x31: {  	p0 =	sne.s32 s21, $0x4C00;
	s21 =	sadd.s32 $0x80, s22  }
0x32: {  	[tilespmem:s16], [sflag:$0x2] =	stream.indirect.gather [hbm4b:s4+s14], $0x80, s21, s14, $0xb8;
	[tilespmem:$0x1E400] =	vst v63  }
0x33: {  	_ =	swait.ge [sflag:s17], $0x4000  }
0x34: {  	[sflag:s17] =	ssyncset.done $0x0  }
0x35: {  	s21 =	sadd.s32 $0x1400, s22;
	[sflag:s17] =	ssyncadd.s32 $0xFFFFC000  }
0x36: {  	[spmem:s2] =	stream.indirect.scatter.add.f32 [tilespmem:s15], [sflag:$0x3], $0x80, s21, s14, $0xb8;
	[tilespmem:$0x1E400] =	vst v63  }
0x37: {  	_ =	swait.ge [sflag:s10], $0x4000  }
0x38: {  	[sflag:s10] =	ssyncset.done $0x0  }
0x39: {  	[sflag:s10] =	ssyncadd.s32 $0xFFFFC000  }
0x3a: {  	_ =	swait.ge [sflag:s18], $0x4000  }
.Ltmp0:
0x3b: {  	[sflag:s18] =	ssyncset.done $0x0;
	(pc) =	sbr.rel @p0 .LBB2_2-.Ltmp0, $4  }
0x3c: {  	s21 =	sadd.s32 $0x1480, s22;
	[sflag:s18] =	ssyncadd.s32 $0xFFFFC000  }
0x3d: {  	[spmem:s2] =	stream.indirect.scatter.add.f32 [tilespmem:s16], [sflag:$0x3], $0x80, s21, s14, $0xb8;
	[tilespmem:$0x1E400] =	vst v63  }
0x3e: {  	_ =	swait.ge [sflag:s10], $0x4000  }
0x3f: {  	s21 =	smov.u32 s23;
	[sflag:s10] =	ssyncset.done $0x0  }
0x40: {  	s20 =	sshra.s32 s20, $0x2;
	[sflag:s10] =	ssyncadd.s32 $0xFFFFC000  }
0x41: {  	[tilespmem:s15], [sflag:$0x1] =	stream.indirect.gather [hbm4b:s4+s14], $0x80, s20, s14, $0xb8;
	[tilespmem:$0x1E400] =	vst v63  }
0x42: {  	s21 =	sadd.s32 $0x80, s20  }
0x43: {  	[tilespmem:s16], [sflag:$0x2] =	stream.indirect.gather [hbm4b:s4+s14], $0x80, s21, s14, $0xb8;
	[tilespmem:$0x1E400] =	vst v63  }
0x44: {  	_ =	swait.ge [sflag:s17], $0x4000  }
0x45: {  	[sflag:s17] =	ssyncset.done $0x0  }
0x46: {  	s31 =	sadd.s32 $0x1400, s20;
	[sflag:s17] =	ssyncadd.s32 $0xFFFFC000  }
0x47: {  	[spmem:s2] =	stream.indirect.scatter.add.f32 [tilespmem:s15], [sflag:$0x3], $0x80, s31, s14, $0xb8;
	[tilespmem:$0x1E400] =	vst v63  }
0x48: {  	_ =	swait.ge [sflag:s10], $0x4000  }
0x49: {  	[sflag:s10] =	ssyncset.done $0x0  }
0x4a: {  	[sflag:s10] =	ssyncadd.s32 $0xFFFFC000  }
0x4b: {  	_ =	swait.ge [sflag:s18], $0x4000  }
0x4c: {  	[sflag:s18] =	ssyncset.done $0x0  }
0x4d: {  	s20 =	sadd.s32 $0x1480, s20;
	[sflag:s18] =	ssyncadd.s32 $0xFFFFC000  }
0x4e: {  	[spmem:s2] =	stream.indirect.scatter.add.f32 [tilespmem:s16], [sflag:$0x3], $0x80, s20, s14, $0xb8;
	[tilespmem:$0x1E400] =	vst v63  }
0x4f: {  	_ =	swait.ge [sflag:s10], $0x4000  }
0x50: {  	s19 =	sadd.s32 $0x1, s19;
	[sflag:s10] =	ssyncset.done $0x0  }
0x51: {  	p0 =	sne.s32 s19, s9;
	[sflag:s10] =	ssyncadd.s32 $0xFFFFC000  }
.Ltmp1:
0x52: {  	[bflag:$0x0] =	sbarrier.arrive $0xFFFF;
	(pc) =	sbr.rel @p0 .LBB2_1-.Ltmp1, $4  }
0x53: {  	[hbm:s8], [sflag:s12] =	dma.local [spmem:s13], $0x2780  }
0x54: {  	_ =	swait.ge [sflag:s10], $0x2780  }
0x55: {  	[sflag:s10] =	ssyncset.done $0x0  }
0x56: {  	[sflag:s10] =	ssyncadd.s32 $0xFFFFD880  }
0x57: {  	_ =	sfence.sel $0x180000  }
0x58: {  	[bflag:$0x0] =	sbarrier.arrive $0xFFFF  }
0x59: {  	p0 =	sne.s32 s1, $0x0;
	_ =	strace $0x90000053  }
0x5a: {  	s0 =	sadd.s32 @!p0 $0x100000, s0;
	[bflag:$0x2] =	sbarrier.arrive $0xFFFF  }
0x5b: {  	[sflag:s0] =	ssyncadd.tile.s32 @!p0 $0x1;
	_ =	shalt  }
.Lfunc_end2:
_tile_overlayer_lowered:
.L_overlay_start_2:
0x5c: {  	(tag) =	ssettag $0x2  }
0x5d: {  	s0 =	rddreg [dreg:$0x0];
	s2 =	stileid.u32  }
0x5e: {  	s1 =	rddreg [dreg:$0x1];
	p0 =	sne.s32 s2, $0x0  }
0x5f: {  	s3 =	rddreg [dreg:$0x2];
	[bflag:$0x3] =	sbarrier.arrive $0xFFFF;
	s2 =	simm.s32 @!p0 $0x1C03  }
0x60: {  	[timem:s3], [sflag:s2] =	dma.local @!p0 [hbm:s0], s1  }
0x61: {  	s0 =	simm.s32 @!p0 $0x3  }
0x62: {  	_ =	swait.ge @!p0 [sflag:s0], s1  }
0x63: {  	s1 =	ssub.s32 @!p0 $0x0, s1;
	[sflag:s0] =	ssyncset.done @!p0 $0x0  }
0x64: {  	[sflag:s0] =	ssyncadd.s32 @!p0 s1  }
0x65: {  	[bflag:$0x3] =	sbarrier.arrive $0xFFFF  }
0x66: {  	_ =	shalt  }

// kernel: kernel.29.cloned.1.call-start
scs
__scs_entry_jumppad:
0x0: {  	(pc) =	sbr.rel $0x88, $3  }
0x1: {  	(tag) =	ssettag $0x0;
	lr =	simm.s32 $0x1  }
0x2: {  	[smem:$0x3F98] =	sst lr;
	_ =	strace $0xD0000000  }
0x3: {  	_ = 	snop  }
0x4: {  	_ = 	snop  }
0x5: {  	_ = 	snop  }
0x6: {  	_ = 	snop  }
0x7: {  	_ = 	snop  }
__scs_overlays_trampoline_lowered:
0x8: {  	[smem:$0x3FA7] =	sst s0  }
0x9: {  	[smem:$0x3FA8] =	sst s1  }
0xa: {  	[smem:$0x3FA9] =	sst s2  }
0xb: {  	[smem:$0x3FAA] =	sst s3  }
0xc: {  	[smem:$0x3FAB] =	sst s4  }
0xd: {  	[smem:$0x3FAC] =	sst s5  }
0xe: {  	[smem:$0x3FAD] =	sst s6  }
0xf: {  	[smem:$0x3FAE] =	sst s7  }
0x10: {  	[smem:$0x3FAF] =	sst s8  }
0x11: {  	[smem:$0x3FB0] =	sst s9;
	s0 =	simm.s32 @!p0 $0x0  }
0x12: {  	s1 =	sld [smem:$0x3F96];
	s0 =	simm.s32 @p0 $0x1  }
0x13: {  	[smem:$0x3FB1] =	sst s0;
	s0 =	simm.s32 @!p1 $0x0  }
0x14: {  	s2 =	sld [smem:$0x3F95];
	s0 =	simm.s32 @p1 $0x1  }
0x15: {  	[smem:$0x3FB2] =	sst s0;
	s0 =	simm.s32 @!p2 $0x0  }
0x16: {  	s3 =	sld [smem:$0x3FDB];
	s0 =	simm.s32 @p2 $0x1  }
0x17: {  	s4 =	simm.s32 $0x1BF5;
	[smem:$0x3FB4] =	sst s0  }
0x18: {  	s0 =	sld [smem:$0x3F97];
	_ =	swait.ge [sflag:s4], $0x0  }
0x19: {  	s7 =	sld [smem:$0x3F98]  }
0x1a: {  	s8 =	sadd.s32 $0xFFFFE003, lr  }
0x1b: {  	s9 =	sadd.s32 $0xFFFFFEF7, lr;
	s5 =	simm.s32 $0xFFFFFFFF;
	p2 =	slt.u32 s8, $0xFFFFF086  }
0x1c: {  	p1 =	slt.u32 s9, $0xF7A;
	s5 =	simm.s32 @!p2 $0x0  }
0x1d: {  	s5 =	simm.s32 @p1 $0x1;
	p0 =	seq.s32 s7, s2  }
0x1e: {  	s7 =	smul.u32 @!p0 $0xF7A, s2;
	p2 =	seq.s32 @!p0 s5, $0x0  }
0x1f: {  	s9 =	smul.u32 $0xF7A, s1;
	s8 =	simm.s32 @!p0 $0x1BF5;
	p2 =	por !p2, p0  }
0x20: {  	[sflag:s8] =	ssyncset.s32 @!p0 $0xFFFFF086;
	s6 =	sadd.s32 @!p0 s3, s7;
	s7 =	simm.s32 @!p0 $0x108  }
0x21: {  	s3 =	sadd.s32 s3, s9;
	s6 =	sadd.s32 @!p0 $0x88, s6;
	s7 =	simm.s32 @p2 $0x1082  }
0x22: {  	[simem:s7], [sflag:s8] =	dma.local @!p0 [hbm:s6], $0xF7A  }
0x23: {  	s9 =	sor.u32 $0xD0000000, s2;
	s6 =	simm.s32 $0x108;
	_ =	swait.ge @!p0 [sflag:s8], $0x0  }
0x24: {  	s3 =	sadd.s32 $0x88, s3;
	s6 =	simm.s32 @!p1 $0x1082;
	[sflag:s4] =	ssyncset.s32 $0xFFFFF086  }
0x25: {  	[simem:s6], [sflag:s4] =	dma.local [hbm:s3], $0xF7A  }
0x26: {  	[smem:$0x3F98] =	sst s1;
	(tag) =	ssettag s2;
	_ =	strace s9  }
0x27: {  	s1 =	sld [smem:$0x3FA8]  }
0x28: {  	s2 =	sld [smem:$0x3FA9]  }
0x29: {  	s4 =	sld [smem:$0x3FAB]  }
0x2a: {  	p0 =	seq.s32 s5, $0x0;
	s5 =	sld [smem:$0x3FAC]  }
0x2b: {  	s6 =	sld [smem:$0x3FAD]  }
0x2c: {  	s7 =	sld [smem:$0x3FAE]  }
0x2d: {  	s3 =	simm.s32 $0x108;
	s8 =	sld [smem:$0x3FAF]  }
0x2e: {  	s3 =	simm.s32 @!p0 $0x1082;
	s9 =	sld [smem:$0x3FB0]  }
0x2f: {  	lr =	sadd.s32 s0, s3;
	s0 =	sld [smem:$0x3FA7]  }
0x30: {  	s3 =	sld [smem:$0x3FAA]  }
0x31: {  	[smem:$0x3FB3] =	sst s10  }
0x32: {  	s10 =	sld [smem:$0x3FB1];
	_ =	sdelay $0x3  }
0x33: {  	p0 =	seq.s32 s10, $0x1;
	s10 =	sld [smem:$0x3FB3];
	_ =	sdelay $0x3  }
0x34: {  	[smem:$0x3FB3] =	sst s10  }
0x35: {  	s10 =	sld [smem:$0x3FB2];
	_ =	sdelay $0x3  }
0x36: {  	p1 =	seq.s32 s10, $0x1;
	s10 =	sld [smem:$0x3FB3];
	_ =	sdelay $0x3  }
0x37: {  	[smem:$0x3FB3] =	sst s10  }
0x38: {  	s10 =	sld [smem:$0x3FB4]  }
0x39: {  	_ = 	snop;
	(pc) =	sbr.ind lr, $3  }
0x3a: {  	_ = 	snop  }
0x3b: {  	_ = 	snop  }
0x3c: {  	p2 =	seq.s32 s10, $0x1;
	s10 =	sld [smem:$0x3FB3]  }
0x3d: {  	_ =	shalt  }
0x3e: {  	_ =	shalt  }
0x3f: {  	_ =	shalt  }
0x40: {  	_ =	shalt  }
0x41: {  	_ =	shalt  }
0x42: {  	_ =	shalt  }
0x43: {  	_ =	shalt  }
0x44: {  	_ =	shalt  }
0x45: {  	_ =	shalt  }
0x46: {  	_ =	shalt  }
0x47: {  	_ =	shalt  }
0x48: {  	_ =	shalt  }
0x49: {  	_ =	shalt  }
0x4a: {  	_ =	shalt  }
0x4b: {  	_ =	shalt  }
0x4c: {  	_ =	shalt  }
0x4d: {  	_ =	shalt  }
0x4e: {  	_ =	shalt  }
0x4f: {  	_ =	shalt  }
0x50: {  	_ =	shalt  }
0x51: {  	_ =	shalt  }
0x52: {  	_ =	shalt  }
0x53: {  	_ =	shalt  }
0x54: {  	_ =	shalt  }
0x55: {  	_ =	shalt  }
0x56: {  	_ =	shalt  }
0x57: {  	_ =	shalt  }
0x58: {  	_ =	shalt  }
0x59: {  	_ =	shalt  }
0x5a: {  	_ =	shalt  }
0x5b: {  	_ =	shalt  }
0x5c: {  	_ =	shalt  }
0x5d: {  	_ =	shalt  }
0x5e: {  	_ =	shalt  }
0x5f: {  	_ =	shalt  }
0x60: {  	_ =	shalt  }
0x61: {  	_ =	shalt  }
0x62: {  	_ =	shalt  }
0x63: {  	_ =	shalt  }
0x64: {  	_ =	shalt  }
0x65: {  	_ =	shalt  }
0x66: {  	_ =	shalt  }
0x67: {  	_ =	shalt  }
0x68: {  	_ =	shalt  }
0x69: {  	_ =	shalt  }
0x6a: {  	_ =	shalt  }
0x6b: {  	_ =	shalt  }
0x6c: {  	_ =	shalt  }
0x6d: {  	_ =	shalt  }
0x6e: {  	_ =	shalt  }
0x6f: {  	_ =	shalt  }
0x70: {  	_ =	shalt  }
0x71: {  	_ =	shalt  }
0x72: {  	_ =	shalt  }
0x73: {  	_ =	shalt  }
0x74: {  	_ =	shalt  }
0x75: {  	_ =	shalt  }
0x76: {  	_ =	shalt  }
0x77: {  	_ =	shalt  }
0x78: {  	_ =	shalt  }
0x79: {  	_ =	shalt  }
0x7a: {  	_ =	shalt  }
0x7b: {  	_ =	shalt  }
0x7c: {  	_ =	shalt  }
0x7d: {  	_ =	shalt  }
0x7e: {  	_ =	shalt  }
0x7f: {  	_ =	shalt  }
0x80: {  	_ =	shalt  }
0x81: {  	_ =	shalt  }
0x82: {  	_ =	shalt  }
0x83: {  	_ =	shalt  }
0x84: {  	_ =	shalt  }
0x85: {  	_ =	shalt  }
0x86: {  	_ =	shalt  }
0x87: {  	_ =	shalt  }
.Lfunc_end0:
.L_simem_size_0:
called_computation.7_lowered:
.L_overlay_start_0:
0x88: {  	s2 =	sld [smem:$0x3FD9]  }
0x89: {  	s3 =	sld [smem:$0x3FFE];
	_ =	sdelay $0x1  }
0x8a: {  	s1 =	srdreg.scid  }
0x8b: {  	s0 =	sand.u32 $0x1, s1  }
0x8c: {  	s16 =	sshll.u32 s0, $0xA;
	s2 =	sadd.s32 s3, s2  }
0x8d: {  	s2 =	sadd.s32 s2, s16  }
0x8e: {  	[smem:$0x3FBF] =	sst s2  }
0x8f: {  	_ = 	snop  }
0x90: {  	(tm) =	ssettm $0x1  }
0x91: {  	s17 =	sld [smem:$0x3FFB];
	_ =	sdelay $0x3  }
0x92: {  	_ =	strace s17  }
0x93: {  	s2 =	sld [smem:$0x3FFC];
	_ =	sdelay $0x3  }
0x94: {  	_ =	strace s2  }
0x95: {  	s2 =	sld [smem:$0x3FFD];
	_ =	sdelay $0x3  }
0x96: {  	_ =	strace s2  }
0x97: {  	_ =	strace $0x8FFFFFFF  }
0x98: {  	s18 =	sld [smem:$0x3FDB];
	_ =	sdelay $0x1  }
0x99: {  	s19 =	simm.s32 $_scs_section_size  }
0x9a: {  	s4 =	simm.s32 $_size__tile_overlayer_lowered;
	s5 =	simm.s32 $_tile_overlayer_lowered  }
0x9b: {  	s22 =	simm.s32 $0x1BFF;
	s21 =	sshll.u32 s5, $0x1;
	s2 =	sadd.s32 s19, s18  }
0x9c: {  	s6 =	simm.s32 $0x0;
	s20 =	sshll.u32 s4, $0x1;
	s4 =	sadd.s32 s21, s2  }
0x9d: {  	[timem:s6], [sflag:s22] =	dma.local [hbm:s4], s20  }
0x9e: {  	_ =	swait.ge [sflag:s22], s20  }
0x9f: {  	s3 =	ssub.s32 $0x0, s20;
	[sflag:s22] =	ssyncset.done $0x0  }
0xa0: {  	[sflag:s22] =	ssyncadd.s32 s3;
	_ =	sdelay $0x1  }
0xa1: {  	s23 =	simm.s32 $0x1B8B  }
0xa2: {  	_ =	swait.ge [sflag:s23], $0x1  }
0xa3: {  	[sflag:s23] =	ssyncset.done $0x0  }
0xa4: {  	s25 =	simm.s32 $0x1B8E;
	s24 =	sld [smem:$0x3FFE];
	[sflag:s23] =	ssyncadd.s32 $0xFFFFFFFF  }
0xa5: {  	s26 =	simm.s32 $execute0_lowered;
	[smem:$0x3FD2] =	sst s25  }
0xa6: {  	s4 =	sshll.u32 s26, $0x1;
	_ =	strace $0x80000055;
	[dreg:$0x1] =	wrdreg $0xFFFFFFFF  }
0xa7: {  	s28 =	simm.s32 $_size_execute0_lowered;
	s2 =	sadd.s32 s2, s4;
	[dreg:$0x0] =	wrdreg $0x0  }
0xa8: {  	s4 =	sshll.u32 s28, $0x1;
	[dreg:$0x2] =	wrdreg s2  }
0xa9: {  	[dreg:$0x3] =	wrdreg s4  }
0xaa: {  	[dreg:$0x4] =	wrdreg $0xC0  }
0xab: {  	_ =	task [dreg:s6], $0x5FFFF  }
0xac: {  	[dreg:$0x1] =	wrdreg $0xFFFFFFFF  }
0xad: {  	[dreg:$0x0] =	wrdreg $0x60  }
0xae: {  	[dreg:$0x2] =	wrdreg s24  }
0xaf: {  	[dreg:$0x3] =	wrdreg $0xA8000  }
0xb0: {  	[dreg:$0x4] =	wrdreg $0x9  }
0xb1: {  	_ =	task.clear_ibuf [dreg:s6], $0x5FFFF;
	_ =	strace $0x90000055  }
0xb2: {  	s29 =	simm.s32 $0x9;
	_ =	strace $0x80000057  }
0xb3: {  	_ =	swait.ge [sflag:s29], $0x1  }
0xb4: {  	[sflag:s29] =	ssyncadd.s32 $0xFFFFFFFF  }
0xb5: {  	_ =	strace $0x90000057  }
0xb6: {  	_ =	sfence  }
0xb7: {  	s30 =	sld [smem:$0x0];
	_ =	sdelay $0x2  }
0xb8: {  	s31 =	sshll.u32 s1, $0xD;
	s1 =	sshrl.u32 s1, $0x2  }
0xb9: {  	s3 =	sand.u32 $0x4000, s31;
	s1 =	sadd.s32 s1, s30  }
0xba: {  	s0 =	sor.u32 s3, s0;
	s1 =	sshll.u32 s1, $0x11  }
0xbb: {  	s0 =	sor.u32 s1, s0  }
0xbc: {  	s0 =	sadd.s32 $0x8F2B, s0  }
0xbd: {  	[sflag:s0] =	ssyncadd.remote.s32 $0x1  }
0xbe: {  	_ =	sfence.sel $0xFFFF  }
0xbf: {  	[dreg:$0x0] =	wrdreg $0xFFFFFFFF;
	(pc) =	sbr.abs _section_cstart, $3  }
0xc0: {  	[dreg:$0x1] =	wrdreg $0xFFFFFFFF  }
0xc1: {  	_ =	task.clear_ibuf [dreg:s6], $0x2FFFF;
	_ =	strace $0x9FFFFFFF  }
0xc2: {  	(tm) =	ssettm $0x7FFFFFFF  }
0xc3: {  	_ =	shalt  }
tec
execute0_lowered:
.L_overlay_start_1:
0x0: {  	(tag) =	ssettag $0x1  }
0x1: {  	s5 =	rddreg [dreg:$0x0]  }
0x2: {  	s2 =	rddreg [dreg:$0x1]  }
0x3: {  	s0 =	rddreg [dreg:$0x2]  }
0x4: {  	s3 =	simm.s32 $0x0;
	s1 =	stileid.u32;
	s4 =	srdreg.scid  }
0x5: {  	s14 =	simm.s32 $0x80;
	s15 =	simm.s32 $0x2800;
	s16 =	simm.s32 $0x6800  }
0x6: {  	s17 =	simm.s32 $0x1;
	s18 =	simm.s32 $0x2;
	s19 =	simm.s32 $0x0  }
0x7: {  	[smem:$0x7FF] =	sst s3;
	s6 =	smul.u32 $0x13C00, s1;
	s7 =	sand.u32 $0x1, s4  }
0x8: {  	s9 =	sshll.u32 s1, $0x1;
	s4 =	sadd.s32 $0x5000, s5;
	s28 =	smul.u32 $0x4F000, s1  }
0x9: {  	s31 =	sshll.u32 s1, $0x6;
	_ =	strace $0x80000056;
	s8 =	smul.u32 $0x13C000, s7  }
0xa: {  	s9 =	sor.u32 s7, s9;
	s7 =	ssub.s32 $0x2, s7;
	s10 =	sshrl.u32 s6, $0x3  }
0xb: {  	s26 =	smul.u32 $0x280, s9;
	s29 =	sshrl.u32 s7, $0x1;
	s30 =	sshrl.u32 s28, $0x2  }
0xc: {  	s10 =	sadd.s32 s10, s5;
	s6 =	sadd.s32 s6, s8;
	s12 =	ssub.s32 s7, s29  }
0xd: {  	s13 =	sadd.s32 s30, s2;
	s6 =	sshrl.u32 s6, $0x3;
	s7 =	sadd.s32 $0x28B000, s10  }
0xe: {  	s9 =	smax.u32 s12, $0x1;
	s10 =	simm.s32 $0x3;
	s12 =	sor.u32 $0x1C03, s31  }
0xf: {  	s13 =	sshrl.u32 s13, $0x3;
	s11 =	sadd.s32 s6, s5;
	s5 =	sadd.s32 s5, s26  }
0x10: {  	s6 =	sadd.s32 $0x301800, s5;
	s8 =	sadd.s32 $0x2C800, s11;
	s11 =	simm.s32 $0x1400  }
.LBB2_1:
0x11: {  	[tilespmem:s3], [sflag:$0x3] =	stream.linear.gather [hbm4b:s6+s3], $0x1400, $0x38;
	[tilespmem:$0x1E400] =	vst v63  }
0x12: {  	_ =	swait.ge [sflag:s10], $0x1400  }
0x13: {  	[sflag:s10] =	ssyncset.done $0x0  }
0x14: {  	[sflag:s10] =	ssyncadd.s32 $0xFFFFEC00  }
0x15: {  	[tilespmem:s11], [sflag:$0x3] =	stream.linear.gather [hbm4b:s5+s3], $0x1400, $0x38;
	[tilespmem:$0x1E400] =	vst v63  }
0x16: {  	_ =	swait.ge [sflag:s10], $0x1400  }
0x17: {  	[sflag:s10] =	ssyncset.done $0x0  }
0x18: {  	[sflag:s10] =	ssyncadd.s32 $0xFFFFEC00  }
0x19: {  	[spmem:s13], [sflag:s12] =	dma.local [hbm:s7], $0x2780  }
0x1a: {  	_ =	swait.ge [sflag:s10], $0x2780  }
0x1b: {  	[sflag:s10] =	ssyncset.done $0x0  }
0x1c: {  	[sflag:s10] =	ssyncadd.s32 $0xFFFFD880  }
0x1d: {  	s20 =	simm.s32 $0x0;
	[bflag:$0x0] =	sbarrier.arrive $0xFFFF  }
0x1e: {  	[tilespmem:s15], [sflag:$0x1] =	stream.indirect.gather [hbm4b:s4+s14], $0x80, s20, s14, $0xb8;
	[tilespmem:$0x1E400] =	vst v63  }
0x1f: {  	s29 =	simm.s32 $0x80  }
0x20: {  	[tilespmem:s16], [sflag:$0x2] =	stream.indirect.gather [hbm4b:s4+s14], $0x80, s29, s14, $0xb8;
	[tilespmem:$0x1E400] =	vst v63  }
0x21: {  	_ =	swait.ge [sflag:s17], $0x4000  }
0x22: {  	[sflag:s17] =	ssyncset.done $0x0  }
0x23: {  	s30 =	simm.s32 $0x1400;
	[sflag:s17] =	ssyncadd.s32 $0xFFFFC000  }
0x24: {  	[spmem:s2] =	stream.indirect.scatter.add.f32 [tilespmem:s15], [sflag:$0x3], $0x80, s30, s14, $0xb8;
	[tilespmem:$0x1E400] =	vst v63  }
0x25: {  	_ =	swait.ge [sflag:s10], $0x4000  }
0x26: {  	[sflag:s10] =	ssyncset.done $0x0  }
0x27: {  	[sflag:s10] =	ssyncadd.s32 $0xFFFFC000  }
0x28: {  	_ =	swait.ge [sflag:s18], $0x4000  }
0x29: {  	[sflag:s18] =	ssyncset.done $0x0  }
0x2a: {  	s31 =	simm.s32 $0x1480;
	[sflag:s18] =	ssyncadd.s32 $0xFFFFC000  }
0x2b: {  	[spmem:s2] =	stream.indirect.scatter.add.f32 [tilespmem:s16], [sflag:$0x3], $0x80, s31, s14, $0xb8;
	[tilespmem:$0x1E400] =	vst v63  }
0x2c: {  	_ =	swait.ge [sflag:s10], $0x4000  }
0x2d: {  	s21 =	simm.s32 $0x800;
	s20 =	simm.s32 $0x400;
	[sflag:s10] =	ssyncset.done $0x0  }
.LBB2_2:
0x2e: {  	s22 =	sshra.s32 s20, $0x2  }
0x2f: {  	[sflag:s10] =	ssyncadd.s32 $0xFFFFC000;
	s20 =	smov.u32 s21;
	s23 =	sadd.s32 $0x400, s21  }
0x30: {  	[tilespmem:s15], [sflag:$0x1] =	stream.indirect.gather [hbm4b:s4+s14], $0x80, s22, s14, $0xb8;
	[tilespmem:$0x1E400] =	vst v63  }
0x31: {  	p0 =	sne.s32 s21, $0x4C00;
	s21 =	sadd.s32 $0x80, s22  }
0x32: {  	[tilespmem:s16], [sflag:$0x2] =	stream.indirect.gather [hbm4b:s4+s14], $0x80, s21, s14, $0xb8;
	[tilespmem:$0x1E400] =	vst v63  }
0x33: {  	_ =	swait.ge [sflag:s17], $0x4000  }
0x34: {  	[sflag:s17] =	ssyncset.done $0x0  }
0x35: {  	s21 =	sadd.s32 $0x1400, s22;
	[sflag:s17] =	ssyncadd.s32 $0xFFFFC000  }
0x36: {  	[spmem:s2] =	stream.indirect.scatter.add.f32 [tilespmem:s15], [sflag:$0x3], $0x80, s21, s14, $0xb8;
	[tilespmem:$0x1E400] =	vst v63  }
0x37: {  	_ =	swait.ge [sflag:s10], $0x4000  }
0x38: {  	[sflag:s10] =	ssyncset.done $0x0  }
0x39: {  	[sflag:s10] =	ssyncadd.s32 $0xFFFFC000  }
0x3a: {  	_ =	swait.ge [sflag:s18], $0x4000  }
.Ltmp0:
0x3b: {  	[sflag:s18] =	ssyncset.done $0x0;
	(pc) =	sbr.rel @p0 .LBB2_2-.Ltmp0, $4  }
0x3c: {  	s21 =	sadd.s32 $0x1480, s22;
	[sflag:s18] =	ssyncadd.s32 $0xFFFFC000  }
0x3d: {  	[spmem:s2] =	stream.indirect.scatter.add.f32 [tilespmem:s16], [sflag:$0x3], $0x80, s21, s14, $0xb8;
	[tilespmem:$0x1E400] =	vst v63  }
0x3e: {  	_ =	swait.ge [sflag:s10], $0x4000  }
0x3f: {  	s21 =	smov.u32 s23;
	[sflag:s10] =	ssyncset.done $0x0  }
0x40: {  	s20 =	sshra.s32 s20, $0x2;
	[sflag:s10] =	ssyncadd.s32 $0xFFFFC000  }
0x41: {  	[tilespmem:s15], [sflag:$0x1] =	stream.indirect.gather [hbm4b:s4+s14], $0x80, s20, s14, $0xb8;
	[tilespmem:$0x1E400] =	vst v63  }
0x42: {  	s21 =	sadd.s32 $0x80, s20  }
0x43: {  	[tilespmem:s16], [sflag:$0x2] =	stream.indirect.gather [hbm4b:s4+s14], $0x80, s21, s14, $0xb8;
	[tilespmem:$0x1E400] =	vst v63  }
0x44: {  	_ =	swait.ge [sflag:s17], $0x4000  }
0x45: {  	[sflag:s17] =	ssyncset.done $0x0  }
0x46: {  	s31 =	sadd.s32 $0x1400, s20;
	[sflag:s17] =	ssyncadd.s32 $0xFFFFC000  }
0x47: {  	[spmem:s2] =	stream.indirect.scatter.add.f32 [tilespmem:s15], [sflag:$0x3], $0x80, s31, s14, $0xb8;
	[tilespmem:$0x1E400] =	vst v63  }
0x48: {  	_ =	swait.ge [sflag:s10], $0x4000  }
0x49: {  	[sflag:s10] =	ssyncset.done $0x0  }
0x4a: {  	[sflag:s10] =	ssyncadd.s32 $0xFFFFC000  }
0x4b: {  	_ =	swait.ge [sflag:s18], $0x4000  }
0x4c: {  	[sflag:s18] =	ssyncset.done $0x0  }
0x4d: {  	s20 =	sadd.s32 $0x1480, s20;
	[sflag:s18] =	ssyncadd.s32 $0xFFFFC000  }
0x4e: {  	[spmem:s2] =	stream.indirect.scatter.add.f32 [tilespmem:s16], [sflag:$0x3], $0x80, s20, s14, $0xb8;
	[tilespmem:$0x1E400] =	vst v63  }
0x4f: {  	_ =	swait.ge [sflag:s10], $0x4000  }
0x50: {  	s19 =	sadd.s32 $0x1, s19;
	[sflag:s10] =	ssyncset.done $0x0  }
0x51: {  	p0 =	sne.s32 s19, s9;
	[sflag:s10] =	ssyncadd.s32 $0xFFFFC000  }
.Ltmp1:
0x52: {  	[bflag:$0x0] =	sbarrier.arrive $0xFFFF;
	(pc) =	sbr.rel @p0 .LBB2_1-.Ltmp1, $4  }
0x53: {  	[hbm:s8], [sflag:s12] =	dma.local [spmem:s13], $0x2780  }
0x54: {  	_ =	swait.ge [sflag:s10], $0x2780  }
0x55: {  	[sflag:s10] =	ssyncset.done $0x0  }
0x56: {  	[sflag:s10] =	ssyncadd.s32 $0xFFFFD880  }
0x57: {  	_ =	sfence.sel $0x180000  }
0x58: {  	[bflag:$0x0] =	sbarrier.arrive $0xFFFF  }
0x59: {  	p0 =	sne.s32 s1, $0x0;
	_ =	strace $0x90000056  }
0x5a: {  	s0 =	sadd.s32 @!p0 $0x100000, s0;
	[bflag:$0x2] =	sbarrier.arrive $0xFFFF  }
0x5b: {  	[sflag:s0] =	ssyncadd.tile.s32 @!p0 $0x1;
	_ =	shalt  }
.Lfunc_end2:
_tile_overlayer_lowered:
.L_overlay_start_2:
0x5c: {  	(tag) =	ssettag $0x2  }
0x5d: {  	s0 =	rddreg [dreg:$0x0];
	s2 =	stileid.u32  }
0x5e: {  	s1 =	rddreg [dreg:$0x1];
	p0 =	sne.s32 s2, $0x0  }
0x5f: {  	s3 =	rddreg [dreg:$0x2];
	[bflag:$0x3] =	sbarrier.arrive $0xFFFF;
	s2 =	simm.s32 @!p0 $0x1C03  }
0x60: {  	[timem:s3], [sflag:s2] =	dma.local @!p0 [hbm:s0], s1  }
0x61: {  	s0 =	simm.s32 @!p0 $0x3  }
0x62: {  	_ =	swait.ge @!p0 [sflag:s0], s1  }
0x63: {  	s1 =	ssub.s32 @!p0 $0x0, s1;
	[sflag:s0] =	ssyncset.done @!p0 $0x0  }
0x64: {  	[sflag:s0] =	ssyncadd.s32 @!p0 s1  }
0x65: {  	[bflag:$0x3] =	sbarrier.arrive $0xFFFF  }
0x66: {  	_ =	shalt  }

// kernel: kernel.32.cloned.1.call-start
scs
__scs_entry_jumppad:
0x0: {  	(pc) =	sbr.rel $0x88, $3  }
0x1: {  	(tag) =	ssettag $0x0;
	lr =	simm.s32 $0x1  }
0x2: {  	[smem:$0x3F98] =	sst lr;
	_ =	strace $0xD0000000  }
0x3: {  	_ = 	snop  }
0x4: {  	_ = 	snop  }
0x5: {  	_ = 	snop  }
0x6: {  	_ = 	snop  }
0x7: {  	_ = 	snop  }
__scs_overlays_trampoline_lowered:
0x8: {  	[smem:$0x3FA7] =	sst s0  }
0x9: {  	[smem:$0x3FA8] =	sst s1  }
0xa: {  	[smem:$0x3FA9] =	sst s2  }
0xb: {  	[smem:$0x3FAA] =	sst s3  }
0xc: {  	[smem:$0x3FAB] =	sst s4  }
0xd: {  	[smem:$0x3FAC] =	sst s5  }
0xe: {  	[smem:$0x3FAD] =	sst s6  }
0xf: {  	[smem:$0x3FAE] =	sst s7  }
0x10: {  	[smem:$0x3FAF] =	sst s8  }
0x11: {  	[smem:$0x3FB0] =	sst s9;
	s0 =	simm.s32 @!p0 $0x0  }
0x12: {  	s1 =	sld [smem:$0x3F96];
	s0 =	simm.s32 @p0 $0x1  }
0x13: {  	[smem:$0x3FB1] =	sst s0;
	s0 =	simm.s32 @!p1 $0x0  }
0x14: {  	s2 =	sld [smem:$0x3F95];
	s0 =	simm.s32 @p1 $0x1  }
0x15: {  	[smem:$0x3FB2] =	sst s0;
	s0 =	simm.s32 @!p2 $0x0  }
0x16: {  	s3 =	sld [smem:$0x3FDB];
	s0 =	simm.s32 @p2 $0x1  }
0x17: {  	s4 =	simm.s32 $0x1BF5;
	[smem:$0x3FB4] =	sst s0  }
0x18: {  	s0 =	sld [smem:$0x3F97];
	_ =	swait.ge [sflag:s4], $0x0  }
0x19: {  	s7 =	sld [smem:$0x3F98]  }
0x1a: {  	s8 =	sadd.s32 $0xFFFFE003, lr  }
0x1b: {  	s9 =	sadd.s32 $0xFFFFFEF7, lr;
	s5 =	simm.s32 $0xFFFFFFFF;
	p2 =	slt.u32 s8, $0xFFFFF086  }
0x1c: {  	p1 =	slt.u32 s9, $0xF7A;
	s5 =	simm.s32 @!p2 $0x0  }
0x1d: {  	s5 =	simm.s32 @p1 $0x1;
	p0 =	seq.s32 s7, s2  }
0x1e: {  	s7 =	smul.u32 @!p0 $0xF7A, s2;
	p2 =	seq.s32 @!p0 s5, $0x0  }
0x1f: {  	s9 =	smul.u32 $0xF7A, s1;
	s8 =	simm.s32 @!p0 $0x1BF5;
	p2 =	por !p2, p0  }
0x20: {  	[sflag:s8] =	ssyncset.s32 @!p0 $0xFFFFF086;
	s6 =	sadd.s32 @!p0 s3, s7;
	s7 =	simm.s32 @!p0 $0x108  }
0x21: {  	s3 =	sadd.s32 s3, s9;
	s6 =	sadd.s32 @!p0 $0x88, s6;
	s7 =	simm.s32 @p2 $0x1082  }
0x22: {  	[simem:s7], [sflag:s8] =	dma.local @!p0 [hbm:s6], $0xF7A  }
0x23: {  	s9 =	sor.u32 $0xD0000000, s2;
	s6 =	simm.s32 $0x108;
	_ =	swait.ge @!p0 [sflag:s8], $0x0  }
0x24: {  	s3 =	sadd.s32 $0x88, s3;
	s6 =	simm.s32 @!p1 $0x1082;
	[sflag:s4] =	ssyncset.s32 $0xFFFFF086  }
0x25: {  	[simem:s6], [sflag:s4] =	dma.local [hbm:s3], $0xF7A  }
0x26: {  	[smem:$0x3F98] =	sst s1;
	(tag) =	ssettag s2;
	_ =	strace s9  }
0x27: {  	s1 =	sld [smem:$0x3FA8]  }
0x28: {  	s2 =	sld [smem:$0x3FA9]  }
0x29: {  	s4 =	sld [smem:$0x3FAB]  }
0x2a: {  	p0 =	seq.s32 s5, $0x0;
	s5 =	sld [smem:$0x3FAC]  }
0x2b: {  	s6 =	sld [smem:$0x3FAD]  }
0x2c: {  	s7 =	sld [smem:$0x3FAE]  }
0x2d: {  	s3 =	simm.s32 $0x108;
	s8 =	sld [smem:$0x3FAF]  }
0x2e: {  	s3 =	simm.s32 @!p0 $0x1082;
	s9 =	sld [smem:$0x3FB0]  }
0x2f: {  	lr =	sadd.s32 s0, s3;
	s0 =	sld [smem:$0x3FA7]  }
0x30: {  	s3 =	sld [smem:$0x3FAA]  }
0x31: {  	[smem:$0x3FB3] =	sst s10  }
0x32: {  	s10 =	sld [smem:$0x3FB1];
	_ =	sdelay $0x3  }
0x33: {  	p0 =	seq.s32 s10, $0x1;
	s10 =	sld [smem:$0x3FB3];
	_ =	sdelay $0x3  }
0x34: {  	[smem:$0x3FB3] =	sst s10  }
0x35: {  	s10 =	sld [smem:$0x3FB2];
	_ =	sdelay $0x3  }
0x36: {  	p1 =	seq.s32 s10, $0x1;
	s10 =	sld [smem:$0x3FB3];
	_ =	sdelay $0x3  }
0x37: {  	[smem:$0x3FB3] =	sst s10  }
0x38: {  	s10 =	sld [smem:$0x3FB4]  }
0x39: {  	_ = 	snop;
	(pc) =	sbr.ind lr, $3  }
0x3a: {  	_ = 	snop  }
0x3b: {  	_ = 	snop  }
0x3c: {  	p2 =	seq.s32 s10, $0x1;
	s10 =	sld [smem:$0x3FB3]  }
0x3d: {  	_ =	shalt  }
0x3e: {  	_ =	shalt  }
0x3f: {  	_ =	shalt  }
0x40: {  	_ =	shalt  }
0x41: {  	_ =	shalt  }
0x42: {  	_ =	shalt  }
0x43: {  	_ =	shalt  }
0x44: {  	_ =	shalt  }
0x45: {  	_ =	shalt  }
0x46: {  	_ =	shalt  }
0x47: {  	_ =	shalt  }
0x48: {  	_ =	shalt  }
0x49: {  	_ =	shalt  }
0x4a: {  	_ =	shalt  }
0x4b: {  	_ =	shalt  }
0x4c: {  	_ =	shalt  }
0x4d: {  	_ =	shalt  }
0x4e: {  	_ =	shalt  }
0x4f: {  	_ =	shalt  }
0x50: {  	_ =	shalt  }
0x51: {  	_ =	shalt  }
0x52: {  	_ =	shalt  }
0x53: {  	_ =	shalt  }
0x54: {  	_ =	shalt  }
0x55: {  	_ =	shalt  }
0x56: {  	_ =	shalt  }
0x57: {  	_ =	shalt  }
0x58: {  	_ =	shalt  }
0x59: {  	_ =	shalt  }
0x5a: {  	_ =	shalt  }
0x5b: {  	_ =	shalt  }
0x5c: {  	_ =	shalt  }
0x5d: {  	_ =	shalt  }
0x5e: {  	_ =	shalt  }
0x5f: {  	_ =	shalt  }
0x60: {  	_ =	shalt  }
0x61: {  	_ =	shalt  }
0x62: {  	_ =	shalt  }
0x63: {  	_ =	shalt  }
0x64: {  	_ =	shalt  }
0x65: {  	_ =	shalt  }
0x66: {  	_ =	shalt  }
0x67: {  	_ =	shalt  }
0x68: {  	_ =	shalt  }
0x69: {  	_ =	shalt  }
0x6a: {  	_ =	shalt  }
0x6b: {  	_ =	shalt  }
0x6c: {  	_ =	shalt  }
0x6d: {  	_ =	shalt  }
0x6e: {  	_ =	shalt  }
0x6f: {  	_ =	shalt  }
0x70: {  	_ =	shalt  }
0x71: {  	_ =	shalt  }
0x72: {  	_ =	shalt  }
0x73: {  	_ =	shalt  }
0x74: {  	_ =	shalt  }
0x75: {  	_ =	shalt  }
0x76: {  	_ =	shalt  }
0x77: {  	_ =	shalt  }
0x78: {  	_ =	shalt  }
0x79: {  	_ =	shalt  }
0x7a: {  	_ =	shalt  }
0x7b: {  	_ =	shalt  }
0x7c: {  	_ =	shalt  }
0x7d: {  	_ =	shalt  }
0x7e: {  	_ =	shalt  }
0x7f: {  	_ =	shalt  }
0x80: {  	_ =	shalt  }
0x81: {  	_ =	shalt  }
0x82: {  	_ =	shalt  }
0x83: {  	_ =	shalt  }
0x84: {  	_ =	shalt  }
0x85: {  	_ =	shalt  }
0x86: {  	_ =	shalt  }
0x87: {  	_ =	shalt  }
.Lfunc_end0:
.L_simem_size_0:
called_computation.8_lowered:
.L_overlay_start_0:
0x88: {  	s2 =	sld [smem:$0x3FD9]  }
0x89: {  	s3 =	sld [smem:$0x3FFE];
	_ =	sdelay $0x1  }
0x8a: {  	s1 =	srdreg.scid  }
0x8b: {  	s0 =	sand.u32 $0x1, s1  }
0x8c: {  	s16 =	sshll.u32 s0, $0xA;
	s2 =	sadd.s32 s3, s2  }
0x8d: {  	s2 =	sadd.s32 s2, s16  }
0x8e: {  	[smem:$0x3FBF] =	sst s2  }
0x8f: {  	_ = 	snop  }
0x90: {  	(tm) =	ssettm $0x1  }
0x91: {  	s17 =	sld [smem:$0x3FFB];
	_ =	sdelay $0x3  }
0x92: {  	_ =	strace s17  }
0x93: {  	s2 =	sld [smem:$0x3FFC];
	_ =	sdelay $0x3  }
0x94: {  	_ =	strace s2  }
0x95: {  	s2 =	sld [smem:$0x3FFD];
	_ =	sdelay $0x3  }
0x96: {  	_ =	strace s2  }
0x97: {  	_ =	strace $0x8FFFFFFF  }
0x98: {  	s18 =	sld [smem:$0x3FDB];
	_ =	sdelay $0x1  }
0x99: {  	s19 =	simm.s32 $_scs_section_size  }
0x9a: {  	s4 =	simm.s32 $_size__tile_overlayer_lowered;
	s5 =	simm.s32 $_tile_overlayer_lowered  }
0x9b: {  	s22 =	simm.s32 $0x1BFF;
	s21 =	sshll.u32 s5, $0x1;
	s2 =	sadd.s32 s19, s18  }
0x9c: {  	s6 =	simm.s32 $0x0;
	s20 =	sshll.u32 s4, $0x1;
	s4 =	sadd.s32 s21, s2  }
0x9d: {  	[timem:s6], [sflag:s22] =	dma.local [hbm:s4], s20  }
0x9e: {  	_ =	swait.ge [sflag:s22], s20  }
0x9f: {  	s3 =	ssub.s32 $0x0, s20;
	[sflag:s22] =	ssyncset.done $0x0  }
0xa0: {  	[sflag:s22] =	ssyncadd.s32 s3;
	_ =	sdelay $0x1  }
0xa1: {  	s23 =	simm.s32 $0x1B8B  }
0xa2: {  	_ =	swait.ge [sflag:s23], $0x1  }
0xa3: {  	[sflag:s23] =	ssyncset.done $0x0  }
0xa4: {  	s25 =	simm.s32 $0x1B8E;
	s24 =	sld [smem:$0x3FFE];
	[sflag:s23] =	ssyncadd.s32 $0xFFFFFFFF  }
0xa5: {  	s26 =	simm.s32 $execute0_lowered;
	[smem:$0x3FD2] =	sst s25  }
0xa6: {  	s4 =	sshll.u32 s26, $0x1;
	_ =	strace $0x80000058;
	[dreg:$0x1] =	wrdreg $0xFFFFFFFF  }
0xa7: {  	s28 =	simm.s32 $_size_execute0_lowered;
	s2 =	sadd.s32 s2, s4;
	[dreg:$0x0] =	wrdreg $0x0  }
0xa8: {  	s4 =	sshll.u32 s28, $0x1;
	[dreg:$0x2] =	wrdreg s2  }
0xa9: {  	[dreg:$0x3] =	wrdreg s4  }
0xaa: {  	[dreg:$0x4] =	wrdreg $0xC0  }
0xab: {  	_ =	task [dreg:s6], $0x5FFFF  }
0xac: {  	[dreg:$0x1] =	wrdreg $0xFFFFFFFF  }
0xad: {  	[dreg:$0x0] =	wrdreg $0x60  }
0xae: {  	[dreg:$0x2] =	wrdreg s24  }
0xaf: {  	[dreg:$0x3] =	wrdreg $0xA8000  }
0xb0: {  	[dreg:$0x4] =	wrdreg $0x9  }
0xb1: {  	_ =	task.clear_ibuf [dreg:s6], $0x5FFFF;
	_ =	strace $0x90000058  }
0xb2: {  	s29 =	simm.s32 $0x9;
	_ =	strace $0x8000005A  }
0xb3: {  	_ =	swait.ge [sflag:s29], $0x1  }
0xb4: {  	[sflag:s29] =	ssyncadd.s32 $0xFFFFFFFF  }
0xb5: {  	_ =	strace $0x9000005A  }
0xb6: {  	_ =	sfence  }
0xb7: {  	s30 =	sld [smem:$0x0];
	_ =	sdelay $0x2  }
0xb8: {  	s31 =	sshll.u32 s1, $0xD;
	s1 =	sshrl.u32 s1, $0x2  }
0xb9: {  	s3 =	sand.u32 $0x4000, s31;
	s1 =	sadd.s32 s1, s30  }
0xba: {  	s0 =	sor.u32 s3, s0;
	s1 =	sshll.u32 s1, $0x11  }
0xbb: {  	s0 =	sor.u32 s1, s0  }
0xbc: {  	s0 =	sadd.s32 $0x8F2B, s0  }
0xbd: {  	[sflag:s0] =	ssyncadd.remote.s32 $0x1  }
0xbe: {  	_ =	sfence.sel $0xFFFF  }
0xbf: {  	[dreg:$0x0] =	wrdreg $0xFFFFFFFF;
	(pc) =	sbr.abs _section_cstart, $3  }
0xc0: {  	[dreg:$0x1] =	wrdreg $0xFFFFFFFF  }
0xc1: {  	_ =	task.clear_ibuf [dreg:s6], $0x2FFFF;
	_ =	strace $0x9FFFFFFF  }
0xc2: {  	(tm) =	ssettm $0x7FFFFFFF  }
0xc3: {  	_ =	shalt  }
tec
execute0_lowered:
.L_overlay_start_1:
0x0: {  	(tag) =	ssettag $0x1  }
0x1: {  	s5 =	rddreg [dreg:$0x0]  }
0x2: {  	s2 =	rddreg [dreg:$0x1]  }
0x3: {  	s0 =	rddreg [dreg:$0x2]  }
0x4: {  	s3 =	simm.s32 $0x0;
	s1 =	stileid.u32;
	s4 =	srdreg.scid  }
0x5: {  	s14 =	simm.s32 $0x80;
	s15 =	simm.s32 $0x2800;
	s16 =	simm.s32 $0x6800  }
0x6: {  	s17 =	simm.s32 $0x1;
	s18 =	simm.s32 $0x2;
	s19 =	simm.s32 $0x0  }
0x7: {  	[smem:$0x7FF] =	sst s3;
	s6 =	smul.u32 $0x13C00, s1;
	s7 =	sand.u32 $0x1, s4  }
0x8: {  	s9 =	sshll.u32 s1, $0x1;
	s4 =	sadd.s32 $0x2DA000, s5;
	s28 =	smul.u32 $0x4F000, s1  }
0x9: {  	s31 =	sshll.u32 s1, $0x6;
	_ =	strace $0x80000059;
	s8 =	smul.u32 $0x13C000, s7  }
0xa: {  	s9 =	sor.u32 s7, s9;
	s7 =	ssub.s32 $0x2, s7;
	s10 =	sshrl.u32 s6, $0x3  }
0xb: {  	s26 =	smul.u32 $0x280, s9;
	s29 =	sshrl.u32 s7, $0x1;
	s30 =	sshrl.u32 s28, $0x2  }
0xc: {  	s10 =	sadd.s32 s10, s5;
	s6 =	sadd.s32 s6, s8;
	s12 =	ssub.s32 s7, s29  }
0xd: {  	s13 =	sadd.s32 s30, s2;
	s6 =	sshrl.u32 s6, $0x3;
	s7 =	sadd.s32 $0x28B000, s10  }
0xe: {  	s9 =	smax.u32 s12, $0x1;
	s10 =	simm.s32 $0x3;
	s12 =	sor.u32 $0x1C03, s31  }
0xf: {  	s13 =	sshrl.u32 s13, $0x3;
	s11 =	sadd.s32 s6, s5;
	s5 =	sadd.s32 s5, s26  }
0x10: {  	s6 =	sadd.s32 $0x301800, s5;
	s8 =	sadd.s32 $0x5000, s11;
	s11 =	simm.s32 $0x1400  }
.LBB2_1:
0x11: {  	[tilespmem:s3], [sflag:$0x3] =	stream.linear.gather [hbm4b:s6+s3], $0x1400, $0x38;
	[tilespmem:$0x1E400] =	vst v63  }
0x12: {  	_ =	swait.ge [sflag:s10], $0x1400  }
0x13: {  	[sflag:s10] =	ssyncset.done $0x0  }
0x14: {  	[sflag:s10] =	ssyncadd.s32 $0xFFFFEC00  }
0x15: {  	[tilespmem:s11], [sflag:$0x3] =	stream.linear.gather [hbm4b:s5+s3], $0x1400, $0x38;
	[tilespmem:$0x1E400] =	vst v63  }
0x16: {  	_ =	swait.ge [sflag:s10], $0x1400  }
0x17: {  	[sflag:s10] =	ssyncset.done $0x0  }
0x18: {  	[sflag:s10] =	ssyncadd.s32 $0xFFFFEC00  }
0x19: {  	[spmem:s13], [sflag:s12] =	dma.local [hbm:s7], $0x2780  }
0x1a: {  	_ =	swait.ge [sflag:s10], $0x2780  }
0x1b: {  	[sflag:s10] =	ssyncset.done $0x0  }
0x1c: {  	[sflag:s10] =	ssyncadd.s32 $0xFFFFD880  }
0x1d: {  	s20 =	simm.s32 $0x0;
	[bflag:$0x0] =	sbarrier.arrive $0xFFFF  }
0x1e: {  	[tilespmem:s15], [sflag:$0x1] =	stream.indirect.gather [hbm4b:s4+s14], $0x80, s20, s14, $0xb8;
	[tilespmem:$0x1E400] =	vst v63  }
0x1f: {  	s29 =	simm.s32 $0x80  }
0x20: {  	[tilespmem:s16], [sflag:$0x2] =	stream.indirect.gather [hbm4b:s4+s14], $0x80, s29, s14, $0xb8;
	[tilespmem:$0x1E400] =	vst v63  }
0x21: {  	_ =	swait.ge [sflag:s17], $0x4000  }
0x22: {  	[sflag:s17] =	ssyncset.done $0x0  }
0x23: {  	s30 =	simm.s32 $0x1400;
	[sflag:s17] =	ssyncadd.s32 $0xFFFFC000  }
0x24: {  	[spmem:s2] =	stream.indirect.scatter.add.f32 [tilespmem:s15], [sflag:$0x3], $0x80, s30, s14, $0xb8;
	[tilespmem:$0x1E400] =	vst v63  }
0x25: {  	_ =	swait.ge [sflag:s10], $0x4000  }
0x26: {  	[sflag:s10] =	ssyncset.done $0x0  }
0x27: {  	[sflag:s10] =	ssyncadd.s32 $0xFFFFC000  }
0x28: {  	_ =	swait.ge [sflag:s18], $0x4000  }
0x29: {  	[sflag:s18] =	ssyncset.done $0x0  }
0x2a: {  	s31 =	simm.s32 $0x1480;
	[sflag:s18] =	ssyncadd.s32 $0xFFFFC000  }
0x2b: {  	[spmem:s2] =	stream.indirect.scatter.add.f32 [tilespmem:s16], [sflag:$0x3], $0x80, s31, s14, $0xb8;
	[tilespmem:$0x1E400] =	vst v63  }
0x2c: {  	_ =	swait.ge [sflag:s10], $0x4000  }
0x2d: {  	s21 =	simm.s32 $0x800;
	s20 =	simm.s32 $0x400;
	[sflag:s10] =	ssyncset.done $0x0  }
.LBB2_2:
0x2e: {  	s22 =	sshra.s32 s20, $0x2  }
0x2f: {  	[sflag:s10] =	ssyncadd.s32 $0xFFFFC000;
	s20 =	smov.u32 s21;
	s23 =	sadd.s32 $0x400, s21  }
0x30: {  	[tilespmem:s15], [sflag:$0x1] =	stream.indirect.gather [hbm4b:s4+s14], $0x80, s22, s14, $0xb8;
	[tilespmem:$0x1E400] =	vst v63  }
0x31: {  	p0 =	sne.s32 s21, $0x4C00;
	s21 =	sadd.s32 $0x80, s22  }
0x32: {  	[tilespmem:s16], [sflag:$0x2] =	stream.indirect.gather [hbm4b:s4+s14], $0x80, s21, s14, $0xb8;
	[tilespmem:$0x1E400] =	vst v63  }
0x33: {  	_ =	swait.ge [sflag:s17], $0x4000  }
0x34: {  	[sflag:s17] =	ssyncset.done $0x0  }
0x35: {  	s21 =	sadd.s32 $0x1400, s22;
	[sflag:s17] =	ssyncadd.s32 $0xFFFFC000  }
0x36: {  	[spmem:s2] =	stream.indirect.scatter.add.f32 [tilespmem:s15], [sflag:$0x3], $0x80, s21, s14, $0xb8;
	[tilespmem:$0x1E400] =	vst v63  }
0x37: {  	_ =	swait.ge [sflag:s10], $0x4000  }
0x38: {  	[sflag:s10] =	ssyncset.done $0x0  }
0x39: {  	[sflag:s10] =	ssyncadd.s32 $0xFFFFC000  }
0x3a: {  	_ =	swait.ge [sflag:s18], $0x4000  }
.Ltmp0:
0x3b: {  	[sflag:s18] =	ssyncset.done $0x0;
	(pc) =	sbr.rel @p0 .LBB2_2-.Ltmp0, $4  }
0x3c: {  	s21 =	sadd.s32 $0x1480, s22;
	[sflag:s18] =	ssyncadd.s32 $0xFFFFC000  }
0x3d: {  	[spmem:s2] =	stream.indirect.scatter.add.f32 [tilespmem:s16], [sflag:$0x3], $0x80, s21, s14, $0xb8;
	[tilespmem:$0x1E400] =	vst v63  }
0x3e: {  	_ =	swait.ge [sflag:s10], $0x4000  }
0x3f: {  	s21 =	smov.u32 s23;
	[sflag:s10] =	ssyncset.done $0x0  }
0x40: {  	s20 =	sshra.s32 s20, $0x2;
	[sflag:s10] =	ssyncadd.s32 $0xFFFFC000  }
0x41: {  	[tilespmem:s15], [sflag:$0x1] =	stream.indirect.gather [hbm4b:s4+s14], $0x80, s20, s14, $0xb8;
	[tilespmem:$0x1E400] =	vst v63  }
0x42: {  	s21 =	sadd.s32 $0x80, s20  }
0x43: {  	[tilespmem:s16], [sflag:$0x2] =	stream.indirect.gather [hbm4b:s4+s14], $0x80, s21, s14, $0xb8;
	[tilespmem:$0x1E400] =	vst v63  }
0x44: {  	_ =	swait.ge [sflag:s17], $0x4000  }
0x45: {  	[sflag:s17] =	ssyncset.done $0x0  }
0x46: {  	s31 =	sadd.s32 $0x1400, s20;
	[sflag:s17] =	ssyncadd.s32 $0xFFFFC000  }
0x47: {  	[spmem:s2] =	stream.indirect.scatter.add.f32 [tilespmem:s15], [sflag:$0x3], $0x80, s31, s14, $0xb8;
	[tilespmem:$0x1E400] =	vst v63  }
0x48: {  	_ =	swait.ge [sflag:s10], $0x4000  }
0x49: {  	[sflag:s10] =	ssyncset.done $0x0  }
0x4a: {  	[sflag:s10] =	ssyncadd.s32 $0xFFFFC000  }
0x4b: {  	_ =	swait.ge [sflag:s18], $0x4000  }
0x4c: {  	[sflag:s18] =	ssyncset.done $0x0  }
0x4d: {  	s20 =	sadd.s32 $0x1480, s20;
	[sflag:s18] =	ssyncadd.s32 $0xFFFFC000  }
0x4e: {  	[spmem:s2] =	stream.indirect.scatter.add.f32 [tilespmem:s16], [sflag:$0x3], $0x80, s20, s14, $0xb8;
	[tilespmem:$0x1E400] =	vst v63  }
0x4f: {  	_ =	swait.ge [sflag:s10], $0x4000  }
0x50: {  	s19 =	sadd.s32 $0x1, s19;
	[sflag:s10] =	ssyncset.done $0x0  }
0x51: {  	p0 =	sne.s32 s19, s9;
	[sflag:s10] =	ssyncadd.s32 $0xFFFFC000  }
.Ltmp1:
0x52: {  	[bflag:$0x0] =	sbarrier.arrive $0xFFFF;
	(pc) =	sbr.rel @p0 .LBB2_1-.Ltmp1, $4  }
0x53: {  	[hbm:s8], [sflag:s12] =	dma.local [spmem:s13], $0x2780  }
0x54: {  	_ =	swait.ge [sflag:s10], $0x2780  }
0x55: {  	[sflag:s10] =	ssyncset.done $0x0  }
0x56: {  	[sflag:s10] =	ssyncadd.s32 $0xFFFFD880  }
0x57: {  	_ =	sfence.sel $0x180000  }
0x58: {  	[bflag:$0x0] =	sbarrier.arrive $0xFFFF  }
0x59: {  	p0 =	sne.s32 s1, $0x0;
	_ =	strace $0x90000059  }
0x5a: {  	s0 =	sadd.s32 @!p0 $0x100000, s0;
	[bflag:$0x2] =	sbarrier.arrive $0xFFFF  }
0x5b: {  	[sflag:s0] =	ssyncadd.tile.s32 @!p0 $0x1;
	_ =	shalt  }
.Lfunc_end2:
_tile_overlayer_lowered:
.L_overlay_start_2:
0x5c: {  	(tag) =	ssettag $0x2  }
0x5d: {  	s0 =	rddreg [dreg:$0x0];
	s2 =	stileid.u32  }
0x5e: {  	s1 =	rddreg [dreg:$0x1];
	p0 =	sne.s32 s2, $0x0  }
0x5f: {  	s3 =	rddreg [dreg:$0x2];
	[bflag:$0x3] =	sbarrier.arrive $0xFFFF;
	s2 =	simm.s32 @!p0 $0x1C03  }
0x60: {  	[timem:s3], [sflag:s2] =	dma.local @!p0 [hbm:s0], s1  }
0x61: {  	s0 =	simm.s32 @!p0 $0x3  }
0x62: {  	_ =	swait.ge @!p0 [sflag:s0], s1  }
0x63: {  	s1 =	ssub.s32 @!p0 $0x0, s1;
	[sflag:s0] =	ssyncset.done @!p0 $0x0  }
0x64: {  	[sflag:s0] =	ssyncadd.s32 @!p0 s1  }
0x65: {  	[bflag:$0x3] =	sbarrier.arrive $0xFFFF  }
0x66: {  	_ =	shalt  }

</sc_bundles>
